<compile_context>
chip_gen: v7x
topology: tpu7x:2x2x1
jax: 0.10.2.dev20260603
libtpu: 0.0.44.dev20260713+nightly
codegen_flags: <defaults>
</compile_context>

<pallas_src>
import jax
import jax.numpy as jnp
from jax import lax
from jax.experimental import pallas as pl
from jax.experimental.pallas import tpu as pltpu
from jax.experimental.pallas import tpu_sc as plsc

_N = 10000
_E = 320000
_F = 128
_H1 = 256
_C = 16
_G = 64

_NC = 2
_NS = 16
_NW = _NC * _NS
_EPW = _E // _NW
_CH = 80
_NCHUNK = _EPW // _CH
_NPAD = 10240
_RPT = _NPAD // _NS
_HR = _NPAD // _F


def _sc_agg(table, esd):
    mesh = plsc.VectorSubcoreMesh(core_axis_name="c", subcore_axis_name="s")
    out_type = jax.ShapeDtypeStruct((_NC, _NPAD, _F), jnp.float32)
    _D = 4
    scratch = (
        [pltpu.VMEM((2, _CH), jnp.int32) for _ in range(_D)]
        + [pltpu.VMEM((_CH, _F), jnp.float32) for _ in range(_D)]
        + [pltpu.VMEM_SHARED((_NPAD, _F), jnp.float32)]
        + [pltpu.SemaphoreType.DMA] * (2 * _D)
    )

    def body(table_r, esd_r, out_r, *scr):
        idx = scr[0:_D]
        rows = scr[_D:2 * _D]
        acc = scr[2 * _D]
        sem_i = scr[2 * _D + 1:3 * _D + 1]
        sem_g = scr[3 * _D + 1:4 * _D + 1]
        c = lax.axis_index("c")
        s = lax.axis_index("s")
        wid = s * _NC + c

        zero16 = jnp.zeros((16,), jnp.float32)

        def zero_rows(i, carry):
            for j in range(_F // 16):
                rows[0][i, pl.ds(j * 16, 16)] = zero16
            return carry
        lax.fori_loop(0, _CH, zero_rows, 0)
        for r in range(_RPT // _CH):
            pltpu.sync_copy(rows[0], acc.at[pl.ds(s * _RPT + r * _CH, _CH)])

        plsc.subcore_barrier()

        def wait_i(b):
            pltpu.make_async_copy(esd_r.at[wid, 0], idx[b], sem_i[b]).wait()

        def wait_g(b):
            pltpu.make_async_copy(table_r.at[pl.ds(0, _CH)], rows[b],
                                  sem_g[b]).wait()

        for b in range(_D):
            pltpu.async_copy(esd_r.at[wid, b], idx[b], sem_i[b])
        for b in range(_D - 1):
            wait_i(b)
            pltpu.async_copy(table_r.at[idx[b].at[0]], rows[b], sem_g[b])

        def chunk4(i, carry):
            k0 = 4 * i
            for b in range(_D):
                k = k0 + b
                wait_g(b)
                pltpu.sync_copy(rows[b], acc.at[idx[b].at[1]], add=True)

                @pl.when(k + _D < _NCHUNK)
                def _():
                    pltpu.async_copy(esd_r.at[wid, k + _D], idx[b], sem_i[b])
                b3 = (b + _D - 1) % _D

                @pl.when(k + _D - 1 < _NCHUNK)
                def _():
                    wait_i(b3)
                    pltpu.async_copy(table_r.at[idx[b3].at[0]], rows[b3],
                                     sem_g[b3])
            return carry
        lax.fori_loop(0, _NCHUNK // _D, chunk4, 0)

        for b in range(_NCHUNK % _D):
            wait_g(b)
            pltpu.sync_copy(rows[b], acc.at[idx[b].at[1]], add=True)


        plsc.subcore_barrier()

        row0 = s * _RPT
        pltpu.sync_copy(acc.at[pl.ds(row0, _RPT)],
                        out_r.at[c, pl.ds(row0, _RPT)])

    return pl.kernel(body, out_type=out_type, mesh=mesh,
                     scratch_types=tuple(scratch))(table, esd)


def _sc_deg(dst3):
    mesh = plsc.VectorSubcoreMesh(core_axis_name="c", subcore_axis_name="s")
    out_type = jax.ShapeDtypeStruct((_NC, _NPAD, _F), jnp.float32)
    scratch = [
        pltpu.VMEM((_NCHUNK, _CH), jnp.int32),
        pltpu.VMEM((_CH, _F), jnp.float32),
        pltpu.VMEM_SHARED((_NPAD, _F), jnp.float32),
        pltpu.SemaphoreType.DMA,
    ]

    def body(dst_r, out_r, dst_v, ones_v, acc, sem):
        c = lax.axis_index("c")
        s = lax.axis_index("s")
        wid = s * _NC + c

        zero16 = jnp.zeros((16,), jnp.float32)

        def zero_rows(i, carry):
            for j in range(_F // 16):
                ones_v[i, pl.ds(j * 16, 16)] = zero16
            return carry
        lax.fori_loop(0, _CH, zero_rows, 0)
        for r in range(_RPT // _CH):
            pltpu.sync_copy(ones_v, acc.at[pl.ds(s * _RPT + r * _CH, _CH)])

        one16 = zero16 + 1.0

        def fill_ones(i, carry):
            for j in range(_F // 16):
                ones_v[i, pl.ds(j * 16, 16)] = one16
            return carry
        lax.fori_loop(0, _CH, fill_ones, 0)

        pltpu.sync_copy(dst_r.at[wid], dst_v)

        plsc.subcore_barrier()

        def chunk(k, carry):
            pltpu.async_copy(ones_v, acc.at[dst_v.at[k]], sem, add=True)
            return carry
        lax.fori_loop(0, _NCHUNK, chunk, 0)

        def drain(k, carry):
            pltpu.make_async_copy(ones_v, acc.at[pl.ds(0, _CH)], sem).wait()
            return carry
        lax.fori_loop(0, _NCHUNK, drain, 0)

        plsc.subcore_barrier()

        row0 = s * _RPT
        pltpu.sync_copy(acc.at[pl.ds(row0, _RPT)],
                        out_r.at[c, pl.ds(row0, _RPT)])

    return pl.kernel(body, out_type=out_type, mesh=mesh,
                     scratch_types=tuple(scratch))(dst3)


_BM = 1000
_NBLK = _N // _BM


def _dinv_from(deg_blk):
    deg = (deg_blk[0] + deg_blk[1])[:, 0:1]
    return jnp.where(deg > 0.0, lax.rsqrt(jnp.maximum(deg, 1e-12)), 0.0)


def _tc1a_body(x_r, a_r, w1_r, b1_r, w2_r, out_r):
    xa = x_r[...] + a_r[0] + a_r[1]
    h1 = jnp.maximum(
        jnp.dot(xa, w1_r[...], preferred_element_type=jnp.float32) + b1_r[...],
        0.0)
    out_r[...] = jnp.dot(h1, w2_r[...], preferred_element_type=jnp.float32)


def _tc1a(x, agg1, w1t, b1r, w2t):
    return pl.pallas_call(
        _tc1a_body,
        grid=(_NBLK,),
        in_specs=[
            pl.BlockSpec((_BM, _F), lambda i: (i, 0)),
            pl.BlockSpec((_NC, _BM, _F), lambda i: (0, i, 0)),
            pl.BlockSpec((_F, _H1), lambda i: (0, 0)),
            pl.BlockSpec((1, _H1), lambda i: (0, 0)),
            pl.BlockSpec((_H1, _F), lambda i: (0, 0)),
        ],
        out_specs=pl.BlockSpec((_BM, _F), lambda i: (i, 0)),
        out_shape=jax.ShapeDtypeStruct((_N, _F), jnp.float32),
    )(x, agg1, w1t, b1r, w2t)


def _tc1b_body(m_r, d_r, out_r):
    out_r[...] = m_r[...] * _dinv_from(d_r[...])


def _tc1b(m2, degp):
    return pl.pallas_call(
        _tc1b_body,
        grid=(_NBLK,),
        in_specs=[
            pl.BlockSpec((_BM, _F), lambda i: (i, 0)),
            pl.BlockSpec((_NC, _BM, _F), lambda i: (0, i, 0)),
        ],
        out_specs=pl.BlockSpec((_BM, _F), lambda i: (i, 0)),
        out_shape=jax.ShapeDtypeStruct((_N, _F), jnp.float32),
    )(m2, degp)


_BM2 = 1024


def _tc2_body(a_r, d_r, b2_r, w3_r, out_r):
    h = jnp.maximum((a_r[0] + a_r[1]) * _dinv_from(d_r[...]) + b2_r[...], 0.0)
    out_r[...] = jnp.dot(h, w3_r[...], preferred_element_type=jnp.float32)


def _tc2(agg2, degp, b2r, w3t_pad):
    return pl.pallas_call(
        _tc2_body,
        grid=(_NPAD // _BM2,),
        in_specs=[
            pl.BlockSpec((_NC, _BM2, _F), lambda i: (0, i, 0)),
            pl.BlockSpec((_NC, _BM2, _F), lambda i: (0, i, 0)),
            pl.BlockSpec((1, _F), lambda i: (0, 0)),
            pl.BlockSpec((_F, _F), lambda i: (0, 0)),
        ],
        out_specs=pl.BlockSpec((_BM2, _F), lambda i: (i, 0)),
        out_shape=jax.ShapeDtypeStruct((_NPAD, _F), jnp.float32),
    )(agg2, degp, b2r, w3t_pad)


def _tc3_body(a_r, m3_r, b3_r, bt_r, out_r):
    i = pl.program_id(0)
    h128 = jnp.maximum(a_r[0] + a_r[1] + m3_r[...] + b3_r[...], 0.0)
    h = h128[:, :_C]
    oh = (bt_r[...] == lax.broadcasted_iota(jnp.int32, (_BM, _G), 1)
          ).astype(jnp.float32)
    part = lax.dot_general(oh, h, (((0,), (0,)), ((), ())),
                           preferred_element_type=jnp.float32)

    @pl.when(i == 0)
    def _():
        out_r[...] = part

    @pl.when(i > 0)
    def _():
        out_r[...] += part

    @pl.when(i == _NBLK - 1)
    def _():
        p = out_r[...]
        m = jnp.max(p, axis=1, keepdims=True)
        lse = jnp.log(jnp.sum(jnp.exp(p - m), axis=1, keepdims=True)) + m
        out_r[...] = p - lse


def _tc3(agg3, m3, b3r_pad, batch_c):
    return pl.pallas_call(
        _tc3_body,
        grid=(_NBLK,),
        in_specs=[
            pl.BlockSpec((_NC, _BM, _F), lambda i: (0, i, 0)),
            pl.BlockSpec((_BM, _F), lambda i: (i, 0)),
            pl.BlockSpec((1, _F), lambda i: (0, 0)),
            pl.BlockSpec((_BM, 1), lambda i: (i, 0)),
        ],
        out_specs=pl.BlockSpec((_G, _C), lambda i: (0, 0)),
        out_shape=jax.ShapeDtypeStruct((_G, _C), jnp.float32),
    )(agg3, m3, b3r_pad, batch_c)


def kernel(x, edge_index, batch, W1, b1, W2, b2, W3, b3):
    esd = edge_index.reshape(2, _NW, _NCHUNK, _CH).transpose(1, 2, 0, 3)
    dst3 = edge_index[1].reshape(_NW, _NCHUNK, _CH)

    agg1 = _sc_agg(x, esd)
    degp = _sc_deg(dst3)
    m2 = _tc1a(x, agg1, W1.T, b1.reshape(1, -1), W2.T)
    m2s = _tc1b(m2, degp)
    agg2 = _sc_agg(m2s, esd)
    w3t_pad = jnp.zeros((_F, _F), jnp.float32).at[:, :_C].set(W3.T)
    m3 = _tc2(agg2, degp, b2.reshape(1, -1), w3t_pad)
    agg3 = _sc_agg(m3, esd)
    b3r_pad = jnp.zeros((1, _F), jnp.float32).at[:, :_C].set(b3.reshape(1, -1))
    return _tc3(agg3, m3, b3r_pad, batch.reshape(-1, 1))

# --- scband reference (transcript-rebuilt; emitter-appended) ---
"""Pipeline reference for scband-net-9320079032644 (READ-ONLY COPY).

The authoritative reference and input builder live on the scoring server;
editing this copy changes nothing except your own understanding.
"""

import jax, jax.numpy as jnp
import numpy as np

N = 10000
E = 320000
F_IN = 128
H1 = 256
H2 = 128
C = 16
G = 64


def setup_inputs(seed: int = 0) -> dict:
    key = jax.random.key(seed)
    ks = jax.random.split(key, 10)
    x = jax.random.normal(ks[0], (N, F_IN), dtype=jnp.float32)
    edge_index = jax.random.randint(ks[1], (2, E), 0, N)
    batch = jnp.sort(jax.random.randint(ks[2], (N,), 0, G))
    W1 = jax.random.normal(ks[3], (H1, F_IN), dtype=jnp.float32) * (1.0 / np.sqrt(F_IN))
    b1 = jnp.zeros((H1,), dtype=jnp.float32)
    W2 = jax.random.normal(ks[4], (H2, H1), dtype=jnp.float32) * (1.0 / np.sqrt(H1))
    b2 = jnp.zeros((H2,), dtype=jnp.float32)
    W3 = jax.random.normal(ks[5], (C, H2), dtype=jnp.float32) * (1.0 / np.sqrt(H2))
    b3 = jnp.zeros((C,), dtype=jnp.float32)
    return {"x": x, "edge_index": edge_index, "batch": batch,
            "W1": W1, "b1": b1, "W2": W2, "b2": b2, "W3": W3, "b3": b3}


def _gcn_conv(x, edge_index, W, b, add_self_loops, normalize):
    n = x.shape[0]
    src = edge_index[0]
    dst = edge_index[1]
    if add_self_loops:
        loop = jnp.arange(n, dtype=src.dtype)
        src = jnp.concatenate([src, loop])
        dst = jnp.concatenate([dst, loop])
    h = x @ W.T
    if normalize:
        ew = jnp.ones(src.shape[0], dtype=x.dtype)
        deg = jax.ops.segment_sum(ew, dst, num_segments=n)
        dinv = jnp.where(deg > 0, jax.lax.rsqrt(jnp.maximum(deg, 1e-12)), 0.0)
        norm = dinv[src] * ew * dinv[dst]
        msg = h[src] * norm[:, None]
    else:
        msg = h[src]
    out = jax.ops.segment_sum(msg, dst, num_segments=n)
    return out + b


def reference(x, edge_index, batch, W1, b1, W2, b2, W3, b3):
    # conv1: add_self_loops=True, normalize=False
    h = jax.nn.relu(_gcn_conv(x, edge_index, W1, b1, True, False))
    # dropout is identity in eval mode
    # conv2: add_self_loops=False, normalize=True
    h = jax.nn.relu(_gcn_conv(h, edge_index, W2, b2, False, True))
    # conv3: add_self_loops=True, normalize=False
    h = jax.nn.relu(_gcn_conv(h, edge_index, W3, b3, True, False))
    pooled = jax.ops.segment_sum(h, batch, num_segments=G)
    return jax.nn.log_softmax(pooled, axis=1)

if __name__ == "__main__":
    import jax
    _d = setup_inputs()
    print(jax.jit(kernel)(*tuple(_d.values())))

</pallas_src>

<mosaic_0001>
#map = affine_map<(d0, d1) -> (0, 0)>
#map1 = affine_map<(d0, d1) -> (0, 0, 0, 0)>
#map2 = affine_map<(d0, d1) -> (0, 0, 0)>
module attributes {stable_mosaic.version = 14 : i64} {
  func.func @body(%arg0: i32, %arg1: i32, %arg2: memref<10000x128xf32, #tpu.memory_space<hbm>>, %arg3: memref<32x125x2x80xi32, #tpu.memory_space<hbm>>, %arg4: memref<2x10240x128xf32, #tpu.memory_space<hbm>>, %arg5: memref<2x80xi32, #tpu.memory_space<vmem>>, %arg6: memref<2x80xi32, #tpu.memory_space<vmem>>, %arg7: memref<2x80xi32, #tpu.memory_space<vmem>>, %arg8: memref<2x80xi32, #tpu.memory_space<vmem>>, %arg9: memref<80x128xf32, #tpu.memory_space<vmem>>, %arg10: memref<80x128xf32, #tpu.memory_space<vmem>>, %arg11: memref<80x128xf32, #tpu.memory_space<vmem>>, %arg12: memref<80x128xf32, #tpu.memory_space<vmem>>, %arg13: memref<10240x128xf32, #tpu.memory_space<vmem_shared>>, %arg14: memref<!tpu.dma_semaphore, #tpu.memory_space<semaphore_mem>>, %arg15: memref<!tpu.dma_semaphore, #tpu.memory_space<semaphore_mem>>, %arg16: memref<!tpu.dma_semaphore, #tpu.memory_space<semaphore_mem>>, %arg17: memref<!tpu.dma_semaphore, #tpu.memory_space<semaphore_mem>>, %arg18: memref<!tpu.dma_semaphore, #tpu.memory_space<semaphore_mem>>, %arg19: memref<!tpu.dma_semaphore, #tpu.memory_space<semaphore_mem>>, %arg20: memref<!tpu.dma_semaphore, #tpu.memory_space<semaphore_mem>>, %arg21: memref<!tpu.dma_semaphore, #tpu.memory_space<semaphore_mem>>) attributes {dimension_semantics = [#tpu.dimension_semantics<core_parallel>, #tpu.dimension_semantics<subcore_parallel>], iteration_bounds = array<i64: 2, 16>, scalar_prefetch = 0 : i64, scratch_operands = 17 : i64, tpu.core_type = #tpu.core_type<sc_vector_subcore>, window_params = [{transform_indices = #map}, {transform_indices = #map1}, {transform_indices = #map2}]} {
    %mul3A = arith.constant 2 : i32
    %mul3A_0 = arith.muli %arg1, %mul3A : i32
    %add3A = arith.addi %mul3A_0, %arg0 : i32
    %broadcast_in_dim3A = arith.constant 0.000000e+00 : f32
    %broadcast_in_dim3A_1 = vector.broadcast %broadcast_in_dim3A : f32 to vector<16xf32>
    %scan3A = arith.constant 0 : i32
    %scan3A_2 = arith.constant 0 : i32
    %scan3A_3 = arith.constant 80 : i32
    %scan3A_4 = arith.addi %scan3A_2, %scan3A_3 : i32
    %scan3A_5 = arith.constant 1 : i32
    scf.for %scan3A_136 = %scan3A_2 to %scan3A_4 step %scan3A_5  : i32 {
      %swap3A = arith.index_cast %scan3A_136 : i32 to index
      %swap3A_137 = arith.constant 0 : index
      %swap3A_138 = tpu.vector_load %arg9[%swap3A, %swap3A_137] {strides = array<i32>} : memref<80x128xf32, #tpu.memory_space<vmem>>, vector<1x16xf32>,
      %swap3A_139 = vector.shape_cast %swap3A_138 : vector<1x16xf32> to vector<16xf32>
      %swap3A_140 = vector.shape_cast %broadcast_in_dim3A_1 : vector<16xf32> to vector<1x16xf32>
      tpu.vector_store %arg9[%swap3A, %swap3A_137], %swap3A_140 {strides = array<i32>} : memref<80x128xf32, #tpu.memory_space<vmem>>, vector<1x16xf32>,
      %swap3A_141 = arith.index_cast %scan3A_136 : i32 to index
      %swap3A_142 = arith.constant 16 : index
      %swap3A_143 = tpu.vector_load %arg9[%swap3A_141, %swap3A_142] {strides = array<i32>} : memref<80x128xf32, #tpu.memory_space<vmem>>, vector<1x16xf32>,
      %swap3A_144 = vector.shape_cast %swap3A_143 : vector<1x16xf32> to vector<16xf32>
      %swap3A_145 = vector.shape_cast %broadcast_in_dim3A_1 : vector<16xf32> to vector<1x16xf32>
      tpu.vector_store %arg9[%swap3A_141, %swap3A_142], %swap3A_145 {strides = array<i32>} : memref<80x128xf32, #tpu.memory_space<vmem>>, vector<1x16xf32>,
      %swap3A_146 = arith.index_cast %scan3A_136 : i32 to index
      %swap3A_147 = arith.constant 32 : index
      %swap3A_148 = tpu.vector_load %arg9[%swap3A_146, %swap3A_147] {strides = array<i32>} : memref<80x128xf32, #tpu.memory_space<vmem>>, vector<1x16xf32>,
      %swap3A_149 = vector.shape_cast %swap3A_148 : vector<1x16xf32> to vector<16xf32>
      %swap3A_150 = vector.shape_cast %broadcast_in_dim3A_1 : vector<16xf32> to vector<1x16xf32>
      tpu.vector_store %arg9[%swap3A_146, %swap3A_147], %swap3A_150 {strides = array<i32>} : memref<80x128xf32, #tpu.memory_space<vmem>>, vector<1x16xf32>,
      %swap3A_151 = arith.index_cast %scan3A_136 : i32 to index
      %swap3A_152 = arith.constant 48 : index
      %swap3A_153 = tpu.vector_load %arg9[%swap3A_151, %swap3A_152] {strides = array<i32>} : memref<80x128xf32, #tpu.memory_space<vmem>>, vector<1x16xf32>,
      %swap3A_154 = vector.shape_cast %swap3A_153 : vector<1x16xf32> to vector<16xf32>
      %swap3A_155 = vector.shape_cast %broadcast_in_dim3A_1 : vector<16xf32> to vector<1x16xf32>
      tpu.vector_store %arg9[%swap3A_151, %swap3A_152], %swap3A_155 {strides = array<i32>} : memref<80x128xf32, #tpu.memory_space<vmem>>, vector<1x16xf32>,
      %swap3A_156 = arith.index_cast %scan3A_136 : i32 to index
      %swap3A_157 = arith.constant 64 : index
      %swap3A_158 = tpu.vector_load %arg9[%swap3A_156, %swap3A_157] {strides = array<i32>} : memref<80x128xf32, #tpu.memory_space<vmem>>, vector<1x16xf32>,
      %swap3A_159 = vector.shape_cast %swap3A_158 : vector<1x16xf32> to vector<16xf32>
      %swap3A_160 = vector.shape_cast %broadcast_in_dim3A_1 : vector<16xf32> to vector<1x16xf32>
      tpu.vector_store %arg9[%swap3A_156, %swap3A_157], %swap3A_160 {strides = array<i32>} : memref<80x128xf32, #tpu.memory_space<vmem>>, vector<1x16xf32>,
      %swap3A_161 = arith.index_cast %scan3A_136 : i32 to index
      %swap3A_162 = arith.constant 80 : index
      %swap3A_163 = tpu.vector_load %arg9[%swap3A_161, %swap3A_162] {strides = array<i32>} : memref<80x128xf32, #tpu.memory_space<vmem>>, vector<1x16xf32>,
      %swap3A_164 = vector.shape_cast %swap3A_163 : vector<1x16xf32> to vector<16xf32>
      %swap3A_165 = vector.shape_cast %broadcast_in_dim3A_1 : vector<16xf32> to vector<1x16xf32>
      tpu.vector_store %arg9[%swap3A_161, %swap3A_162], %swap3A_165 {strides = array<i32>} : memref<80x128xf32, #tpu.memory_space<vmem>>, vector<1x16xf32>,
      %swap3A_166 = arith.index_cast %scan3A_136 : i32 to index
      %swap3A_167 = arith.constant 96 : index
      %swap3A_168 = tpu.vector_load %arg9[%swap3A_166, %swap3A_167] {strides = array<i32>} : memref<80x128xf32, #tpu.memory_space<vmem>>, vector<1x16xf32>,
      %swap3A_169 = vector.shape_cast %swap3A_168 : vector<1x16xf32> to vector<16xf32>
      %swap3A_170 = vector.shape_cast %broadcast_in_dim3A_1 : vector<16xf32> to vector<1x16xf32>
      tpu.vector_store %arg9[%swap3A_166, %swap3A_167], %swap3A_170 {strides = array<i32>} : memref<80x128xf32, #tpu.memory_space<vmem>>, vector<1x16xf32>,
      %swap3A_171 = arith.index_cast %scan3A_136 : i32 to index
      %swap3A_172 = arith.constant 112 : index
      %swap3A_173 = tpu.vector_load %arg9[%swap3A_171, %swap3A_172] {strides = array<i32>} : memref<80x128xf32, #tpu.memory_space<vmem>>, vector<1x16xf32>,
      %swap3A_174 = vector.shape_cast %swap3A_173 : vector<1x16xf32> to vector<16xf32>
      %swap3A_175 = vector.shape_cast %broadcast_in_dim3A_1 : vector<16xf32> to vector<1x16xf32>
      tpu.vector_store %arg9[%swap3A_171, %swap3A_172], %swap3A_175 {strides = array<i32>} : memref<80x128xf32, #tpu.memory_space<vmem>>, vector<1x16xf32>,
    }
    %scan3A_6 = arith.constant 80 : i32
    %mul3A_7 = arith.constant 640 : i32
    %mul3A_8 = arith.muli %arg1, %mul3A_7 : i32
    %add3A_9 = arith.constant 0 : i32
    %add3A_10 = arith.addi %mul3A_8, %add3A_9 : i32
    "tpu.region"() ({
      %run_scoped3A_136 = tpu.sem_alloc : memref<!tpu.dma_semaphore, #tpu.memory_space<semaphore_mem>>
      %dma_start3A_137 = arith.constant 0 : i32
      %dma_start3A_138 = tpu.memref_slice %arg13[%add3A_10, %dma_start3A_137] : memref<10240x128xf32, #tpu.memory_space<vmem_shared>> -> memref<80x128xf32, #tpu.memory_space<vmem_shared>>
      %dma_start3A_139 = arith.constant 0 : i32
      %dma_start3A_140 = tpu.memref_slice %arg13[%add3A_10, %dma_start3A_139] : memref<10240x128xf32, #tpu.memory_space<vmem_shared>> -> memref<80x128xf32, #tpu.memory_space<vmem_shared>>
      tpu.enqueue_dma source(%arg9 : memref<80x128xf32, #tpu.memory_space<vmem>>) target(%dma_start3A_140 : memref<80x128xf32, #tpu.memory_space<vmem_shared>>) target_semaphore(%run_scoped3A_136 : memref<!tpu.dma_semaphore, #tpu.memory_space<semaphore_mem>>)
      %dma_wait3A_141 = arith.constant 0 : i32
      %dma_wait3A_142 = tpu.memref_slice %arg13[%add3A_10, %dma_wait3A_141] : memref<10240x128xf32, #tpu.memory_space<vmem_shared>> -> memref<80x128xf32, #tpu.memory_space<vmem_shared>>
      %dma_wait3A_143 = arith.constant 0 : i32
      %dma_wait3A_144 = tpu.memref_slice %arg13[%add3A_10, %dma_wait3A_143] : memref<10240x128xf32, #tpu.memory_space<vmem_shared>> -> memref<80x128xf32, #tpu.memory_space<vmem_shared>>
      tpu.wait_dma2 semaphore(%run_scoped3A_136 : memref<!tpu.dma_semaphore, #tpu.memory_space<semaphore_mem>>) src(%arg9 : memref<80x128xf32, #tpu.memory_space<vmem>>) dst(%dma_wait3A_144 : memref<80x128xf32, #tpu.memory_space<vmem_shared>>)
      tpu.yield
    }) : () -> ()
    %mul3A_11 = arith.constant 640 : i32
    %mul3A_12 = arith.muli %arg1, %mul3A_11 : i32
    %add3A_13 = arith.constant 80 : i32
    %add3A_14 = arith.addi %mul3A_12, %add3A_13 : i32
    "tpu.region"() ({
      %run_scoped3A_136 = tpu.sem_alloc : memref<!tpu.dma_semaphore, #tpu.memory_space<semaphore_mem>>
      %dma_start3A_137 = arith.constant 0 : i32
      %dma_start3A_138 = tpu.memref_slice %arg13[%add3A_14, %dma_start3A_137] : memref<10240x128xf32, #tpu.memory_space<vmem_shared>> -> memref<80x128xf32, #tpu.memory_space<vmem_shared>>
      %dma_start3A_139 = arith.constant 0 : i32
      %dma_start3A_140 = tpu.memref_slice %arg13[%add3A_14, %dma_start3A_139] : memref<10240x128xf32, #tpu.memory_space<vmem_shared>> -> memref<80x128xf32, #tpu.memory_space<vmem_shared>>
      tpu.enqueue_dma source(%arg9 : memref<80x128xf32, #tpu.memory_space<vmem>>) target(%dma_start3A_140 : memref<80x128xf32, #tpu.memory_space<vmem_shared>>) target_semaphore(%run_scoped3A_136 : memref<!tpu.dma_semaphore, #tpu.memory_space<semaphore_mem>>)
      %dma_wait3A_141 = arith.constant 0 : i32
      %dma_wait3A_142 = tpu.memref_slice %arg13[%add3A_14, %dma_wait3A_141] : memref<10240x128xf32, #tpu.memory_space<vmem_shared>> -> memref<80x128xf32, #tpu.memory_space<vmem_shared>>
      %dma_wait3A_143 = arith.constant 0 : i32
      %dma_wait3A_144 = tpu.memref_slice %arg13[%add3A_14, %dma_wait3A_143] : memref<10240x128xf32, #tpu.memory_space<vmem_shared>> -> memref<80x128xf32, #tpu.memory_space<vmem_shared>>
      tpu.wait_dma2 semaphore(%run_scoped3A_136 : memref<!tpu.dma_semaphore, #tpu.memory_space<semaphore_mem>>) src(%arg9 : memref<80x128xf32, #tpu.memory_space<vmem>>) dst(%dma_wait3A_144 : memref<80x128xf32, #tpu.memory_space<vmem_shared>>)
      tpu.yield
    }) : () -> ()
    %mul3A_15 = arith.constant 640 : i32
    %mul3A_16 = arith.muli %arg1, %mul3A_15 : i32
    %add3A_17 = arith.constant 160 : i32
    %add3A_18 = arith.addi %mul3A_16, %add3A_17 : i32
    "tpu.region"() ({
      %run_scoped3A_136 = tpu.sem_alloc : memref<!tpu.dma_semaphore, #tpu.memory_space<semaphore_mem>>
      %dma_start3A_137 = arith.constant 0 : i32
      %dma_start3A_138 = tpu.memref_slice %arg13[%add3A_18, %dma_start3A_137] : memref<10240x128xf32, #tpu.memory_space<vmem_shared>> -> memref<80x128xf32, #tpu.memory_space<vmem_shared>>
      %dma_start3A_139 = arith.constant 0 : i32
      %dma_start3A_140 = tpu.memref_slice %arg13[%add3A_18, %dma_start3A_139] : memref<10240x128xf32, #tpu.memory_space<vmem_shared>> -> memref<80x128xf32, #tpu.memory_space<vmem_shared>>
      tpu.enqueue_dma source(%arg9 : memref<80x128xf32, #tpu.memory_space<vmem>>) target(%dma_start3A_140 : memref<80x128xf32, #tpu.memory_space<vmem_shared>>) target_semaphore(%run_scoped3A_136 : memref<!tpu.dma_semaphore, #tpu.memory_space<semaphore_mem>>)
      %dma_wait3A_141 = arith.constant 0 : i32
      %dma_wait3A_142 = tpu.memref_slice %arg13[%add3A_18, %dma_wait3A_141] : memref<10240x128xf32, #tpu.memory_space<vmem_shared>> -> memref<80x128xf32, #tpu.memory_space<vmem_shared>>
      %dma_wait3A_143 = arith.constant 0 : i32
      %dma_wait3A_144 = tpu.memref_slice %arg13[%add3A_18, %dma_wait3A_143] : memref<10240x128xf32, #tpu.memory_space<vmem_shared>> -> memref<80x128xf32, #tpu.memory_space<vmem_shared>>
      tpu.wait_dma2 semaphore(%run_scoped3A_136 : memref<!tpu.dma_semaphore, #tpu.memory_space<semaphore_mem>>) src(%arg9 : memref<80x128xf32, #tpu.memory_space<vmem>>) dst(%dma_wait3A_144 : memref<80x128xf32, #tpu.memory_space<vmem_shared>>)
      tpu.yield
    }) : () -> ()
    %mul3A_19 = arith.constant 640 : i32
    %mul3A_20 = arith.muli %arg1, %mul3A_19 : i32
    %add3A_21 = arith.constant 240 : i32
    %add3A_22 = arith.addi %mul3A_20, %add3A_21 : i32
    "tpu.region"() ({
      %run_scoped3A_136 = tpu.sem_alloc : memref<!tpu.dma_semaphore, #tpu.memory_space<semaphore_mem>>
      %dma_start3A_137 = arith.constant 0 : i32
      %dma_start3A_138 = tpu.memref_slice %arg13[%add3A_22, %dma_start3A_137] : memref<10240x128xf32, #tpu.memory_space<vmem_shared>> -> memref<80x128xf32, #tpu.memory_space<vmem_shared>>
      %dma_start3A_139 = arith.constant 0 : i32
      %dma_start3A_140 = tpu.memref_slice %arg13[%add3A_22, %dma_start3A_139] : memref<10240x128xf32, #tpu.memory_space<vmem_shared>> -> memref<80x128xf32, #tpu.memory_space<vmem_shared>>
      tpu.enqueue_dma source(%arg9 : memref<80x128xf32, #tpu.memory_space<vmem>>) target(%dma_start3A_140 : memref<80x128xf32, #tpu.memory_space<vmem_shared>>) target_semaphore(%run_scoped3A_136 : memref<!tpu.dma_semaphore, #tpu.memory_space<semaphore_mem>>)
      %dma_wait3A_141 = arith.constant 0 : i32
      %dma_wait3A_142 = tpu.memref_slice %arg13[%add3A_22, %dma_wait3A_141] : memref<10240x128xf32, #tpu.memory_space<vmem_shared>> -> memref<80x128xf32, #tpu.memory_space<vmem_shared>>
      %dma_wait3A_143 = arith.constant 0 : i32
      %dma_wait3A_144 = tpu.memref_slice %arg13[%add3A_22, %dma_wait3A_143] : memref<10240x128xf32, #tpu.memory_space<vmem_shared>> -> memref<80x128xf32, #tpu.memory_space<vmem_shared>>
      tpu.wait_dma2 semaphore(%run_scoped3A_136 : memref<!tpu.dma_semaphore, #tpu.memory_space<semaphore_mem>>) src(%arg9 : memref<80x128xf32, #tpu.memory_space<vmem>>) dst(%dma_wait3A_144 : memref<80x128xf32, #tpu.memory_space<vmem_shared>>)
      tpu.yield
    }) : () -> ()
    %mul3A_23 = arith.constant 640 : i32
    %mul3A_24 = arith.muli %arg1, %mul3A_23 : i32
    %add3A_25 = arith.constant 320 : i32
    %add3A_26 = arith.addi %mul3A_24, %add3A_25 : i32
    "tpu.region"() ({
      %run_scoped3A_136 = tpu.sem_alloc : memref<!tpu.dma_semaphore, #tpu.memory_space<semaphore_mem>>
      %dma_start3A_137 = arith.constant 0 : i32
      %dma_start3A_138 = tpu.memref_slice %arg13[%add3A_26, %dma_start3A_137] : memref<10240x128xf32, #tpu.memory_space<vmem_shared>> -> memref<80x128xf32, #tpu.memory_space<vmem_shared>>
      %dma_start3A_139 = arith.constant 0 : i32
      %dma_start3A_140 = tpu.memref_slice %arg13[%add3A_26, %dma_start3A_139] : memref<10240x128xf32, #tpu.memory_space<vmem_shared>> -> memref<80x128xf32, #tpu.memory_space<vmem_shared>>
      tpu.enqueue_dma source(%arg9 : memref<80x128xf32, #tpu.memory_space<vmem>>) target(%dma_start3A_140 : memref<80x128xf32, #tpu.memory_space<vmem_shared>>) target_semaphore(%run_scoped3A_136 : memref<!tpu.dma_semaphore, #tpu.memory_space<semaphore_mem>>)
      %dma_wait3A_141 = arith.constant 0 : i32
      %dma_wait3A_142 = tpu.memref_slice %arg13[%add3A_26, %dma_wait3A_141] : memref<10240x128xf32, #tpu.memory_space<vmem_shared>> -> memref<80x128xf32, #tpu.memory_space<vmem_shared>>
      %dma_wait3A_143 = arith.constant 0 : i32
      %dma_wait3A_144 = tpu.memref_slice %arg13[%add3A_26, %dma_wait3A_143] : memref<10240x128xf32, #tpu.memory_space<vmem_shared>> -> memref<80x128xf32, #tpu.memory_space<vmem_shared>>
      tpu.wait_dma2 semaphore(%run_scoped3A_136 : memref<!tpu.dma_semaphore, #tpu.memory_space<semaphore_mem>>) src(%arg9 : memref<80x128xf32, #tpu.memory_space<vmem>>) dst(%dma_wait3A_144 : memref<80x128xf32, #tpu.memory_space<vmem_shared>>)
      tpu.yield
    }) : () -> ()
    %mul3A_27 = arith.constant 640 : i32
    %mul3A_28 = arith.muli %arg1, %mul3A_27 : i32
    %add3A_29 = arith.constant 400 : i32
    %add3A_30 = arith.addi %mul3A_28, %add3A_29 : i32
    "tpu.region"() ({
      %run_scoped3A_136 = tpu.sem_alloc : memref<!tpu.dma_semaphore, #tpu.memory_space<semaphore_mem>>
      %dma_start3A_137 = arith.constant 0 : i32
      %dma_start3A_138 = tpu.memref_slice %arg13[%add3A_30, %dma_start3A_137] : memref<10240x128xf32, #tpu.memory_space<vmem_shared>> -> memref<80x128xf32, #tpu.memory_space<vmem_shared>>
      %dma_start3A_139 = arith.constant 0 : i32
      %dma_start3A_140 = tpu.memref_slice %arg13[%add3A_30, %dma_start3A_139] : memref<10240x128xf32, #tpu.memory_space<vmem_shared>> -> memref<80x128xf32, #tpu.memory_space<vmem_shared>>
      tpu.enqueue_dma source(%arg9 : memref<80x128xf32, #tpu.memory_space<vmem>>) target(%dma_start3A_140 : memref<80x128xf32, #tpu.memory_space<vmem_shared>>) target_semaphore(%run_scoped3A_136 : memref<!tpu.dma_semaphore, #tpu.memory_space<semaphore_mem>>)
      %dma_wait3A_141 = arith.constant 0 : i32
      %dma_wait3A_142 = tpu.memref_slice %arg13[%add3A_30, %dma_wait3A_141] : memref<10240x128xf32, #tpu.memory_space<vmem_shared>> -> memref<80x128xf32, #tpu.memory_space<vmem_shared>>
      %dma_wait3A_143 = arith.constant 0 : i32
      %dma_wait3A_144 = tpu.memref_slice %arg13[%add3A_30, %dma_wait3A_143] : memref<10240x128xf32, #tpu.memory_space<vmem_shared>> -> memref<80x128xf32, #tpu.memory_space<vmem_shared>>
      tpu.wait_dma2 semaphore(%run_scoped3A_136 : memref<!tpu.dma_semaphore, #tpu.memory_space<semaphore_mem>>) src(%arg9 : memref<80x128xf32, #tpu.memory_space<vmem>>) dst(%dma_wait3A_144 : memref<80x128xf32, #tpu.memory_space<vmem_shared>>)
      tpu.yield
    }) : () -> ()
    %mul3A_31 = arith.constant 640 : i32
    %mul3A_32 = arith.muli %arg1, %mul3A_31 : i32
    %add3A_33 = arith.constant 480 : i32
    %add3A_34 = arith.addi %mul3A_32, %add3A_33 : i32
    "tpu.region"() ({
      %run_scoped3A_136 = tpu.sem_alloc : memref<!tpu.dma_semaphore, #tpu.memory_space<semaphore_mem>>
      %dma_start3A_137 = arith.constant 0 : i32
      %dma_start3A_138 = tpu.memref_slice %arg13[%add3A_34, %dma_start3A_137] : memref<10240x128xf32, #tpu.memory_space<vmem_shared>> -> memref<80x128xf32, #tpu.memory_space<vmem_shared>>
      %dma_start3A_139 = arith.constant 0 : i32
      %dma_start3A_140 = tpu.memref_slice %arg13[%add3A_34, %dma_start3A_139] : memref<10240x128xf32, #tpu.memory_space<vmem_shared>> -> memref<80x128xf32, #tpu.memory_space<vmem_shared>>
      tpu.enqueue_dma source(%arg9 : memref<80x128xf32, #tpu.memory_space<vmem>>) target(%dma_start3A_140 : memref<80x128xf32, #tpu.memory_space<vmem_shared>>) target_semaphore(%run_scoped3A_136 : memref<!tpu.dma_semaphore, #tpu.memory_space<semaphore_mem>>)
      %dma_wait3A_141 = arith.constant 0 : i32
      %dma_wait3A_142 = tpu.memref_slice %arg13[%add3A_34, %dma_wait3A_141] : memref<10240x128xf32, #tpu.memory_space<vmem_shared>> -> memref<80x128xf32, #tpu.memory_space<vmem_shared>>
      %dma_wait3A_143 = arith.constant 0 : i32
      %dma_wait3A_144 = tpu.memref_slice %arg13[%add3A_34, %dma_wait3A_143] : memref<10240x128xf32, #tpu.memory_space<vmem_shared>> -> memref<80x128xf32, #tpu.memory_space<vmem_shared>>
      tpu.wait_dma2 semaphore(%run_scoped3A_136 : memref<!tpu.dma_semaphore, #tpu.memory_space<semaphore_mem>>) src(%arg9 : memref<80x128xf32, #tpu.memory_space<vmem>>) dst(%dma_wait3A_144 : memref<80x128xf32, #tpu.memory_space<vmem_shared>>)
      tpu.yield
    }) : () -> ()
    %mul3A_35 = arith.constant 640 : i32
    %mul3A_36 = arith.muli %arg1, %mul3A_35 : i32
    %add3A_37 = arith.constant 560 : i32
    %add3A_38 = arith.addi %mul3A_36, %add3A_37 : i32
    "tpu.region"() ({
      %run_scoped3A_136 = tpu.sem_alloc : memref<!tpu.dma_semaphore, #tpu.memory_space<semaphore_mem>>
      %dma_start3A_137 = arith.constant 0 : i32
      %dma_start3A_138 = tpu.memref_slice %arg13[%add3A_38, %dma_start3A_137] : memref<10240x128xf32, #tpu.memory_space<vmem_shared>> -> memref<80x128xf32, #tpu.memory_space<vmem_shared>>
      %dma_start3A_139 = arith.constant 0 : i32
      %dma_start3A_140 = tpu.memref_slice %arg13[%add3A_38, %dma_start3A_139] : memref<10240x128xf32, #tpu.memory_space<vmem_shared>> -> memref<80x128xf32, #tpu.memory_space<vmem_shared>>
      tpu.enqueue_dma source(%arg9 : memref<80x128xf32, #tpu.memory_space<vmem>>) target(%dma_start3A_140 : memref<80x128xf32, #tpu.memory_space<vmem_shared>>) target_semaphore(%run_scoped3A_136 : memref<!tpu.dma_semaphore, #tpu.memory_space<semaphore_mem>>)
      %dma_wait3A_141 = arith.constant 0 : i32
      %dma_wait3A_142 = tpu.memref_slice %arg13[%add3A_38, %dma_wait3A_141] : memref<10240x128xf32, #tpu.memory_space<vmem_shared>> -> memref<80x128xf32, #tpu.memory_space<vmem_shared>>
      %dma_wait3A_143 = arith.constant 0 : i32
      %dma_wait3A_144 = tpu.memref_slice %arg13[%add3A_38, %dma_wait3A_143] : memref<10240x128xf32, #tpu.memory_space<vmem_shared>> -> memref<80x128xf32, #tpu.memory_space<vmem_shared>>
      tpu.wait_dma2 semaphore(%run_scoped3A_136 : memref<!tpu.dma_semaphore, #tpu.memory_space<semaphore_mem>>) src(%arg9 : memref<80x128xf32, #tpu.memory_space<vmem>>) dst(%dma_wait3A_144 : memref<80x128xf32, #tpu.memory_space<vmem_shared>>)
      tpu.yield
    }) : () -> ()
    %barrier3A = arith.constant 0 : index
    tpu.barrier barrier_id(%barrier3A)
    %dma_start3A = arith.constant 0 : i32
    %dma_start3A_39 = arith.constant 0 : i32
    %dma_start3A_40 = arith.constant 0 : i32
    %dma_start3A_41 = tpu.memref_slice %arg3[%add3A, %dma_start3A, %dma_start3A_39, %dma_start3A_40] : memref<32x125x2x80xi32, #tpu.memory_space<hbm>> -> memref<1x1x2x80xi32, #tpu.memory_space<hbm>>
    %dma_start3A_42 = tpu.memref_squeeze %dma_start3A_41 : memref<1x1x2x80xi32, #tpu.memory_space<hbm>> -> memref<2x80xi32, #tpu.memory_space<hbm>>
    %dma_start3A_43 = arith.constant 0 : i32
    %dma_start3A_44 = arith.constant 0 : i32
    %dma_start3A_45 = tpu.memref_slice %arg3[%add3A, %dma_start3A, %dma_start3A_43, %dma_start3A_44] : memref<32x125x2x80xi32, #tpu.memory_space<hbm>> -> memref<1x1x2x80xi32, #tpu.memory_space<hbm>>
    %dma_start3A_46 = tpu.memref_squeeze %dma_start3A_45 : memref<1x1x2x80xi32, #tpu.memory_space<hbm>> -> memref<2x80xi32, #tpu.memory_space<hbm>>
    tpu.enqueue_dma source(%dma_start3A_46 : memref<2x80xi32, #tpu.memory_space<hbm>>) target(%arg5 : memref<2x80xi32, #tpu.memory_space<vmem>>) target_semaphore(%arg14 : memref<!tpu.dma_semaphore, #tpu.memory_space<semaphore_mem>>)
    %dma_start3A_47 = arith.constant 1 : i32
    %dma_start3A_48 = arith.constant 0 : i32
    %dma_start3A_49 = arith.constant 0 : i32
    %dma_start3A_50 = tpu.memref_slice %arg3[%add3A, %dma_start3A_47, %dma_start3A_48, %dma_start3A_49] : memref<32x125x2x80xi32, #tpu.memory_space<hbm>> -> memref<1x1x2x80xi32, #tpu.memory_space<hbm>>
    %dma_start3A_51 = tpu.memref_squeeze %dma_start3A_50 : memref<1x1x2x80xi32, #tpu.memory_space<hbm>> -> memref<2x80xi32, #tpu.memory_space<hbm>>
    %dma_start3A_52 = arith.constant 0 : i32
    %dma_start3A_53 = arith.constant 0 : i32
    %dma_start3A_54 = tpu.memref_slice %arg3[%add3A, %dma_start3A_47, %dma_start3A_52, %dma_start3A_53] : memref<32x125x2x80xi32, #tpu.memory_space<hbm>> -> memref<1x1x2x80xi32, #tpu.memory_space<hbm>>
    %dma_start3A_55 = tpu.memref_squeeze %dma_start3A_54 : memref<1x1x2x80xi32, #tpu.memory_space<hbm>> -> memref<2x80xi32, #tpu.memory_space<hbm>>
    tpu.enqueue_dma source(%dma_start3A_55 : memref<2x80xi32, #tpu.memory_space<hbm>>) target(%arg6 : memref<2x80xi32, #tpu.memory_space<vmem>>) target_semaphore(%arg15 : memref<!tpu.dma_semaphore, #tpu.memory_space<semaphore_mem>>)
    %dma_start3A_56 = arith.constant 2 : i32
    %dma_start3A_57 = arith.constant 0 : i32
    %dma_start3A_58 = arith.constant 0 : i32
    %dma_start3A_59 = tpu.memref_slice %arg3[%add3A, %dma_start3A_56, %dma_start3A_57, %dma_start3A_58] : memref<32x125x2x80xi32, #tpu.memory_space<hbm>> -> memref<1x1x2x80xi32, #tpu.memory_space<hbm>>
    %dma_start3A_60 = tpu.memref_squeeze %dma_start3A_59 : memref<1x1x2x80xi32, #tpu.memory_space<hbm>> -> memref<2x80xi32, #tpu.memory_space<hbm>>
    %dma_start3A_61 = arith.constant 0 : i32
    %dma_start3A_62 = arith.constant 0 : i32
    %dma_start3A_63 = tpu.memref_slice %arg3[%add3A, %dma_start3A_56, %dma_start3A_61, %dma_start3A_62] : memref<32x125x2x80xi32, #tpu.memory_space<hbm>> -> memref<1x1x2x80xi32, #tpu.memory_space<hbm>>
    %dma_start3A_64 = tpu.memref_squeeze %dma_start3A_63 : memref<1x1x2x80xi32, #tpu.memory_space<hbm>> -> memref<2x80xi32, #tpu.memory_space<hbm>>
    tpu.enqueue_dma source(%dma_start3A_64 : memref<2x80xi32, #tpu.memory_space<hbm>>) target(%arg7 : memref<2x80xi32, #tpu.memory_space<vmem>>) target_semaphore(%arg16 : memref<!tpu.dma_semaphore, #tpu.memory_space<semaphore_mem>>)
    %dma_start3A_65 = arith.constant 3 : i32
    %dma_start3A_66 = arith.constant 0 : i32
    %dma_start3A_67 = arith.constant 0 : i32
    %dma_start3A_68 = tpu.memref_slice %arg3[%add3A, %dma_start3A_65, %dma_start3A_66, %dma_start3A_67] : memref<32x125x2x80xi32, #tpu.memory_space<hbm>> -> memref<1x1x2x80xi32, #tpu.memory_space<hbm>>
    %dma_start3A_69 = tpu.memref_squeeze %dma_start3A_68 : memref<1x1x2x80xi32, #tpu.memory_space<hbm>> -> memref<2x80xi32, #tpu.memory_space<hbm>>
    %dma_start3A_70 = arith.constant 0 : i32
    %dma_start3A_71 = arith.constant 0 : i32
    %dma_start3A_72 = tpu.memref_slice %arg3[%add3A, %dma_start3A_65, %dma_start3A_70, %dma_start3A_71] : memref<32x125x2x80xi32, #tpu.memory_space<hbm>> -> memref<1x1x2x80xi32, #tpu.memory_space<hbm>>
    %dma_start3A_73 = tpu.memref_squeeze %dma_start3A_72 : memref<1x1x2x80xi32, #tpu.memory_space<hbm>> -> memref<2x80xi32, #tpu.memory_space<hbm>>
    tpu.enqueue_dma source(%dma_start3A_73 : memref<2x80xi32, #tpu.memory_space<hbm>>) target(%arg8 : memref<2x80xi32, #tpu.memory_space<vmem>>) target_semaphore(%arg17 : memref<!tpu.dma_semaphore, #tpu.memory_space<semaphore_mem>>)
    %dma_wait3A = arith.constant 0 : i32
    %dma_wait3A_74 = arith.constant 0 : i32
    %dma_wait3A_75 = arith.constant 0 : i32
    %dma_wait3A_76 = tpu.memref_slice %arg3[%add3A, %dma_wait3A, %dma_wait3A_74, %dma_wait3A_75] : memref<32x125x2x80xi32, #tpu.memory_space<hbm>> -> memref<1x1x2x80xi32, #tpu.memory_space<hbm>>
    %dma_wait3A_77 = tpu.memref_squeeze %dma_wait3A_76 : memref<1x1x2x80xi32, #tpu.memory_space<hbm>> -> memref<2x80xi32, #tpu.memory_space<hbm>>
    %dma_wait3A_78 = arith.constant 0 : i32
    %dma_wait3A_79 = arith.constant 0 : i32
    %dma_wait3A_80 = tpu.memref_slice %arg3[%add3A, %dma_wait3A, %dma_wait3A_78, %dma_wait3A_79] : memref<32x125x2x80xi32, #tpu.memory_space<hbm>> -> memref<1x1x2x80xi32, #tpu.memory_space<hbm>>
    %dma_wait3A_81 = tpu.memref_squeeze %dma_wait3A_80 : memref<1x1x2x80xi32, #tpu.memory_space<hbm>> -> memref<2x80xi32, #tpu.memory_space<hbm>>
    tpu.wait_dma2 semaphore(%arg14 : memref<!tpu.dma_semaphore, #tpu.memory_space<semaphore_mem>>) src(%dma_wait3A_81 : memref<2x80xi32, #tpu.memory_space<hbm>>) dst(%arg5 : memref<2x80xi32, #tpu.memory_space<vmem>>)
    %dma_start3A_82 = arith.constant 0 : i32
    %dma_start3A_83 = arith.constant 0 : i32
    %dma_start3A_84 = tpu.memref_slice %arg5[%dma_start3A_82, %dma_start3A_83] : memref<2x80xi32, #tpu.memory_space<vmem>> -> memref<1x80xi32, #tpu.memory_space<vmem>>
    %dma_start3A_85 = tpu.memref_squeeze %dma_start3A_84 : memref<1x80xi32, #tpu.memory_space<vmem>> -> memref<80xi32, #tpu.memory_space<vmem>>
    %dma_start3A_86 = arith.constant 0 : i32
    %dma_start3A_87 = arith.constant 0 : i32
    %dma_start3A_88 = tpu.memref_slice %arg2[%dma_start3A_86, %dma_start3A_87] : memref<10000x128xf32, #tpu.memory_space<hbm>> -> memref<10000x128xf32, #tpu.memory_space<hbm>>
    tpu.enqueue_indirect_dma source(%dma_start3A_88 : memref<10000x128xf32, #tpu.memory_space<hbm>>) target(%arg9 : memref<80x128xf32, #tpu.memory_space<vmem>>) offsets(%dma_start3A_85 : memref<80xi32, #tpu.memory_space<vmem>>) semaphore(%arg18 : memref<!tpu.dma_semaphore, #tpu.memory_space<semaphore_mem>>)
    %dma_wait3A_89 = arith.constant 0 : i32
    %dma_wait3A_90 = arith.constant 0 : i32
    %dma_wait3A_91 = arith.constant 0 : i32
    %dma_wait3A_92 = tpu.memref_slice %arg3[%add3A, %dma_wait3A_89, %dma_wait3A_90, %dma_wait3A_91] : memref<32x125x2x80xi32, #tpu.memory_space<hbm>> -> memref<1x1x2x80xi32, #tpu.memory_space<hbm>>
    %dma_wait3A_93 = tpu.memref_squeeze %dma_wait3A_92 : memref<1x1x2x80xi32, #tpu.memory_space<hbm>> -> memref<2x80xi32, #tpu.memory_space<hbm>>
    %dma_wait3A_94 = arith.constant 0 : i32
    %dma_wait3A_95 = arith.constant 0 : i32
    %dma_wait3A_96 = tpu.memref_slice %arg3[%add3A, %dma_wait3A_89, %dma_wait3A_94, %dma_wait3A_95] : memref<32x125x2x80xi32, #tpu.memory_space<hbm>> -> memref<1x1x2x80xi32, #tpu.memory_space<hbm>>
    %dma_wait3A_97 = tpu.memref_squeeze %dma_wait3A_96 : memref<1x1x2x80xi32, #tpu.memory_space<hbm>> -> memref<2x80xi32, #tpu.memory_space<hbm>>
    tpu.wait_dma2 semaphore(%arg15 : memref<!tpu.dma_semaphore, #tpu.memory_space<semaphore_mem>>) src(%dma_wait3A_97 : memref<2x80xi32, #tpu.memory_space<hbm>>) dst(%arg6 : memref<2x80xi32, #tpu.memory_space<vmem>>)
    %dma_start3A_98 = arith.constant 0 : i32
    %dma_start3A_99 = arith.constant 0 : i32
    %dma_start3A_100 = tpu.memref_slice %arg6[%dma_start3A_98, %dma_start3A_99] : memref<2x80xi32, #tpu.memory_space<vmem>> -> memref<1x80xi32, #tpu.memory_space<vmem>>
    %dma_start3A_101 = tpu.memref_squeeze %dma_start3A_100 : memref<1x80xi32, #tpu.memory_space<vmem>> -> memref<80xi32, #tpu.memory_space<vmem>>
    %dma_start3A_102 = arith.constant 0 : i32
    %dma_start3A_103 = arith.constant 0 : i32
    %dma_start3A_104 = tpu.memref_slice %arg2[%dma_start3A_102, %dma_start3A_103] : memref<10000x128xf32, #tpu.memory_space<hbm>> -> memref<10000x128xf32, #tpu.memory_space<hbm>>
    tpu.enqueue_indirect_dma source(%dma_start3A_104 : memref<10000x128xf32, #tpu.memory_space<hbm>>) target(%arg10 : memref<80x128xf32, #tpu.memory_space<vmem>>) offsets(%dma_start3A_101 : memref<80xi32, #tpu.memory_space<vmem>>) semaphore(%arg19 : memref<!tpu.dma_semaphore, #tpu.memory_space<semaphore_mem>>)
    %dma_wait3A_105 = arith.constant 0 : i32
    %dma_wait3A_106 = arith.constant 0 : i32
    %dma_wait3A_107 = arith.constant 0 : i32
    %dma_wait3A_108 = tpu.memref_slice %arg3[%add3A, %dma_wait3A_105, %dma_wait3A_106, %dma_wait3A_107] : memref<32x125x2x80xi32, #tpu.memory_space<hbm>> -> memref<1x1x2x80xi32, #tpu.memory_space<hbm>>
    %dma_wait3A_109 = tpu.memref_squeeze %dma_wait3A_108 : memref<1x1x2x80xi32, #tpu.memory_space<hbm>> -> memref<2x80xi32, #tpu.memory_space<hbm>>
    %dma_wait3A_110 = arith.constant 0 : i32
    %dma_wait3A_111 = arith.constant 0 : i32
    %dma_wait3A_112 = tpu.memref_slice %arg3[%add3A, %dma_wait3A_105, %dma_wait3A_110, %dma_wait3A_111] : memref<32x125x2x80xi32, #tpu.memory_space<hbm>> -> memref<1x1x2x80xi32, #tpu.memory_space<hbm>>
    %dma_wait3A_113 = tpu.memref_squeeze %dma_wait3A_112 : memref<1x1x2x80xi32, #tpu.memory_space<hbm>> -> memref<2x80xi32, #tpu.memory_space<hbm>>
    tpu.wait_dma2 semaphore(%arg16 : memref<!tpu.dma_semaphore, #tpu.memory_space<semaphore_mem>>) src(%dma_wait3A_113 : memref<2x80xi32, #tpu.memory_space<hbm>>) dst(%arg7 : memref<2x80xi32, #tpu.memory_space<vmem>>)
    %dma_start3A_114 = arith.constant 0 : i32
    %dma_start3A_115 = arith.constant 0 : i32
    %dma_start3A_116 = tpu.memref_slice %arg7[%dma_start3A_114, %dma_start3A_115] : memref<2x80xi32, #tpu.memory_space<vmem>> -> memref<1x80xi32, #tpu.memory_space<vmem>>
    %dma_start3A_117 = tpu.memref_squeeze %dma_start3A_116 : memref<1x80xi32, #tpu.memory_space<vmem>> -> memref<80xi32, #tpu.memory_space<vmem>>
    %dma_start3A_118 = arith.constant 0 : i32
    %dma_start3A_119 = arith.constant 0 : i32
    %dma_start3A_120 = tpu.memref_slice %arg2[%dma_start3A_118, %dma_start3A_119] : memref<10000x128xf32, #tpu.memory_space<hbm>> -> memref<10000x128xf32, #tpu.memory_space<hbm>>
    tpu.enqueue_indirect_dma source(%dma_start3A_120 : memref<10000x128xf32, #tpu.memory_space<hbm>>) target(%arg11 : memref<80x128xf32, #tpu.memory_space<vmem>>) offsets(%dma_start3A_117 : memref<80xi32, #tpu.memory_space<vmem>>) semaphore(%arg20 : memref<!tpu.dma_semaphore, #tpu.memory_space<semaphore_mem>>)
    %scan3A_121 = arith.constant 0 : i32
    %scan3A_122 = arith.constant 0 : i32
    %scan3A_123 = arith.constant 31 : i32
    %scan3A_124 = arith.addi %scan3A_122, %scan3A_123 : i32
    %scan3A_125 = arith.constant 1 : i32
    scf.for %scan3A_136 = %scan3A_122 to %scan3A_124 step %scan3A_125  : i32 {
      %mul3A_137 = arith.constant 4 : i32
      %mul3A_138 = arith.muli %mul3A_137, %scan3A_136 : i32
      %add3A_139 = arith.constant 0 : i32
      %add3A_140 = arith.addi %mul3A_138, %add3A_139 : i32
      %dma_wait3A_141 = arith.constant 0 : i32
      %dma_wait3A_142 = arith.constant 0 : i32
      %dma_wait3A_143 = tpu.memref_slice %arg2[%dma_wait3A_141, %dma_wait3A_142] : memref<10000x128xf32, #tpu.memory_space<hbm>> -> memref<80x128xf32, #tpu.memory_space<hbm>>
      %dma_wait3A_144 = arith.constant 0 : i32
      %dma_wait3A_145 = arith.constant 0 : i32
      %dma_wait3A_146 = tpu.memref_slice %arg2[%dma_wait3A_144, %dma_wait3A_145] : memref<10000x128xf32, #tpu.memory_space<hbm>> -> memref<80x128xf32, #tpu.memory_space<hbm>>
      tpu.wait_dma2 semaphore(%arg18 : memref<!tpu.dma_semaphore, #tpu.memory_space<semaphore_mem>>) src(%dma_wait3A_146 : memref<80x128xf32, #tpu.memory_space<hbm>>) dst(%arg9 : memref<80x128xf32, #tpu.memory_space<vmem>>)
      %run_scoped3A_147 = arith.constant 1 : i32
      "tpu.region"() ({
        %run_scoped3A_235 = tpu.sem_alloc : memref<!tpu.dma_semaphore, #tpu.memory_space<semaphore_mem>>
        %dma_start3A_236 = arith.constant 0 : i32
        %dma_start3A_237 = tpu.memref_slice %arg5[%run_scoped3A_147, %dma_start3A_236] : memref<2x80xi32, #tpu.memory_space<vmem>> -> memref<1x80xi32, #tpu.memory_space<vmem>>
        %dma_start3A_238 = tpu.memref_squeeze %dma_start3A_237 : memref<1x80xi32, #tpu.memory_space<vmem>> -> memref<80xi32, #tpu.memory_space<vmem>>
        %dma_start3A_239 = arith.constant 0 : i32
        %dma_start3A_240 = arith.constant 0 : i32
        %dma_start3A_241 = tpu.memref_slice %arg13[%dma_start3A_239, %dma_start3A_240] : memref<10240x128xf32, #tpu.memory_space<vmem_shared>> -> memref<10240x128xf32, #tpu.memory_space<vmem_shared>>
        tpu.enqueue_indirect_dma source(%arg9 : memref<80x128xf32, #tpu.memory_space<vmem>>) target(%dma_start3A_241 : memref<10240x128xf32, #tpu.memory_space<vmem_shared>>) offsets(%dma_start3A_238 : memref<80xi32, #tpu.memory_space<vmem>>) semaphore(%run_scoped3A_235 : memref<!tpu.dma_semaphore, #tpu.memory_space<semaphore_mem>>) {add = true}
        %dma_wait3A_242 = arith.constant 0 : i32
        %dma_wait3A_243 = tpu.memref_slice %arg5[%run_scoped3A_147, %dma_wait3A_242] : memref<2x80xi32, #tpu.memory_space<vmem>> -> memref<1x80xi32, #tpu.memory_space<vmem>>
        %dma_wait3A_244 = tpu.memref_squeeze %dma_wait3A_243 : memref<1x80xi32, #tpu.memory_space<vmem>> -> memref<80xi32, #tpu.memory_space<vmem>>
        %dma_wait3A_245 = arith.constant 0 : i32
        %dma_wait3A_246 = arith.constant 0 : i32
        %dma_wait3A_247 = tpu.memref_slice %arg13[%dma_wait3A_245, %dma_wait3A_246] : memref<10240x128xf32, #tpu.memory_space<vmem_shared>> -> memref<10240x128xf32, #tpu.memory_space<vmem_shared>>
        tpu.wait_indirect_dma semaphore(%run_scoped3A_235 : memref<!tpu.dma_semaphore, #tpu.memory_space<semaphore_mem>>) src(%arg9 : memref<80x128xf32, #tpu.memory_space<vmem>>) dst(%dma_wait3A_247 : memref<10240x128xf32, #tpu.memory_space<vmem_shared>>)
        tpu.yield
      }) : () -> ()
      %add3A_148 = arith.constant 4 : i32
      %add3A_149 = arith.addi %add3A_140, %add3A_148 : i32
      %lt3A = arith.constant 125 : i32
      %lt3A_150 = arith.cmpi slt, %add3A_149, %lt3A : i32
      %convert_element_type3A = arith.extui %lt3A_150 : i1 to i32
      %cond3A = arith.constant 0 : i32
      %cond3A_151 = arith.cmpi ne, %convert_element_type3A, %cond3A : i32
      scf.if %cond3A_151 {
        %add3A_235 = arith.constant 4 : i32
        %add3A_236 = arith.addi %add3A_140, %add3A_235 : i32
        %dma_start3A_237 = arith.constant 0 : i32
        %dma_start3A_238 = arith.constant 0 : i32
        %dma_start3A_239 = tpu.memref_slice %arg3[%add3A, %add3A_236, %dma_start3A_237, %dma_start3A_238] : memref<32x125x2x80xi32, #tpu.memory_space<hbm>> -> memref<1x1x2x80xi32, #tpu.memory_space<hbm>>
        %dma_start3A_240 = tpu.memref_squeeze %dma_start3A_239 : memref<1x1x2x80xi32, #tpu.memory_space<hbm>> -> memref<2x80xi32, #tpu.memory_space<hbm>>
        %dma_start3A_241 = arith.constant 0 : i32
        %dma_start3A_242 = arith.constant 0 : i32
        %dma_start3A_243 = tpu.memref_slice %arg3[%add3A, %add3A_236, %dma_start3A_241, %dma_start3A_242] : memref<32x125x2x80xi32, #tpu.memory_space<hbm>> -> memref<1x1x2x80xi32, #tpu.memory_space<hbm>>
        %dma_start3A_244 = tpu.memref_squeeze %dma_start3A_243 : memref<1x1x2x80xi32, #tpu.memory_space<hbm>> -> memref<2x80xi32, #tpu.memory_space<hbm>>
        tpu.enqueue_dma source(%dma_start3A_244 : memref<2x80xi32, #tpu.memory_space<hbm>>) target(%arg5 : memref<2x80xi32, #tpu.memory_space<vmem>>) target_semaphore(%arg14 : memref<!tpu.dma_semaphore, #tpu.memory_space<semaphore_mem>>)
      } else {
      }
      %add3A_152 = arith.constant 4 : i32
      %add3A_153 = arith.addi %add3A_140, %add3A_152 : i32
      %sub3A = arith.constant 1 : i32
      %sub3A_154 = arith.subi %add3A_153, %sub3A : i32
      %lt3A_155 = arith.constant 125 : i32
      %lt3A_156 = arith.cmpi slt, %sub3A_154, %lt3A_155 : i32
      %convert_element_type3A_157 = arith.extui %lt3A_156 : i1 to i32
      %cond3A_158 = arith.constant 0 : i32
      %cond3A_159 = arith.cmpi ne, %convert_element_type3A_157, %cond3A_158 : i32
      scf.if %cond3A_159 {
        %dma_wait3A_235 = arith.constant 0 : i32
        %dma_wait3A_236 = arith.constant 0 : i32
        %dma_wait3A_237 = arith.constant 0 : i32
        %dma_wait3A_238 = tpu.memref_slice %arg3[%add3A, %dma_wait3A_235, %dma_wait3A_236, %dma_wait3A_237] : memref<32x125x2x80xi32, #tpu.memory_space<hbm>> -> memref<1x1x2x80xi32, #tpu.memory_space<hbm>>
        %dma_wait3A_239 = tpu.memref_squeeze %dma_wait3A_238 : memref<1x1x2x80xi32, #tpu.memory_space<hbm>> -> memref<2x80xi32, #tpu.memory_space<hbm>>
        %dma_wait3A_240 = arith.constant 0 : i32
        %dma_wait3A_241 = arith.constant 0 : i32
        %dma_wait3A_242 = tpu.memref_slice %arg3[%add3A, %dma_wait3A_235, %dma_wait3A_240, %dma_wait3A_241] : memref<32x125x2x80xi32, #tpu.memory_space<hbm>> -> memref<1x1x2x80xi32, #tpu.memory_space<hbm>>
        %dma_wait3A_243 = tpu.memref_squeeze %dma_wait3A_242 : memref<1x1x2x80xi32, #tpu.memory_space<hbm>> -> memref<2x80xi32, #tpu.memory_space<hbm>>
        tpu.wait_dma2 semaphore(%arg17 : memref<!tpu.dma_semaphore, #tpu.memory_space<semaphore_mem>>) src(%dma_wait3A_243 : memref<2x80xi32, #tpu.memory_space<hbm>>) dst(%arg8 : memref<2x80xi32, #tpu.memory_space<vmem>>)
        %dma_start3A_244 = arith.constant 0 : i32
        %dma_start3A_245 = arith.constant 0 : i32
        %dma_start3A_246 = tpu.memref_slice %arg8[%dma_start3A_244, %dma_start3A_245] : memref<2x80xi32, #tpu.memory_space<vmem>> -> memref<1x80xi32, #tpu.memory_space<vmem>>
        %dma_start3A_247 = tpu.memref_squeeze %dma_start3A_246 : memref<1x80xi32, #tpu.memory_space<vmem>> -> memref<80xi32, #tpu.memory_space<vmem>>
        %dma_start3A_248 = arith.constant 0 : i32
        %dma_start3A_249 = arith.constant 0 : i32
        %dma_start3A_250 = tpu.memref_slice %arg2[%dma_start3A_248, %dma_start3A_249] : memref<10000x128xf32, #tpu.memory_space<hbm>> -> memref<10000x128xf32, #tpu.memory_space<hbm>>
        tpu.enqueue_indirect_dma source(%dma_start3A_250 : memref<10000x128xf32, #tpu.memory_space<hbm>>) target(%arg12 : memref<80x128xf32, #tpu.memory_space<vmem>>) offsets(%dma_start3A_247 : memref<80xi32, #tpu.memory_space<vmem>>) semaphore(%arg21 : memref<!tpu.dma_semaphore, #tpu.memory_space<semaphore_mem>>)
      } else {
      }
      %add3A_160 = arith.constant 1 : i32
      %add3A_161 = arith.addi %mul3A_138, %add3A_160 : i32
      %dma_wait3A_162 = arith.constant 0 : i32
      %dma_wait3A_163 = arith.constant 0 : i32
      %dma_wait3A_164 = tpu.memref_slice %arg2[%dma_wait3A_162, %dma_wait3A_163] : memref<10000x128xf32, #tpu.memory_space<hbm>> -> memref<80x128xf32, #tpu.memory_space<hbm>>
      %dma_wait3A_165 = arith.constant 0 : i32
      %dma_wait3A_166 = arith.constant 0 : i32
      %dma_wait3A_167 = tpu.memref_slice %arg2[%dma_wait3A_165, %dma_wait3A_166] : memref<10000x128xf32, #tpu.memory_space<hbm>> -> memref<80x128xf32, #tpu.memory_space<hbm>>
      tpu.wait_dma2 semaphore(%arg19 : memref<!tpu.dma_semaphore, #tpu.memory_space<semaphore_mem>>) src(%dma_wait3A_167 : memref<80x128xf32, #tpu.memory_space<hbm>>) dst(%arg10 : memref<80x128xf32, #tpu.memory_space<vmem>>)
      %run_scoped3A_168 = arith.constant 1 : i32
      "tpu.region"() ({
        %run_scoped3A_235 = tpu.sem_alloc : memref<!tpu.dma_semaphore, #tpu.memory_space<semaphore_mem>>
        %dma_start3A_236 = arith.constant 0 : i32
        %dma_start3A_237 = tpu.memref_slice %arg6[%run_scoped3A_168, %dma_start3A_236] : memref<2x80xi32, #tpu.memory_space<vmem>> -> memref<1x80xi32, #tpu.memory_space<vmem>>
        %dma_start3A_238 = tpu.memref_squeeze %dma_start3A_237 : memref<1x80xi32, #tpu.memory_space<vmem>> -> memref<80xi32, #tpu.memory_space<vmem>>
        %dma_start3A_239 = arith.constant 0 : i32
        %dma_start3A_240 = arith.constant 0 : i32
        %dma_start3A_241 = tpu.memref_slice %arg13[%dma_start3A_239, %dma_start3A_240] : memref<10240x128xf32, #tpu.memory_space<vmem_shared>> -> memref<10240x128xf32, #tpu.memory_space<vmem_shared>>
        tpu.enqueue_indirect_dma source(%arg10 : memref<80x128xf32, #tpu.memory_space<vmem>>) target(%dma_start3A_241 : memref<10240x128xf32, #tpu.memory_space<vmem_shared>>) offsets(%dma_start3A_238 : memref<80xi32, #tpu.memory_space<vmem>>) semaphore(%run_scoped3A_235 : memref<!tpu.dma_semaphore, #tpu.memory_space<semaphore_mem>>) {add = true}
        %dma_wait3A_242 = arith.constant 0 : i32
        %dma_wait3A_243 = tpu.memref_slice %arg6[%run_scoped3A_168, %dma_wait3A_242] : memref<2x80xi32, #tpu.memory_space<vmem>> -> memref<1x80xi32, #tpu.memory_space<vmem>>
        %dma_wait3A_244 = tpu.memref_squeeze %dma_wait3A_243 : memref<1x80xi32, #tpu.memory_space<vmem>> -> memref<80xi32, #tpu.memory_space<vmem>>
        %dma_wait3A_245 = arith.constant 0 : i32
        %dma_wait3A_246 = arith.constant 0 : i32
        %dma_wait3A_247 = tpu.memref_slice %arg13[%dma_wait3A_245, %dma_wait3A_246] : memref<10240x128xf32, #tpu.memory_space<vmem_shared>> -> memref<10240x128xf32, #tpu.memory_space<vmem_shared>>
        tpu.wait_indirect_dma semaphore(%run_scoped3A_235 : memref<!tpu.dma_semaphore, #tpu.memory_space<semaphore_mem>>) src(%arg10 : memref<80x128xf32, #tpu.memory_space<vmem>>) dst(%dma_wait3A_247 : memref<10240x128xf32, #tpu.memory_space<vmem_shared>>)
        tpu.yield
      }) : () -> ()
      %add3A_169 = arith.constant 4 : i32
      %add3A_170 = arith.addi %add3A_161, %add3A_169 : i32
      %lt3A_171 = arith.constant 125 : i32
      %lt3A_172 = arith.cmpi slt, %add3A_170, %lt3A_171 : i32
      %convert_element_type3A_173 = arith.extui %lt3A_172 : i1 to i32
      %cond3A_174 = arith.constant 0 : i32
      %cond3A_175 = arith.cmpi ne, %convert_element_type3A_173, %cond3A_174 : i32
      scf.if %cond3A_175 {
        %add3A_235 = arith.constant 4 : i32
        %add3A_236 = arith.addi %add3A_161, %add3A_235 : i32
        %dma_start3A_237 = arith.constant 0 : i32
        %dma_start3A_238 = arith.constant 0 : i32
        %dma_start3A_239 = tpu.memref_slice %arg3[%add3A, %add3A_236, %dma_start3A_237, %dma_start3A_238] : memref<32x125x2x80xi32, #tpu.memory_space<hbm>> -> memref<1x1x2x80xi32, #tpu.memory_space<hbm>>
        %dma_start3A_240 = tpu.memref_squeeze %dma_start3A_239 : memref<1x1x2x80xi32, #tpu.memory_space<hbm>> -> memref<2x80xi32, #tpu.memory_space<hbm>>
        %dma_start3A_241 = arith.constant 0 : i32
        %dma_start3A_242 = arith.constant 0 : i32
        %dma_start3A_243 = tpu.memref_slice %arg3[%add3A, %add3A_236, %dma_start3A_241, %dma_start3A_242] : memref<32x125x2x80xi32, #tpu.memory_space<hbm>> -> memref<1x1x2x80xi32, #tpu.memory_space<hbm>>
        %dma_start3A_244 = tpu.memref_squeeze %dma_start3A_243 : memref<1x1x2x80xi32, #tpu.memory_space<hbm>> -> memref<2x80xi32, #tpu.memory_space<hbm>>
        tpu.enqueue_dma source(%dma_start3A_244 : memref<2x80xi32, #tpu.memory_space<hbm>>) target(%arg6 : memref<2x80xi32, #tpu.memory_space<vmem>>) target_semaphore(%arg15 : memref<!tpu.dma_semaphore, #tpu.memory_space<semaphore_mem>>)
      } else {
      }
      %add3A_176 = arith.constant 4 : i32
      %add3A_177 = arith.addi %add3A_161, %add3A_176 : i32
      %sub3A_178 = arith.constant 1 : i32
      %sub3A_179 = arith.subi %add3A_177, %sub3A_178 : i32
      %lt3A_180 = arith.constant 125 : i32
      %lt3A_181 = arith.cmpi slt, %sub3A_179, %lt3A_180 : i32
      %convert_element_type3A_182 = arith.extui %lt3A_181 : i1 to i32
      %cond3A_183 = arith.constant 0 : i32
      %cond3A_184 = arith.cmpi ne, %convert_element_type3A_182, %cond3A_183 : i32
      scf.if %cond3A_184 {
        %dma_wait3A_235 = arith.constant 0 : i32
        %dma_wait3A_236 = arith.constant 0 : i32
        %dma_wait3A_237 = arith.constant 0 : i32
        %dma_wait3A_238 = tpu.memref_slice %arg3[%add3A, %dma_wait3A_235, %dma_wait3A_236, %dma_wait3A_237] : memref<32x125x2x80xi32, #tpu.memory_space<hbm>> -> memref<1x1x2x80xi32, #tpu.memory_space<hbm>>
        %dma_wait3A_239 = tpu.memref_squeeze %dma_wait3A_238 : memref<1x1x2x80xi32, #tpu.memory_space<hbm>> -> memref<2x80xi32, #tpu.memory_space<hbm>>
        %dma_wait3A_240 = arith.constant 0 : i32
        %dma_wait3A_241 = arith.constant 0 : i32
        %dma_wait3A_242 = tpu.memref_slice %arg3[%add3A, %dma_wait3A_235, %dma_wait3A_240, %dma_wait3A_241] : memref<32x125x2x80xi32, #tpu.memory_space<hbm>> -> memref<1x1x2x80xi32, #tpu.memory_space<hbm>>
        %dma_wait3A_243 = tpu.memref_squeeze %dma_wait3A_242 : memref<1x1x2x80xi32, #tpu.memory_space<hbm>> -> memref<2x80xi32, #tpu.memory_space<hbm>>
        tpu.wait_dma2 semaphore(%arg14 : memref<!tpu.dma_semaphore, #tpu.memory_space<semaphore_mem>>) src(%dma_wait3A_243 : memref<2x80xi32, #tpu.memory_space<hbm>>) dst(%arg5 : memref<2x80xi32, #tpu.memory_space<vmem>>)
        %dma_start3A_244 = arith.constant 0 : i32
        %dma_start3A_245 = arith.constant 0 : i32
        %dma_start3A_246 = tpu.memref_slice %arg5[%dma_start3A_244, %dma_start3A_245] : memref<2x80xi32, #tpu.memory_space<vmem>> -> memref<1x80xi32, #tpu.memory_space<vmem>>
        %dma_start3A_247 = tpu.memref_squeeze %dma_start3A_246 : memref<1x80xi32, #tpu.memory_space<vmem>> -> memref<80xi32, #tpu.memory_space<vmem>>
        %dma_start3A_248 = arith.constant 0 : i32
        %dma_start3A_249 = arith.constant 0 : i32
        %dma_start3A_250 = tpu.memref_slice %arg2[%dma_start3A_248, %dma_start3A_249] : memref<10000x128xf32, #tpu.memory_space<hbm>> -> memref<10000x128xf32, #tpu.memory_space<hbm>>
        tpu.enqueue_indirect_dma source(%dma_start3A_250 : memref<10000x128xf32, #tpu.memory_space<hbm>>) target(%arg9 : memref<80x128xf32, #tpu.memory_space<vmem>>) offsets(%dma_start3A_247 : memref<80xi32, #tpu.memory_space<vmem>>) semaphore(%arg18 : memref<!tpu.dma_semaphore, #tpu.memory_space<semaphore_mem>>)
      } else {
      }
      %add3A_185 = arith.constant 2 : i32
      %add3A_186 = arith.addi %mul3A_138, %add3A_185 : i32
      %dma_wait3A_187 = arith.constant 0 : i32
      %dma_wait3A_188 = arith.constant 0 : i32
      %dma_wait3A_189 = tpu.memref_slice %arg2[%dma_wait3A_187, %dma_wait3A_188] : memref<10000x128xf32, #tpu.memory_space<hbm>> -> memref<80x128xf32, #tpu.memory_space<hbm>>
      %dma_wait3A_190 = arith.constant 0 : i32
      %dma_wait3A_191 = arith.constant 0 : i32
      %dma_wait3A_192 = tpu.memref_slice %arg2[%dma_wait3A_190, %dma_wait3A_191] : memref<10000x128xf32, #tpu.memory_space<hbm>> -> memref<80x128xf32, #tpu.memory_space<hbm>>
      tpu.wait_dma2 semaphore(%arg20 : memref<!tpu.dma_semaphore, #tpu.memory_space<semaphore_mem>>) src(%dma_wait3A_192 : memref<80x128xf32, #tpu.memory_space<hbm>>) dst(%arg11 : memref<80x128xf32, #tpu.memory_space<vmem>>)
      %run_scoped3A_193 = arith.constant 1 : i32
      "tpu.region"() ({
        %run_scoped3A_235 = tpu.sem_alloc : memref<!tpu.dma_semaphore, #tpu.memory_space<semaphore_mem>>
        %dma_start3A_236 = arith.constant 0 : i32
        %dma_start3A_237 = tpu.memref_slice %arg7[%run_scoped3A_193, %dma_start3A_236] : memref<2x80xi32, #tpu.memory_space<vmem>> -> memref<1x80xi32, #tpu.memory_space<vmem>>
        %dma_start3A_238 = tpu.memref_squeeze %dma_start3A_237 : memref<1x80xi32, #tpu.memory_space<vmem>> -> memref<80xi32, #tpu.memory_space<vmem>>
        %dma_start3A_239 = arith.constant 0 : i32
        %dma_start3A_240 = arith.constant 0 : i32
        %dma_start3A_241 = tpu.memref_slice %arg13[%dma_start3A_239, %dma_start3A_240] : memref<10240x128xf32, #tpu.memory_space<vmem_shared>> -> memref<10240x128xf32, #tpu.memory_space<vmem_shared>>
        tpu.enqueue_indirect_dma source(%arg11 : memref<80x128xf32, #tpu.memory_space<vmem>>) target(%dma_start3A_241 : memref<10240x128xf32, #tpu.memory_space<vmem_shared>>) offsets(%dma_start3A_238 : memref<80xi32, #tpu.memory_space<vmem>>) semaphore(%run_scoped3A_235 : memref<!tpu.dma_semaphore, #tpu.memory_space<semaphore_mem>>) {add = true}
        %dma_wait3A_242 = arith.constant 0 : i32
        %dma_wait3A_243 = tpu.memref_slice %arg7[%run_scoped3A_193, %dma_wait3A_242] : memref<2x80xi32, #tpu.memory_space<vmem>> -> memref<1x80xi32, #tpu.memory_space<vmem>>
        %dma_wait3A_244 = tpu.memref_squeeze %dma_wait3A_243 : memref<1x80xi32, #tpu.memory_space<vmem>> -> memref<80xi32, #tpu.memory_space<vmem>>
        %dma_wait3A_245 = arith.constant 0 : i32
        %dma_wait3A_246 = arith.constant 0 : i32
        %dma_wait3A_247 = tpu.memref_slice %arg13[%dma_wait3A_245, %dma_wait3A_246] : memref<10240x128xf32, #tpu.memory_space<vmem_shared>> -> memref<10240x128xf32, #tpu.memory_space<vmem_shared>>
        tpu.wait_indirect_dma semaphore(%run_scoped3A_235 : memref<!tpu.dma_semaphore, #tpu.memory_space<semaphore_mem>>) src(%arg11 : memref<80x128xf32, #tpu.memory_space<vmem>>) dst(%dma_wait3A_247 : memref<10240x128xf32, #tpu.memory_space<vmem_shared>>)
        tpu.yield
      }) : () -> ()
      %add3A_194 = arith.constant 4 : i32
      %add3A_195 = arith.addi %add3A_186, %add3A_194 : i32
      %lt3A_196 = arith.constant 125 : i32
      %lt3A_197 = arith.cmpi slt, %add3A_195, %lt3A_196 : i32
      %convert_element_type3A_198 = arith.extui %lt3A_197 : i1 to i32
      %cond3A_199 = arith.constant 0 : i32
      %cond3A_200 = arith.cmpi ne, %convert_element_type3A_198, %cond3A_199 : i32
      scf.if %cond3A_200 {
        %add3A_235 = arith.constant 4 : i32
        %add3A_236 = arith.addi %add3A_186, %add3A_235 : i32
        %dma_start3A_237 = arith.constant 0 : i32
        %dma_start3A_238 = arith.constant 0 : i32
        %dma_start3A_239 = tpu.memref_slice %arg3[%add3A, %add3A_236, %dma_start3A_237, %dma_start3A_238] : memref<32x125x2x80xi32, #tpu.memory_space<hbm>> -> memref<1x1x2x80xi32, #tpu.memory_space<hbm>>
        %dma_start3A_240 = tpu.memref_squeeze %dma_start3A_239 : memref<1x1x2x80xi32, #tpu.memory_space<hbm>> -> memref<2x80xi32, #tpu.memory_space<hbm>>
        %dma_start3A_241 = arith.constant 0 : i32
        %dma_start3A_242 = arith.constant 0 : i32
        %dma_start3A_243 = tpu.memref_slice %arg3[%add3A, %add3A_236, %dma_start3A_241, %dma_start3A_242] : memref<32x125x2x80xi32, #tpu.memory_space<hbm>> -> memref<1x1x2x80xi32, #tpu.memory_space<hbm>>
        %dma_start3A_244 = tpu.memref_squeeze %dma_start3A_243 : memref<1x1x2x80xi32, #tpu.memory_space<hbm>> -> memref<2x80xi32, #tpu.memory_space<hbm>>
        tpu.enqueue_dma source(%dma_start3A_244 : memref<2x80xi32, #tpu.memory_space<hbm>>) target(%arg7 : memref<2x80xi32, #tpu.memory_space<vmem>>) target_semaphore(%arg16 : memref<!tpu.dma_semaphore, #tpu.memory_space<semaphore_mem>>)
      } else {
      }
      %add3A_201 = arith.constant 4 : i32
      %add3A_202 = arith.addi %add3A_186, %add3A_201 : i32
      %sub3A_203 = arith.constant 1 : i32
      %sub3A_204 = arith.subi %add3A_202, %sub3A_203 : i32
      %lt3A_205 = arith.constant 125 : i32
      %lt3A_206 = arith.cmpi slt, %sub3A_204, %lt3A_205 : i32
      %convert_element_type3A_207 = arith.extui %lt3A_206 : i1 to i32
      %cond3A_208 = arith.constant 0 : i32
      %cond3A_209 = arith.cmpi ne, %convert_element_type3A_207, %cond3A_208 : i32
      scf.if %cond3A_209 {
        %dma_wait3A_235 = arith.constant 0 : i32
        %dma_wait3A_236 = arith.constant 0 : i32
        %dma_wait3A_237 = arith.constant 0 : i32
        %dma_wait3A_238 = tpu.memref_slice %arg3[%add3A, %dma_wait3A_235, %dma_wait3A_236, %dma_wait3A_237] : memref<32x125x2x80xi32, #tpu.memory_space<hbm>> -> memref<1x1x2x80xi32, #tpu.memory_space<hbm>>
        %dma_wait3A_239 = tpu.memref_squeeze %dma_wait3A_238 : memref<1x1x2x80xi32, #tpu.memory_space<hbm>> -> memref<2x80xi32, #tpu.memory_space<hbm>>
        %dma_wait3A_240 = arith.constant 0 : i32
        %dma_wait3A_241 = arith.constant 0 : i32
        %dma_wait3A_242 = tpu.memref_slice %arg3[%add3A, %dma_wait3A_235, %dma_wait3A_240, %dma_wait3A_241] : memref<32x125x2x80xi32, #tpu.memory_space<hbm>> -> memref<1x1x2x80xi32, #tpu.memory_space<hbm>>
        %dma_wait3A_243 = tpu.memref_squeeze %dma_wait3A_242 : memref<1x1x2x80xi32, #tpu.memory_space<hbm>> -> memref<2x80xi32, #tpu.memory_space<hbm>>
        tpu.wait_dma2 semaphore(%arg15 : memref<!tpu.dma_semaphore, #tpu.memory_space<semaphore_mem>>) src(%dma_wait3A_243 : memref<2x80xi32, #tpu.memory_space<hbm>>) dst(%arg6 : memref<2x80xi32, #tpu.memory_space<vmem>>)
        %dma_start3A_244 = arith.constant 0 : i32
        %dma_start3A_245 = arith.constant 0 : i32
        %dma_start3A_246 = tpu.memref_slice %arg6[%dma_start3A_244, %dma_start3A_245] : memref<2x80xi32, #tpu.memory_space<vmem>> -> memref<1x80xi32, #tpu.memory_space<vmem>>
        %dma_start3A_247 = tpu.memref_squeeze %dma_start3A_246 : memref<1x80xi32, #tpu.memory_space<vmem>> -> memref<80xi32, #tpu.memory_space<vmem>>
        %dma_start3A_248 = arith.constant 0 : i32
        %dma_start3A_249 = arith.constant 0 : i32
        %dma_start3A_250 = tpu.memref_slice %arg2[%dma_start3A_248, %dma_start3A_249] : memref<10000x128xf32, #tpu.memory_space<hbm>> -> memref<10000x128xf32, #tpu.memory_space<hbm>>
        tpu.enqueue_indirect_dma source(%dma_start3A_250 : memref<10000x128xf32, #tpu.memory_space<hbm>>) target(%arg10 : memref<80x128xf32, #tpu.memory_space<vmem>>) offsets(%dma_start3A_247 : memref<80xi32, #tpu.memory_space<vmem>>) semaphore(%arg19 : memref<!tpu.dma_semaphore, #tpu.memory_space<semaphore_mem>>)
      } else {
      }
      %add3A_210 = arith.constant 3 : i32
      %add3A_211 = arith.addi %mul3A_138, %add3A_210 : i32
      %dma_wait3A_212 = arith.constant 0 : i32
      %dma_wait3A_213 = arith.constant 0 : i32
      %dma_wait3A_214 = tpu.memref_slice %arg2[%dma_wait3A_212, %dma_wait3A_213] : memref<10000x128xf32, #tpu.memory_space<hbm>> -> memref<80x128xf32, #tpu.memory_space<hbm>>
      %dma_wait3A_215 = arith.constant 0 : i32
      %dma_wait3A_216 = arith.constant 0 : i32
      %dma_wait3A_217 = tpu.memref_slice %arg2[%dma_wait3A_215, %dma_wait3A_216] : memref<10000x128xf32, #tpu.memory_space<hbm>> -> memref<80x128xf32, #tpu.memory_space<hbm>>
      tpu.wait_dma2 semaphore(%arg21 : memref<!tpu.dma_semaphore, #tpu.memory_space<semaphore_mem>>) src(%dma_wait3A_217 : memref<80x128xf32, #tpu.memory_space<hbm>>) dst(%arg12 : memref<80x128xf32, #tpu.memory_space<vmem>>)
      %run_scoped3A_218 = arith.constant 1 : i32
      "tpu.region"() ({
        %run_scoped3A_235 = tpu.sem_alloc : memref<!tpu.dma_semaphore, #tpu.memory_space<semaphore_mem>>
        %dma_start3A_236 = arith.constant 0 : i32
        %dma_start3A_237 = tpu.memref_slice %arg8[%run_scoped3A_218, %dma_start3A_236] : memref<2x80xi32, #tpu.memory_space<vmem>> -> memref<1x80xi32, #tpu.memory_space<vmem>>
        %dma_start3A_238 = tpu.memref_squeeze %dma_start3A_237 : memref<1x80xi32, #tpu.memory_space<vmem>> -> memref<80xi32, #tpu.memory_space<vmem>>
        %dma_start3A_239 = arith.constant 0 : i32
        %dma_start3A_240 = arith.constant 0 : i32
        %dma_start3A_241 = tpu.memref_slice %arg13[%dma_start3A_239, %dma_start3A_240] : memref<10240x128xf32, #tpu.memory_space<vmem_shared>> -> memref<10240x128xf32, #tpu.memory_space<vmem_shared>>
        tpu.enqueue_indirect_dma source(%arg12 : memref<80x128xf32, #tpu.memory_space<vmem>>) target(%dma_start3A_241 : memref<10240x128xf32, #tpu.memory_space<vmem_shared>>) offsets(%dma_start3A_238 : memref<80xi32, #tpu.memory_space<vmem>>) semaphore(%run_scoped3A_235 : memref<!tpu.dma_semaphore, #tpu.memory_space<semaphore_mem>>) {add = true}
        %dma_wait3A_242 = arith.constant 0 : i32
        %dma_wait3A_243 = tpu.memref_slice %arg8[%run_scoped3A_218, %dma_wait3A_242] : memref<2x80xi32, #tpu.memory_space<vmem>> -> memref<1x80xi32, #tpu.memory_space<vmem>>
        %dma_wait3A_244 = tpu.memref_squeeze %dma_wait3A_243 : memref<1x80xi32, #tpu.memory_space<vmem>> -> memref<80xi32, #tpu.memory_space<vmem>>
        %dma_wait3A_245 = arith.constant 0 : i32
        %dma_wait3A_246 = arith.constant 0 : i32
        %dma_wait3A_247 = tpu.memref_slice %arg13[%dma_wait3A_245, %dma_wait3A_246] : memref<10240x128xf32, #tpu.memory_space<vmem_shared>> -> memref<10240x128xf32, #tpu.memory_space<vmem_shared>>
        tpu.wait_indirect_dma semaphore(%run_scoped3A_235 : memref<!tpu.dma_semaphore, #tpu.memory_space<semaphore_mem>>) src(%arg12 : memref<80x128xf32, #tpu.memory_space<vmem>>) dst(%dma_wait3A_247 : memref<10240x128xf32, #tpu.memory_space<vmem_shared>>)
        tpu.yield
      }) : () -> ()
      %add3A_219 = arith.constant 4 : i32
      %add3A_220 = arith.addi %add3A_211, %add3A_219 : i32
      %lt3A_221 = arith.constant 125 : i32
      %lt3A_222 = arith.cmpi slt, %add3A_220, %lt3A_221 : i32
      %convert_element_type3A_223 = arith.extui %lt3A_222 : i1 to i32
      %cond3A_224 = arith.constant 0 : i32
      %cond3A_225 = arith.cmpi ne, %convert_element_type3A_223, %cond3A_224 : i32
      scf.if %cond3A_225 {
        %add3A_235 = arith.constant 4 : i32
        %add3A_236 = arith.addi %add3A_211, %add3A_235 : i32
        %dma_start3A_237 = arith.constant 0 : i32
        %dma_start3A_238 = arith.constant 0 : i32
        %dma_start3A_239 = tpu.memref_slice %arg3[%add3A, %add3A_236, %dma_start3A_237, %dma_start3A_238] : memref<32x125x2x80xi32, #tpu.memory_space<hbm>> -> memref<1x1x2x80xi32, #tpu.memory_space<hbm>>
        %dma_start3A_240 = tpu.memref_squeeze %dma_start3A_239 : memref<1x1x2x80xi32, #tpu.memory_space<hbm>> -> memref<2x80xi32, #tpu.memory_space<hbm>>
        %dma_start3A_241 = arith.constant 0 : i32
        %dma_start3A_242 = arith.constant 0 : i32
        %dma_start3A_243 = tpu.memref_slice %arg3[%add3A, %add3A_236, %dma_start3A_241, %dma_start3A_242] : memref<32x125x2x80xi32, #tpu.memory_space<hbm>> -> memref<1x1x2x80xi32, #tpu.memory_space<hbm>>
        %dma_start3A_244 = tpu.memref_squeeze %dma_start3A_243 : memref<1x1x2x80xi32, #tpu.memory_space<hbm>> -> memref<2x80xi32, #tpu.memory_space<hbm>>
        tpu.enqueue_dma source(%dma_start3A_244 : memref<2x80xi32, #tpu.memory_space<hbm>>) target(%arg8 : memref<2x80xi32, #tpu.memory_space<vmem>>) target_semaphore(%arg17 : memref<!tpu.dma_semaphore, #tpu.memory_space<semaphore_mem>>)
      } else {
      }
      %add3A_226 = arith.constant 4 : i32
      %add3A_227 = arith.addi %add3A_211, %add3A_226 : i32
      %sub3A_228 = arith.constant 1 : i32
      %sub3A_229 = arith.subi %add3A_227, %sub3A_228 : i32
      %lt3A_230 = arith.constant 125 : i32
      %lt3A_231 = arith.cmpi slt, %sub3A_229, %lt3A_230 : i32
      %convert_element_type3A_232 = arith.extui %lt3A_231 : i1 to i32
      %cond3A_233 = arith.constant 0 : i32
      %cond3A_234 = arith.cmpi ne, %convert_element_type3A_232, %cond3A_233 : i32
      scf.if %cond3A_234 {
        %dma_wait3A_235 = arith.constant 0 : i32
        %dma_wait3A_236 = arith.constant 0 : i32
        %dma_wait3A_237 = arith.constant 0 : i32
        %dma_wait3A_238 = tpu.memref_slice %arg3[%add3A, %dma_wait3A_235, %dma_wait3A_236, %dma_wait3A_237] : memref<32x125x2x80xi32, #tpu.memory_space<hbm>> -> memref<1x1x2x80xi32, #tpu.memory_space<hbm>>
        %dma_wait3A_239 = tpu.memref_squeeze %dma_wait3A_238 : memref<1x1x2x80xi32, #tpu.memory_space<hbm>> -> memref<2x80xi32, #tpu.memory_space<hbm>>
        %dma_wait3A_240 = arith.constant 0 : i32
        %dma_wait3A_241 = arith.constant 0 : i32
        %dma_wait3A_242 = tpu.memref_slice %arg3[%add3A, %dma_wait3A_235, %dma_wait3A_240, %dma_wait3A_241] : memref<32x125x2x80xi32, #tpu.memory_space<hbm>> -> memref<1x1x2x80xi32, #tpu.memory_space<hbm>>
        %dma_wait3A_243 = tpu.memref_squeeze %dma_wait3A_242 : memref<1x1x2x80xi32, #tpu.memory_space<hbm>> -> memref<2x80xi32, #tpu.memory_space<hbm>>
        tpu.wait_dma2 semaphore(%arg16 : memref<!tpu.dma_semaphore, #tpu.memory_space<semaphore_mem>>) src(%dma_wait3A_243 : memref<2x80xi32, #tpu.memory_space<hbm>>) dst(%arg7 : memref<2x80xi32, #tpu.memory_space<vmem>>)
        %dma_start3A_244 = arith.constant 0 : i32
        %dma_start3A_245 = arith.constant 0 : i32
        %dma_start3A_246 = tpu.memref_slice %arg7[%dma_start3A_244, %dma_start3A_245] : memref<2x80xi32, #tpu.memory_space<vmem>> -> memref<1x80xi32, #tpu.memory_space<vmem>>
        %dma_start3A_247 = tpu.memref_squeeze %dma_start3A_246 : memref<1x80xi32, #tpu.memory_space<vmem>> -> memref<80xi32, #tpu.memory_space<vmem>>
        %dma_start3A_248 = arith.constant 0 : i32
        %dma_start3A_249 = arith.constant 0 : i32
        %dma_start3A_250 = tpu.memref_slice %arg2[%dma_start3A_248, %dma_start3A_249] : memref<10000x128xf32, #tpu.memory_space<hbm>> -> memref<10000x128xf32, #tpu.memory_space<hbm>>
        tpu.enqueue_indirect_dma source(%dma_start3A_250 : memref<10000x128xf32, #tpu.memory_space<hbm>>) target(%arg11 : memref<80x128xf32, #tpu.memory_space<vmem>>) offsets(%dma_start3A_247 : memref<80xi32, #tpu.memory_space<vmem>>) semaphore(%arg20 : memref<!tpu.dma_semaphore, #tpu.memory_space<semaphore_mem>>)
      } else {
      }
    }
    %scan3A_126 = arith.constant 31 : i32
    %dma_wait3A_127 = arith.constant 0 : i32
    %dma_wait3A_128 = arith.constant 0 : i32
    %dma_wait3A_129 = tpu.memref_slice %arg2[%dma_wait3A_127, %dma_wait3A_128] : memref<10000x128xf32, #tpu.memory_space<hbm>> -> memref<80x128xf32, #tpu.memory_space<hbm>>
    %dma_wait3A_130 = arith.constant 0 : i32
    %dma_wait3A_131 = arith.constant 0 : i32
    %dma_wait3A_132 = tpu.memref_slice %arg2[%dma_wait3A_130, %dma_wait3A_131] : memref<10000x128xf32, #tpu.memory_space<hbm>> -> memref<80x128xf32, #tpu.memory_space<hbm>>
    tpu.wait_dma2 semaphore(%arg18 : memref<!tpu.dma_semaphore, #tpu.memory_space<semaphore_mem>>) src(%dma_wait3A_132 : memref<80x128xf32, #tpu.memory_space<hbm>>) dst(%arg9 : memref<80x128xf32, #tpu.memory_space<vmem>>)
    %run_scoped3A = arith.constant 1 : i32
    "tpu.region"() ({
      %run_scoped3A_136 = tpu.sem_alloc : memref<!tpu.dma_semaphore, #tpu.memory_space<semaphore_mem>>
      %dma_start3A_137 = arith.constant 0 : i32
      %dma_start3A_138 = tpu.memref_slice %arg5[%run_scoped3A, %dma_start3A_137] : memref<2x80xi32, #tpu.memory_space<vmem>> -> memref<1x80xi32, #tpu.memory_space<vmem>>
      %dma_start3A_139 = tpu.memref_squeeze %dma_start3A_138 : memref<1x80xi32, #tpu.memory_space<vmem>> -> memref<80xi32, #tpu.memory_space<vmem>>
      %dma_start3A_140 = arith.constant 0 : i32
      %dma_start3A_141 = arith.constant 0 : i32
      %dma_start3A_142 = tpu.memref_slice %arg13[%dma_start3A_140, %dma_start3A_141] : memref<10240x128xf32, #tpu.memory_space<vmem_shared>> -> memref<10240x128xf32, #tpu.memory_space<vmem_shared>>
      tpu.enqueue_indirect_dma source(%arg9 : memref<80x128xf32, #tpu.memory_space<vmem>>) target(%dma_start3A_142 : memref<10240x128xf32, #tpu.memory_space<vmem_shared>>) offsets(%dma_start3A_139 : memref<80xi32, #tpu.memory_space<vmem>>) semaphore(%run_scoped3A_136 : memref<!tpu.dma_semaphore, #tpu.memory_space<semaphore_mem>>) {add = true}
      %dma_wait3A_143 = arith.constant 0 : i32
      %dma_wait3A_144 = tpu.memref_slice %arg5[%run_scoped3A, %dma_wait3A_143] : memref<2x80xi32, #tpu.memory_space<vmem>> -> memref<1x80xi32, #tpu.memory_space<vmem>>
      %dma_wait3A_145 = tpu.memref_squeeze %dma_wait3A_144 : memref<1x80xi32, #tpu.memory_space<vmem>> -> memref<80xi32, #tpu.memory_space<vmem>>
      %dma_wait3A_146 = arith.constant 0 : i32
      %dma_wait3A_147 = arith.constant 0 : i32
      %dma_wait3A_148 = tpu.memref_slice %arg13[%dma_wait3A_146, %dma_wait3A_147] : memref<10240x128xf32, #tpu.memory_space<vmem_shared>> -> memref<10240x128xf32, #tpu.memory_space<vmem_shared>>
      tpu.wait_indirect_dma semaphore(%run_scoped3A_136 : memref<!tpu.dma_semaphore, #tpu.memory_space<semaphore_mem>>) src(%arg9 : memref<80x128xf32, #tpu.memory_space<vmem>>) dst(%dma_wait3A_148 : memref<10240x128xf32, #tpu.memory_space<vmem_shared>>)
      tpu.yield
    }) : () -> ()
    %barrier3A_133 = arith.constant 0 : index
    tpu.barrier barrier_id(%barrier3A_133)
    %mul3A_134 = arith.constant 640 : i32
    %mul3A_135 = arith.muli %arg1, %mul3A_134 : i32
    "tpu.region"() ({
      %run_scoped3A_136 = tpu.sem_alloc : memref<!tpu.dma_semaphore, #tpu.memory_space<semaphore_mem>>
      %dma_start3A_137 = arith.constant 0 : i32
      %dma_start3A_138 = tpu.memref_slice %arg4[%arg0, %mul3A_135, %dma_start3A_137] : memref<2x10240x128xf32, #tpu.memory_space<hbm>> -> memref<1x640x128xf32, #tpu.memory_space<hbm>>
      %dma_start3A_139 = tpu.memref_squeeze %dma_start3A_138 : memref<1x640x128xf32, #tpu.memory_space<hbm>> -> memref<640x128xf32, #tpu.memory_space<hbm>>
      %dma_start3A_140 = arith.constant 0 : i32
      %dma_start3A_141 = tpu.memref_slice %arg13[%mul3A_135, %dma_start3A_140] : memref<10240x128xf32, #tpu.memory_space<vmem_shared>> -> memref<640x128xf32, #tpu.memory_space<vmem_shared>>
      tpu.enqueue_dma source(%dma_start3A_141 : memref<640x128xf32, #tpu.memory_space<vmem_shared>>) target(%dma_start3A_139 : memref<640x128xf32, #tpu.memory_space<hbm>>) target_semaphore(%run_scoped3A_136 : memref<!tpu.dma_semaphore, #tpu.memory_space<semaphore_mem>>)
      %dma_wait3A_142 = arith.constant 0 : i32
      %dma_wait3A_143 = tpu.memref_slice %arg4[%arg0, %mul3A_135, %dma_wait3A_142] : memref<2x10240x128xf32, #tpu.memory_space<hbm>> -> memref<1x640x128xf32, #tpu.memory_space<hbm>>
      %dma_wait3A_144 = tpu.memref_squeeze %dma_wait3A_143 : memref<1x640x128xf32, #tpu.memory_space<hbm>> -> memref<640x128xf32, #tpu.memory_space<hbm>>
      %dma_wait3A_145 = arith.constant 0 : i32
      %dma_wait3A_146 = tpu.memref_slice %arg13[%mul3A_135, %dma_wait3A_145] : memref<10240x128xf32, #tpu.memory_space<vmem_shared>> -> memref<640x128xf32, #tpu.memory_space<vmem_shared>>
      tpu.wait_dma2 semaphore(%run_scoped3A_136 : memref<!tpu.dma_semaphore, #tpu.memory_space<semaphore_mem>>) src(%dma_wait3A_146 : memref<640x128xf32, #tpu.memory_space<vmem_shared>>) dst(%dma_wait3A_144 : memref<640x128xf32, #tpu.memory_space<hbm>>)
      tpu.yield
    }) : () -> ()
    return
  }
}

#map = affine_map<(d0, d1) -> (0, 0)>
#map1 = affine_map<(d0, d1) -> (0, 0, 0, 0)>
#map2 = affine_map<(d0, d1) -> (0, 0, 0)>
module attributes {stable_mosaic.version = 14 : i64} {
  func.func @body(%arg0: i32, %arg1: i32, %arg2: memref<10000x128xf32, #tpu.memory_space<hbm>>, %arg3: memref<32x125x2x80xi32, #tpu.memory_space<hbm>>, %arg4: memref<2x10240x128xf32, #tpu.memory_space<hbm>>, %arg5: memref<2x80xi32, #tpu.memory_space<vmem>>, %arg6: memref<2x80xi32, #tpu.memory_space<vmem>>, %arg7: memref<2x80xi32, #tpu.memory_space<vmem>>, %arg8: memref<2x80xi32, #tpu.memory_space<vmem>>, %arg9: memref<80x128xf32, #tpu.memory_space<vmem>>, %arg10: memref<80x128xf32, #tpu.memory_space<vmem>>, %arg11: memref<80x128xf32, #tpu.memory_space<vmem>>, %arg12: memref<80x128xf32, #tpu.memory_space<vmem>>, %arg13: memref<10240x128xf32, #tpu.memory_space<vmem_shared>>, %arg14: memref<!tpu.dma_semaphore, #tpu.memory_space<semaphore_mem>>, %arg15: memref<!tpu.dma_semaphore, #tpu.memory_space<semaphore_mem>>, %arg16: memref<!tpu.dma_semaphore, #tpu.memory_space<semaphore_mem>>, %arg17: memref<!tpu.dma_semaphore, #tpu.memory_space<semaphore_mem>>, %arg18: memref<!tpu.dma_semaphore, #tpu.memory_space<semaphore_mem>>, %arg19: memref<!tpu.dma_semaphore, #tpu.memory_space<semaphore_mem>>, %arg20: memref<!tpu.dma_semaphore, #tpu.memory_space<semaphore_mem>>, %arg21: memref<!tpu.dma_semaphore, #tpu.memory_space<semaphore_mem>>) attributes {dimension_semantics = [#tpu.dimension_semantics<core_parallel>, #tpu.dimension_semantics<subcore_parallel>], iteration_bounds = array<i64: 2, 16>, scalar_prefetch = 0 : i64, scratch_operands = 17 : i64, tpu.core_type = #tpu.core_type<sc_vector_subcore>, window_params = [{transform_indices = #map}, {transform_indices = #map1}, {transform_indices = #map2}]} {
    %mul3A = arith.constant 2 : i32
    %mul3A_0 = arith.muli %arg1, %mul3A : i32
    %add3A = arith.addi %mul3A_0, %arg0 : i32
    %broadcast_in_dim3A = arith.constant 0.000000e+00 : f32
    %broadcast_in_dim3A_1 = vector.broadcast %broadcast_in_dim3A : f32 to vector<16xf32>
    %scan3A = arith.constant 0 : i32
    %scan3A_2 = arith.constant 0 : i32
    %scan3A_3 = arith.constant 80 : i32
    %scan3A_4 = arith.addi %scan3A_2, %scan3A_3 : i32
    %scan3A_5 = arith.constant 1 : i32
    scf.for %scan3A_136 = %scan3A_2 to %scan3A_4 step %scan3A_5  : i32 {
      %swap3A = arith.index_cast %scan3A_136 : i32 to index
      %swap3A_137 = arith.constant 0 : index
      %swap3A_138 = tpu.vector_load %arg9[%swap3A, %swap3A_137] {strides = array<i32>} : memref<80x128xf32, #tpu.memory_space<vmem>>, vector<1x16xf32>,
      %swap3A_139 = vector.shape_cast %swap3A_138 : vector<1x16xf32> to vector<16xf32>
      %swap3A_140 = vector.shape_cast %broadcast_in_dim3A_1 : vector<16xf32> to vector<1x16xf32>
      tpu.vector_store %arg9[%swap3A, %swap3A_137], %swap3A_140 {strides = array<i32>} : memref<80x128xf32, #tpu.memory_space<vmem>>, vector<1x16xf32>,
      %swap3A_141 = arith.index_cast %scan3A_136 : i32 to index
      %swap3A_142 = arith.constant 16 : index
      %swap3A_143 = tpu.vector_load %arg9[%swap3A_141, %swap3A_142] {strides = array<i32>} : memref<80x128xf32, #tpu.memory_space<vmem>>, vector<1x16xf32>,
      %swap3A_144 = vector.shape_cast %swap3A_143 : vector<1x16xf32> to vector<16xf32>
      %swap3A_145 = vector.shape_cast %broadcast_in_dim3A_1 : vector<16xf32> to vector<1x16xf32>
      tpu.vector_store %arg9[%swap3A_141, %swap3A_142], %swap3A_145 {strides = array<i32>} : memref<80x128xf32, #tpu.memory_space<vmem>>, vector<1x16xf32>,
      %swap3A_146 = arith.index_cast %scan3A_136 : i32 to index
      %swap3A_147 = arith.constant 32 : index
      %swap3A_148 = tpu.vector_load %arg9[%swap3A_146, %swap3A_147] {strides = array<i32>} : memref<80x128xf32, #tpu.memory_space<vmem>>, vector<1x16xf32>,
      %swap3A_149 = vector.shape_cast %swap3A_148 : vector<1x16xf32> to vector<16xf32>
      %swap3A_150 = vector.shape_cast %broadcast_in_dim3A_1 : vector<16xf32> to vector<1x16xf32>
      tpu.vector_store %arg9[%swap3A_146, %swap3A_147], %swap3A_150 {strides = array<i32>} : memref<80x128xf32, #tpu.memory_space<vmem>>, vector<1x16xf32>,
      %swap3A_151 = arith.index_cast %scan3A_136 : i32 to index
      %swap3A_152 = arith.constant 48 : index
      %swap3A_153 = tpu.vector_load %arg9[%swap3A_151, %swap3A_152] {strides = array<i32>} : memref<80x128xf32, #tpu.memory_space<vmem>>, vector<1x16xf32>,
      %swap3A_154 = vector.shape_cast %swap3A_153 : vector<1x16xf32> to vector<16xf32>
      %swap3A_155 = vector.shape_cast %broadcast_in_dim3A_1 : vector<16xf32> to vector<1x16xf32>
      tpu.vector_store %arg9[%swap3A_151, %swap3A_152], %swap3A_155 {strides = array<i32>} : memref<80x128xf32, #tpu.memory_space<vmem>>, vector<1x16xf32>,
      %swap3A_156 = arith.index_cast %scan3A_136 : i32 to index
      %swap3A_157 = arith.constant 64 : index
      %swap3A_158 = tpu.vector_load %arg9[%swap3A_156, %swap3A_157] {strides = array<i32>} : memref<80x128xf32, #tpu.memory_space<vmem>>, vector<1x16xf32>,
      %swap3A_159 = vector.shape_cast %swap3A_158 : vector<1x16xf32> to vector<16xf32>
      %swap3A_160 = vector.shape_cast %broadcast_in_dim3A_1 : vector<16xf32> to vector<1x16xf32>
      tpu.vector_store %arg9[%swap3A_156, %swap3A_157], %swap3A_160 {strides = array<i32>} : memref<80x128xf32, #tpu.memory_space<vmem>>, vector<1x16xf32>,
      %swap3A_161 = arith.index_cast %scan3A_136 : i32 to index
      %swap3A_162 = arith.constant 80 : index
      %swap3A_163 = tpu.vector_load %arg9[%swap3A_161, %swap3A_162] {strides = array<i32>} : memref<80x128xf32, #tpu.memory_space<vmem>>, vector<1x16xf32>,
      %swap3A_164 = vector.shape_cast %swap3A_163 : vector<1x16xf32> to vector<16xf32>
      %swap3A_165 = vector.shape_cast %broadcast_in_dim3A_1 : vector<16xf32> to vector<1x16xf32>
      tpu.vector_store %arg9[%swap3A_161, %swap3A_162], %swap3A_165 {strides = array<i32>} : memref<80x128xf32, #tpu.memory_space<vmem>>, vector<1x16xf32>,
      %swap3A_166 = arith.index_cast %scan3A_136 : i32 to index
      %swap3A_167 = arith.constant 96 : index
      %swap3A_168 = tpu.vector_load %arg9[%swap3A_166, %swap3A_167] {strides = array<i32>} : memref<80x128xf32, #tpu.memory_space<vmem>>, vector<1x16xf32>,
      %swap3A_169 = vector.shape_cast %swap3A_168 : vector<1x16xf32> to vector<16xf32>
      %swap3A_170 = vector.shape_cast %broadcast_in_dim3A_1 : vector<16xf32> to vector<1x16xf32>
      tpu.vector_store %arg9[%swap3A_166, %swap3A_167], %swap3A_170 {strides = array<i32>} : memref<80x128xf32, #tpu.memory_space<vmem>>, vector<1x16xf32>,
      %swap3A_171 = arith.index_cast %scan3A_136 : i32 to index
      %swap3A_172 = arith.constant 112 : index
      %swap3A_173 = tpu.vector_load %arg9[%swap3A_171, %swap3A_172] {strides = array<i32>} : memref<80x128xf32, #tpu.memory_space<vmem>>, vector<1x16xf32>,
      %swap3A_174 = vector.shape_cast %swap3A_173 : vector<1x16xf32> to vector<16xf32>
      %swap3A_175 = vector.shape_cast %broadcast_in_dim3A_1 : vector<16xf32> to vector<1x16xf32>
      tpu.vector_store %arg9[%swap3A_171, %swap3A_172], %swap3A_175 {strides = array<i32>} : memref<80x128xf32, #tpu.memory_space<vmem>>, vector<1x16xf32>,
    }
    %scan3A_6 = arith.constant 80 : i32
    %mul3A_7 = arith.constant 640 : i32
    %mul3A_8 = arith.muli %arg1, %mul3A_7 : i32
    %add3A_9 = arith.constant 0 : i32
    %add3A_10 = arith.addi %mul3A_8, %add3A_9 : i32
    "tpu.region"() ({
      %run_scoped3A_136 = tpu.sem_alloc : memref<!tpu.dma_semaphore, #tpu.memory_space<semaphore_mem>>
      %dma_start3A_137 = arith.constant 0 : i32
      %dma_start3A_138 = tpu.memref_slice %arg13[%add3A_10, %dma_start3A_137] : memref<10240x128xf32, #tpu.memory_space<vmem_shared>> -> memref<80x128xf32, #tpu.memory_space<vmem_shared>>
      %dma_start3A_139 = arith.constant 0 : i32
      %dma_start3A_140 = tpu.memref_slice %arg13[%add3A_10, %dma_start3A_139] : memref<10240x128xf32, #tpu.memory_space<vmem_shared>> -> memref<80x128xf32, #tpu.memory_space<vmem_shared>>
      tpu.enqueue_dma source(%arg9 : memref<80x128xf32, #tpu.memory_space<vmem>>) target(%dma_start3A_140 : memref<80x128xf32, #tpu.memory_space<vmem_shared>>) target_semaphore(%run_scoped3A_136 : memref<!tpu.dma_semaphore, #tpu.memory_space<semaphore_mem>>)
      %dma_wait3A_141 = arith.constant 0 : i32
      %dma_wait3A_142 = tpu.memref_slice %arg13[%add3A_10, %dma_wait3A_141] : memref<10240x128xf32, #tpu.memory_space<vmem_shared>> -> memref<80x128xf32, #tpu.memory_space<vmem_shared>>
      %dma_wait3A_143 = arith.constant 0 : i32
      %dma_wait3A_144 = tpu.memref_slice %arg13[%add3A_10, %dma_wait3A_143] : memref<10240x128xf32, #tpu.memory_space<vmem_shared>> -> memref<80x128xf32, #tpu.memory_space<vmem_shared>>
      tpu.wait_dma2 semaphore(%run_scoped3A_136 : memref<!tpu.dma_semaphore, #tpu.memory_space<semaphore_mem>>) src(%arg9 : memref<80x128xf32, #tpu.memory_space<vmem>>) dst(%dma_wait3A_144 : memref<80x128xf32, #tpu.memory_space<vmem_shared>>)
      tpu.yield
    }) : () -> ()
    %mul3A_11 = arith.constant 640 : i32
    %mul3A_12 = arith.muli %arg1, %mul3A_11 : i32
    %add3A_13 = arith.constant 80 : i32
    %add3A_14 = arith.addi %mul3A_12, %add3A_13 : i32
    "tpu.region"() ({
      %run_scoped3A_136 = tpu.sem_alloc : memref<!tpu.dma_semaphore, #tpu.memory_space<semaphore_mem>>
      %dma_start3A_137 = arith.constant 0 : i32
      %dma_start3A_138 = tpu.memref_slice %arg13[%add3A_14, %dma_start3A_137] : memref<10240x128xf32, #tpu.memory_space<vmem_shared>> -> memref<80x128xf32, #tpu.memory_space<vmem_shared>>
      %dma_start3A_139 = arith.constant 0 : i32
      %dma_start3A_140 = tpu.memref_slice %arg13[%add3A_14, %dma_start3A_139] : memref<10240x128xf32, #tpu.memory_space<vmem_shared>> -> memref<80x128xf32, #tpu.memory_space<vmem_shared>>
      tpu.enqueue_dma source(%arg9 : memref<80x128xf32, #tpu.memory_space<vmem>>) target(%dma_start3A_140 : memref<80x128xf32, #tpu.memory_space<vmem_shared>>) target_semaphore(%run_scoped3A_136 : memref<!tpu.dma_semaphore, #tpu.memory_space<semaphore_mem>>)
      %dma_wait3A_141 = arith.constant 0 : i32
      %dma_wait3A_142 = tpu.memref_slice %arg13[%add3A_14, %dma_wait3A_141] : memref<10240x128xf32, #tpu.memory_space<vmem_shared>> -> memref<80x128xf32, #tpu.memory_space<vmem_shared>>
      %dma_wait3A_143 = arith.constant 0 : i32
      %dma_wait3A_144 = tpu.memref_slice %arg13[%add3A_14, %dma_wait3A_143] : memref<10240x128xf32, #tpu.memory_space<vmem_shared>> -> memref<80x128xf32, #tpu.memory_space<vmem_shared>>
      tpu.wait_dma2 semaphore(%run_scoped3A_136 : memref<!tpu.dma_semaphore, #tpu.memory_space<semaphore_mem>>) src(%arg9 : memref<80x128xf32, #tpu.memory_space<vmem>>) dst(%dma_wait3A_144 : memref<80x128xf32, #tpu.memory_space<vmem_shared>>)
      tpu.yield
    }) : () -> ()
    %mul3A_15 = arith.constant 640 : i32
    %mul3A_16 = arith.muli %arg1, %mul3A_15 : i32
    %add3A_17 = arith.constant 160 : i32
    %add3A_18 = arith.addi %mul3A_16, %add3A_17 : i32
    "tpu.region"() ({
      %run_scoped3A_136 = tpu.sem_alloc : memref<!tpu.dma_semaphore, #tpu.memory_space<semaphore_mem>>
      %dma_start3A_137 = arith.constant 0 : i32
      %dma_start3A_138 = tpu.memref_slice %arg13[%add3A_18, %dma_start3A_137] : memref<10240x128xf32, #tpu.memory_space<vmem_shared>> -> memref<80x128xf32, #tpu.memory_space<vmem_shared>>
      %dma_start3A_139 = arith.constant 0 : i32
      %dma_start3A_140 = tpu.memref_slice %arg13[%add3A_18, %dma_start3A_139] : memref<10240x128xf32, #tpu.memory_space<vmem_shared>> -> memref<80x128xf32, #tpu.memory_space<vmem_shared>>
      tpu.enqueue_dma source(%arg9 : memref<80x128xf32, #tpu.memory_space<vmem>>) target(%dma_start3A_140 : memref<80x128xf32, #tpu.memory_space<vmem_shared>>) target_semaphore(%run_scoped3A_136 : memref<!tpu.dma_semaphore, #tpu.memory_space<semaphore_mem>>)
      %dma_wait3A_141 = arith.constant 0 : i32
      %dma_wait3A_142 = tpu.memref_slice %arg13[%add3A_18, %dma_wait3A_141] : memref<10240x128xf32, #tpu.memory_space<vmem_shared>> -> memref<80x128xf32, #tpu.memory_space<vmem_shared>>
      %dma_wait3A_143 = arith.constant 0 : i32
      %dma_wait3A_144 = tpu.memref_slice %arg13[%add3A_18, %dma_wait3A_143] : memref<10240x128xf32, #tpu.memory_space<vmem_shared>> -> memref<80x128xf32, #tpu.memory_space<vmem_shared>>
      tpu.wait_dma2 semaphore(%run_scoped3A_136 : memref<!tpu.dma_semaphore, #tpu.memory_space<semaphore_mem>>) src(%arg9 : memref<80x128xf32, #tpu.memory_space<vmem>>) dst(%dma_wait3A_144 : memref<80x128xf32, #tpu.memory_space<vmem_shared>>)
      tpu.yield
    }) : () -> ()
    %mul3A_19 = arith.constant 640 : i32
    %mul3A_20 = arith.muli %arg1, %mul3A_19 : i32
    %add3A_21 = arith.constant 240 : i32
    %add3A_22 = arith.addi %mul3A_20, %add3A_21 : i32
    "tpu.region"() ({
      %run_scoped3A_136 = tpu.sem_alloc : memref<!tpu.dma_semaphore, #tpu.memory_space<semaphore_mem>>
      %dma_start3A_137 = arith.constant 0 : i32
      %dma_start3A_138 = tpu.memref_slice %arg13[%add3A_22, %dma_start3A_137] : memref<10240x128xf32, #tpu.memory_space<vmem_shared>> -> memref<80x128xf32, #tpu.memory_space<vmem_shared>>
      %dma_start3A_139 = arith.constant 0 : i32
      %dma_start3A_140 = tpu.memref_slice %arg13[%add3A_22, %dma_start3A_139] : memref<10240x128xf32, #tpu.memory_space<vmem_shared>> -> memref<80x128xf32, #tpu.memory_space<vmem_shared>>
      tpu.enqueue_dma source(%arg9 : memref<80x128xf32, #tpu.memory_space<vmem>>) target(%dma_start3A_140 : memref<80x128xf32, #tpu.memory_space<vmem_shared>>) target_semaphore(%run_scoped3A_136 : memref<!tpu.dma_semaphore, #tpu.memory_space<semaphore_mem>>)
      %dma_wait3A_141 = arith.constant 0 : i32
      %dma_wait3A_142 = tpu.memref_slice %arg13[%add3A_22, %dma_wait3A_141] : memref<10240x128xf32, #tpu.memory_space<vmem_shared>> -> memref<80x128xf32, #tpu.memory_space<vmem_shared>>
      %dma_wait3A_143 = arith.constant 0 : i32
      %dma_wait3A_144 = tpu.memref_slice %arg13[%add3A_22, %dma_wait3A_143] : memref<10240x128xf32, #tpu.memory_space<vmem_shared>> -> memref<80x128xf32, #tpu.memory_space<vmem_shared>>
      tpu.wait_dma2 semaphore(%run_scoped3A_136 : memref<!tpu.dma_semaphore, #tpu.memory_space<semaphore_mem>>) src(%arg9 : memref<80x128xf32, #tpu.memory_space<vmem>>) dst(%dma_wait3A_144 : memref<80x128xf32, #tpu.memory_space<vmem_shared>>)
      tpu.yield
    }) : () -> ()
    %mul3A_23 = arith.constant 640 : i32
    %mul3A_24 = arith.muli %arg1, %mul3A_23 : i32
    %add3A_25 = arith.constant 320 : i32
    %add3A_26 = arith.addi %mul3A_24, %add3A_25 : i32
    "tpu.region"() ({
      %run_scoped3A_136 = tpu.sem_alloc : memref<!tpu.dma_semaphore, #tpu.memory_space<semaphore_mem>>
      %dma_start3A_137 = arith.constant 0 : i32
      %dma_start3A_138 = tpu.memref_slice %arg13[%add3A_26, %dma_start3A_137] : memref<10240x128xf32, #tpu.memory_space<vmem_shared>> -> memref<80x128xf32, #tpu.memory_space<vmem_shared>>
      %dma_start3A_139 = arith.constant 0 : i32
      %dma_start3A_140 = tpu.memref_slice %arg13[%add3A_26, %dma_start3A_139] : memref<10240x128xf32, #tpu.memory_space<vmem_shared>> -> memref<80x128xf32, #tpu.memory_space<vmem_shared>>
      tpu.enqueue_dma source(%arg9 : memref<80x128xf32, #tpu.memory_space<vmem>>) target(%dma_start3A_140 : memref<80x128xf32, #tpu.memory_space<vmem_shared>>) target_semaphore(%run_scoped3A_136 : memref<!tpu.dma_semaphore, #tpu.memory_space<semaphore_mem>>)
      %dma_wait3A_141 = arith.constant 0 : i32
      %dma_wait3A_142 = tpu.memref_slice %arg13[%add3A_26, %dma_wait3A_141] : memref<10240x128xf32, #tpu.memory_space<vmem_shared>> -> memref<80x128xf32, #tpu.memory_space<vmem_shared>>
      %dma_wait3A_143 = arith.constant 0 : i32
      %dma_wait3A_144 = tpu.memref_slice %arg13[%add3A_26, %dma_wait3A_143] : memref<10240x128xf32, #tpu.memory_space<vmem_shared>> -> memref<80x128xf32, #tpu.memory_space<vmem_shared>>
      tpu.wait_dma2 semaphore(%run_scoped3A_136 : memref<!tpu.dma_semaphore, #tpu.memory_space<semaphore_mem>>) src(%arg9 : memref<80x128xf32, #tpu.memory_space<vmem>>) dst(%dma_wait3A_144 : memref<80x128xf32, #tpu.memory_space<vmem_shared>>)
      tpu.yield
    }) : () -> ()
    %mul3A_27 = arith.constant 640 : i32
    %mul3A_28 = arith.muli %arg1, %mul3A_27 : i32
    %add3A_29 = arith.constant 400 : i32
    %add3A_30 = arith.addi %mul3A_28, %add3A_29 : i32
    "tpu.region"() ({
      %run_scoped3A_136 = tpu.sem_alloc : memref<!tpu.dma_semaphore, #tpu.memory_space<semaphore_mem>>
      %dma_start3A_137 = arith.constant 0 : i32
      %dma_start3A_138 = tpu.memref_slice %arg13[%add3A_30, %dma_start3A_137] : memref<10240x128xf32, #tpu.memory_space<vmem_shared>> -> memref<80x128xf32, #tpu.memory_space<vmem_shared>>
      %dma_start3A_139 = arith.constant 0 : i32
      %dma_start3A_140 = tpu.memref_slice %arg13[%add3A_30, %dma_start3A_139] : memref<10240x128xf32, #tpu.memory_space<vmem_shared>> -> memref<80x128xf32, #tpu.memory_space<vmem_shared>>
      tpu.enqueue_dma source(%arg9 : memref<80x128xf32, #tpu.memory_space<vmem>>) target(%dma_start3A_140 : memref<80x128xf32, #tpu.memory_space<vmem_shared>>) target_semaphore(%run_scoped3A_136 : memref<!tpu.dma_semaphore, #tpu.memory_space<semaphore_mem>>)
      %dma_wait3A_141 = arith.constant 0 : i32
      %dma_wait3A_142 = tpu.memref_slice %arg13[%add3A_30, %dma_wait3A_141] : memref<10240x128xf32, #tpu.memory_space<vmem_shared>> -> memref<80x128xf32, #tpu.memory_space<vmem_shared>>
      %dma_wait3A_143 = arith.constant 0 : i32
      %dma_wait3A_144 = tpu.memref_slice %arg13[%add3A_30, %dma_wait3A_143] : memref<10240x128xf32, #tpu.memory_space<vmem_shared>> -> memref<80x128xf32, #tpu.memory_space<vmem_shared>>
      tpu.wait_dma2 semaphore(%run_scoped3A_136 : memref<!tpu.dma_semaphore, #tpu.memory_space<semaphore_mem>>) src(%arg9 : memref<80x128xf32, #tpu.memory_space<vmem>>) dst(%dma_wait3A_144 : memref<80x128xf32, #tpu.memory_space<vmem_shared>>)
      tpu.yield
    }) : () -> ()
    %mul3A_31 = arith.constant 640 : i32
    %mul3A_32 = arith.muli %arg1, %mul3A_31 : i32
    %add3A_33 = arith.constant 480 : i32
    %add3A_34 = arith.addi %mul3A_32, %add3A_33 : i32
    "tpu.region"() ({
      %run_scoped3A_136 = tpu.sem_alloc : memref<!tpu.dma_semaphore, #tpu.memory_space<semaphore_mem>>
      %dma_start3A_137 = arith.constant 0 : i32
      %dma_start3A_138 = tpu.memref_slice %arg13[%add3A_34, %dma_start3A_137] : memref<10240x128xf32, #tpu.memory_space<vmem_shared>> -> memref<80x128xf32, #tpu.memory_space<vmem_shared>>
      %dma_start3A_139 = arith.constant 0 : i32
      %dma_start3A_140 = tpu.memref_slice %arg13[%add3A_34, %dma_start3A_139] : memref<10240x128xf32, #tpu.memory_space<vmem_shared>> -> memref<80x128xf32, #tpu.memory_space<vmem_shared>>
      tpu.enqueue_dma source(%arg9 : memref<80x128xf32, #tpu.memory_space<vmem>>) target(%dma_start3A_140 : memref<80x128xf32, #tpu.memory_space<vmem_shared>>) target_semaphore(%run_scoped3A_136 : memref<!tpu.dma_semaphore, #tpu.memory_space<semaphore_mem>>)
      %dma_wait3A_141 = arith.constant 0 : i32
      %dma_wait3A_142 = tpu.memref_slice %arg13[%add3A_34, %dma_wait3A_141] : memref<10240x128xf32, #tpu.memory_space<vmem_shared>> -> memref<80x128xf32, #tpu.memory_space<vmem_shared>>
      %dma_wait3A_143 = arith.constant 0 : i32
      %dma_wait3A_144 = tpu.memref_slice %arg13[%add3A_34, %dma_wait3A_143] : memref<10240x128xf32, #tpu.memory_space<vmem_shared>> -> memref<80x128xf32, #tpu.memory_space<vmem_shared>>
      tpu.wait_dma2 semaphore(%run_scoped3A_136 : memref<!tpu.dma_semaphore, #tpu.memory_space<semaphore_mem>>) src(%arg9 : memref<80x128xf32, #tpu.memory_space<vmem>>) dst(%dma_wait3A_144 : memref<80x128xf32, #tpu.memory_space<vmem_shared>>)
      tpu.yield
    }) : () -> ()
    %mul3A_35 = arith.constant 640 : i32
    %mul3A_36 = arith.muli %arg1, %mul3A_35 : i32
    %add3A_37 = arith.constant 560 : i32
    %add3A_38 = arith.addi %mul3A_36, %add3A_37 : i32
    "tpu.region"() ({
      %run_scoped3A_136 = tpu.sem_alloc : memref<!tpu.dma_semaphore, #tpu.memory_space<semaphore_mem>>
      %dma_start3A_137 = arith.constant 0 : i32
      %dma_start3A_138 = tpu.memref_slice %arg13[%add3A_38, %dma_start3A_137] : memref<10240x128xf32, #tpu.memory_space<vmem_shared>> -> memref<80x128xf32, #tpu.memory_space<vmem_shared>>
      %dma_start3A_139 = arith.constant 0 : i32
      %dma_start3A_140 = tpu.memref_slice %arg13[%add3A_38, %dma_start3A_139] : memref<10240x128xf32, #tpu.memory_space<vmem_shared>> -> memref<80x128xf32, #tpu.memory_space<vmem_shared>>
      tpu.enqueue_dma source(%arg9 : memref<80x128xf32, #tpu.memory_space<vmem>>) target(%dma_start3A_140 : memref<80x128xf32, #tpu.memory_space<vmem_shared>>) target_semaphore(%run_scoped3A_136 : memref<!tpu.dma_semaphore, #tpu.memory_space<semaphore_mem>>)
      %dma_wait3A_141 = arith.constant 0 : i32
      %dma_wait3A_142 = tpu.memref_slice %arg13[%add3A_38, %dma_wait3A_141] : memref<10240x128xf32, #tpu.memory_space<vmem_shared>> -> memref<80x128xf32, #tpu.memory_space<vmem_shared>>
      %dma_wait3A_143 = arith.constant 0 : i32
      %dma_wait3A_144 = tpu.memref_slice %arg13[%add3A_38, %dma_wait3A_143] : memref<10240x128xf32, #tpu.memory_space<vmem_shared>> -> memref<80x128xf32, #tpu.memory_space<vmem_shared>>
      tpu.wait_dma2 semaphore(%run_scoped3A_136 : memref<!tpu.dma_semaphore, #tpu.memory_space<semaphore_mem>>) src(%arg9 : memref<80x128xf32, #tpu.memory_space<vmem>>) dst(%dma_wait3A_144 : memref<80x128xf32, #tpu.memory_space<vmem_shared>>)
      tpu.yield
    }) : () -> ()
    %barrier3A = arith.constant 0 : index
    tpu.barrier barrier_id(%barrier3A)
    %dma_start3A = arith.constant 0 : i32
    %dma_start3A_39 = arith.constant 0 : i32
    %dma_start3A_40 = arith.constant 0 : i32
    %dma_start3A_41 = tpu.memref_slice %arg3[%add3A, %dma_start3A, %dma_start3A_39, %dma_start3A_40] : memref<32x125x2x80xi32, #tpu.memory_space<hbm>> -> memref<1x1x2x80xi32, #tpu.memory_space<hbm>>
    %dma_start3A_42 = tpu.memref_squeeze %dma_start3A_41 : memref<1x1x2x80xi32, #tpu.memory_space<hbm>> -> memref<2x80xi32, #tpu.memory_space<hbm>>
    %dma_start3A_43 = arith.constant 0 : i32
    %dma_start3A_44 = arith.constant 0 : i32
    %dma_start3A_45 = tpu.memref_slice %arg3[%add3A, %dma_start3A, %dma_start3A_43, %dma_start3A_44] : memref<32x125x2x80xi32, #tpu.memory_space<hbm>> -> memref<1x1x2x80xi32, #tpu.memory_space<hbm>>
    %dma_start3A_46 = tpu.memref_squeeze %dma_start3A_45 : memref<1x1x2x80xi32, #tpu.memory_space<hbm>> -> memref<2x80xi32, #tpu.memory_space<hbm>>
    tpu.enqueue_dma source(%dma_start3A_46 : memref<2x80xi32, #tpu.memory_space<hbm>>) target(%arg5 : memref<2x80xi32, #tpu.memory_space<vmem>>) target_semaphore(%arg14 : memref<!tpu.dma_semaphore, #tpu.memory_space<semaphore_mem>>)
    %dma_start3A_47 = arith.constant 1 : i32
    %dma_start3A_48 = arith.constant 0 : i32
    %dma_start3A_49 = arith.constant 0 : i32
    %dma_start3A_50 = tpu.memref_slice %arg3[%add3A, %dma_start3A_47, %dma_start3A_48, %dma_start3A_49] : memref<32x125x2x80xi32, #tpu.memory_space<hbm>> -> memref<1x1x2x80xi32, #tpu.memory_space<hbm>>
    %dma_start3A_51 = tpu.memref_squeeze %dma_start3A_50 : memref<1x1x2x80xi32, #tpu.memory_space<hbm>> -> memref<2x80xi32, #tpu.memory_space<hbm>>
    %dma_start3A_52 = arith.constant 0 : i32
    %dma_start3A_53 = arith.constant 0 : i32
    %dma_start3A_54 = tpu.memref_slice %arg3[%add3A, %dma_start3A_47, %dma_start3A_52, %dma_start3A_53] : memref<32x125x2x80xi32, #tpu.memory_space<hbm>> -> memref<1x1x2x80xi32, #tpu.memory_space<hbm>>
    %dma_start3A_55 = tpu.memref_squeeze %dma_start3A_54 : memref<1x1x2x80xi32, #tpu.memory_space<hbm>> -> memref<2x80xi32, #tpu.memory_space<hbm>>
    tpu.enqueue_dma source(%dma_start3A_55 : memref<2x80xi32, #tpu.memory_space<hbm>>) target(%arg6 : memref<2x80xi32, #tpu.memory_space<vmem>>) target_semaphore(%arg15 : memref<!tpu.dma_semaphore, #tpu.memory_space<semaphore_mem>>)
    %dma_start3A_56 = arith.constant 2 : i32
    %dma_start3A_57 = arith.constant 0 : i32
    %dma_start3A_58 = arith.constant 0 : i32
    %dma_start3A_59 = tpu.memref_slice %arg3[%add3A, %dma_start3A_56, %dma_start3A_57, %dma_start3A_58] : memref<32x125x2x80xi32, #tpu.memory_space<hbm>> -> memref<1x1x2x80xi32, #tpu.memory_space<hbm>>
    %dma_start3A_60 = tpu.memref_squeeze %dma_start3A_59 : memref<1x1x2x80xi32, #tpu.memory_space<hbm>> -> memref<2x80xi32, #tpu.memory_space<hbm>>
    %dma_start3A_61 = arith.constant 0 : i32
    %dma_start3A_62 = arith.constant 0 : i32
    %dma_start3A_63 = tpu.memref_slice %arg3[%add3A, %dma_start3A_56, %dma_start3A_61, %dma_start3A_62] : memref<32x125x2x80xi32, #tpu.memory_space<hbm>> -> memref<1x1x2x80xi32, #tpu.memory_space<hbm>>
    %dma_start3A_64 = tpu.memref_squeeze %dma_start3A_63 : memref<1x1x2x80xi32, #tpu.memory_space<hbm>> -> memref<2x80xi32, #tpu.memory_space<hbm>>
    tpu.enqueue_dma source(%dma_start3A_64 : memref<2x80xi32, #tpu.memory_space<hbm>>) target(%arg7 : memref<2x80xi32, #tpu.memory_space<vmem>>) target_semaphore(%arg16 : memref<!tpu.dma_semaphore, #tpu.memory_space<semaphore_mem>>)
    %dma_start3A_65 = arith.constant 3 : i32
    %dma_start3A_66 = arith.constant 0 : i32
    %dma_start3A_67 = arith.constant 0 : i32
    %dma_start3A_68 = tpu.memref_slice %arg3[%add3A, %dma_start3A_65, %dma_start3A_66, %dma_start3A_67] : memref<32x125x2x80xi32, #tpu.memory_space<hbm>> -> memref<1x1x2x80xi32, #tpu.memory_space<hbm>>
    %dma_start3A_69 = tpu.memref_squeeze %dma_start3A_68 : memref<1x1x2x80xi32, #tpu.memory_space<hbm>> -> memref<2x80xi32, #tpu.memory_space<hbm>>
    %dma_start3A_70 = arith.constant 0 : i32
    %dma_start3A_71 = arith.constant 0 : i32
    %dma_start3A_72 = tpu.memref_slice %arg3[%add3A, %dma_start3A_65, %dma_start3A_70, %dma_start3A_71] : memref<32x125x2x80xi32, #tpu.memory_space<hbm>> -> memref<1x1x2x80xi32, #tpu.memory_space<hbm>>
    %dma_start3A_73 = tpu.memref_squeeze %dma_start3A_72 : memref<1x1x2x80xi32, #tpu.memory_space<hbm>> -> memref<2x80xi32, #tpu.memory_space<hbm>>
    tpu.enqueue_dma source(%dma_start3A_73 : memref<2x80xi32, #tpu.memory_space<hbm>>) target(%arg8 : memref<2x80xi32, #tpu.memory_space<vmem>>) target_semaphore(%arg17 : memref<!tpu.dma_semaphore, #tpu.memory_space<semaphore_mem>>)
    %dma_wait3A = arith.constant 0 : i32
    %dma_wait3A_74 = arith.constant 0 : i32
    %dma_wait3A_75 = arith.constant 0 : i32
    %dma_wait3A_76 = tpu.memref_slice %arg3[%add3A, %dma_wait3A, %dma_wait3A_74, %dma_wait3A_75] : memref<32x125x2x80xi32, #tpu.memory_space<hbm>> -> memref<1x1x2x80xi32, #tpu.memory_space<hbm>>
    %dma_wait3A_77 = tpu.memref_squeeze %dma_wait3A_76 : memref<1x1x2x80xi32, #tpu.memory_space<hbm>> -> memref<2x80xi32, #tpu.memory_space<hbm>>
    %dma_wait3A_78 = arith.constant 0 : i32
    %dma_wait3A_79 = arith.constant 0 : i32
    %dma_wait3A_80 = tpu.memref_slice %arg3[%add3A, %dma_wait3A, %dma_wait3A_78, %dma_wait3A_79] : memref<32x125x2x80xi32, #tpu.memory_space<hbm>> -> memref<1x1x2x80xi32, #tpu.memory_space<hbm>>
    %dma_wait3A_81 = tpu.memref_squeeze %dma_wait3A_80 : memref<1x1x2x80xi32, #tpu.memory_space<hbm>> -> memref<2x80xi32, #tpu.memory_space<hbm>>
    tpu.wait_dma2 semaphore(%arg14 : memref<!tpu.dma_semaphore, #tpu.memory_space<semaphore_mem>>) src(%dma_wait3A_81 : memref<2x80xi32, #tpu.memory_space<hbm>>) dst(%arg5 : memref<2x80xi32, #tpu.memory_space<vmem>>)
    %dma_start3A_82 = arith.constant 0 : i32
    %dma_start3A_83 = arith.constant 0 : i32
    %dma_start3A_84 = tpu.memref_slice %arg5[%dma_start3A_82, %dma_start3A_83] : memref<2x80xi32, #tpu.memory_space<vmem>> -> memref<1x80xi32, #tpu.memory_space<vmem>>
    %dma_start3A_85 = tpu.memref_squeeze %dma_start3A_84 : memref<1x80xi32, #tpu.memory_space<vmem>> -> memref<80xi32, #tpu.memory_space<vmem>>
    %dma_start3A_86 = arith.constant 0 : i32
    %dma_start3A_87 = arith.constant 0 : i32
    %dma_start3A_88 = tpu.memref_slice %arg2[%dma_start3A_86, %dma_start3A_87] : memref<10000x128xf32, #tpu.memory_space<hbm>> -> memref<10000x128xf32, #tpu.memory_space<hbm>>
    tpu.enqueue_indirect_dma source(%dma_start3A_88 : memref<10000x128xf32, #tpu.memory_space<hbm>>) target(%arg9 : memref<80x128xf32, #tpu.memory_space<vmem>>) offsets(%dma_start3A_85 : memref<80xi32, #tpu.memory_space<vmem>>) semaphore(%arg18 : memref<!tpu.dma_semaphore, #tpu.memory_space<semaphore_mem>>)
    %dma_wait3A_89 = arith.constant 0 : i32
    %dma_wait3A_90 = arith.constant 0 : i32
    %dma_wait3A_91 = arith.constant 0 : i32
    %dma_wait3A_92 = tpu.memref_slice %arg3[%add3A, %dma_wait3A_89, %dma_wait3A_90, %dma_wait3A_91] : memref<32x125x2x80xi32, #tpu.memory_space<hbm>> -> memref<1x1x2x80xi32, #tpu.memory_space<hbm>>
    %dma_wait3A_93 = tpu.memref_squeeze %dma_wait3A_92 : memref<1x1x2x80xi32, #tpu.memory_space<hbm>> -> memref<2x80xi32, #tpu.memory_space<hbm>>
    %dma_wait3A_94 = arith.constant 0 : i32
    %dma_wait3A_95 = arith.constant 0 : i32
    %dma_wait3A_96 = tpu.memref_slice %arg3[%add3A, %dma_wait3A_89, %dma_wait3A_94, %dma_wait3A_95] : memref<32x125x2x80xi32, #tpu.memory_space<hbm>> -> memref<1x1x2x80xi32, #tpu.memory_space<hbm>>
    %dma_wait3A_97 = tpu.memref_squeeze %dma_wait3A_96 : memref<1x1x2x80xi32, #tpu.memory_space<hbm>> -> memref<2x80xi32, #tpu.memory_space<hbm>>
    tpu.wait_dma2 semaphore(%arg15 : memref<!tpu.dma_semaphore, #tpu.memory_space<semaphore_mem>>) src(%dma_wait3A_97 : memref<2x80xi32, #tpu.memory_space<hbm>>) dst(%arg6 : memref<2x80xi32, #tpu.memory_space<vmem>>)
    %dma_start3A_98 = arith.constant 0 : i32
    %dma_start3A_99 = arith.constant 0 : i32
    %dma_start3A_100 = tpu.memref_slice %arg6[%dma_start3A_98, %dma_start3A_99] : memref<2x80xi32, #tpu.memory_space<vmem>> -> memref<1x80xi32, #tpu.memory_space<vmem>>
    %dma_start3A_101 = tpu.memref_squeeze %dma_start3A_100 : memref<1x80xi32, #tpu.memory_space<vmem>> -> memref<80xi32, #tpu.memory_space<vmem>>
    %dma_start3A_102 = arith.constant 0 : i32
    %dma_start3A_103 = arith.constant 0 : i32
    %dma_start3A_104 = tpu.memref_slice %arg2[%dma_start3A_102, %dma_start3A_103] : memref<10000x128xf32, #tpu.memory_space<hbm>> -> memref<10000x128xf32, #tpu.memory_space<hbm>>
    tpu.enqueue_indirect_dma source(%dma_start3A_104 : memref<10000x128xf32, #tpu.memory_space<hbm>>) target(%arg10 : memref<80x128xf32, #tpu.memory_space<vmem>>) offsets(%dma_start3A_101 : memref<80xi32, #tpu.memory_space<vmem>>) semaphore(%arg19 : memref<!tpu.dma_semaphore, #tpu.memory_space<semaphore_mem>>)
    %dma_wait3A_105 = arith.constant 0 : i32
    %dma_wait3A_106 = arith.constant 0 : i32
    %dma_wait3A_107 = arith.constant 0 : i32
    %dma_wait3A_108 = tpu.memref_slice %arg3[%add3A, %dma_wait3A_105, %dma_wait3A_106, %dma_wait3A_107] : memref<32x125x2x80xi32, #tpu.memory_space<hbm>> -> memref<1x1x2x80xi32, #tpu.memory_space<hbm>>
    %dma_wait3A_109 = tpu.memref_squeeze %dma_wait3A_108 : memref<1x1x2x80xi32, #tpu.memory_space<hbm>> -> memref<2x80xi32, #tpu.memory_space<hbm>>
    %dma_wait3A_110 = arith.constant 0 : i32
    %dma_wait3A_111 = arith.constant 0 : i32
    %dma_wait3A_112 = tpu.memref_slice %arg3[%add3A, %dma_wait3A_105, %dma_wait3A_110, %dma_wait3A_111] : memref<32x125x2x80xi32, #tpu.memory_space<hbm>> -> memref<1x1x2x80xi32, #tpu.memory_space<hbm>>
    %dma_wait3A_113 = tpu.memref_squeeze %dma_wait3A_112 : memref<1x1x2x80xi32, #tpu.memory_space<hbm>> -> memref<2x80xi32, #tpu.memory_space<hbm>>
    tpu.wait_dma2 semaphore(%arg16 : memref<!tpu.dma_semaphore, #tpu.memory_space<semaphore_mem>>) src(%dma_wait3A_113 : memref<2x80xi32, #tpu.memory_space<hbm>>) dst(%arg7 : memref<2x80xi32, #tpu.memory_space<vmem>>)
    %dma_start3A_114 = arith.constant 0 : i32
    %dma_start3A_115 = arith.constant 0 : i32
    %dma_start3A_116 = tpu.memref_slice %arg7[%dma_start3A_114, %dma_start3A_115] : memref<2x80xi32, #tpu.memory_space<vmem>> -> memref<1x80xi32, #tpu.memory_space<vmem>>
    %dma_start3A_117 = tpu.memref_squeeze %dma_start3A_116 : memref<1x80xi32, #tpu.memory_space<vmem>> -> memref<80xi32, #tpu.memory_space<vmem>>
    %dma_start3A_118 = arith.constant 0 : i32
    %dma_start3A_119 = arith.constant 0 : i32
    %dma_start3A_120 = tpu.memref_slice %arg2[%dma_start3A_118, %dma_start3A_119] : memref<10000x128xf32, #tpu.memory_space<hbm>> -> memref<10000x128xf32, #tpu.memory_space<hbm>>
    tpu.enqueue_indirect_dma source(%dma_start3A_120 : memref<10000x128xf32, #tpu.memory_space<hbm>>) target(%arg11 : memref<80x128xf32, #tpu.memory_space<vmem>>) offsets(%dma_start3A_117 : memref<80xi32, #tpu.memory_space<vmem>>) semaphore(%arg20 : memref<!tpu.dma_semaphore, #tpu.memory_space<semaphore_mem>>)
    %scan3A_121 = arith.constant 0 : i32
    %scan3A_122 = arith.constant 0 : i32
    %scan3A_123 = arith.constant 31 : i32
    %scan3A_124 = arith.addi %scan3A_122, %scan3A_123 : i32
    %scan3A_125 = arith.constant 1 : i32
    scf.for %scan3A_136 = %scan3A_122 to %scan3A_124 step %scan3A_125  : i32 {
      %mul3A_137 = arith.constant 4 : i32
      %mul3A_138 = arith.muli %mul3A_137, %scan3A_136 : i32
      %add3A_139 = arith.constant 0 : i32
      %add3A_140 = arith.addi %mul3A_138, %add3A_139 : i32
      %dma_wait3A_141 = arith.constant 0 : i32
      %dma_wait3A_142 = arith.constant 0 : i32
      %dma_wait3A_143 = tpu.memref_slice %arg2[%dma_wait3A_141, %dma_wait3A_142] : memref<10000x128xf32, #tpu.memory_space<hbm>> -> memref<80x128xf32, #tpu.memory_space<hbm>>
      %dma_wait3A_144 = arith.constant 0 : i32
      %dma_wait3A_145 = arith.constant 0 : i32
      %dma_wait3A_146 = tpu.memref_slice %arg2[%dma_wait3A_144, %dma_wait3A_145] : memref<10000x128xf32, #tpu.memory_space<hbm>> -> memref<80x128xf32, #tpu.memory_space<hbm>>
      tpu.wait_dma2 semaphore(%arg18 : memref<!tpu.dma_semaphore, #tpu.memory_space<semaphore_mem>>) src(%dma_wait3A_146 : memref<80x128xf32, #tpu.memory_space<hbm>>) dst(%arg9 : memref<80x128xf32, #tpu.memory_space<vmem>>)
      %run_scoped3A_147 = arith.constant 1 : i32
      "tpu.region"() ({
        %run_scoped3A_235 = tpu.sem_alloc : memref<!tpu.dma_semaphore, #tpu.memory_space<semaphore_mem>>
        %dma_start3A_236 = arith.constant 0 : i32
        %dma_start3A_237 = tpu.memref_slice %arg5[%run_scoped3A_147, %dma_start3A_236] : memref<2x80xi32, #tpu.memory_space<vmem>> -> memref<1x80xi32, #tpu.memory_space<vmem>>
        %dma_start3A_238 = tpu.memref_squeeze %dma_start3A_237 : memref<1x80xi32, #tpu.memory_space<vmem>> -> memref<80xi32, #tpu.memory_space<vmem>>
        %dma_start3A_239 = arith.constant 0 : i32
        %dma_start3A_240 = arith.constant 0 : i32
        %dma_start3A_241 = tpu.memref_slice %arg13[%dma_start3A_239, %dma_start3A_240] : memref<10240x128xf32, #tpu.memory_space<vmem_shared>> -> memref<10240x128xf32, #tpu.memory_space<vmem_shared>>
        tpu.enqueue_indirect_dma source(%arg9 : memref<80x128xf32, #tpu.memory_space<vmem>>) target(%dma_start3A_241 : memref<10240x128xf32, #tpu.memory_space<vmem_shared>>) offsets(%dma_start3A_238 : memref<80xi32, #tpu.memory_space<vmem>>) semaphore(%run_scoped3A_235 : memref<!tpu.dma_semaphore, #tpu.memory_space<semaphore_mem>>) {add = true}
        %dma_wait3A_242 = arith.constant 0 : i32
        %dma_wait3A_243 = tpu.memref_slice %arg5[%run_scoped3A_147, %dma_wait3A_242] : memref<2x80xi32, #tpu.memory_space<vmem>> -> memref<1x80xi32, #tpu.memory_space<vmem>>
        %dma_wait3A_244 = tpu.memref_squeeze %dma_wait3A_243 : memref<1x80xi32, #tpu.memory_space<vmem>> -> memref<80xi32, #tpu.memory_space<vmem>>
        %dma_wait3A_245 = arith.constant 0 : i32
        %dma_wait3A_246 = arith.constant 0 : i32
        %dma_wait3A_247 = tpu.memref_slice %arg13[%dma_wait3A_245, %dma_wait3A_246] : memref<10240x128xf32, #tpu.memory_space<vmem_shared>> -> memref<10240x128xf32, #tpu.memory_space<vmem_shared>>
        tpu.wait_indirect_dma semaphore(%run_scoped3A_235 : memref<!tpu.dma_semaphore, #tpu.memory_space<semaphore_mem>>) src(%arg9 : memref<80x128xf32, #tpu.memory_space<vmem>>) dst(%dma_wait3A_247 : memref<10240x128xf32, #tpu.memory_space<vmem_shared>>)
        tpu.yield
      }) : () -> ()
      %add3A_148 = arith.constant 4 : i32
      %add3A_149 = arith.addi %add3A_140, %add3A_148 : i32
      %lt3A = arith.constant 125 : i32
      %lt3A_150 = arith.cmpi slt, %add3A_149, %lt3A : i32
      %convert_element_type3A = arith.extui %lt3A_150 : i1 to i32
      %cond3A = arith.constant 0 : i32
      %cond3A_151 = arith.cmpi ne, %convert_element_type3A, %cond3A : i32
      scf.if %cond3A_151 {
        %add3A_235 = arith.constant 4 : i32
        %add3A_236 = arith.addi %add3A_140, %add3A_235 : i32
        %dma_start3A_237 = arith.constant 0 : i32
        %dma_start3A_238 = arith.constant 0 : i32
        %dma_start3A_239 = tpu.memref_slice %arg3[%add3A, %add3A_236, %dma_start3A_237, %dma_start3A_238] : memref<32x125x2x80xi32, #tpu.memory_space<hbm>> -> memref<1x1x2x80xi32, #tpu.memory_space<hbm>>
        %dma_start3A_240 = tpu.memref_squeeze %dma_start3A_239 : memref<1x1x2x80xi32, #tpu.memory_space<hbm>> -> memref<2x80xi32, #tpu.memory_space<hbm>>
        %dma_start3A_241 = arith.constant 0 : i32
        %dma_start3A_242 = arith.constant 0 : i32
        %dma_start3A_243 = tpu.memref_slice %arg3[%add3A, %add3A_236, %dma_start3A_241, %dma_start3A_242] : memref<32x125x2x80xi32, #tpu.memory_space<hbm>> -> memref<1x1x2x80xi32, #tpu.memory_space<hbm>>
        %dma_start3A_244 = tpu.memref_squeeze %dma_start3A_243 : memref<1x1x2x80xi32, #tpu.memory_space<hbm>> -> memref<2x80xi32, #tpu.memory_space<hbm>>
        tpu.enqueue_dma source(%dma_start3A_244 : memref<2x80xi32, #tpu.memory_space<hbm>>) target(%arg5 : memref<2x80xi32, #tpu.memory_space<vmem>>) target_semaphore(%arg14 : memref<!tpu.dma_semaphore, #tpu.memory_space<semaphore_mem>>)
      } else {
      }
      %add3A_152 = arith.constant 4 : i32
      %add3A_153 = arith.addi %add3A_140, %add3A_152 : i32
      %sub3A = arith.constant 1 : i32
      %sub3A_154 = arith.subi %add3A_153, %sub3A : i32
      %lt3A_155 = arith.constant 125 : i32
      %lt3A_156 = arith.cmpi slt, %sub3A_154, %lt3A_155 : i32
      %convert_element_type3A_157 = arith.extui %lt3A_156 : i1 to i32
      %cond3A_158 = arith.constant 0 : i32
      %cond3A_159 = arith.cmpi ne, %convert_element_type3A_157, %cond3A_158 : i32
      scf.if %cond3A_159 {
        %dma_wait3A_235 = arith.constant 0 : i32
        %dma_wait3A_236 = arith.constant 0 : i32
        %dma_wait3A_237 = arith.constant 0 : i32
        %dma_wait3A_238 = tpu.memref_slice %arg3[%add3A, %dma_wait3A_235, %dma_wait3A_236, %dma_wait3A_237] : memref<32x125x2x80xi32, #tpu.memory_space<hbm>> -> memref<1x1x2x80xi32, #tpu.memory_space<hbm>>
        %dma_wait3A_239 = tpu.memref_squeeze %dma_wait3A_238 : memref<1x1x2x80xi32, #tpu.memory_space<hbm>> -> memref<2x80xi32, #tpu.memory_space<hbm>>
        %dma_wait3A_240 = arith.constant 0 : i32
        %dma_wait3A_241 = arith.constant 0 : i32
        %dma_wait3A_242 = tpu.memref_slice %arg3[%add3A, %dma_wait3A_235, %dma_wait3A_240, %dma_wait3A_241] : memref<32x125x2x80xi32, #tpu.memory_space<hbm>> -> memref<1x1x2x80xi32, #tpu.memory_space<hbm>>
        %dma_wait3A_243 = tpu.memref_squeeze %dma_wait3A_242 : memref<1x1x2x80xi32, #tpu.memory_space<hbm>> -> memref<2x80xi32, #tpu.memory_space<hbm>>
        tpu.wait_dma2 semaphore(%arg17 : memref<!tpu.dma_semaphore, #tpu.memory_space<semaphore_mem>>) src(%dma_wait3A_243 : memref<2x80xi32, #tpu.memory_space<hbm>>) dst(%arg8 : memref<2x80xi32, #tpu.memory_space<vmem>>)
        %dma_start3A_244 = arith.constant 0 : i32
        %dma_start3A_245 = arith.constant 0 : i32
        %dma_start3A_246 = tpu.memref_slice %arg8[%dma_start3A_244, %dma_start3A_245] : memref<2x80xi32, #tpu.memory_space<vmem>> -> memref<1x80xi32, #tpu.memory_space<vmem>>
        %dma_start3A_247 = tpu.memref_squeeze %dma_start3A_246 : memref<1x80xi32, #tpu.memory_space<vmem>> -> memref<80xi32, #tpu.memory_space<vmem>>
        %dma_start3A_248 = arith.constant 0 : i32
        %dma_start3A_249 = arith.constant 0 : i32
        %dma_start3A_250 = tpu.memref_slice %arg2[%dma_start3A_248, %dma_start3A_249] : memref<10000x128xf32, #tpu.memory_space<hbm>> -> memref<10000x128xf32, #tpu.memory_space<hbm>>
        tpu.enqueue_indirect_dma source(%dma_start3A_250 : memref<10000x128xf32, #tpu.memory_space<hbm>>) target(%arg12 : memref<80x128xf32, #tpu.memory_space<vmem>>) offsets(%dma_start3A_247 : memref<80xi32, #tpu.memory_space<vmem>>) semaphore(%arg21 : memref<!tpu.dma_semaphore, #tpu.memory_space<semaphore_mem>>)
      } else {
      }
      %add3A_160 = arith.constant 1 : i32
      %add3A_161 = arith.addi %mul3A_138, %add3A_160 : i32
      %dma_wait3A_162 = arith.constant 0 : i32
      %dma_wait3A_163 = arith.constant 0 : i32
      %dma_wait3A_164 = tpu.memref_slice %arg2[%dma_wait3A_162, %dma_wait3A_163] : memref<10000x128xf32, #tpu.memory_space<hbm>> -> memref<80x128xf32, #tpu.memory_space<hbm>>
      %dma_wait3A_165 = arith.constant 0 : i32
      %dma_wait3A_166 = arith.constant 0 : i32
      %dma_wait3A_167 = tpu.memref_slice %arg2[%dma_wait3A_165, %dma_wait3A_166] : memref<10000x128xf32, #tpu.memory_space<hbm>> -> memref<80x128xf32, #tpu.memory_space<hbm>>
      tpu.wait_dma2 semaphore(%arg19 : memref<!tpu.dma_semaphore, #tpu.memory_space<semaphore_mem>>) src(%dma_wait3A_167 : memref<80x128xf32, #tpu.memory_space<hbm>>) dst(%arg10 : memref<80x128xf32, #tpu.memory_space<vmem>>)
      %run_scoped3A_168 = arith.constant 1 : i32
      "tpu.region"() ({
        %run_scoped3A_235 = tpu.sem_alloc : memref<!tpu.dma_semaphore, #tpu.memory_space<semaphore_mem>>
        %dma_start3A_236 = arith.constant 0 : i32
        %dma_start3A_237 = tpu.memref_slice %arg6[%run_scoped3A_168, %dma_start3A_236] : memref<2x80xi32, #tpu.memory_space<vmem>> -> memref<1x80xi32, #tpu.memory_space<vmem>>
        %dma_start3A_238 = tpu.memref_squeeze %dma_start3A_237 : memref<1x80xi32, #tpu.memory_space<vmem>> -> memref<80xi32, #tpu.memory_space<vmem>>
        %dma_start3A_239 = arith.constant 0 : i32
        %dma_start3A_240 = arith.constant 0 : i32
        %dma_start3A_241 = tpu.memref_slice %arg13[%dma_start3A_239, %dma_start3A_240] : memref<10240x128xf32, #tpu.memory_space<vmem_shared>> -> memref<10240x128xf32, #tpu.memory_space<vmem_shared>>
        tpu.enqueue_indirect_dma source(%arg10 : memref<80x128xf32, #tpu.memory_space<vmem>>) target(%dma_start3A_241 : memref<10240x128xf32, #tpu.memory_space<vmem_shared>>) offsets(%dma_start3A_238 : memref<80xi32, #tpu.memory_space<vmem>>) semaphore(%run_scoped3A_235 : memref<!tpu.dma_semaphore, #tpu.memory_space<semaphore_mem>>) {add = true}
        %dma_wait3A_242 = arith.constant 0 : i32
        %dma_wait3A_243 = tpu.memref_slice %arg6[%run_scoped3A_168, %dma_wait3A_242] : memref<2x80xi32, #tpu.memory_space<vmem>> -> memref<1x80xi32, #tpu.memory_space<vmem>>
        %dma_wait3A_244 = tpu.memref_squeeze %dma_wait3A_243 : memref<1x80xi32, #tpu.memory_space<vmem>> -> memref<80xi32, #tpu.memory_space<vmem>>
        %dma_wait3A_245 = arith.constant 0 : i32
        %dma_wait3A_246 = arith.constant 0 : i32
        %dma_wait3A_247 = tpu.memref_slice %arg13[%dma_wait3A_245, %dma_wait3A_246] : memref<10240x128xf32, #tpu.memory_space<vmem_shared>> -> memref<10240x128xf32, #tpu.memory_space<vmem_shared>>
        tpu.wait_indirect_dma semaphore(%run_scoped3A_235 : memref<!tpu.dma_semaphore, #tpu.memory_space<semaphore_mem>>) src(%arg10 : memref<80x128xf32, #tpu.memory_space<vmem>>) dst(%dma_wait3A_247 : memref<10240x128xf32, #tpu.memory_space<vmem_shared>>)
        tpu.yield
      }) : () -> ()
      %add3A_169 = arith.constant 4 : i32
      %add3A_170 = arith.addi %add3A_161, %add3A_169 : i32
      %lt3A_171 = arith.constant 125 : i32
      %lt3A_172 = arith.cmpi slt, %add3A_170, %lt3A_171 : i32
      %convert_element_type3A_173 = arith.extui %lt3A_172 : i1 to i32
      %cond3A_174 = arith.constant 0 : i32
      %cond3A_175 = arith.cmpi ne, %convert_element_type3A_173, %cond3A_174 : i32
      scf.if %cond3A_175 {
        %add3A_235 = arith.constant 4 : i32
        %add3A_236 = arith.addi %add3A_161, %add3A_235 : i32
        %dma_start3A_237 = arith.constant 0 : i32
        %dma_start3A_238 = arith.constant 0 : i32
        %dma_start3A_239 = tpu.memref_slice %arg3[%add3A, %add3A_236, %dma_start3A_237, %dma_start3A_238] : memref<32x125x2x80xi32, #tpu.memory_space<hbm>> -> memref<1x1x2x80xi32, #tpu.memory_space<hbm>>
        %dma_start3A_240 = tpu.memref_squeeze %dma_start3A_239 : memref<1x1x2x80xi32, #tpu.memory_space<hbm>> -> memref<2x80xi32, #tpu.memory_space<hbm>>
        %dma_start3A_241 = arith.constant 0 : i32
        %dma_start3A_242 = arith.constant 0 : i32
        %dma_start3A_243 = tpu.memref_slice %arg3[%add3A, %add3A_236, %dma_start3A_241, %dma_start3A_242] : memref<32x125x2x80xi32, #tpu.memory_space<hbm>> -> memref<1x1x2x80xi32, #tpu.memory_space<hbm>>
        %dma_start3A_244 = tpu.memref_squeeze %dma_start3A_243 : memref<1x1x2x80xi32, #tpu.memory_space<hbm>> -> memref<2x80xi32, #tpu.memory_space<hbm>>
        tpu.enqueue_dma source(%dma_start3A_244 : memref<2x80xi32, #tpu.memory_space<hbm>>) target(%arg6 : memref<2x80xi32, #tpu.memory_space<vmem>>) target_semaphore(%arg15 : memref<!tpu.dma_semaphore, #tpu.memory_space<semaphore_mem>>)
      } else {
      }
      %add3A_176 = arith.constant 4 : i32
      %add3A_177 = arith.addi %add3A_161, %add3A_176 : i32
      %sub3A_178 = arith.constant 1 : i32
      %sub3A_179 = arith.subi %add3A_177, %sub3A_178 : i32
      %lt3A_180 = arith.constant 125 : i32
      %lt3A_181 = arith.cmpi slt, %sub3A_179, %lt3A_180 : i32
      %convert_element_type3A_182 = arith.extui %lt3A_181 : i1 to i32
      %cond3A_183 = arith.constant 0 : i32
      %cond3A_184 = arith.cmpi ne, %convert_element_type3A_182, %cond3A_183 : i32
      scf.if %cond3A_184 {
        %dma_wait3A_235 = arith.constant 0 : i32
        %dma_wait3A_236 = arith.constant 0 : i32
        %dma_wait3A_237 = arith.constant 0 : i32
        %dma_wait3A_238 = tpu.memref_slice %arg3[%add3A, %dma_wait3A_235, %dma_wait3A_236, %dma_wait3A_237] : memref<32x125x2x80xi32, #tpu.memory_space<hbm>> -> memref<1x1x2x80xi32, #tpu.memory_space<hbm>>
        %dma_wait3A_239 = tpu.memref_squeeze %dma_wait3A_238 : memref<1x1x2x80xi32, #tpu.memory_space<hbm>> -> memref<2x80xi32, #tpu.memory_space<hbm>>
        %dma_wait3A_240 = arith.constant 0 : i32
        %dma_wait3A_241 = arith.constant 0 : i32
        %dma_wait3A_242 = tpu.memref_slice %arg3[%add3A, %dma_wait3A_235, %dma_wait3A_240, %dma_wait3A_241] : memref<32x125x2x80xi32, #tpu.memory_space<hbm>> -> memref<1x1x2x80xi32, #tpu.memory_space<hbm>>
        %dma_wait3A_243 = tpu.memref_squeeze %dma_wait3A_242 : memref<1x1x2x80xi32, #tpu.memory_space<hbm>> -> memref<2x80xi32, #tpu.memory_space<hbm>>
        tpu.wait_dma2 semaphore(%arg14 : memref<!tpu.dma_semaphore, #tpu.memory_space<semaphore_mem>>) src(%dma_wait3A_243 : memref<2x80xi32, #tpu.memory_space<hbm>>) dst(%arg5 : memref<2x80xi32, #tpu.memory_space<vmem>>)
        %dma_start3A_244 = arith.constant 0 : i32
        %dma_start3A_245 = arith.constant 0 : i32
        %dma_start3A_246 = tpu.memref_slice %arg5[%dma_start3A_244, %dma_start3A_245] : memref<2x80xi32, #tpu.memory_space<vmem>> -> memref<1x80xi32, #tpu.memory_space<vmem>>
        %dma_start3A_247 = tpu.memref_squeeze %dma_start3A_246 : memref<1x80xi32, #tpu.memory_space<vmem>> -> memref<80xi32, #tpu.memory_space<vmem>>
        %dma_start3A_248 = arith.constant 0 : i32
        %dma_start3A_249 = arith.constant 0 : i32
        %dma_start3A_250 = tpu.memref_slice %arg2[%dma_start3A_248, %dma_start3A_249] : memref<10000x128xf32, #tpu.memory_space<hbm>> -> memref<10000x128xf32, #tpu.memory_space<hbm>>
        tpu.enqueue_indirect_dma source(%dma_start3A_250 : memref<10000x128xf32, #tpu.memory_space<hbm>>) target(%arg9 : memref<80x128xf32, #tpu.memory_space<vmem>>) offsets(%dma_start3A_247 : memref<80xi32, #tpu.memory_space<vmem>>) semaphore(%arg18 : memref<!tpu.dma_semaphore, #tpu.memory_space<semaphore_mem>>)
      } else {
      }
      %add3A_185 = arith.constant 2 : i32
      %add3A_186 = arith.addi %mul3A_138, %add3A_185 : i32
      %dma_wait3A_187 = arith.constant 0 : i32
      %dma_wait3A_188 = arith.constant 0 : i32
      %dma_wait3A_189 = tpu.memref_slice %arg2[%dma_wait3A_187, %dma_wait3A_188] : memref<10000x128xf32, #tpu.memory_space<hbm>> -> memref<80x128xf32, #tpu.memory_space<hbm>>
      %dma_wait3A_190 = arith.constant 0 : i32
      %dma_wait3A_191 = arith.constant 0 : i32
      %dma_wait3A_192 = tpu.memref_slice %arg2[%dma_wait3A_190, %dma_wait3A_191] : memref<10000x128xf32, #tpu.memory_space<hbm>> -> memref<80x128xf32, #tpu.memory_space<hbm>>
      tpu.wait_dma2 semaphore(%arg20 : memref<!tpu.dma_semaphore, #tpu.memory_space<semaphore_mem>>) src(%dma_wait3A_192 : memref<80x128xf32, #tpu.memory_space<hbm>>) dst(%arg11 : memref<80x128xf32, #tpu.memory_space<vmem>>)
      %run_scoped3A_193 = arith.constant 1 : i32
      "tpu.region"() ({
        %run_scoped3A_235 = tpu.sem_alloc : memref<!tpu.dma_semaphore, #tpu.memory_space<semaphore_mem>>
        %dma_start3A_236 = arith.constant 0 : i32
        %dma_start3A_237 = tpu.memref_slice %arg7[%run_scoped3A_193, %dma_start3A_236] : memref<2x80xi32, #tpu.memory_space<vmem>> -> memref<1x80xi32, #tpu.memory_space<vmem>>
        %dma_start3A_238 = tpu.memref_squeeze %dma_start3A_237 : memref<1x80xi32, #tpu.memory_space<vmem>> -> memref<80xi32, #tpu.memory_space<vmem>>
        %dma_start3A_239 = arith.constant 0 : i32
        %dma_start3A_240 = arith.constant 0 : i32
        %dma_start3A_241 = tpu.memref_slice %arg13[%dma_start3A_239, %dma_start3A_240] : memref<10240x128xf32, #tpu.memory_space<vmem_shared>> -> memref<10240x128xf32, #tpu.memory_space<vmem_shared>>
        tpu.enqueue_indirect_dma source(%arg11 : memref<80x128xf32, #tpu.memory_space<vmem>>) target(%dma_start3A_241 : memref<10240x128xf32, #tpu.memory_space<vmem_shared>>) offsets(%dma_start3A_238 : memref<80xi32, #tpu.memory_space<vmem>>) semaphore(%run_scoped3A_235 : memref<!tpu.dma_semaphore, #tpu.memory_space<semaphore_mem>>) {add = true}
        %dma_wait3A_242 = arith.constant 0 : i32
        %dma_wait3A_243 = tpu.memref_slice %arg7[%run_scoped3A_193, %dma_wait3A_242] : memref<2x80xi32, #tpu.memory_space<vmem>> -> memref<1x80xi32, #tpu.memory_space<vmem>>
        %dma_wait3A_244 = tpu.memref_squeeze %dma_wait3A_243 : memref<1x80xi32, #tpu.memory_space<vmem>> -> memref<80xi32, #tpu.memory_space<vmem>>
        %dma_wait3A_245 = arith.constant 0 : i32
        %dma_wait3A_246 = arith.constant 0 : i32
        %dma_wait3A_247 = tpu.memref_slice %arg13[%dma_wait3A_245, %dma_wait3A_246] : memref<10240x128xf32, #tpu.memory_space<vmem_shared>> -> memref<10240x128xf32, #tpu.memory_space<vmem_shared>>
        tpu.wait_indirect_dma semaphore(%run_scoped3A_235 : memref<!tpu.dma_semaphore, #tpu.memory_space<semaphore_mem>>) src(%arg11 : memref<80x128xf32, #tpu.memory_space<vmem>>) dst(%dma_wait3A_247 : memref<10240x128xf32, #tpu.memory_space<vmem_shared>>)
        tpu.yield
      }) : () -> ()
      %add3A_194 = arith.constant 4 : i32
      %add3A_195 = arith.addi %add3A_186, %add3A_194 : i32
      %lt3A_196 = arith.constant 125 : i32
      %lt3A_197 = arith.cmpi slt, %add3A_195, %lt3A_196 : i32
      %convert_element_type3A_198 = arith.extui %lt3A_197 : i1 to i32
      %cond3A_199 = arith.constant 0 : i32
      %cond3A_200 = arith.cmpi ne, %convert_element_type3A_198, %cond3A_199 : i32
      scf.if %cond3A_200 {
        %add3A_235 = arith.constant 4 : i32
        %add3A_236 = arith.addi %add3A_186, %add3A_235 : i32
        %dma_start3A_237 = arith.constant 0 : i32
        %dma_start3A_238 = arith.constant 0 : i32
        %dma_start3A_239 = tpu.memref_slice %arg3[%add3A, %add3A_236, %dma_start3A_237, %dma_start3A_238] : memref<32x125x2x80xi32, #tpu.memory_space<hbm>> -> memref<1x1x2x80xi32, #tpu.memory_space<hbm>>
        %dma_start3A_240 = tpu.memref_squeeze %dma_start3A_239 : memref<1x1x2x80xi32, #tpu.memory_space<hbm>> -> memref<2x80xi32, #tpu.memory_space<hbm>>
        %dma_start3A_241 = arith.constant 0 : i32
        %dma_start3A_242 = arith.constant 0 : i32
        %dma_start3A_243 = tpu.memref_slice %arg3[%add3A, %add3A_236, %dma_start3A_241, %dma_start3A_242] : memref<32x125x2x80xi32, #tpu.memory_space<hbm>> -> memref<1x1x2x80xi32, #tpu.memory_space<hbm>>
        %dma_start3A_244 = tpu.memref_squeeze %dma_start3A_243 : memref<1x1x2x80xi32, #tpu.memory_space<hbm>> -> memref<2x80xi32, #tpu.memory_space<hbm>>
        tpu.enqueue_dma source(%dma_start3A_244 : memref<2x80xi32, #tpu.memory_space<hbm>>) target(%arg7 : memref<2x80xi32, #tpu.memory_space<vmem>>) target_semaphore(%arg16 : memref<!tpu.dma_semaphore, #tpu.memory_space<semaphore_mem>>)
      } else {
      }
      %add3A_201 = arith.constant 4 : i32
      %add3A_202 = arith.addi %add3A_186, %add3A_201 : i32
      %sub3A_203 = arith.constant 1 : i32
      %sub3A_204 = arith.subi %add3A_202, %sub3A_203 : i32
      %lt3A_205 = arith.constant 125 : i32
      %lt3A_206 = arith.cmpi slt, %sub3A_204, %lt3A_205 : i32
      %convert_element_type3A_207 = arith.extui %lt3A_206 : i1 to i32
      %cond3A_208 = arith.constant 0 : i32
      %cond3A_209 = arith.cmpi ne, %convert_element_type3A_207, %cond3A_208 : i32
      scf.if %cond3A_209 {
        %dma_wait3A_235 = arith.constant 0 : i32
        %dma_wait3A_236 = arith.constant 0 : i32
        %dma_wait3A_237 = arith.constant 0 : i32
        %dma_wait3A_238 = tpu.memref_slice %arg3[%add3A, %dma_wait3A_235, %dma_wait3A_236, %dma_wait3A_237] : memref<32x125x2x80xi32, #tpu.memory_space<hbm>> -> memref<1x1x2x80xi32, #tpu.memory_space<hbm>>
        %dma_wait3A_239 = tpu.memref_squeeze %dma_wait3A_238 : memref<1x1x2x80xi32, #tpu.memory_space<hbm>> -> memref<2x80xi32, #tpu.memory_space<hbm>>
        %dma_wait3A_240 = arith.constant 0 : i32
        %dma_wait3A_241 = arith.constant 0 : i32
        %dma_wait3A_242 = tpu.memref_slice %arg3[%add3A, %dma_wait3A_235, %dma_wait3A_240, %dma_wait3A_241] : memref<32x125x2x80xi32, #tpu.memory_space<hbm>> -> memref<1x1x2x80xi32, #tpu.memory_space<hbm>>
        %dma_wait3A_243 = tpu.memref_squeeze %dma_wait3A_242 : memref<1x1x2x80xi32, #tpu.memory_space<hbm>> -> memref<2x80xi32, #tpu.memory_space<hbm>>
        tpu.wait_dma2 semaphore(%arg15 : memref<!tpu.dma_semaphore, #tpu.memory_space<semaphore_mem>>) src(%dma_wait3A_243 : memref<2x80xi32, #tpu.memory_space<hbm>>) dst(%arg6 : memref<2x80xi32, #tpu.memory_space<vmem>>)
        %dma_start3A_244 = arith.constant 0 : i32
        %dma_start3A_245 = arith.constant 0 : i32
        %dma_start3A_246 = tpu.memref_slice %arg6[%dma_start3A_244, %dma_start3A_245] : memref<2x80xi32, #tpu.memory_space<vmem>> -> memref<1x80xi32, #tpu.memory_space<vmem>>
        %dma_start3A_247 = tpu.memref_squeeze %dma_start3A_246 : memref<1x80xi32, #tpu.memory_space<vmem>> -> memref<80xi32, #tpu.memory_space<vmem>>
        %dma_start3A_248 = arith.constant 0 : i32
        %dma_start3A_249 = arith.constant 0 : i32
        %dma_start3A_250 = tpu.memref_slice %arg2[%dma_start3A_248, %dma_start3A_249] : memref<10000x128xf32, #tpu.memory_space<hbm>> -> memref<10000x128xf32, #tpu.memory_space<hbm>>
        tpu.enqueue_indirect_dma source(%dma_start3A_250 : memref<10000x128xf32, #tpu.memory_space<hbm>>) target(%arg10 : memref<80x128xf32, #tpu.memory_space<vmem>>) offsets(%dma_start3A_247 : memref<80xi32, #tpu.memory_space<vmem>>) semaphore(%arg19 : memref<!tpu.dma_semaphore, #tpu.memory_space<semaphore_mem>>)
      } else {
      }
      %add3A_210 = arith.constant 3 : i32
      %add3A_211 = arith.addi %mul3A_138, %add3A_210 : i32
      %dma_wait3A_212 = arith.constant 0 : i32
      %dma_wait3A_213 = arith.constant 0 : i32
      %dma_wait3A_214 = tpu.memref_slice %arg2[%dma_wait3A_212, %dma_wait3A_213] : memref<10000x128xf32, #tpu.memory_space<hbm>> -> memref<80x128xf32, #tpu.memory_space<hbm>>
      %dma_wait3A_215 = arith.constant 0 : i32
      %dma_wait3A_216 = arith.constant 0 : i32
      %dma_wait3A_217 = tpu.memref_slice %arg2[%dma_wait3A_215, %dma_wait3A_216] : memref<10000x128xf32, #tpu.memory_space<hbm>> -> memref<80x128xf32, #tpu.memory_space<hbm>>
      tpu.wait_dma2 semaphore(%arg21 : memref<!tpu.dma_semaphore, #tpu.memory_space<semaphore_mem>>) src(%dma_wait3A_217 : memref<80x128xf32, #tpu.memory_space<hbm>>) dst(%arg12 : memref<80x128xf32, #tpu.memory_space<vmem>>)
      %run_scoped3A_218 = arith.constant 1 : i32
      "tpu.region"() ({
        %run_scoped3A_235 = tpu.sem_alloc : memref<!tpu.dma_semaphore, #tpu.memory_space<semaphore_mem>>
        %dma_start3A_236 = arith.constant 0 : i32
        %dma_start3A_237 = tpu.memref_slice %arg8[%run_scoped3A_218, %dma_start3A_236] : memref<2x80xi32, #tpu.memory_space<vmem>> -> memref<1x80xi32, #tpu.memory_space<vmem>>
        %dma_start3A_238 = tpu.memref_squeeze %dma_start3A_237 : memref<1x80xi32, #tpu.memory_space<vmem>> -> memref<80xi32, #tpu.memory_space<vmem>>
        %dma_start3A_239 = arith.constant 0 : i32
        %dma_start3A_240 = arith.constant 0 : i32
        %dma_start3A_241 = tpu.memref_slice %arg13[%dma_start3A_239, %dma_start3A_240] : memref<10240x128xf32, #tpu.memory_space<vmem_shared>> -> memref<10240x128xf32, #tpu.memory_space<vmem_shared>>
        tpu.enqueue_indirect_dma source(%arg12 : memref<80x128xf32, #tpu.memory_space<vmem>>) target(%dma_start3A_241 : memref<10240x128xf32, #tpu.memory_space<vmem_shared>>) offsets(%dma_start3A_238 : memref<80xi32, #tpu.memory_space<vmem>>) semaphore(%run_scoped3A_235 : memref<!tpu.dma_semaphore, #tpu.memory_space<semaphore_mem>>) {add = true}
        %dma_wait3A_242 = arith.constant 0 : i32
        %dma_wait3A_243 = tpu.memref_slice %arg8[%run_scoped3A_218, %dma_wait3A_242] : memref<2x80xi32, #tpu.memory_space<vmem>> -> memref<1x80xi32, #tpu.memory_space<vmem>>
        %dma_wait3A_244 = tpu.memref_squeeze %dma_wait3A_243 : memref<1x80xi32, #tpu.memory_space<vmem>> -> memref<80xi32, #tpu.memory_space<vmem>>
        %dma_wait3A_245 = arith.constant 0 : i32
        %dma_wait3A_246 = arith.constant 0 : i32
        %dma_wait3A_247 = tpu.memref_slice %arg13[%dma_wait3A_245, %dma_wait3A_246] : memref<10240x128xf32, #tpu.memory_space<vmem_shared>> -> memref<10240x128xf32, #tpu.memory_space<vmem_shared>>
        tpu.wait_indirect_dma semaphore(%run_scoped3A_235 : memref<!tpu.dma_semaphore, #tpu.memory_space<semaphore_mem>>) src(%arg12 : memref<80x128xf32, #tpu.memory_space<vmem>>) dst(%dma_wait3A_247 : memref<10240x128xf32, #tpu.memory_space<vmem_shared>>)
        tpu.yield
      }) : () -> ()
      %add3A_219 = arith.constant 4 : i32
      %add3A_220 = arith.addi %add3A_211, %add3A_219 : i32
      %lt3A_221 = arith.constant 125 : i32
      %lt3A_222 = arith.cmpi slt, %add3A_220, %lt3A_221 : i32
      %convert_element_type3A_223 = arith.extui %lt3A_222 : i1 to i32
      %cond3A_224 = arith.constant 0 : i32
      %cond3A_225 = arith.cmpi ne, %convert_element_type3A_223, %cond3A_224 : i32
      scf.if %cond3A_225 {
        %add3A_235 = arith.constant 4 : i32
        %add3A_236 = arith.addi %add3A_211, %add3A_235 : i32
        %dma_start3A_237 = arith.constant 0 : i32
        %dma_start3A_238 = arith.constant 0 : i32
        %dma_start3A_239 = tpu.memref_slice %arg3[%add3A, %add3A_236, %dma_start3A_237, %dma_start3A_238] : memref<32x125x2x80xi32, #tpu.memory_space<hbm>> -> memref<1x1x2x80xi32, #tpu.memory_space<hbm>>
        %dma_start3A_240 = tpu.memref_squeeze %dma_start3A_239 : memref<1x1x2x80xi32, #tpu.memory_space<hbm>> -> memref<2x80xi32, #tpu.memory_space<hbm>>
        %dma_start3A_241 = arith.constant 0 : i32
        %dma_start3A_242 = arith.constant 0 : i32
        %dma_start3A_243 = tpu.memref_slice %arg3[%add3A, %add3A_236, %dma_start3A_241, %dma_start3A_242] : memref<32x125x2x80xi32, #tpu.memory_space<hbm>> -> memref<1x1x2x80xi32, #tpu.memory_space<hbm>>
        %dma_start3A_244 = tpu.memref_squeeze %dma_start3A_243 : memref<1x1x2x80xi32, #tpu.memory_space<hbm>> -> memref<2x80xi32, #tpu.memory_space<hbm>>
        tpu.enqueue_dma source(%dma_start3A_244 : memref<2x80xi32, #tpu.memory_space<hbm>>) target(%arg8 : memref<2x80xi32, #tpu.memory_space<vmem>>) target_semaphore(%arg17 : memref<!tpu.dma_semaphore, #tpu.memory_space<semaphore_mem>>)
      } else {
      }
      %add3A_226 = arith.constant 4 : i32
      %add3A_227 = arith.addi %add3A_211, %add3A_226 : i32
      %sub3A_228 = arith.constant 1 : i32
      %sub3A_229 = arith.subi %add3A_227, %sub3A_228 : i32
      %lt3A_230 = arith.constant 125 : i32
      %lt3A_231 = arith.cmpi slt, %sub3A_229, %lt3A_230 : i32
      %convert_element_type3A_232 = arith.extui %lt3A_231 : i1 to i32
      %cond3A_233 = arith.constant 0 : i32
      %cond3A_234 = arith.cmpi ne, %convert_element_type3A_232, %cond3A_233 : i32
      scf.if %cond3A_234 {
        %dma_wait3A_235 = arith.constant 0 : i32
        %dma_wait3A_236 = arith.constant 0 : i32
        %dma_wait3A_237 = arith.constant 0 : i32
        %dma_wait3A_238 = tpu.memref_slice %arg3[%add3A, %dma_wait3A_235, %dma_wait3A_236, %dma_wait3A_237] : memref<32x125x2x80xi32, #tpu.memory_space<hbm>> -> memref<1x1x2x80xi32, #tpu.memory_space<hbm>>
        %dma_wait3A_239 = tpu.memref_squeeze %dma_wait3A_238 : memref<1x1x2x80xi32, #tpu.memory_space<hbm>> -> memref<2x80xi32, #tpu.memory_space<hbm>>
        %dma_wait3A_240 = arith.constant 0 : i32
        %dma_wait3A_241 = arith.constant 0 : i32
        %dma_wait3A_242 = tpu.memref_slice %arg3[%add3A, %dma_wait3A_235, %dma_wait3A_240, %dma_wait3A_241] : memref<32x125x2x80xi32, #tpu.memory_space<hbm>> -> memref<1x1x2x80xi32, #tpu.memory_space<hbm>>
        %dma_wait3A_243 = tpu.memref_squeeze %dma_wait3A_242 : memref<1x1x2x80xi32, #tpu.memory_space<hbm>> -> memref<2x80xi32, #tpu.memory_space<hbm>>
        tpu.wait_dma2 semaphore(%arg16 : memref<!tpu.dma_semaphore, #tpu.memory_space<semaphore_mem>>) src(%dma_wait3A_243 : memref<2x80xi32, #tpu.memory_space<hbm>>) dst(%arg7 : memref<2x80xi32, #tpu.memory_space<vmem>>)
        %dma_start3A_244 = arith.constant 0 : i32
        %dma_start3A_245 = arith.constant 0 : i32
        %dma_start3A_246 = tpu.memref_slice %arg7[%dma_start3A_244, %dma_start3A_245] : memref<2x80xi32, #tpu.memory_space<vmem>> -> memref<1x80xi32, #tpu.memory_space<vmem>>
        %dma_start3A_247 = tpu.memref_squeeze %dma_start3A_246 : memref<1x80xi32, #tpu.memory_space<vmem>> -> memref<80xi32, #tpu.memory_space<vmem>>
        %dma_start3A_248 = arith.constant 0 : i32
        %dma_start3A_249 = arith.constant 0 : i32
        %dma_start3A_250 = tpu.memref_slice %arg2[%dma_start3A_248, %dma_start3A_249] : memref<10000x128xf32, #tpu.memory_space<hbm>> -> memref<10000x128xf32, #tpu.memory_space<hbm>>
        tpu.enqueue_indirect_dma source(%dma_start3A_250 : memref<10000x128xf32, #tpu.memory_space<hbm>>) target(%arg11 : memref<80x128xf32, #tpu.memory_space<vmem>>) offsets(%dma_start3A_247 : memref<80xi32, #tpu.memory_space<vmem>>) semaphore(%arg20 : memref<!tpu.dma_semaphore, #tpu.memory_space<semaphore_mem>>)
      } else {
      }
    }
    %scan3A_126 = arith.constant 31 : i32
    %dma_wait3A_127 = arith.constant 0 : i32
    %dma_wait3A_128 = arith.constant 0 : i32
    %dma_wait3A_129 = tpu.memref_slice %arg2[%dma_wait3A_127, %dma_wait3A_128] : memref<10000x128xf32, #tpu.memory_space<hbm>> -> memref<80x128xf32, #tpu.memory_space<hbm>>
    %dma_wait3A_130 = arith.constant 0 : i32
    %dma_wait3A_131 = arith.constant 0 : i32
    %dma_wait3A_132 = tpu.memref_slice %arg2[%dma_wait3A_130, %dma_wait3A_131] : memref<10000x128xf32, #tpu.memory_space<hbm>> -> memref<80x128xf32, #tpu.memory_space<hbm>>
    tpu.wait_dma2 semaphore(%arg18 : memref<!tpu.dma_semaphore, #tpu.memory_space<semaphore_mem>>) src(%dma_wait3A_132 : memref<80x128xf32, #tpu.memory_space<hbm>>) dst(%arg9 : memref<80x128xf32, #tpu.memory_space<vmem>>)
    %run_scoped3A = arith.constant 1 : i32
    "tpu.region"() ({
      %run_scoped3A_136 = tpu.sem_alloc : memref<!tpu.dma_semaphore, #tpu.memory_space<semaphore_mem>>
      %dma_start3A_137 = arith.constant 0 : i32
      %dma_start3A_138 = tpu.memref_slice %arg5[%run_scoped3A, %dma_start3A_137] : memref<2x80xi32, #tpu.memory_space<vmem>> -> memref<1x80xi32, #tpu.memory_space<vmem>>
      %dma_start3A_139 = tpu.memref_squeeze %dma_start3A_138 : memref<1x80xi32, #tpu.memory_space<vmem>> -> memref<80xi32, #tpu.memory_space<vmem>>
      %dma_start3A_140 = arith.constant 0 : i32
      %dma_start3A_141 = arith.constant 0 : i32
      %dma_start3A_142 = tpu.memref_slice %arg13[%dma_start3A_140, %dma_start3A_141] : memref<10240x128xf32, #tpu.memory_space<vmem_shared>> -> memref<10240x128xf32, #tpu.memory_space<vmem_shared>>
      tpu.enqueue_indirect_dma source(%arg9 : memref<80x128xf32, #tpu.memory_space<vmem>>) target(%dma_start3A_142 : memref<10240x128xf32, #tpu.memory_space<vmem_shared>>) offsets(%dma_start3A_139 : memref<80xi32, #tpu.memory_space<vmem>>) semaphore(%run_scoped3A_136 : memref<!tpu.dma_semaphore, #tpu.memory_space<semaphore_mem>>) {add = true}
      %dma_wait3A_143 = arith.constant 0 : i32
      %dma_wait3A_144 = tpu.memref_slice %arg5[%run_scoped3A, %dma_wait3A_143] : memref<2x80xi32, #tpu.memory_space<vmem>> -> memref<1x80xi32, #tpu.memory_space<vmem>>
      %dma_wait3A_145 = tpu.memref_squeeze %dma_wait3A_144 : memref<1x80xi32, #tpu.memory_space<vmem>> -> memref<80xi32, #tpu.memory_space<vmem>>
      %dma_wait3A_146 = arith.constant 0 : i32
      %dma_wait3A_147 = arith.constant 0 : i32
      %dma_wait3A_148 = tpu.memref_slice %arg13[%dma_wait3A_146, %dma_wait3A_147] : memref<10240x128xf32, #tpu.memory_space<vmem_shared>> -> memref<10240x128xf32, #tpu.memory_space<vmem_shared>>
      tpu.wait_indirect_dma semaphore(%run_scoped3A_136 : memref<!tpu.dma_semaphore, #tpu.memory_space<semaphore_mem>>) src(%arg9 : memref<80x128xf32, #tpu.memory_space<vmem>>) dst(%dma_wait3A_148 : memref<10240x128xf32, #tpu.memory_space<vmem_shared>>)
      tpu.yield
    }) : () -> ()
    %barrier3A_133 = arith.constant 0 : index
    tpu.barrier barrier_id(%barrier3A_133)
    %mul3A_134 = arith.constant 640 : i32
    %mul3A_135 = arith.muli %arg1, %mul3A_134 : i32
    "tpu.region"() ({
      %run_scoped3A_136 = tpu.sem_alloc : memref<!tpu.dma_semaphore, #tpu.memory_space<semaphore_mem>>
      %dma_start3A_137 = arith.constant 0 : i32
      %dma_start3A_138 = tpu.memref_slice %arg4[%arg0, %mul3A_135, %dma_start3A_137] : memref<2x10240x128xf32, #tpu.memory_space<hbm>> -> memref<1x640x128xf32, #tpu.memory_space<hbm>>
      %dma_start3A_139 = tpu.memref_squeeze %dma_start3A_138 : memref<1x640x128xf32, #tpu.memory_space<hbm>> -> memref<640x128xf32, #tpu.memory_space<hbm>>
      %dma_start3A_140 = arith.constant 0 : i32
      %dma_start3A_141 = tpu.memref_slice %arg13[%mul3A_135, %dma_start3A_140] : memref<10240x128xf32, #tpu.memory_space<vmem_shared>> -> memref<640x128xf32, #tpu.memory_space<vmem_shared>>
      tpu.enqueue_dma source(%dma_start3A_141 : memref<640x128xf32, #tpu.memory_space<vmem_shared>>) target(%dma_start3A_139 : memref<640x128xf32, #tpu.memory_space<hbm>>) target_semaphore(%run_scoped3A_136 : memref<!tpu.dma_semaphore, #tpu.memory_space<semaphore_mem>>)
      %dma_wait3A_142 = arith.constant 0 : i32
      %dma_wait3A_143 = tpu.memref_slice %arg4[%arg0, %mul3A_135, %dma_wait3A_142] : memref<2x10240x128xf32, #tpu.memory_space<hbm>> -> memref<1x640x128xf32, #tpu.memory_space<hbm>>
      %dma_wait3A_144 = tpu.memref_squeeze %dma_wait3A_143 : memref<1x640x128xf32, #tpu.memory_space<hbm>> -> memref<640x128xf32, #tpu.memory_space<hbm>>
      %dma_wait3A_145 = arith.constant 0 : i32
      %dma_wait3A_146 = tpu.memref_slice %arg13[%mul3A_135, %dma_wait3A_145] : memref<10240x128xf32, #tpu.memory_space<vmem_shared>> -> memref<640x128xf32, #tpu.memory_space<vmem_shared>>
      tpu.wait_dma2 semaphore(%run_scoped3A_136 : memref<!tpu.dma_semaphore, #tpu.memory_space<semaphore_mem>>) src(%dma_wait3A_146 : memref<640x128xf32, #tpu.memory_space<vmem_shared>>) dst(%dma_wait3A_144 : memref<640x128xf32, #tpu.memory_space<hbm>>)
      tpu.yield
    }) : () -> ()
    return
  }
}

#map = affine_map<(d0, d1) -> (0, 0, 0)>
module attributes {stable_mosaic.version = 14 : i64} {
  func.func @body(%arg0: i32, %arg1: i32, %arg2: memref<32x125x80xi32, #tpu.memory_space<hbm>>, %arg3: memref<2x10240x128xf32, #tpu.memory_space<hbm>>, %arg4: memref<125x80xi32, #tpu.memory_space<vmem>>, %arg5: memref<80x128xf32, #tpu.memory_space<vmem>>, %arg6: memref<10240x128xf32, #tpu.memory_space<vmem_shared>>, %arg7: memref<!tpu.dma_semaphore, #tpu.memory_space<semaphore_mem>>) attributes {dimension_semantics = [#tpu.dimension_semantics<core_parallel>, #tpu.dimension_semantics<subcore_parallel>], iteration_bounds = array<i64: 2, 16>, scalar_prefetch = 0 : i64, scratch_operands = 4 : i64, tpu.core_type = #tpu.core_type<sc_vector_subcore>, window_params = [{transform_indices = #map}, {transform_indices = #map}]} {
    %mul3A = arith.constant 2 : i32
    %mul3A_0 = arith.muli %arg1, %mul3A : i32
    %add3A = arith.addi %mul3A_0, %arg0 : i32
    %broadcast_in_dim3A = arith.constant 0.000000e+00 : f32
    %broadcast_in_dim3A_1 = vector.broadcast %broadcast_in_dim3A : f32 to vector<16xf32>
    %scan3A = arith.constant 0 : i32
    %scan3A_2 = arith.constant 0 : i32
    %scan3A_3 = arith.constant 80 : i32
    %scan3A_4 = arith.addi %scan3A_2, %scan3A_3 : i32
    %scan3A_5 = arith.constant 1 : i32
    scf.for %scan3A_63 = %scan3A_2 to %scan3A_4 step %scan3A_5  : i32 {
      %swap3A = arith.index_cast %scan3A_63 : i32 to index
      %swap3A_64 = arith.constant 0 : index
      %swap3A_65 = tpu.vector_load %arg5[%swap3A, %swap3A_64] {strides = array<i32>} : memref<80x128xf32, #tpu.memory_space<vmem>>, vector<1x16xf32>,
      %swap3A_66 = vector.shape_cast %swap3A_65 : vector<1x16xf32> to vector<16xf32>
      %swap3A_67 = vector.shape_cast %broadcast_in_dim3A_1 : vector<16xf32> to vector<1x16xf32>
      tpu.vector_store %arg5[%swap3A, %swap3A_64], %swap3A_67 {strides = array<i32>} : memref<80x128xf32, #tpu.memory_space<vmem>>, vector<1x16xf32>,
      %swap3A_68 = arith.index_cast %scan3A_63 : i32 to index
      %swap3A_69 = arith.constant 16 : index
      %swap3A_70 = tpu.vector_load %arg5[%swap3A_68, %swap3A_69] {strides = array<i32>} : memref<80x128xf32, #tpu.memory_space<vmem>>, vector<1x16xf32>,
      %swap3A_71 = vector.shape_cast %swap3A_70 : vector<1x16xf32> to vector<16xf32>
      %swap3A_72 = vector.shape_cast %broadcast_in_dim3A_1 : vector<16xf32> to vector<1x16xf32>
      tpu.vector_store %arg5[%swap3A_68, %swap3A_69], %swap3A_72 {strides = array<i32>} : memref<80x128xf32, #tpu.memory_space<vmem>>, vector<1x16xf32>,
      %swap3A_73 = arith.index_cast %scan3A_63 : i32 to index
      %swap3A_74 = arith.constant 32 : index
      %swap3A_75 = tpu.vector_load %arg5[%swap3A_73, %swap3A_74] {strides = array<i32>} : memref<80x128xf32, #tpu.memory_space<vmem>>, vector<1x16xf32>,
      %swap3A_76 = vector.shape_cast %swap3A_75 : vector<1x16xf32> to vector<16xf32>
      %swap3A_77 = vector.shape_cast %broadcast_in_dim3A_1 : vector<16xf32> to vector<1x16xf32>
      tpu.vector_store %arg5[%swap3A_73, %swap3A_74], %swap3A_77 {strides = array<i32>} : memref<80x128xf32, #tpu.memory_space<vmem>>, vector<1x16xf32>,
      %swap3A_78 = arith.index_cast %scan3A_63 : i32 to index
      %swap3A_79 = arith.constant 48 : index
      %swap3A_80 = tpu.vector_load %arg5[%swap3A_78, %swap3A_79] {strides = array<i32>} : memref<80x128xf32, #tpu.memory_space<vmem>>, vector<1x16xf32>,
      %swap3A_81 = vector.shape_cast %swap3A_80 : vector<1x16xf32> to vector<16xf32>
      %swap3A_82 = vector.shape_cast %broadcast_in_dim3A_1 : vector<16xf32> to vector<1x16xf32>
      tpu.vector_store %arg5[%swap3A_78, %swap3A_79], %swap3A_82 {strides = array<i32>} : memref<80x128xf32, #tpu.memory_space<vmem>>, vector<1x16xf32>,
      %swap3A_83 = arith.index_cast %scan3A_63 : i32 to index
      %swap3A_84 = arith.constant 64 : index
      %swap3A_85 = tpu.vector_load %arg5[%swap3A_83, %swap3A_84] {strides = array<i32>} : memref<80x128xf32, #tpu.memory_space<vmem>>, vector<1x16xf32>,
      %swap3A_86 = vector.shape_cast %swap3A_85 : vector<1x16xf32> to vector<16xf32>
      %swap3A_87 = vector.shape_cast %broadcast_in_dim3A_1 : vector<16xf32> to vector<1x16xf32>
      tpu.vector_store %arg5[%swap3A_83, %swap3A_84], %swap3A_87 {strides = array<i32>} : memref<80x128xf32, #tpu.memory_space<vmem>>, vector<1x16xf32>,
      %swap3A_88 = arith.index_cast %scan3A_63 : i32 to index
      %swap3A_89 = arith.constant 80 : index
      %swap3A_90 = tpu.vector_load %arg5[%swap3A_88, %swap3A_89] {strides = array<i32>} : memref<80x128xf32, #tpu.memory_space<vmem>>, vector<1x16xf32>,
      %swap3A_91 = vector.shape_cast %swap3A_90 : vector<1x16xf32> to vector<16xf32>
      %swap3A_92 = vector.shape_cast %broadcast_in_dim3A_1 : vector<16xf32> to vector<1x16xf32>
      tpu.vector_store %arg5[%swap3A_88, %swap3A_89], %swap3A_92 {strides = array<i32>} : memref<80x128xf32, #tpu.memory_space<vmem>>, vector<1x16xf32>,
      %swap3A_93 = arith.index_cast %scan3A_63 : i32 to index
      %swap3A_94 = arith.constant 96 : index
      %swap3A_95 = tpu.vector_load %arg5[%swap3A_93, %swap3A_94] {strides = array<i32>} : memref<80x128xf32, #tpu.memory_space<vmem>>, vector<1x16xf32>,
      %swap3A_96 = vector.shape_cast %swap3A_95 : vector<1x16xf32> to vector<16xf32>
      %swap3A_97 = vector.shape_cast %broadcast_in_dim3A_1 : vector<16xf32> to vector<1x16xf32>
      tpu.vector_store %arg5[%swap3A_93, %swap3A_94], %swap3A_97 {strides = array<i32>} : memref<80x128xf32, #tpu.memory_space<vmem>>, vector<1x16xf32>,
      %swap3A_98 = arith.index_cast %scan3A_63 : i32 to index
      %swap3A_99 = arith.constant 112 : index
      %swap3A_100 = tpu.vector_load %arg5[%swap3A_98, %swap3A_99] {strides = array<i32>} : memref<80x128xf32, #tpu.memory_space<vmem>>, vector<1x16xf32>,
      %swap3A_101 = vector.shape_cast %swap3A_100 : vector<1x16xf32> to vector<16xf32>
      %swap3A_102 = vector.shape_cast %broadcast_in_dim3A_1 : vector<16xf32> to vector<1x16xf32>
      tpu.vector_store %arg5[%swap3A_98, %swap3A_99], %swap3A_102 {strides = array<i32>} : memref<80x128xf32, #tpu.memory_space<vmem>>, vector<1x16xf32>,
    }
    %scan3A_6 = arith.constant 80 : i32
    %mul3A_7 = arith.constant 640 : i32
    %mul3A_8 = arith.muli %arg1, %mul3A_7 : i32
    %add3A_9 = arith.constant 0 : i32
    %add3A_10 = arith.addi %mul3A_8, %add3A_9 : i32
    "tpu.region"() ({
      %run_scoped3A = tpu.sem_alloc : memref<!tpu.dma_semaphore, #tpu.memory_space<semaphore_mem>>
      %dma_start3A = arith.constant 0 : i32
      %dma_start3A_63 = tpu.memref_slice %arg6[%add3A_10, %dma_start3A] : memref<10240x128xf32, #tpu.memory_space<vmem_shared>> -> memref<80x128xf32, #tpu.memory_space<vmem_shared>>
      %dma_start3A_64 = arith.constant 0 : i32
      %dma_start3A_65 = tpu.memref_slice %arg6[%add3A_10, %dma_start3A_64] : memref<10240x128xf32, #tpu.memory_space<vmem_shared>> -> memref<80x128xf32, #tpu.memory_space<vmem_shared>>
      tpu.enqueue_dma source(%arg5 : memref<80x128xf32, #tpu.memory_space<vmem>>) target(%dma_start3A_65 : memref<80x128xf32, #tpu.memory_space<vmem_shared>>) target_semaphore(%run_scoped3A : memref<!tpu.dma_semaphore, #tpu.memory_space<semaphore_mem>>)
      %dma_wait3A = arith.constant 0 : i32
      %dma_wait3A_66 = tpu.memref_slice %arg6[%add3A_10, %dma_wait3A] : memref<10240x128xf32, #tpu.memory_space<vmem_shared>> -> memref<80x128xf32, #tpu.memory_space<vmem_shared>>
      %dma_wait3A_67 = arith.constant 0 : i32
      %dma_wait3A_68 = tpu.memref_slice %arg6[%add3A_10, %dma_wait3A_67] : memref<10240x128xf32, #tpu.memory_space<vmem_shared>> -> memref<80x128xf32, #tpu.memory_space<vmem_shared>>
      tpu.wait_dma2 semaphore(%run_scoped3A : memref<!tpu.dma_semaphore, #tpu.memory_space<semaphore_mem>>) src(%arg5 : memref<80x128xf32, #tpu.memory_space<vmem>>) dst(%dma_wait3A_68 : memref<80x128xf32, #tpu.memory_space<vmem_shared>>)
      tpu.yield
    }) : () -> ()
    %mul3A_11 = arith.constant 640 : i32
    %mul3A_12 = arith.muli %arg1, %mul3A_11 : i32
    %add3A_13 = arith.constant 80 : i32
    %add3A_14 = arith.addi %mul3A_12, %add3A_13 : i32
    "tpu.region"() ({
      %run_scoped3A = tpu.sem_alloc : memref<!tpu.dma_semaphore, #tpu.memory_space<semaphore_mem>>
      %dma_start3A = arith.constant 0 : i32
      %dma_start3A_63 = tpu.memref_slice %arg6[%add3A_14, %dma_start3A] : memref<10240x128xf32, #tpu.memory_space<vmem_shared>> -> memref<80x128xf32, #tpu.memory_space<vmem_shared>>
      %dma_start3A_64 = arith.constant 0 : i32
      %dma_start3A_65 = tpu.memref_slice %arg6[%add3A_14, %dma_start3A_64] : memref<10240x128xf32, #tpu.memory_space<vmem_shared>> -> memref<80x128xf32, #tpu.memory_space<vmem_shared>>
      tpu.enqueue_dma source(%arg5 : memref<80x128xf32, #tpu.memory_space<vmem>>) target(%dma_start3A_65 : memref<80x128xf32, #tpu.memory_space<vmem_shared>>) target_semaphore(%run_scoped3A : memref<!tpu.dma_semaphore, #tpu.memory_space<semaphore_mem>>)
      %dma_wait3A = arith.constant 0 : i32
      %dma_wait3A_66 = tpu.memref_slice %arg6[%add3A_14, %dma_wait3A] : memref<10240x128xf32, #tpu.memory_space<vmem_shared>> -> memref<80x128xf32, #tpu.memory_space<vmem_shared>>
      %dma_wait3A_67 = arith.constant 0 : i32
      %dma_wait3A_68 = tpu.memref_slice %arg6[%add3A_14, %dma_wait3A_67] : memref<10240x128xf32, #tpu.memory_space<vmem_shared>> -> memref<80x128xf32, #tpu.memory_space<vmem_shared>>
      tpu.wait_dma2 semaphore(%run_scoped3A : memref<!tpu.dma_semaphore, #tpu.memory_space<semaphore_mem>>) src(%arg5 : memref<80x128xf32, #tpu.memory_space<vmem>>) dst(%dma_wait3A_68 : memref<80x128xf32, #tpu.memory_space<vmem_shared>>)
      tpu.yield
    }) : () -> ()
    %mul3A_15 = arith.constant 640 : i32
    %mul3A_16 = arith.muli %arg1, %mul3A_15 : i32
    %add3A_17 = arith.constant 160 : i32
    %add3A_18 = arith.addi %mul3A_16, %add3A_17 : i32
    "tpu.region"() ({
      %run_scoped3A = tpu.sem_alloc : memref<!tpu.dma_semaphore, #tpu.memory_space<semaphore_mem>>
      %dma_start3A = arith.constant 0 : i32
      %dma_start3A_63 = tpu.memref_slice %arg6[%add3A_18, %dma_start3A] : memref<10240x128xf32, #tpu.memory_space<vmem_shared>> -> memref<80x128xf32, #tpu.memory_space<vmem_shared>>
      %dma_start3A_64 = arith.constant 0 : i32
      %dma_start3A_65 = tpu.memref_slice %arg6[%add3A_18, %dma_start3A_64] : memref<10240x128xf32, #tpu.memory_space<vmem_shared>> -> memref<80x128xf32, #tpu.memory_space<vmem_shared>>
      tpu.enqueue_dma source(%arg5 : memref<80x128xf32, #tpu.memory_space<vmem>>) target(%dma_start3A_65 : memref<80x128xf32, #tpu.memory_space<vmem_shared>>) target_semaphore(%run_scoped3A : memref<!tpu.dma_semaphore, #tpu.memory_space<semaphore_mem>>)
      %dma_wait3A = arith.constant 0 : i32
      %dma_wait3A_66 = tpu.memref_slice %arg6[%add3A_18, %dma_wait3A] : memref<10240x128xf32, #tpu.memory_space<vmem_shared>> -> memref<80x128xf32, #tpu.memory_space<vmem_shared>>
      %dma_wait3A_67 = arith.constant 0 : i32
      %dma_wait3A_68 = tpu.memref_slice %arg6[%add3A_18, %dma_wait3A_67] : memref<10240x128xf32, #tpu.memory_space<vmem_shared>> -> memref<80x128xf32, #tpu.memory_space<vmem_shared>>
      tpu.wait_dma2 semaphore(%run_scoped3A : memref<!tpu.dma_semaphore, #tpu.memory_space<semaphore_mem>>) src(%arg5 : memref<80x128xf32, #tpu.memory_space<vmem>>) dst(%dma_wait3A_68 : memref<80x128xf32, #tpu.memory_space<vmem_shared>>)
      tpu.yield
    }) : () -> ()
    %mul3A_19 = arith.constant 640 : i32
    %mul3A_20 = arith.muli %arg1, %mul3A_19 : i32
    %add3A_21 = arith.constant 240 : i32
    %add3A_22 = arith.addi %mul3A_20, %add3A_21 : i32
    "tpu.region"() ({
      %run_scoped3A = tpu.sem_alloc : memref<!tpu.dma_semaphore, #tpu.memory_space<semaphore_mem>>
      %dma_start3A = arith.constant 0 : i32
      %dma_start3A_63 = tpu.memref_slice %arg6[%add3A_22, %dma_start3A] : memref<10240x128xf32, #tpu.memory_space<vmem_shared>> -> memref<80x128xf32, #tpu.memory_space<vmem_shared>>
      %dma_start3A_64 = arith.constant 0 : i32
      %dma_start3A_65 = tpu.memref_slice %arg6[%add3A_22, %dma_start3A_64] : memref<10240x128xf32, #tpu.memory_space<vmem_shared>> -> memref<80x128xf32, #tpu.memory_space<vmem_shared>>
      tpu.enqueue_dma source(%arg5 : memref<80x128xf32, #tpu.memory_space<vmem>>) target(%dma_start3A_65 : memref<80x128xf32, #tpu.memory_space<vmem_shared>>) target_semaphore(%run_scoped3A : memref<!tpu.dma_semaphore, #tpu.memory_space<semaphore_mem>>)
      %dma_wait3A = arith.constant 0 : i32
      %dma_wait3A_66 = tpu.memref_slice %arg6[%add3A_22, %dma_wait3A] : memref<10240x128xf32, #tpu.memory_space<vmem_shared>> -> memref<80x128xf32, #tpu.memory_space<vmem_shared>>
      %dma_wait3A_67 = arith.constant 0 : i32
      %dma_wait3A_68 = tpu.memref_slice %arg6[%add3A_22, %dma_wait3A_67] : memref<10240x128xf32, #tpu.memory_space<vmem_shared>> -> memref<80x128xf32, #tpu.memory_space<vmem_shared>>
      tpu.wait_dma2 semaphore(%run_scoped3A : memref<!tpu.dma_semaphore, #tpu.memory_space<semaphore_mem>>) src(%arg5 : memref<80x128xf32, #tpu.memory_space<vmem>>) dst(%dma_wait3A_68 : memref<80x128xf32, #tpu.memory_space<vmem_shared>>)
      tpu.yield
    }) : () -> ()
    %mul3A_23 = arith.constant 640 : i32
    %mul3A_24 = arith.muli %arg1, %mul3A_23 : i32
    %add3A_25 = arith.constant 320 : i32
    %add3A_26 = arith.addi %mul3A_24, %add3A_25 : i32
    "tpu.region"() ({
      %run_scoped3A = tpu.sem_alloc : memref<!tpu.dma_semaphore, #tpu.memory_space<semaphore_mem>>
      %dma_start3A = arith.constant 0 : i32
      %dma_start3A_63 = tpu.memref_slice %arg6[%add3A_26, %dma_start3A] : memref<10240x128xf32, #tpu.memory_space<vmem_shared>> -> memref<80x128xf32, #tpu.memory_space<vmem_shared>>
      %dma_start3A_64 = arith.constant 0 : i32
      %dma_start3A_65 = tpu.memref_slice %arg6[%add3A_26, %dma_start3A_64] : memref<10240x128xf32, #tpu.memory_space<vmem_shared>> -> memref<80x128xf32, #tpu.memory_space<vmem_shared>>
      tpu.enqueue_dma source(%arg5 : memref<80x128xf32, #tpu.memory_space<vmem>>) target(%dma_start3A_65 : memref<80x128xf32, #tpu.memory_space<vmem_shared>>) target_semaphore(%run_scoped3A : memref<!tpu.dma_semaphore, #tpu.memory_space<semaphore_mem>>)
      %dma_wait3A = arith.constant 0 : i32
      %dma_wait3A_66 = tpu.memref_slice %arg6[%add3A_26, %dma_wait3A] : memref<10240x128xf32, #tpu.memory_space<vmem_shared>> -> memref<80x128xf32, #tpu.memory_space<vmem_shared>>
      %dma_wait3A_67 = arith.constant 0 : i32
      %dma_wait3A_68 = tpu.memref_slice %arg6[%add3A_26, %dma_wait3A_67] : memref<10240x128xf32, #tpu.memory_space<vmem_shared>> -> memref<80x128xf32, #tpu.memory_space<vmem_shared>>
      tpu.wait_dma2 semaphore(%run_scoped3A : memref<!tpu.dma_semaphore, #tpu.memory_space<semaphore_mem>>) src(%arg5 : memref<80x128xf32, #tpu.memory_space<vmem>>) dst(%dma_wait3A_68 : memref<80x128xf32, #tpu.memory_space<vmem_shared>>)
      tpu.yield
    }) : () -> ()
    %mul3A_27 = arith.constant 640 : i32
    %mul3A_28 = arith.muli %arg1, %mul3A_27 : i32
    %add3A_29 = arith.constant 400 : i32
    %add3A_30 = arith.addi %mul3A_28, %add3A_29 : i32
    "tpu.region"() ({
      %run_scoped3A = tpu.sem_alloc : memref<!tpu.dma_semaphore, #tpu.memory_space<semaphore_mem>>
      %dma_start3A = arith.constant 0 : i32
      %dma_start3A_63 = tpu.memref_slice %arg6[%add3A_30, %dma_start3A] : memref<10240x128xf32, #tpu.memory_space<vmem_shared>> -> memref<80x128xf32, #tpu.memory_space<vmem_shared>>
      %dma_start3A_64 = arith.constant 0 : i32
      %dma_start3A_65 = tpu.memref_slice %arg6[%add3A_30, %dma_start3A_64] : memref<10240x128xf32, #tpu.memory_space<vmem_shared>> -> memref<80x128xf32, #tpu.memory_space<vmem_shared>>
      tpu.enqueue_dma source(%arg5 : memref<80x128xf32, #tpu.memory_space<vmem>>) target(%dma_start3A_65 : memref<80x128xf32, #tpu.memory_space<vmem_shared>>) target_semaphore(%run_scoped3A : memref<!tpu.dma_semaphore, #tpu.memory_space<semaphore_mem>>)
      %dma_wait3A = arith.constant 0 : i32
      %dma_wait3A_66 = tpu.memref_slice %arg6[%add3A_30, %dma_wait3A] : memref<10240x128xf32, #tpu.memory_space<vmem_shared>> -> memref<80x128xf32, #tpu.memory_space<vmem_shared>>
      %dma_wait3A_67 = arith.constant 0 : i32
      %dma_wait3A_68 = tpu.memref_slice %arg6[%add3A_30, %dma_wait3A_67] : memref<10240x128xf32, #tpu.memory_space<vmem_shared>> -> memref<80x128xf32, #tpu.memory_space<vmem_shared>>
      tpu.wait_dma2 semaphore(%run_scoped3A : memref<!tpu.dma_semaphore, #tpu.memory_space<semaphore_mem>>) src(%arg5 : memref<80x128xf32, #tpu.memory_space<vmem>>) dst(%dma_wait3A_68 : memref<80x128xf32, #tpu.memory_space<vmem_shared>>)
      tpu.yield
    }) : () -> ()
    %mul3A_31 = arith.constant 640 : i32
    %mul3A_32 = arith.muli %arg1, %mul3A_31 : i32
    %add3A_33 = arith.constant 480 : i32
    %add3A_34 = arith.addi %mul3A_32, %add3A_33 : i32
    "tpu.region"() ({
      %run_scoped3A = tpu.sem_alloc : memref<!tpu.dma_semaphore, #tpu.memory_space<semaphore_mem>>
      %dma_start3A = arith.constant 0 : i32
      %dma_start3A_63 = tpu.memref_slice %arg6[%add3A_34, %dma_start3A] : memref<10240x128xf32, #tpu.memory_space<vmem_shared>> -> memref<80x128xf32, #tpu.memory_space<vmem_shared>>
      %dma_start3A_64 = arith.constant 0 : i32
      %dma_start3A_65 = tpu.memref_slice %arg6[%add3A_34, %dma_start3A_64] : memref<10240x128xf32, #tpu.memory_space<vmem_shared>> -> memref<80x128xf32, #tpu.memory_space<vmem_shared>>
      tpu.enqueue_dma source(%arg5 : memref<80x128xf32, #tpu.memory_space<vmem>>) target(%dma_start3A_65 : memref<80x128xf32, #tpu.memory_space<vmem_shared>>) target_semaphore(%run_scoped3A : memref<!tpu.dma_semaphore, #tpu.memory_space<semaphore_mem>>)
      %dma_wait3A = arith.constant 0 : i32
      %dma_wait3A_66 = tpu.memref_slice %arg6[%add3A_34, %dma_wait3A] : memref<10240x128xf32, #tpu.memory_space<vmem_shared>> -> memref<80x128xf32, #tpu.memory_space<vmem_shared>>
      %dma_wait3A_67 = arith.constant 0 : i32
      %dma_wait3A_68 = tpu.memref_slice %arg6[%add3A_34, %dma_wait3A_67] : memref<10240x128xf32, #tpu.memory_space<vmem_shared>> -> memref<80x128xf32, #tpu.memory_space<vmem_shared>>
      tpu.wait_dma2 semaphore(%run_scoped3A : memref<!tpu.dma_semaphore, #tpu.memory_space<semaphore_mem>>) src(%arg5 : memref<80x128xf32, #tpu.memory_space<vmem>>) dst(%dma_wait3A_68 : memref<80x128xf32, #tpu.memory_space<vmem_shared>>)
      tpu.yield
    }) : () -> ()
    %mul3A_35 = arith.constant 640 : i32
    %mul3A_36 = arith.muli %arg1, %mul3A_35 : i32
    %add3A_37 = arith.constant 560 : i32
    %add3A_38 = arith.addi %mul3A_36, %add3A_37 : i32
    "tpu.region"() ({
      %run_scoped3A = tpu.sem_alloc : memref<!tpu.dma_semaphore, #tpu.memory_space<semaphore_mem>>
      %dma_start3A = arith.constant 0 : i32
      %dma_start3A_63 = tpu.memref_slice %arg6[%add3A_38, %dma_start3A] : memref<10240x128xf32, #tpu.memory_space<vmem_shared>> -> memref<80x128xf32, #tpu.memory_space<vmem_shared>>
      %dma_start3A_64 = arith.constant 0 : i32
      %dma_start3A_65 = tpu.memref_slice %arg6[%add3A_38, %dma_start3A_64] : memref<10240x128xf32, #tpu.memory_space<vmem_shared>> -> memref<80x128xf32, #tpu.memory_space<vmem_shared>>
      tpu.enqueue_dma source(%arg5 : memref<80x128xf32, #tpu.memory_space<vmem>>) target(%dma_start3A_65 : memref<80x128xf32, #tpu.memory_space<vmem_shared>>) target_semaphore(%run_scoped3A : memref<!tpu.dma_semaphore, #tpu.memory_space<semaphore_mem>>)
      %dma_wait3A = arith.constant 0 : i32
      %dma_wait3A_66 = tpu.memref_slice %arg6[%add3A_38, %dma_wait3A] : memref<10240x128xf32, #tpu.memory_space<vmem_shared>> -> memref<80x128xf32, #tpu.memory_space<vmem_shared>>
      %dma_wait3A_67 = arith.constant 0 : i32
      %dma_wait3A_68 = tpu.memref_slice %arg6[%add3A_38, %dma_wait3A_67] : memref<10240x128xf32, #tpu.memory_space<vmem_shared>> -> memref<80x128xf32, #tpu.memory_space<vmem_shared>>
      tpu.wait_dma2 semaphore(%run_scoped3A : memref<!tpu.dma_semaphore, #tpu.memory_space<semaphore_mem>>) src(%arg5 : memref<80x128xf32, #tpu.memory_space<vmem>>) dst(%dma_wait3A_68 : memref<80x128xf32, #tpu.memory_space<vmem_shared>>)
      tpu.yield
    }) : () -> ()
    %add3A_39 = arith.constant 1.000000e+00 : f32
    %add3A_40 = vector.broadcast %add3A_39 : f32 to vector<16xf32>
    %add3A_41 = arith.addf %broadcast_in_dim3A_1, %add3A_40 : vector<16xf32>
    %scan3A_42 = arith.constant 0 : i32
    %scan3A_43 = arith.constant 0 : i32
    %scan3A_44 = arith.constant 80 : i32
    %scan3A_45 = arith.addi %scan3A_43, %scan3A_44 : i32
    %scan3A_46 = arith.constant 1 : i32
    scf.for %scan3A_63 = %scan3A_43 to %scan3A_45 step %scan3A_46  : i32 {
      %swap3A = arith.index_cast %scan3A_63 : i32 to index
      %swap3A_64 = arith.constant 0 : index
      %swap3A_65 = tpu.vector_load %arg5[%swap3A, %swap3A_64] {strides = array<i32>} : memref<80x128xf32, #tpu.memory_space<vmem>>, vector<1x16xf32>,
      %swap3A_66 = vector.shape_cast %swap3A_65 : vector<1x16xf32> to vector<16xf32>
      %swap3A_67 = vector.shape_cast %add3A_41 : vector<16xf32> to vector<1x16xf32>
      tpu.vector_store %arg5[%swap3A, %swap3A_64], %swap3A_67 {strides = array<i32>} : memref<80x128xf32, #tpu.memory_space<vmem>>, vector<1x16xf32>,
      %swap3A_68 = arith.index_cast %scan3A_63 : i32 to index
      %swap3A_69 = arith.constant 16 : index
      %swap3A_70 = tpu.vector_load %arg5[%swap3A_68, %swap3A_69] {strides = array<i32>} : memref<80x128xf32, #tpu.memory_space<vmem>>, vector<1x16xf32>,
      %swap3A_71 = vector.shape_cast %swap3A_70 : vector<1x16xf32> to vector<16xf32>
      %swap3A_72 = vector.shape_cast %add3A_41 : vector<16xf32> to vector<1x16xf32>
      tpu.vector_store %arg5[%swap3A_68, %swap3A_69], %swap3A_72 {strides = array<i32>} : memref<80x128xf32, #tpu.memory_space<vmem>>, vector<1x16xf32>,
      %swap3A_73 = arith.index_cast %scan3A_63 : i32 to index
      %swap3A_74 = arith.constant 32 : index
      %swap3A_75 = tpu.vector_load %arg5[%swap3A_73, %swap3A_74] {strides = array<i32>} : memref<80x128xf32, #tpu.memory_space<vmem>>, vector<1x16xf32>,
      %swap3A_76 = vector.shape_cast %swap3A_75 : vector<1x16xf32> to vector<16xf32>
      %swap3A_77 = vector.shape_cast %add3A_41 : vector<16xf32> to vector<1x16xf32>
      tpu.vector_store %arg5[%swap3A_73, %swap3A_74], %swap3A_77 {strides = array<i32>} : memref<80x128xf32, #tpu.memory_space<vmem>>, vector<1x16xf32>,
      %swap3A_78 = arith.index_cast %scan3A_63 : i32 to index
      %swap3A_79 = arith.constant 48 : index
      %swap3A_80 = tpu.vector_load %arg5[%swap3A_78, %swap3A_79] {strides = array<i32>} : memref<80x128xf32, #tpu.memory_space<vmem>>, vector<1x16xf32>,
      %swap3A_81 = vector.shape_cast %swap3A_80 : vector<1x16xf32> to vector<16xf32>
      %swap3A_82 = vector.shape_cast %add3A_41 : vector<16xf32> to vector<1x16xf32>
      tpu.vector_store %arg5[%swap3A_78, %swap3A_79], %swap3A_82 {strides = array<i32>} : memref<80x128xf32, #tpu.memory_space<vmem>>, vector<1x16xf32>,
      %swap3A_83 = arith.index_cast %scan3A_63 : i32 to index
      %swap3A_84 = arith.constant 64 : index
      %swap3A_85 = tpu.vector_load %arg5[%swap3A_83, %swap3A_84] {strides = array<i32>} : memref<80x128xf32, #tpu.memory_space<vmem>>, vector<1x16xf32>,
      %swap3A_86 = vector.shape_cast %swap3A_85 : vector<1x16xf32> to vector<16xf32>
      %swap3A_87 = vector.shape_cast %add3A_41 : vector<16xf32> to vector<1x16xf32>
      tpu.vector_store %arg5[%swap3A_83, %swap3A_84], %swap3A_87 {strides = array<i32>} : memref<80x128xf32, #tpu.memory_space<vmem>>, vector<1x16xf32>,
      %swap3A_88 = arith.index_cast %scan3A_63 : i32 to index
      %swap3A_89 = arith.constant 80 : index
      %swap3A_90 = tpu.vector_load %arg5[%swap3A_88, %swap3A_89] {strides = array<i32>} : memref<80x128xf32, #tpu.memory_space<vmem>>, vector<1x16xf32>,
      %swap3A_91 = vector.shape_cast %swap3A_90 : vector<1x16xf32> to vector<16xf32>
      %swap3A_92 = vector.shape_cast %add3A_41 : vector<16xf32> to vector<1x16xf32>
      tpu.vector_store %arg5[%swap3A_88, %swap3A_89], %swap3A_92 {strides = array<i32>} : memref<80x128xf32, #tpu.memory_space<vmem>>, vector<1x16xf32>,
      %swap3A_93 = arith.index_cast %scan3A_63 : i32 to index
      %swap3A_94 = arith.constant 96 : index
      %swap3A_95 = tpu.vector_load %arg5[%swap3A_93, %swap3A_94] {strides = array<i32>} : memref<80x128xf32, #tpu.memory_space<vmem>>, vector<1x16xf32>,
      %swap3A_96 = vector.shape_cast %swap3A_95 : vector<1x16xf32> to vector<16xf32>
      %swap3A_97 = vector.shape_cast %add3A_41 : vector<16xf32> to vector<1x16xf32>
      tpu.vector_store %arg5[%swap3A_93, %swap3A_94], %swap3A_97 {strides = array<i32>} : memref<80x128xf32, #tpu.memory_space<vmem>>, vector<1x16xf32>,
      %swap3A_98 = arith.index_cast %scan3A_63 : i32 to index
      %swap3A_99 = arith.constant 112 : index
      %swap3A_100 = tpu.vector_load %arg5[%swap3A_98, %swap3A_99] {strides = array<i32>} : memref<80x128xf32, #tpu.memory_space<vmem>>, vector<1x16xf32>,
      %swap3A_101 = vector.shape_cast %swap3A_100 : vector<1x16xf32> to vector<16xf32>
      %swap3A_102 = vector.shape_cast %add3A_41 : vector<16xf32> to vector<1x16xf32>
      tpu.vector_store %arg5[%swap3A_98, %swap3A_99], %swap3A_102 {strides = array<i32>} : memref<80x128xf32, #tpu.memory_space<vmem>>, vector<1x16xf32>,
    }
    %scan3A_47 = arith.constant 80 : i32
    "tpu.region"() ({
      %run_scoped3A = tpu.sem_alloc : memref<!tpu.dma_semaphore, #tpu.memory_space<semaphore_mem>>
      %dma_start3A = arith.constant 0 : i32
      %dma_start3A_63 = arith.constant 0 : i32
      %dma_start3A_64 = tpu.memref_slice %arg2[%add3A, %dma_start3A, %dma_start3A_63] : memref<32x125x80xi32, #tpu.memory_space<hbm>> -> memref<1x125x80xi32, #tpu.memory_space<hbm>>
      %dma_start3A_65 = tpu.memref_squeeze %dma_start3A_64 : memref<1x125x80xi32, #tpu.memory_space<hbm>> -> memref<125x80xi32, #tpu.memory_space<hbm>>
      %dma_start3A_66 = arith.constant 0 : i32
      %dma_start3A_67 = arith.constant 0 : i32
      %dma_start3A_68 = tpu.memref_slice %arg2[%add3A, %dma_start3A_66, %dma_start3A_67] : memref<32x125x80xi32, #tpu.memory_space<hbm>> -> memref<1x125x80xi32, #tpu.memory_space<hbm>>
      %dma_start3A_69 = tpu.memref_squeeze %dma_start3A_68 : memref<1x125x80xi32, #tpu.memory_space<hbm>> -> memref<125x80xi32, #tpu.memory_space<hbm>>
      tpu.enqueue_dma source(%dma_start3A_69 : memref<125x80xi32, #tpu.memory_space<hbm>>) target(%arg4 : memref<125x80xi32, #tpu.memory_space<vmem>>) target_semaphore(%run_scoped3A : memref<!tpu.dma_semaphore, #tpu.memory_space<semaphore_mem>>)
      %dma_wait3A = arith.constant 0 : i32
      %dma_wait3A_70 = arith.constant 0 : i32
      %dma_wait3A_71 = tpu.memref_slice %arg2[%add3A, %dma_wait3A, %dma_wait3A_70] : memref<32x125x80xi32, #tpu.memory_space<hbm>> -> memref<1x125x80xi32, #tpu.memory_space<hbm>>
      %dma_wait3A_72 = tpu.memref_squeeze %dma_wait3A_71 : memref<1x125x80xi32, #tpu.memory_space<hbm>> -> memref<125x80xi32, #tpu.memory_space<hbm>>
      %dma_wait3A_73 = arith.constant 0 : i32
      %dma_wait3A_74 = arith.constant 0 : i32
      %dma_wait3A_75 = tpu.memref_slice %arg2[%add3A, %dma_wait3A_73, %dma_wait3A_74] : memref<32x125x80xi32, #tpu.memory_space<hbm>> -> memref<1x125x80xi32, #tpu.memory_space<hbm>>
      %dma_wait3A_76 = tpu.memref_squeeze %dma_wait3A_75 : memref<1x125x80xi32, #tpu.memory_space<hbm>> -> memref<125x80xi32, #tpu.memory_space<hbm>>
      tpu.wait_dma2 semaphore(%run_scoped3A : memref<!tpu.dma_semaphore, #tpu.memory_space<semaphore_mem>>) src(%dma_wait3A_76 : memref<125x80xi32, #tpu.memory_space<hbm>>) dst(%arg4 : memref<125x80xi32, #tpu.memory_space<vmem>>)
      tpu.yield
    }) : () -> ()
    %barrier3A = arith.constant 0 : index
    tpu.barrier barrier_id(%barrier3A)
    %scan3A_48 = arith.constant 0 : i32
    %scan3A_49 = arith.constant 0 : i32
    %scan3A_50 = arith.constant 125 : i32
    %scan3A_51 = arith.addi %scan3A_49, %scan3A_50 : i32
    %scan3A_52 = arith.constant 1 : i32
    scf.for %scan3A_63 = %scan3A_49 to %scan3A_51 step %scan3A_52  : i32 {
      %dma_start3A = arith.constant 0 : i32
      %dma_start3A_64 = tpu.memref_slice %arg4[%scan3A_63, %dma_start3A] : memref<125x80xi32, #tpu.memory_space<vmem>> -> memref<1x80xi32, #tpu.memory_space<vmem>>
      %dma_start3A_65 = tpu.memref_squeeze %dma_start3A_64 : memref<1x80xi32, #tpu.memory_space<vmem>> -> memref<80xi32, #tpu.memory_space<vmem>>
      %dma_start3A_66 = arith.constant 0 : i32
      %dma_start3A_67 = arith.constant 0 : i32
      %dma_start3A_68 = tpu.memref_slice %arg6[%dma_start3A_66, %dma_start3A_67] : memref<10240x128xf32, #tpu.memory_space<vmem_shared>> -> memref<10240x128xf32, #tpu.memory_space<vmem_shared>>
      tpu.enqueue_indirect_dma source(%arg5 : memref<80x128xf32, #tpu.memory_space<vmem>>) target(%dma_start3A_68 : memref<10240x128xf32, #tpu.memory_space<vmem_shared>>) offsets(%dma_start3A_65 : memref<80xi32, #tpu.memory_space<vmem>>) semaphore(%arg7 : memref<!tpu.dma_semaphore, #tpu.memory_space<semaphore_mem>>) {add = true}
    }
    %scan3A_53 = arith.constant 125 : i32
    %scan3A_54 = arith.constant 0 : i32
    %scan3A_55 = arith.constant 0 : i32
    %scan3A_56 = arith.constant 125 : i32
    %scan3A_57 = arith.addi %scan3A_55, %scan3A_56 : i32
    %scan3A_58 = arith.constant 1 : i32
    scf.for %scan3A_63 = %scan3A_55 to %scan3A_57 step %scan3A_58  : i32 {
      %dma_wait3A = arith.constant 0 : i32
      %dma_wait3A_64 = arith.constant 0 : i32
      %dma_wait3A_65 = tpu.memref_slice %arg6[%dma_wait3A, %dma_wait3A_64] : memref<10240x128xf32, #tpu.memory_space<vmem_shared>> -> memref<80x128xf32, #tpu.memory_space<vmem_shared>>
      %dma_wait3A_66 = arith.constant 0 : i32
      %dma_wait3A_67 = arith.constant 0 : i32
      %dma_wait3A_68 = tpu.memref_slice %arg6[%dma_wait3A_66, %dma_wait3A_67] : memref<10240x128xf32, #tpu.memory_space<vmem_shared>> -> memref<80x128xf32, #tpu.memory_space<vmem_shared>>
      tpu.wait_dma2 semaphore(%arg7 : memref<!tpu.dma_semaphore, #tpu.memory_space<semaphore_mem>>) src(%arg5 : memref<80x128xf32, #tpu.memory_space<vmem>>) dst(%dma_wait3A_68 : memref<80x128xf32, #tpu.memory_space<vmem_shared>>)
    }
    %scan3A_59 = arith.constant 125 : i32
    %barrier3A_60 = arith.constant 0 : index
    tpu.barrier barrier_id(%barrier3A_60)
    %mul3A_61 = arith.constant 640 : i32
    %mul3A_62 = arith.muli %arg1, %mul3A_61 : i32
    "tpu.region"() ({
      %run_scoped3A = tpu.sem_alloc : memref<!tpu.dma_semaphore, #tpu.memory_space<semaphore_mem>>
      %dma_start3A = arith.constant 0 : i32
      %dma_start3A_63 = tpu.memref_slice %arg3[%arg0, %mul3A_62, %dma_start3A] : memref<2x10240x128xf32, #tpu.memory_space<hbm>> -> memref<1x640x128xf32, #tpu.memory_space<hbm>>
      %dma_start3A_64 = tpu.memref_squeeze %dma_start3A_63 : memref<1x640x128xf32, #tpu.memory_space<hbm>> -> memref<640x128xf32, #tpu.memory_space<hbm>>
      %dma_start3A_65 = arith.constant 0 : i32
      %dma_start3A_66 = tpu.memref_slice %arg6[%mul3A_62, %dma_start3A_65] : memref<10240x128xf32, #tpu.memory_space<vmem_shared>> -> memref<640x128xf32, #tpu.memory_space<vmem_shared>>
      tpu.enqueue_dma source(%dma_start3A_66 : memref<640x128xf32, #tpu.memory_space<vmem_shared>>) target(%dma_start3A_64 : memref<640x128xf32, #tpu.memory_space<hbm>>) target_semaphore(%run_scoped3A : memref<!tpu.dma_semaphore, #tpu.memory_space<semaphore_mem>>)
      %dma_wait3A = arith.constant 0 : i32
      %dma_wait3A_67 = tpu.memref_slice %arg3[%arg0, %mul3A_62, %dma_wait3A] : memref<2x10240x128xf32, #tpu.memory_space<hbm>> -> memref<1x640x128xf32, #tpu.memory_space<hbm>>
      %dma_wait3A_68 = tpu.memref_squeeze %dma_wait3A_67 : memref<1x640x128xf32, #tpu.memory_space<hbm>> -> memref<640x128xf32, #tpu.memory_space<hbm>>
      %dma_wait3A_69 = arith.constant 0 : i32
      %dma_wait3A_70 = tpu.memref_slice %arg6[%mul3A_62, %dma_wait3A_69] : memref<10240x128xf32, #tpu.memory_space<vmem_shared>> -> memref<640x128xf32, #tpu.memory_space<vmem_shared>>
      tpu.wait_dma2 semaphore(%run_scoped3A : memref<!tpu.dma_semaphore, #tpu.memory_space<semaphore_mem>>) src(%dma_wait3A_70 : memref<640x128xf32, #tpu.memory_space<vmem_shared>>) dst(%dma_wait3A_68 : memref<640x128xf32, #tpu.memory_space<hbm>>)
      tpu.yield
    }) : () -> ()
    return
  }
}

#map = affine_map<(d0, d1) -> (0, 0)>
#map1 = affine_map<(d0, d1) -> (0, 0, 0, 0)>
#map2 = affine_map<(d0, d1) -> (0, 0, 0)>
module attributes {stable_mosaic.version = 14 : i64} {
  func.func @body(%arg0: i32, %arg1: i32, %arg2: memref<10240x128xf32, #tpu.memory_space<hbm>>, %arg3: memref<32x125x2x80xi32, #tpu.memory_space<hbm>>, %arg4: memref<2x10240x128xf32, #tpu.memory_space<hbm>>, %arg5: memref<2x80xi32, #tpu.memory_space<vmem>>, %arg6: memref<2x80xi32, #tpu.memory_space<vmem>>, %arg7: memref<2x80xi32, #tpu.memory_space<vmem>>, %arg8: memref<2x80xi32, #tpu.memory_space<vmem>>, %arg9: memref<80x128xf32, #tpu.memory_space<vmem>>, %arg10: memref<80x128xf32, #tpu.memory_space<vmem>>, %arg11: memref<80x128xf32, #tpu.memory_space<vmem>>, %arg12: memref<80x128xf32, #tpu.memory_space<vmem>>, %arg13: memref<10240x128xf32, #tpu.memory_space<vmem_shared>>, %arg14: memref<!tpu.dma_semaphore, #tpu.memory_space<semaphore_mem>>, %arg15: memref<!tpu.dma_semaphore, #tpu.memory_space<semaphore_mem>>, %arg16: memref<!tpu.dma_semaphore, #tpu.memory_space<semaphore_mem>>, %arg17: memref<!tpu.dma_semaphore, #tpu.memory_space<semaphore_mem>>, %arg18: memref<!tpu.dma_semaphore, #tpu.memory_space<semaphore_mem>>, %arg19: memref<!tpu.dma_semaphore, #tpu.memory_space<semaphore_mem>>, %arg20: memref<!tpu.dma_semaphore, #tpu.memory_space<semaphore_mem>>, %arg21: memref<!tpu.dma_semaphore, #tpu.memory_space<semaphore_mem>>) attributes {dimension_semantics = [#tpu.dimension_semantics<core_parallel>, #tpu.dimension_semantics<subcore_parallel>], iteration_bounds = array<i64: 2, 16>, scalar_prefetch = 0 : i64, scratch_operands = 17 : i64, tpu.core_type = #tpu.core_type<sc_vector_subcore>, window_params = [{transform_indices = #map}, {transform_indices = #map1}, {transform_indices = #map2}]} {
    %mul3A = arith.constant 2 : i32
    %mul3A_0 = arith.muli %arg1, %mul3A : i32
    %add3A = arith.addi %mul3A_0, %arg0 : i32
    %broadcast_in_dim3A = arith.constant 0.000000e+00 : f32
    %broadcast_in_dim3A_1 = vector.broadcast %broadcast_in_dim3A : f32 to vector<16xf32>
    %scan3A = arith.constant 0 : i32
    %scan3A_2 = arith.constant 0 : i32
    %scan3A_3 = arith.constant 80 : i32
    %scan3A_4 = arith.addi %scan3A_2, %scan3A_3 : i32
    %scan3A_5 = arith.constant 1 : i32
    scf.for %scan3A_136 = %scan3A_2 to %scan3A_4 step %scan3A_5  : i32 {
      %swap3A = arith.index_cast %scan3A_136 : i32 to index
      %swap3A_137 = arith.constant 0 : index
      %swap3A_138 = tpu.vector_load %arg9[%swap3A, %swap3A_137] {strides = array<i32>} : memref<80x128xf32, #tpu.memory_space<vmem>>, vector<1x16xf32>,
      %swap3A_139 = vector.shape_cast %swap3A_138 : vector<1x16xf32> to vector<16xf32>
      %swap3A_140 = vector.shape_cast %broadcast_in_dim3A_1 : vector<16xf32> to vector<1x16xf32>
      tpu.vector_store %arg9[%swap3A, %swap3A_137], %swap3A_140 {strides = array<i32>} : memref<80x128xf32, #tpu.memory_space<vmem>>, vector<1x16xf32>,
      %swap3A_141 = arith.index_cast %scan3A_136 : i32 to index
      %swap3A_142 = arith.constant 16 : index
      %swap3A_143 = tpu.vector_load %arg9[%swap3A_141, %swap3A_142] {strides = array<i32>} : memref<80x128xf32, #tpu.memory_space<vmem>>, vector<1x16xf32>,
      %swap3A_144 = vector.shape_cast %swap3A_143 : vector<1x16xf32> to vector<16xf32>
      %swap3A_145 = vector.shape_cast %broadcast_in_dim3A_1 : vector<16xf32> to vector<1x16xf32>
      tpu.vector_store %arg9[%swap3A_141, %swap3A_142], %swap3A_145 {strides = array<i32>} : memref<80x128xf32, #tpu.memory_space<vmem>>, vector<1x16xf32>,
      %swap3A_146 = arith.index_cast %scan3A_136 : i32 to index
      %swap3A_147 = arith.constant 32 : index
      %swap3A_148 = tpu.vector_load %arg9[%swap3A_146, %swap3A_147] {strides = array<i32>} : memref<80x128xf32, #tpu.memory_space<vmem>>, vector<1x16xf32>,
      %swap3A_149 = vector.shape_cast %swap3A_148 : vector<1x16xf32> to vector<16xf32>
      %swap3A_150 = vector.shape_cast %broadcast_in_dim3A_1 : vector<16xf32> to vector<1x16xf32>
      tpu.vector_store %arg9[%swap3A_146, %swap3A_147], %swap3A_150 {strides = array<i32>} : memref<80x128xf32, #tpu.memory_space<vmem>>, vector<1x16xf32>,
      %swap3A_151 = arith.index_cast %scan3A_136 : i32 to index
      %swap3A_152 = arith.constant 48 : index
      %swap3A_153 = tpu.vector_load %arg9[%swap3A_151, %swap3A_152] {strides = array<i32>} : memref<80x128xf32, #tpu.memory_space<vmem>>, vector<1x16xf32>,
      %swap3A_154 = vector.shape_cast %swap3A_153 : vector<1x16xf32> to vector<16xf32>
      %swap3A_155 = vector.shape_cast %broadcast_in_dim3A_1 : vector<16xf32> to vector<1x16xf32>
      tpu.vector_store %arg9[%swap3A_151, %swap3A_152], %swap3A_155 {strides = array<i32>} : memref<80x128xf32, #tpu.memory_space<vmem>>, vector<1x16xf32>,
      %swap3A_156 = arith.index_cast %scan3A_136 : i32 to index
      %swap3A_157 = arith.constant 64 : index
      %swap3A_158 = tpu.vector_load %arg9[%swap3A_156, %swap3A_157] {strides = array<i32>} : memref<80x128xf32, #tpu.memory_space<vmem>>, vector<1x16xf32>,
      %swap3A_159 = vector.shape_cast %swap3A_158 : vector<1x16xf32> to vector<16xf32>
      %swap3A_160 = vector.shape_cast %broadcast_in_dim3A_1 : vector<16xf32> to vector<1x16xf32>
      tpu.vector_store %arg9[%swap3A_156, %swap3A_157], %swap3A_160 {strides = array<i32>} : memref<80x128xf32, #tpu.memory_space<vmem>>, vector<1x16xf32>,
      %swap3A_161 = arith.index_cast %scan3A_136 : i32 to index
      %swap3A_162 = arith.constant 80 : index
      %swap3A_163 = tpu.vector_load %arg9[%swap3A_161, %swap3A_162] {strides = array<i32>} : memref<80x128xf32, #tpu.memory_space<vmem>>, vector<1x16xf32>,
      %swap3A_164 = vector.shape_cast %swap3A_163 : vector<1x16xf32> to vector<16xf32>
      %swap3A_165 = vector.shape_cast %broadcast_in_dim3A_1 : vector<16xf32> to vector<1x16xf32>
      tpu.vector_store %arg9[%swap3A_161, %swap3A_162], %swap3A_165 {strides = array<i32>} : memref<80x128xf32, #tpu.memory_space<vmem>>, vector<1x16xf32>,
      %swap3A_166 = arith.index_cast %scan3A_136 : i32 to index
      %swap3A_167 = arith.constant 96 : index
      %swap3A_168 = tpu.vector_load %arg9[%swap3A_166, %swap3A_167] {strides = array<i32>} : memref<80x128xf32, #tpu.memory_space<vmem>>, vector<1x16xf32>,
      %swap3A_169 = vector.shape_cast %swap3A_168 : vector<1x16xf32> to vector<16xf32>
      %swap3A_170 = vector.shape_cast %broadcast_in_dim3A_1 : vector<16xf32> to vector<1x16xf32>
      tpu.vector_store %arg9[%swap3A_166, %swap3A_167], %swap3A_170 {strides = array<i32>} : memref<80x128xf32, #tpu.memory_space<vmem>>, vector<1x16xf32>,
      %swap3A_171 = arith.index_cast %scan3A_136 : i32 to index
      %swap3A_172 = arith.constant 112 : index
      %swap3A_173 = tpu.vector_load %arg9[%swap3A_171, %swap3A_172] {strides = array<i32>} : memref<80x128xf32, #tpu.memory_space<vmem>>, vector<1x16xf32>,
      %swap3A_174 = vector.shape_cast %swap3A_173 : vector<1x16xf32> to vector<16xf32>
      %swap3A_175 = vector.shape_cast %broadcast_in_dim3A_1 : vector<16xf32> to vector<1x16xf32>
      tpu.vector_store %arg9[%swap3A_171, %swap3A_172], %swap3A_175 {strides = array<i32>} : memref<80x128xf32, #tpu.memory_space<vmem>>, vector<1x16xf32>,
    }
    %scan3A_6 = arith.constant 80 : i32
    %mul3A_7 = arith.constant 640 : i32
    %mul3A_8 = arith.muli %arg1, %mul3A_7 : i32
    %add3A_9 = arith.constant 0 : i32
    %add3A_10 = arith.addi %mul3A_8, %add3A_9 : i32
    "tpu.region"() ({
      %run_scoped3A_136 = tpu.sem_alloc : memref<!tpu.dma_semaphore, #tpu.memory_space<semaphore_mem>>
      %dma_start3A_137 = arith.constant 0 : i32
      %dma_start3A_138 = tpu.memref_slice %arg13[%add3A_10, %dma_start3A_137] : memref<10240x128xf32, #tpu.memory_space<vmem_shared>> -> memref<80x128xf32, #tpu.memory_space<vmem_shared>>
      %dma_start3A_139 = arith.constant 0 : i32
      %dma_start3A_140 = tpu.memref_slice %arg13[%add3A_10, %dma_start3A_139] : memref<10240x128xf32, #tpu.memory_space<vmem_shared>> -> memref<80x128xf32, #tpu.memory_space<vmem_shared>>
      tpu.enqueue_dma source(%arg9 : memref<80x128xf32, #tpu.memory_space<vmem>>) target(%dma_start3A_140 : memref<80x128xf32, #tpu.memory_space<vmem_shared>>) target_semaphore(%run_scoped3A_136 : memref<!tpu.dma_semaphore, #tpu.memory_space<semaphore_mem>>)
      %dma_wait3A_141 = arith.constant 0 : i32
      %dma_wait3A_142 = tpu.memref_slice %arg13[%add3A_10, %dma_wait3A_141] : memref<10240x128xf32, #tpu.memory_space<vmem_shared>> -> memref<80x128xf32, #tpu.memory_space<vmem_shared>>
      %dma_wait3A_143 = arith.constant 0 : i32
      %dma_wait3A_144 = tpu.memref_slice %arg13[%add3A_10, %dma_wait3A_143] : memref<10240x128xf32, #tpu.memory_space<vmem_shared>> -> memref<80x128xf32, #tpu.memory_space<vmem_shared>>
      tpu.wait_dma2 semaphore(%run_scoped3A_136 : memref<!tpu.dma_semaphore, #tpu.memory_space<semaphore_mem>>) src(%arg9 : memref<80x128xf32, #tpu.memory_space<vmem>>) dst(%dma_wait3A_144 : memref<80x128xf32, #tpu.memory_space<vmem_shared>>)
      tpu.yield
    }) : () -> ()
    %mul3A_11 = arith.constant 640 : i32
    %mul3A_12 = arith.muli %arg1, %mul3A_11 : i32
    %add3A_13 = arith.constant 80 : i32
    %add3A_14 = arith.addi %mul3A_12, %add3A_13 : i32
    "tpu.region"() ({
      %run_scoped3A_136 = tpu.sem_alloc : memref<!tpu.dma_semaphore, #tpu.memory_space<semaphore_mem>>
      %dma_start3A_137 = arith.constant 0 : i32
      %dma_start3A_138 = tpu.memref_slice %arg13[%add3A_14, %dma_start3A_137] : memref<10240x128xf32, #tpu.memory_space<vmem_shared>> -> memref<80x128xf32, #tpu.memory_space<vmem_shared>>
      %dma_start3A_139 = arith.constant 0 : i32
      %dma_start3A_140 = tpu.memref_slice %arg13[%add3A_14, %dma_start3A_139] : memref<10240x128xf32, #tpu.memory_space<vmem_shared>> -> memref<80x128xf32, #tpu.memory_space<vmem_shared>>
      tpu.enqueue_dma source(%arg9 : memref<80x128xf32, #tpu.memory_space<vmem>>) target(%dma_start3A_140 : memref<80x128xf32, #tpu.memory_space<vmem_shared>>) target_semaphore(%run_scoped3A_136 : memref<!tpu.dma_semaphore, #tpu.memory_space<semaphore_mem>>)
      %dma_wait3A_141 = arith.constant 0 : i32
      %dma_wait3A_142 = tpu.memref_slice %arg13[%add3A_14, %dma_wait3A_141] : memref<10240x128xf32, #tpu.memory_space<vmem_shared>> -> memref<80x128xf32, #tpu.memory_space<vmem_shared>>
      %dma_wait3A_143 = arith.constant 0 : i32
      %dma_wait3A_144 = tpu.memref_slice %arg13[%add3A_14, %dma_wait3A_143] : memref<10240x128xf32, #tpu.memory_space<vmem_shared>> -> memref<80x128xf32, #tpu.memory_space<vmem_shared>>
      tpu.wait_dma2 semaphore(%run_scoped3A_136 : memref<!tpu.dma_semaphore, #tpu.memory_space<semaphore_mem>>) src(%arg9 : memref<80x128xf32, #tpu.memory_space<vmem>>) dst(%dma_wait3A_144 : memref<80x128xf32, #tpu.memory_space<vmem_shared>>)
      tpu.yield
    }) : () -> ()
    %mul3A_15 = arith.constant 640 : i32
    %mul3A_16 = arith.muli %arg1, %mul3A_15 : i32
    %add3A_17 = arith.constant 160 : i32
    %add3A_18 = arith.addi %mul3A_16, %add3A_17 : i32
    "tpu.region"() ({
      %run_scoped3A_136 = tpu.sem_alloc : memref<!tpu.dma_semaphore, #tpu.memory_space<semaphore_mem>>
      %dma_start3A_137 = arith.constant 0 : i32
      %dma_start3A_138 = tpu.memref_slice %arg13[%add3A_18, %dma_start3A_137] : memref<10240x128xf32, #tpu.memory_space<vmem_shared>> -> memref<80x128xf32, #tpu.memory_space<vmem_shared>>
      %dma_start3A_139 = arith.constant 0 : i32
      %dma_start3A_140 = tpu.memref_slice %arg13[%add3A_18, %dma_start3A_139] : memref<10240x128xf32, #tpu.memory_space<vmem_shared>> -> memref<80x128xf32, #tpu.memory_space<vmem_shared>>
      tpu.enqueue_dma source(%arg9 : memref<80x128xf32, #tpu.memory_space<vmem>>) target(%dma_start3A_140 : memref<80x128xf32, #tpu.memory_space<vmem_shared>>) target_semaphore(%run_scoped3A_136 : memref<!tpu.dma_semaphore, #tpu.memory_space<semaphore_mem>>)
      %dma_wait3A_141 = arith.constant 0 : i32
      %dma_wait3A_142 = tpu.memref_slice %arg13[%add3A_18, %dma_wait3A_141] : memref<10240x128xf32, #tpu.memory_space<vmem_shared>> -> memref<80x128xf32, #tpu.memory_space<vmem_shared>>
      %dma_wait3A_143 = arith.constant 0 : i32
      %dma_wait3A_144 = tpu.memref_slice %arg13[%add3A_18, %dma_wait3A_143] : memref<10240x128xf32, #tpu.memory_space<vmem_shared>> -> memref<80x128xf32, #tpu.memory_space<vmem_shared>>
      tpu.wait_dma2 semaphore(%run_scoped3A_136 : memref<!tpu.dma_semaphore, #tpu.memory_space<semaphore_mem>>) src(%arg9 : memref<80x128xf32, #tpu.memory_space<vmem>>) dst(%dma_wait3A_144 : memref<80x128xf32, #tpu.memory_space<vmem_shared>>)
      tpu.yield
    }) : () -> ()
    %mul3A_19 = arith.constant 640 : i32
    %mul3A_20 = arith.muli %arg1, %mul3A_19 : i32
    %add3A_21 = arith.constant 240 : i32
    %add3A_22 = arith.addi %mul3A_20, %add3A_21 : i32
    "tpu.region"() ({
      %run_scoped3A_136 = tpu.sem_alloc : memref<!tpu.dma_semaphore, #tpu.memory_space<semaphore_mem>>
      %dma_start3A_137 = arith.constant 0 : i32
      %dma_start3A_138 = tpu.memref_slice %arg13[%add3A_22, %dma_start3A_137] : memref<10240x128xf32, #tpu.memory_space<vmem_shared>> -> memref<80x128xf32, #tpu.memory_space<vmem_shared>>
      %dma_start3A_139 = arith.constant 0 : i32
      %dma_start3A_140 = tpu.memref_slice %arg13[%add3A_22, %dma_start3A_139] : memref<10240x128xf32, #tpu.memory_space<vmem_shared>> -> memref<80x128xf32, #tpu.memory_space<vmem_shared>>
      tpu.enqueue_dma source(%arg9 : memref<80x128xf32, #tpu.memory_space<vmem>>) target(%dma_start3A_140 : memref<80x128xf32, #tpu.memory_space<vmem_shared>>) target_semaphore(%run_scoped3A_136 : memref<!tpu.dma_semaphore, #tpu.memory_space<semaphore_mem>>)
      %dma_wait3A_141 = arith.constant 0 : i32
      %dma_wait3A_142 = tpu.memref_slice %arg13[%add3A_22, %dma_wait3A_141] : memref<10240x128xf32, #tpu.memory_space<vmem_shared>> -> memref<80x128xf32, #tpu.memory_space<vmem_shared>>
      %dma_wait3A_143 = arith.constant 0 : i32
      %dma_wait3A_144 = tpu.memref_slice %arg13[%add3A_22, %dma_wait3A_143] : memref<10240x128xf32, #tpu.memory_space<vmem_shared>> -> memref<80x128xf32, #tpu.memory_space<vmem_shared>>
      tpu.wait_dma2 semaphore(%run_scoped3A_136 : memref<!tpu.dma_semaphore, #tpu.memory_space<semaphore_mem>>) src(%arg9 : memref<80x128xf32, #tpu.memory_space<vmem>>) dst(%dma_wait3A_144 : memref<80x128xf32, #tpu.memory_space<vmem_shared>>)
      tpu.yield
    }) : () -> ()
    %mul3A_23 = arith.constant 640 : i32
    %mul3A_24 = arith.muli %arg1, %mul3A_23 : i32
    %add3A_25 = arith.constant 320 : i32
    %add3A_26 = arith.addi %mul3A_24, %add3A_25 : i32
    "tpu.region"() ({
      %run_scoped3A_136 = tpu.sem_alloc : memref<!tpu.dma_semaphore, #tpu.memory_space<semaphore_mem>>
      %dma_start3A_137 = arith.constant 0 : i32
      %dma_start3A_138 = tpu.memref_slice %arg13[%add3A_26, %dma_start3A_137] : memref<10240x128xf32, #tpu.memory_space<vmem_shared>> -> memref<80x128xf32, #tpu.memory_space<vmem_shared>>
      %dma_start3A_139 = arith.constant 0 : i32
      %dma_start3A_140 = tpu.memref_slice %arg13[%add3A_26, %dma_start3A_139] : memref<10240x128xf32, #tpu.memory_space<vmem_shared>> -> memref<80x128xf32, #tpu.memory_space<vmem_shared>>
      tpu.enqueue_dma source(%arg9 : memref<80x128xf32, #tpu.memory_space<vmem>>) target(%dma_start3A_140 : memref<80x128xf32, #tpu.memory_space<vmem_shared>>) target_semaphore(%run_scoped3A_136 : memref<!tpu.dma_semaphore, #tpu.memory_space<semaphore_mem>>)
      %dma_wait3A_141 = arith.constant 0 : i32
      %dma_wait3A_142 = tpu.memref_slice %arg13[%add3A_26, %dma_wait3A_141] : memref<10240x128xf32, #tpu.memory_space<vmem_shared>> -> memref<80x128xf32, #tpu.memory_space<vmem_shared>>
      %dma_wait3A_143 = arith.constant 0 : i32
      %dma_wait3A_144 = tpu.memref_slice %arg13[%add3A_26, %dma_wait3A_143] : memref<10240x128xf32, #tpu.memory_space<vmem_shared>> -> memref<80x128xf32, #tpu.memory_space<vmem_shared>>
      tpu.wait_dma2 semaphore(%run_scoped3A_136 : memref<!tpu.dma_semaphore, #tpu.memory_space<semaphore_mem>>) src(%arg9 : memref<80x128xf32, #tpu.memory_space<vmem>>) dst(%dma_wait3A_144 : memref<80x128xf32, #tpu.memory_space<vmem_shared>>)
      tpu.yield
    }) : () -> ()
    %mul3A_27 = arith.constant 640 : i32
    %mul3A_28 = arith.muli %arg1, %mul3A_27 : i32
    %add3A_29 = arith.constant 400 : i32
    %add3A_30 = arith.addi %mul3A_28, %add3A_29 : i32
    "tpu.region"() ({
      %run_scoped3A_136 = tpu.sem_alloc : memref<!tpu.dma_semaphore, #tpu.memory_space<semaphore_mem>>
      %dma_start3A_137 = arith.constant 0 : i32
      %dma_start3A_138 = tpu.memref_slice %arg13[%add3A_30, %dma_start3A_137] : memref<10240x128xf32, #tpu.memory_space<vmem_shared>> -> memref<80x128xf32, #tpu.memory_space<vmem_shared>>
      %dma_start3A_139 = arith.constant 0 : i32
      %dma_start3A_140 = tpu.memref_slice %arg13[%add3A_30, %dma_start3A_139] : memref<10240x128xf32, #tpu.memory_space<vmem_shared>> -> memref<80x128xf32, #tpu.memory_space<vmem_shared>>
      tpu.enqueue_dma source(%arg9 : memref<80x128xf32, #tpu.memory_space<vmem>>) target(%dma_start3A_140 : memref<80x128xf32, #tpu.memory_space<vmem_shared>>) target_semaphore(%run_scoped3A_136 : memref<!tpu.dma_semaphore, #tpu.memory_space<semaphore_mem>>)
      %dma_wait3A_141 = arith.constant 0 : i32
      %dma_wait3A_142 = tpu.memref_slice %arg13[%add3A_30, %dma_wait3A_141] : memref<10240x128xf32, #tpu.memory_space<vmem_shared>> -> memref<80x128xf32, #tpu.memory_space<vmem_shared>>
      %dma_wait3A_143 = arith.constant 0 : i32
      %dma_wait3A_144 = tpu.memref_slice %arg13[%add3A_30, %dma_wait3A_143] : memref<10240x128xf32, #tpu.memory_space<vmem_shared>> -> memref<80x128xf32, #tpu.memory_space<vmem_shared>>
      tpu.wait_dma2 semaphore(%run_scoped3A_136 : memref<!tpu.dma_semaphore, #tpu.memory_space<semaphore_mem>>) src(%arg9 : memref<80x128xf32, #tpu.memory_space<vmem>>) dst(%dma_wait3A_144 : memref<80x128xf32, #tpu.memory_space<vmem_shared>>)
      tpu.yield
    }) : () -> ()
    %mul3A_31 = arith.constant 640 : i32
    %mul3A_32 = arith.muli %arg1, %mul3A_31 : i32
    %add3A_33 = arith.constant 480 : i32
    %add3A_34 = arith.addi %mul3A_32, %add3A_33 : i32
    "tpu.region"() ({
      %run_scoped3A_136 = tpu.sem_alloc : memref<!tpu.dma_semaphore, #tpu.memory_space<semaphore_mem>>
      %dma_start3A_137 = arith.constant 0 : i32
      %dma_start3A_138 = tpu.memref_slice %arg13[%add3A_34, %dma_start3A_137] : memref<10240x128xf32, #tpu.memory_space<vmem_shared>> -> memref<80x128xf32, #tpu.memory_space<vmem_shared>>
      %dma_start3A_139 = arith.constant 0 : i32
      %dma_start3A_140 = tpu.memref_slice %arg13[%add3A_34, %dma_start3A_139] : memref<10240x128xf32, #tpu.memory_space<vmem_shared>> -> memref<80x128xf32, #tpu.memory_space<vmem_shared>>
      tpu.enqueue_dma source(%arg9 : memref<80x128xf32, #tpu.memory_space<vmem>>) target(%dma_start3A_140 : memref<80x128xf32, #tpu.memory_space<vmem_shared>>) target_semaphore(%run_scoped3A_136 : memref<!tpu.dma_semaphore, #tpu.memory_space<semaphore_mem>>)
      %dma_wait3A_141 = arith.constant 0 : i32
      %dma_wait3A_142 = tpu.memref_slice %arg13[%add3A_34, %dma_wait3A_141] : memref<10240x128xf32, #tpu.memory_space<vmem_shared>> -> memref<80x128xf32, #tpu.memory_space<vmem_shared>>
      %dma_wait3A_143 = arith.constant 0 : i32
      %dma_wait3A_144 = tpu.memref_slice %arg13[%add3A_34, %dma_wait3A_143] : memref<10240x128xf32, #tpu.memory_space<vmem_shared>> -> memref<80x128xf32, #tpu.memory_space<vmem_shared>>
      tpu.wait_dma2 semaphore(%run_scoped3A_136 : memref<!tpu.dma_semaphore, #tpu.memory_space<semaphore_mem>>) src(%arg9 : memref<80x128xf32, #tpu.memory_space<vmem>>) dst(%dma_wait3A_144 : memref<80x128xf32, #tpu.memory_space<vmem_shared>>)
      tpu.yield
    }) : () -> ()
    %mul3A_35 = arith.constant 640 : i32
    %mul3A_36 = arith.muli %arg1, %mul3A_35 : i32
    %add3A_37 = arith.constant 560 : i32
    %add3A_38 = arith.addi %mul3A_36, %add3A_37 : i32
    "tpu.region"() ({
      %run_scoped3A_136 = tpu.sem_alloc : memref<!tpu.dma_semaphore, #tpu.memory_space<semaphore_mem>>
      %dma_start3A_137 = arith.constant 0 : i32
      %dma_start3A_138 = tpu.memref_slice %arg13[%add3A_38, %dma_start3A_137] : memref<10240x128xf32, #tpu.memory_space<vmem_shared>> -> memref<80x128xf32, #tpu.memory_space<vmem_shared>>
      %dma_start3A_139 = arith.constant 0 : i32
      %dma_start3A_140 = tpu.memref_slice %arg13[%add3A_38, %dma_start3A_139] : memref<10240x128xf32, #tpu.memory_space<vmem_shared>> -> memref<80x128xf32, #tpu.memory_space<vmem_shared>>
      tpu.enqueue_dma source(%arg9 : memref<80x128xf32, #tpu.memory_space<vmem>>) target(%dma_start3A_140 : memref<80x128xf32, #tpu.memory_space<vmem_shared>>) target_semaphore(%run_scoped3A_136 : memref<!tpu.dma_semaphore, #tpu.memory_space<semaphore_mem>>)
      %dma_wait3A_141 = arith.constant 0 : i32
      %dma_wait3A_142 = tpu.memref_slice %arg13[%add3A_38, %dma_wait3A_141] : memref<10240x128xf32, #tpu.memory_space<vmem_shared>> -> memref<80x128xf32, #tpu.memory_space<vmem_shared>>
      %dma_wait3A_143 = arith.constant 0 : i32
      %dma_wait3A_144 = tpu.memref_slice %arg13[%add3A_38, %dma_wait3A_143] : memref<10240x128xf32, #tpu.memory_space<vmem_shared>> -> memref<80x128xf32, #tpu.memory_space<vmem_shared>>
      tpu.wait_dma2 semaphore(%run_scoped3A_136 : memref<!tpu.dma_semaphore, #tpu.memory_space<semaphore_mem>>) src(%arg9 : memref<80x128xf32, #tpu.memory_space<vmem>>) dst(%dma_wait3A_144 : memref<80x128xf32, #tpu.memory_space<vmem_shared>>)
      tpu.yield
    }) : () -> ()
    %barrier3A = arith.constant 0 : index
    tpu.barrier barrier_id(%barrier3A)
    %dma_start3A = arith.constant 0 : i32
    %dma_start3A_39 = arith.constant 0 : i32
    %dma_start3A_40 = arith.constant 0 : i32
    %dma_start3A_41 = tpu.memref_slice %arg3[%add3A, %dma_start3A, %dma_start3A_39, %dma_start3A_40] : memref<32x125x2x80xi32, #tpu.memory_space<hbm>> -> memref<1x1x2x80xi32, #tpu.memory_space<hbm>>
    %dma_start3A_42 = tpu.memref_squeeze %dma_start3A_41 : memref<1x1x2x80xi32, #tpu.memory_space<hbm>> -> memref<2x80xi32, #tpu.memory_space<hbm>>
    %dma_start3A_43 = arith.constant 0 : i32
    %dma_start3A_44 = arith.constant 0 : i32
    %dma_start3A_45 = tpu.memref_slice %arg3[%add3A, %dma_start3A, %dma_start3A_43, %dma_start3A_44] : memref<32x125x2x80xi32, #tpu.memory_space<hbm>> -> memref<1x1x2x80xi32, #tpu.memory_space<hbm>>
    %dma_start3A_46 = tpu.memref_squeeze %dma_start3A_45 : memref<1x1x2x80xi32, #tpu.memory_space<hbm>> -> memref<2x80xi32, #tpu.memory_space<hbm>>
    tpu.enqueue_dma source(%dma_start3A_46 : memref<2x80xi32, #tpu.memory_space<hbm>>) target(%arg5 : memref<2x80xi32, #tpu.memory_space<vmem>>) target_semaphore(%arg14 : memref<!tpu.dma_semaphore, #tpu.memory_space<semaphore_mem>>)
    %dma_start3A_47 = arith.constant 1 : i32
    %dma_start3A_48 = arith.constant 0 : i32
    %dma_start3A_49 = arith.constant 0 : i32
    %dma_start3A_50 = tpu.memref_slice %arg3[%add3A, %dma_start3A_47, %dma_start3A_48, %dma_start3A_49] : memref<32x125x2x80xi32, #tpu.memory_space<hbm>> -> memref<1x1x2x80xi32, #tpu.memory_space<hbm>>
    %dma_start3A_51 = tpu.memref_squeeze %dma_start3A_50 : memref<1x1x2x80xi32, #tpu.memory_space<hbm>> -> memref<2x80xi32, #tpu.memory_space<hbm>>
    %dma_start3A_52 = arith.constant 0 : i32
    %dma_start3A_53 = arith.constant 0 : i32
    %dma_start3A_54 = tpu.memref_slice %arg3[%add3A, %dma_start3A_47, %dma_start3A_52, %dma_start3A_53] : memref<32x125x2x80xi32, #tpu.memory_space<hbm>> -> memref<1x1x2x80xi32, #tpu.memory_space<hbm>>
    %dma_start3A_55 = tpu.memref_squeeze %dma_start3A_54 : memref<1x1x2x80xi32, #tpu.memory_space<hbm>> -> memref<2x80xi32, #tpu.memory_space<hbm>>
    tpu.enqueue_dma source(%dma_start3A_55 : memref<2x80xi32, #tpu.memory_space<hbm>>) target(%arg6 : memref<2x80xi32, #tpu.memory_space<vmem>>) target_semaphore(%arg15 : memref<!tpu.dma_semaphore, #tpu.memory_space<semaphore_mem>>)
    %dma_start3A_56 = arith.constant 2 : i32
    %dma_start3A_57 = arith.constant 0 : i32
    %dma_start3A_58 = arith.constant 0 : i32
    %dma_start3A_59 = tpu.memref_slice %arg3[%add3A, %dma_start3A_56, %dma_start3A_57, %dma_start3A_58] : memref<32x125x2x80xi32, #tpu.memory_space<hbm>> -> memref<1x1x2x80xi32, #tpu.memory_space<hbm>>
    %dma_start3A_60 = tpu.memref_squeeze %dma_start3A_59 : memref<1x1x2x80xi32, #tpu.memory_space<hbm>> -> memref<2x80xi32, #tpu.memory_space<hbm>>
    %dma_start3A_61 = arith.constant 0 : i32
    %dma_start3A_62 = arith.constant 0 : i32
    %dma_start3A_63 = tpu.memref_slice %arg3[%add3A, %dma_start3A_56, %dma_start3A_61, %dma_start3A_62] : memref<32x125x2x80xi32, #tpu.memory_space<hbm>> -> memref<1x1x2x80xi32, #tpu.memory_space<hbm>>
    %dma_start3A_64 = tpu.memref_squeeze %dma_start3A_63 : memref<1x1x2x80xi32, #tpu.memory_space<hbm>> -> memref<2x80xi32, #tpu.memory_space<hbm>>
    tpu.enqueue_dma source(%dma_start3A_64 : memref<2x80xi32, #tpu.memory_space<hbm>>) target(%arg7 : memref<2x80xi32, #tpu.memory_space<vmem>>) target_semaphore(%arg16 : memref<!tpu.dma_semaphore, #tpu.memory_space<semaphore_mem>>)
    %dma_start3A_65 = arith.constant 3 : i32
    %dma_start3A_66 = arith.constant 0 : i32
    %dma_start3A_67 = arith.constant 0 : i32
    %dma_start3A_68 = tpu.memref_slice %arg3[%add3A, %dma_start3A_65, %dma_start3A_66, %dma_start3A_67] : memref<32x125x2x80xi32, #tpu.memory_space<hbm>> -> memref<1x1x2x80xi32, #tpu.memory_space<hbm>>
    %dma_start3A_69 = tpu.memref_squeeze %dma_start3A_68 : memref<1x1x2x80xi32, #tpu.memory_space<hbm>> -> memref<2x80xi32, #tpu.memory_space<hbm>>
    %dma_start3A_70 = arith.constant 0 : i32
    %dma_start3A_71 = arith.constant 0 : i32
    %dma_start3A_72 = tpu.memref_slice %arg3[%add3A, %dma_start3A_65, %dma_start3A_70, %dma_start3A_71] : memref<32x125x2x80xi32, #tpu.memory_space<hbm>> -> memref<1x1x2x80xi32, #tpu.memory_space<hbm>>
    %dma_start3A_73 = tpu.memref_squeeze %dma_start3A_72 : memref<1x1x2x80xi32, #tpu.memory_space<hbm>> -> memref<2x80xi32, #tpu.memory_space<hbm>>
    tpu.enqueue_dma source(%dma_start3A_73 : memref<2x80xi32, #tpu.memory_space<hbm>>) target(%arg8 : memref<2x80xi32, #tpu.memory_space<vmem>>) target_semaphore(%arg17 : memref<!tpu.dma_semaphore, #tpu.memory_space<semaphore_mem>>)
    %dma_wait3A = arith.constant 0 : i32
    %dma_wait3A_74 = arith.constant 0 : i32
    %dma_wait3A_75 = arith.constant 0 : i32
    %dma_wait3A_76 = tpu.memref_slice %arg3[%add3A, %dma_wait3A, %dma_wait3A_74, %dma_wait3A_75] : memref<32x125x2x80xi32, #tpu.memory_space<hbm>> -> memref<1x1x2x80xi32, #tpu.memory_space<hbm>>
    %dma_wait3A_77 = tpu.memref_squeeze %dma_wait3A_76 : memref<1x1x2x80xi32, #tpu.memory_space<hbm>> -> memref<2x80xi32, #tpu.memory_space<hbm>>
    %dma_wait3A_78 = arith.constant 0 : i32
    %dma_wait3A_79 = arith.constant 0 : i32
    %dma_wait3A_80 = tpu.memref_slice %arg3[%add3A, %dma_wait3A, %dma_wait3A_78, %dma_wait3A_79] : memref<32x125x2x80xi32, #tpu.memory_space<hbm>> -> memref<1x1x2x80xi32, #tpu.memory_space<hbm>>
    %dma_wait3A_81 = tpu.memref_squeeze %dma_wait3A_80 : memref<1x1x2x80xi32, #tpu.memory_space<hbm>> -> memref<2x80xi32, #tpu.memory_space<hbm>>
    tpu.wait_dma2 semaphore(%arg14 : memref<!tpu.dma_semaphore, #tpu.memory_space<semaphore_mem>>) src(%dma_wait3A_81 : memref<2x80xi32, #tpu.memory_space<hbm>>) dst(%arg5 : memref<2x80xi32, #tpu.memory_space<vmem>>)
    %dma_start3A_82 = arith.constant 0 : i32
    %dma_start3A_83 = arith.constant 0 : i32
    %dma_start3A_84 = tpu.memref_slice %arg5[%dma_start3A_82, %dma_start3A_83] : memref<2x80xi32, #tpu.memory_space<vmem>> -> memref<1x80xi32, #tpu.memory_space<vmem>>
    %dma_start3A_85 = tpu.memref_squeeze %dma_start3A_84 : memref<1x80xi32, #tpu.memory_space<vmem>> -> memref<80xi32, #tpu.memory_space<vmem>>
    %dma_start3A_86 = arith.constant 0 : i32
    %dma_start3A_87 = arith.constant 0 : i32
    %dma_start3A_88 = tpu.memref_slice %arg2[%dma_start3A_86, %dma_start3A_87] : memref<10240x128xf32, #tpu.memory_space<hbm>> -> memref<10240x128xf32, #tpu.memory_space<hbm>>
    tpu.enqueue_indirect_dma source(%dma_start3A_88 : memref<10240x128xf32, #tpu.memory_space<hbm>>) target(%arg9 : memref<80x128xf32, #tpu.memory_space<vmem>>) offsets(%dma_start3A_85 : memref<80xi32, #tpu.memory_space<vmem>>) semaphore(%arg18 : memref<!tpu.dma_semaphore, #tpu.memory_space<semaphore_mem>>)
    %dma_wait3A_89 = arith.constant 0 : i32
    %dma_wait3A_90 = arith.constant 0 : i32
    %dma_wait3A_91 = arith.constant 0 : i32
    %dma_wait3A_92 = tpu.memref_slice %arg3[%add3A, %dma_wait3A_89, %dma_wait3A_90, %dma_wait3A_91] : memref<32x125x2x80xi32, #tpu.memory_space<hbm>> -> memref<1x1x2x80xi32, #tpu.memory_space<hbm>>
    %dma_wait3A_93 = tpu.memref_squeeze %dma_wait3A_92 : memref<1x1x2x80xi32, #tpu.memory_space<hbm>> -> memref<2x80xi32, #tpu.memory_space<hbm>>
    %dma_wait3A_94 = arith.constant 0 : i32
    %dma_wait3A_95 = arith.constant 0 : i32
    %dma_wait3A_96 = tpu.memref_slice %arg3[%add3A, %dma_wait3A_89, %dma_wait3A_94, %dma_wait3A_95] : memref<32x125x2x80xi32, #tpu.memory_space<hbm>> -> memref<1x1x2x80xi32, #tpu.memory_space<hbm>>
    %dma_wait3A_97 = tpu.memref_squeeze %dma_wait3A_96 : memref<1x1x2x80xi32, #tpu.memory_space<hbm>> -> memref<2x80xi32, #tpu.memory_space<hbm>>
    tpu.wait_dma2 semaphore(%arg15 : memref<!tpu.dma_semaphore, #tpu.memory_space<semaphore_mem>>) src(%dma_wait3A_97 : memref<2x80xi32, #tpu.memory_space<hbm>>) dst(%arg6 : memref<2x80xi32, #tpu.memory_space<vmem>>)
    %dma_start3A_98 = arith.constant 0 : i32
    %dma_start3A_99 = arith.constant 0 : i32
    %dma_start3A_100 = tpu.memref_slice %arg6[%dma_start3A_98, %dma_start3A_99] : memref<2x80xi32, #tpu.memory_space<vmem>> -> memref<1x80xi32, #tpu.memory_space<vmem>>
    %dma_start3A_101 = tpu.memref_squeeze %dma_start3A_100 : memref<1x80xi32, #tpu.memory_space<vmem>> -> memref<80xi32, #tpu.memory_space<vmem>>
    %dma_start3A_102 = arith.constant 0 : i32
    %dma_start3A_103 = arith.constant 0 : i32
    %dma_start3A_104 = tpu.memref_slice %arg2[%dma_start3A_102, %dma_start3A_103] : memref<10240x128xf32, #tpu.memory_space<hbm>> -> memref<10240x128xf32, #tpu.memory_space<hbm>>
    tpu.enqueue_indirect_dma source(%dma_start3A_104 : memref<10240x128xf32, #tpu.memory_space<hbm>>) target(%arg10 : memref<80x128xf32, #tpu.memory_space<vmem>>) offsets(%dma_start3A_101 : memref<80xi32, #tpu.memory_space<vmem>>) semaphore(%arg19 : memref<!tpu.dma_semaphore, #tpu.memory_space<semaphore_mem>>)
    %dma_wait3A_105 = arith.constant 0 : i32
    %dma_wait3A_106 = arith.constant 0 : i32
    %dma_wait3A_107 = arith.constant 0 : i32
    %dma_wait3A_108 = tpu.memref_slice %arg3[%add3A, %dma_wait3A_105, %dma_wait3A_106, %dma_wait3A_107] : memref<32x125x2x80xi32, #tpu.memory_space<hbm>> -> memref<1x1x2x80xi32, #tpu.memory_space<hbm>>
    %dma_wait3A_109 = tpu.memref_squeeze %dma_wait3A_108 : memref<1x1x2x80xi32, #tpu.memory_space<hbm>> -> memref<2x80xi32, #tpu.memory_space<hbm>>
    %dma_wait3A_110 = arith.constant 0 : i32
    %dma_wait3A_111 = arith.constant 0 : i32
    %dma_wait3A_112 = tpu.memref_slice %arg3[%add3A, %dma_wait3A_105, %dma_wait3A_110, %dma_wait3A_111] : memref<32x125x2x80xi32, #tpu.memory_space<hbm>> -> memref<1x1x2x80xi32, #tpu.memory_space<hbm>>
    %dma_wait3A_113 = tpu.memref_squeeze %dma_wait3A_112 : memref<1x1x2x80xi32, #tpu.memory_space<hbm>> -> memref<2x80xi32, #tpu.memory_space<hbm>>
    tpu.wait_dma2 semaphore(%arg16 : memref<!tpu.dma_semaphore, #tpu.memory_space<semaphore_mem>>) src(%dma_wait3A_113 : memref<2x80xi32, #tpu.memory_space<hbm>>) dst(%arg7 : memref<2x80xi32, #tpu.memory_space<vmem>>)
    %dma_start3A_114 = arith.constant 0 : i32
    %dma_start3A_115 = arith.constant 0 : i32
    %dma_start3A_116 = tpu.memref_slice %arg7[%dma_start3A_114, %dma_start3A_115] : memref<2x80xi32, #tpu.memory_space<vmem>> -> memref<1x80xi32, #tpu.memory_space<vmem>>
    %dma_start3A_117 = tpu.memref_squeeze %dma_start3A_116 : memref<1x80xi32, #tpu.memory_space<vmem>> -> memref<80xi32, #tpu.memory_space<vmem>>
    %dma_start3A_118 = arith.constant 0 : i32
    %dma_start3A_119 = arith.constant 0 : i32
    %dma_start3A_120 = tpu.memref_slice %arg2[%dma_start3A_118, %dma_start3A_119] : memref<10240x128xf32, #tpu.memory_space<hbm>> -> memref<10240x128xf32, #tpu.memory_space<hbm>>
    tpu.enqueue_indirect_dma source(%dma_start3A_120 : memref<10240x128xf32, #tpu.memory_space<hbm>>) target(%arg11 : memref<80x128xf32, #tpu.memory_space<vmem>>) offsets(%dma_start3A_117 : memref<80xi32, #tpu.memory_space<vmem>>) semaphore(%arg20 : memref<!tpu.dma_semaphore, #tpu.memory_space<semaphore_mem>>)
    %scan3A_121 = arith.constant 0 : i32
    %scan3A_122 = arith.constant 0 : i32
    %scan3A_123 = arith.constant 31 : i32
    %scan3A_124 = arith.addi %scan3A_122, %scan3A_123 : i32
    %scan3A_125 = arith.constant 1 : i32
    scf.for %scan3A_136 = %scan3A_122 to %scan3A_124 step %scan3A_125  : i32 {
      %mul3A_137 = arith.constant 4 : i32
      %mul3A_138 = arith.muli %mul3A_137, %scan3A_136 : i32
      %add3A_139 = arith.constant 0 : i32
      %add3A_140 = arith.addi %mul3A_138, %add3A_139 : i32
      %dma_wait3A_141 = arith.constant 0 : i32
      %dma_wait3A_142 = arith.constant 0 : i32
      %dma_wait3A_143 = tpu.memref_slice %arg2[%dma_wait3A_141, %dma_wait3A_142] : memref<10240x128xf32, #tpu.memory_space<hbm>> -> memref<80x128xf32, #tpu.memory_space<hbm>>
      %dma_wait3A_144 = arith.constant 0 : i32
      %dma_wait3A_145 = arith.constant 0 : i32
      %dma_wait3A_146 = tpu.memref_slice %arg2[%dma_wait3A_144, %dma_wait3A_145] : memref<10240x128xf32, #tpu.memory_space<hbm>> -> memref<80x128xf32, #tpu.memory_space<hbm>>
      tpu.wait_dma2 semaphore(%arg18 : memref<!tpu.dma_semaphore, #tpu.memory_space<semaphore_mem>>) src(%dma_wait3A_146 : memref<80x128xf32, #tpu.memory_space<hbm>>) dst(%arg9 : memref<80x128xf32, #tpu.memory_space<vmem>>)
      %run_scoped3A_147 = arith.constant 1 : i32
      "tpu.region"() ({
        %run_scoped3A_235 = tpu.sem_alloc : memref<!tpu.dma_semaphore, #tpu.memory_space<semaphore_mem>>
        %dma_start3A_236 = arith.constant 0 : i32
        %dma_start3A_237 = tpu.memref_slice %arg5[%run_scoped3A_147, %dma_start3A_236] : memref<2x80xi32, #tpu.memory_space<vmem>> -> memref<1x80xi32, #tpu.memory_space<vmem>>
        %dma_start3A_238 = tpu.memref_squeeze %dma_start3A_237 : memref<1x80xi32, #tpu.memory_space<vmem>> -> memref<80xi32, #tpu.memory_space<vmem>>
        %dma_start3A_239 = arith.constant 0 : i32
        %dma_start3A_240 = arith.constant 0 : i32
        %dma_start3A_241 = tpu.memref_slice %arg13[%dma_start3A_239, %dma_start3A_240] : memref<10240x128xf32, #tpu.memory_space<vmem_shared>> -> memref<10240x128xf32, #tpu.memory_space<vmem_shared>>
        tpu.enqueue_indirect_dma source(%arg9 : memref<80x128xf32, #tpu.memory_space<vmem>>) target(%dma_start3A_241 : memref<10240x128xf32, #tpu.memory_space<vmem_shared>>) offsets(%dma_start3A_238 : memref<80xi32, #tpu.memory_space<vmem>>) semaphore(%run_scoped3A_235 : memref<!tpu.dma_semaphore, #tpu.memory_space<semaphore_mem>>) {add = true}
        %dma_wait3A_242 = arith.constant 0 : i32
        %dma_wait3A_243 = tpu.memref_slice %arg5[%run_scoped3A_147, %dma_wait3A_242] : memref<2x80xi32, #tpu.memory_space<vmem>> -> memref<1x80xi32, #tpu.memory_space<vmem>>
        %dma_wait3A_244 = tpu.memref_squeeze %dma_wait3A_243 : memref<1x80xi32, #tpu.memory_space<vmem>> -> memref<80xi32, #tpu.memory_space<vmem>>
        %dma_wait3A_245 = arith.constant 0 : i32
        %dma_wait3A_246 = arith.constant 0 : i32
        %dma_wait3A_247 = tpu.memref_slice %arg13[%dma_wait3A_245, %dma_wait3A_246] : memref<10240x128xf32, #tpu.memory_space<vmem_shared>> -> memref<10240x128xf32, #tpu.memory_space<vmem_shared>>
        tpu.wait_indirect_dma semaphore(%run_scoped3A_235 : memref<!tpu.dma_semaphore, #tpu.memory_space<semaphore_mem>>) src(%arg9 : memref<80x128xf32, #tpu.memory_space<vmem>>) dst(%dma_wait3A_247 : memref<10240x128xf32, #tpu.memory_space<vmem_shared>>)
        tpu.yield
      }) : () -> ()
      %add3A_148 = arith.constant 4 : i32
      %add3A_149 = arith.addi %add3A_140, %add3A_148 : i32
      %lt3A = arith.constant 125 : i32
      %lt3A_150 = arith.cmpi slt, %add3A_149, %lt3A : i32
      %convert_element_type3A = arith.extui %lt3A_150 : i1 to i32
      %cond3A = arith.constant 0 : i32
      %cond3A_151 = arith.cmpi ne, %convert_element_type3A, %cond3A : i32
      scf.if %cond3A_151 {
        %add3A_235 = arith.constant 4 : i32
        %add3A_236 = arith.addi %add3A_140, %add3A_235 : i32
        %dma_start3A_237 = arith.constant 0 : i32
        %dma_start3A_238 = arith.constant 0 : i32
        %dma_start3A_239 = tpu.memref_slice %arg3[%add3A, %add3A_236, %dma_start3A_237, %dma_start3A_238] : memref<32x125x2x80xi32, #tpu.memory_space<hbm>> -> memref<1x1x2x80xi32, #tpu.memory_space<hbm>>
        %dma_start3A_240 = tpu.memref_squeeze %dma_start3A_239 : memref<1x1x2x80xi32, #tpu.memory_space<hbm>> -> memref<2x80xi32, #tpu.memory_space<hbm>>
        %dma_start3A_241 = arith.constant 0 : i32
        %dma_start3A_242 = arith.constant 0 : i32
        %dma_start3A_243 = tpu.memref_slice %arg3[%add3A, %add3A_236, %dma_start3A_241, %dma_start3A_242] : memref<32x125x2x80xi32, #tpu.memory_space<hbm>> -> memref<1x1x2x80xi32, #tpu.memory_space<hbm>>
        %dma_start3A_244 = tpu.memref_squeeze %dma_start3A_243 : memref<1x1x2x80xi32, #tpu.memory_space<hbm>> -> memref<2x80xi32, #tpu.memory_space<hbm>>
        tpu.enqueue_dma source(%dma_start3A_244 : memref<2x80xi32, #tpu.memory_space<hbm>>) target(%arg5 : memref<2x80xi32, #tpu.memory_space<vmem>>) target_semaphore(%arg14 : memref<!tpu.dma_semaphore, #tpu.memory_space<semaphore_mem>>)
      } else {
      }
      %add3A_152 = arith.constant 4 : i32
      %add3A_153 = arith.addi %add3A_140, %add3A_152 : i32
      %sub3A = arith.constant 1 : i32
      %sub3A_154 = arith.subi %add3A_153, %sub3A : i32
      %lt3A_155 = arith.constant 125 : i32
      %lt3A_156 = arith.cmpi slt, %sub3A_154, %lt3A_155 : i32
      %convert_element_type3A_157 = arith.extui %lt3A_156 : i1 to i32
      %cond3A_158 = arith.constant 0 : i32
      %cond3A_159 = arith.cmpi ne, %convert_element_type3A_157, %cond3A_158 : i32
      scf.if %cond3A_159 {
        %dma_wait3A_235 = arith.constant 0 : i32
        %dma_wait3A_236 = arith.constant 0 : i32
        %dma_wait3A_237 = arith.constant 0 : i32
        %dma_wait3A_238 = tpu.memref_slice %arg3[%add3A, %dma_wait3A_235, %dma_wait3A_236, %dma_wait3A_237] : memref<32x125x2x80xi32, #tpu.memory_space<hbm>> -> memref<1x1x2x80xi32, #tpu.memory_space<hbm>>
        %dma_wait3A_239 = tpu.memref_squeeze %dma_wait3A_238 : memref<1x1x2x80xi32, #tpu.memory_space<hbm>> -> memref<2x80xi32, #tpu.memory_space<hbm>>
        %dma_wait3A_240 = arith.constant 0 : i32
        %dma_wait3A_241 = arith.constant 0 : i32
        %dma_wait3A_242 = tpu.memref_slice %arg3[%add3A, %dma_wait3A_235, %dma_wait3A_240, %dma_wait3A_241] : memref<32x125x2x80xi32, #tpu.memory_space<hbm>> -> memref<1x1x2x80xi32, #tpu.memory_space<hbm>>
        %dma_wait3A_243 = tpu.memref_squeeze %dma_wait3A_242 : memref<1x1x2x80xi32, #tpu.memory_space<hbm>> -> memref<2x80xi32, #tpu.memory_space<hbm>>
        tpu.wait_dma2 semaphore(%arg17 : memref<!tpu.dma_semaphore, #tpu.memory_space<semaphore_mem>>) src(%dma_wait3A_243 : memref<2x80xi32, #tpu.memory_space<hbm>>) dst(%arg8 : memref<2x80xi32, #tpu.memory_space<vmem>>)
        %dma_start3A_244 = arith.constant 0 : i32
        %dma_start3A_245 = arith.constant 0 : i32
        %dma_start3A_246 = tpu.memref_slice %arg8[%dma_start3A_244, %dma_start3A_245] : memref<2x80xi32, #tpu.memory_space<vmem>> -> memref<1x80xi32, #tpu.memory_space<vmem>>
        %dma_start3A_247 = tpu.memref_squeeze %dma_start3A_246 : memref<1x80xi32, #tpu.memory_space<vmem>> -> memref<80xi32, #tpu.memory_space<vmem>>
        %dma_start3A_248 = arith.constant 0 : i32
        %dma_start3A_249 = arith.constant 0 : i32
        %dma_start3A_250 = tpu.memref_slice %arg2[%dma_start3A_248, %dma_start3A_249] : memref<10240x128xf32, #tpu.memory_space<hbm>> -> memref<10240x128xf32, #tpu.memory_space<hbm>>
        tpu.enqueue_indirect_dma source(%dma_start3A_250 : memref<10240x128xf32, #tpu.memory_space<hbm>>) target(%arg12 : memref<80x128xf32, #tpu.memory_space<vmem>>) offsets(%dma_start3A_247 : memref<80xi32, #tpu.memory_space<vmem>>) semaphore(%arg21 : memref<!tpu.dma_semaphore, #tpu.memory_space<semaphore_mem>>)
      } else {
      }
      %add3A_160 = arith.constant 1 : i32
      %add3A_161 = arith.addi %mul3A_138, %add3A_160 : i32
      %dma_wait3A_162 = arith.constant 0 : i32
      %dma_wait3A_163 = arith.constant 0 : i32
      %dma_wait3A_164 = tpu.memref_slice %arg2[%dma_wait3A_162, %dma_wait3A_163] : memref<10240x128xf32, #tpu.memory_space<hbm>> -> memref<80x128xf32, #tpu.memory_space<hbm>>
      %dma_wait3A_165 = arith.constant 0 : i32
      %dma_wait3A_166 = arith.constant 0 : i32
      %dma_wait3A_167 = tpu.memref_slice %arg2[%dma_wait3A_165, %dma_wait3A_166] : memref<10240x128xf32, #tpu.memory_space<hbm>> -> memref<80x128xf32, #tpu.memory_space<hbm>>
      tpu.wait_dma2 semaphore(%arg19 : memref<!tpu.dma_semaphore, #tpu.memory_space<semaphore_mem>>) src(%dma_wait3A_167 : memref<80x128xf32, #tpu.memory_space<hbm>>) dst(%arg10 : memref<80x128xf32, #tpu.memory_space<vmem>>)
      %run_scoped3A_168 = arith.constant 1 : i32
      "tpu.region"() ({
        %run_scoped3A_235 = tpu.sem_alloc : memref<!tpu.dma_semaphore, #tpu.memory_space<semaphore_mem>>
        %dma_start3A_236 = arith.constant 0 : i32
        %dma_start3A_237 = tpu.memref_slice %arg6[%run_scoped3A_168, %dma_start3A_236] : memref<2x80xi32, #tpu.memory_space<vmem>> -> memref<1x80xi32, #tpu.memory_space<vmem>>
        %dma_start3A_238 = tpu.memref_squeeze %dma_start3A_237 : memref<1x80xi32, #tpu.memory_space<vmem>> -> memref<80xi32, #tpu.memory_space<vmem>>
        %dma_start3A_239 = arith.constant 0 : i32
        %dma_start3A_240 = arith.constant 0 : i32
        %dma_start3A_241 = tpu.memref_slice %arg13[%dma_start3A_239, %dma_start3A_240] : memref<10240x128xf32, #tpu.memory_space<vmem_shared>> -> memref<10240x128xf32, #tpu.memory_space<vmem_shared>>
        tpu.enqueue_indirect_dma source(%arg10 : memref<80x128xf32, #tpu.memory_space<vmem>>) target(%dma_start3A_241 : memref<10240x128xf32, #tpu.memory_space<vmem_shared>>) offsets(%dma_start3A_238 : memref<80xi32, #tpu.memory_space<vmem>>) semaphore(%run_scoped3A_235 : memref<!tpu.dma_semaphore, #tpu.memory_space<semaphore_mem>>) {add = true}
        %dma_wait3A_242 = arith.constant 0 : i32
        %dma_wait3A_243 = tpu.memref_slice %arg6[%run_scoped3A_168, %dma_wait3A_242] : memref<2x80xi32, #tpu.memory_space<vmem>> -> memref<1x80xi32, #tpu.memory_space<vmem>>
        %dma_wait3A_244 = tpu.memref_squeeze %dma_wait3A_243 : memref<1x80xi32, #tpu.memory_space<vmem>> -> memref<80xi32, #tpu.memory_space<vmem>>
        %dma_wait3A_245 = arith.constant 0 : i32
        %dma_wait3A_246 = arith.constant 0 : i32
        %dma_wait3A_247 = tpu.memref_slice %arg13[%dma_wait3A_245, %dma_wait3A_246] : memref<10240x128xf32, #tpu.memory_space<vmem_shared>> -> memref<10240x128xf32, #tpu.memory_space<vmem_shared>>
        tpu.wait_indirect_dma semaphore(%run_scoped3A_235 : memref<!tpu.dma_semaphore, #tpu.memory_space<semaphore_mem>>) src(%arg10 : memref<80x128xf32, #tpu.memory_space<vmem>>) dst(%dma_wait3A_247 : memref<10240x128xf32, #tpu.memory_space<vmem_shared>>)
        tpu.yield
      }) : () -> ()
      %add3A_169 = arith.constant 4 : i32
      %add3A_170 = arith.addi %add3A_161, %add3A_169 : i32
      %lt3A_171 = arith.constant 125 : i32
      %lt3A_172 = arith.cmpi slt, %add3A_170, %lt3A_171 : i32
      %convert_element_type3A_173 = arith.extui %lt3A_172 : i1 to i32
      %cond3A_174 = arith.constant 0 : i32
      %cond3A_175 = arith.cmpi ne, %convert_element_type3A_173, %cond3A_174 : i32
      scf.if %cond3A_175 {
        %add3A_235 = arith.constant 4 : i32
        %add3A_236 = arith.addi %add3A_161, %add3A_235 : i32
        %dma_start3A_237 = arith.constant 0 : i32
        %dma_start3A_238 = arith.constant 0 : i32
        %dma_start3A_239 = tpu.memref_slice %arg3[%add3A, %add3A_236, %dma_start3A_237, %dma_start3A_238] : memref<32x125x2x80xi32, #tpu.memory_space<hbm>> -> memref<1x1x2x80xi32, #tpu.memory_space<hbm>>
        %dma_start3A_240 = tpu.memref_squeeze %dma_start3A_239 : memref<1x1x2x80xi32, #tpu.memory_space<hbm>> -> memref<2x80xi32, #tpu.memory_space<hbm>>
        %dma_start3A_241 = arith.constant 0 : i32
        %dma_start3A_242 = arith.constant 0 : i32
        %dma_start3A_243 = tpu.memref_slice %arg3[%add3A, %add3A_236, %dma_start3A_241, %dma_start3A_242] : memref<32x125x2x80xi32, #tpu.memory_space<hbm>> -> memref<1x1x2x80xi32, #tpu.memory_space<hbm>>
        %dma_start3A_244 = tpu.memref_squeeze %dma_start3A_243 : memref<1x1x2x80xi32, #tpu.memory_space<hbm>> -> memref<2x80xi32, #tpu.memory_space<hbm>>
        tpu.enqueue_dma source(%dma_start3A_244 : memref<2x80xi32, #tpu.memory_space<hbm>>) target(%arg6 : memref<2x80xi32, #tpu.memory_space<vmem>>) target_semaphore(%arg15 : memref<!tpu.dma_semaphore, #tpu.memory_space<semaphore_mem>>)
      } else {
      }
      %add3A_176 = arith.constant 4 : i32
      %add3A_177 = arith.addi %add3A_161, %add3A_176 : i32
      %sub3A_178 = arith.constant 1 : i32
      %sub3A_179 = arith.subi %add3A_177, %sub3A_178 : i32
      %lt3A_180 = arith.constant 125 : i32
      %lt3A_181 = arith.cmpi slt, %sub3A_179, %lt3A_180 : i32
      %convert_element_type3A_182 = arith.extui %lt3A_181 : i1 to i32
      %cond3A_183 = arith.constant 0 : i32
      %cond3A_184 = arith.cmpi ne, %convert_element_type3A_182, %cond3A_183 : i32
      scf.if %cond3A_184 {
        %dma_wait3A_235 = arith.constant 0 : i32
        %dma_wait3A_236 = arith.constant 0 : i32
        %dma_wait3A_237 = arith.constant 0 : i32
        %dma_wait3A_238 = tpu.memref_slice %arg3[%add3A, %dma_wait3A_235, %dma_wait3A_236, %dma_wait3A_237] : memref<32x125x2x80xi32, #tpu.memory_space<hbm>> -> memref<1x1x2x80xi32, #tpu.memory_space<hbm>>
        %dma_wait3A_239 = tpu.memref_squeeze %dma_wait3A_238 : memref<1x1x2x80xi32, #tpu.memory_space<hbm>> -> memref<2x80xi32, #tpu.memory_space<hbm>>
        %dma_wait3A_240 = arith.constant 0 : i32
        %dma_wait3A_241 = arith.constant 0 : i32
        %dma_wait3A_242 = tpu.memref_slice %arg3[%add3A, %dma_wait3A_235, %dma_wait3A_240, %dma_wait3A_241] : memref<32x125x2x80xi32, #tpu.memory_space<hbm>> -> memref<1x1x2x80xi32, #tpu.memory_space<hbm>>
        %dma_wait3A_243 = tpu.memref_squeeze %dma_wait3A_242 : memref<1x1x2x80xi32, #tpu.memory_space<hbm>> -> memref<2x80xi32, #tpu.memory_space<hbm>>
        tpu.wait_dma2 semaphore(%arg14 : memref<!tpu.dma_semaphore, #tpu.memory_space<semaphore_mem>>) src(%dma_wait3A_243 : memref<2x80xi32, #tpu.memory_space<hbm>>) dst(%arg5 : memref<2x80xi32, #tpu.memory_space<vmem>>)
        %dma_start3A_244 = arith.constant 0 : i32
        %dma_start3A_245 = arith.constant 0 : i32
        %dma_start3A_246 = tpu.memref_slice %arg5[%dma_start3A_244, %dma_start3A_245] : memref<2x80xi32, #tpu.memory_space<vmem>> -> memref<1x80xi32, #tpu.memory_space<vmem>>
        %dma_start3A_247 = tpu.memref_squeeze %dma_start3A_246 : memref<1x80xi32, #tpu.memory_space<vmem>> -> memref<80xi32, #tpu.memory_space<vmem>>
        %dma_start3A_248 = arith.constant 0 : i32
        %dma_start3A_249 = arith.constant 0 : i32
        %dma_start3A_250 = tpu.memref_slice %arg2[%dma_start3A_248, %dma_start3A_249] : memref<10240x128xf32, #tpu.memory_space<hbm>> -> memref<10240x128xf32, #tpu.memory_space<hbm>>
        tpu.enqueue_indirect_dma source(%dma_start3A_250 : memref<10240x128xf32, #tpu.memory_space<hbm>>) target(%arg9 : memref<80x128xf32, #tpu.memory_space<vmem>>) offsets(%dma_start3A_247 : memref<80xi32, #tpu.memory_space<vmem>>) semaphore(%arg18 : memref<!tpu.dma_semaphore, #tpu.memory_space<semaphore_mem>>)
      } else {
      }
      %add3A_185 = arith.constant 2 : i32
      %add3A_186 = arith.addi %mul3A_138, %add3A_185 : i32
      %dma_wait3A_187 = arith.constant 0 : i32
      %dma_wait3A_188 = arith.constant 0 : i32
      %dma_wait3A_189 = tpu.memref_slice %arg2[%dma_wait3A_187, %dma_wait3A_188] : memref<10240x128xf32, #tpu.memory_space<hbm>> -> memref<80x128xf32, #tpu.memory_space<hbm>>
      %dma_wait3A_190 = arith.constant 0 : i32
      %dma_wait3A_191 = arith.constant 0 : i32
      %dma_wait3A_192 = tpu.memref_slice %arg2[%dma_wait3A_190, %dma_wait3A_191] : memref<10240x128xf32, #tpu.memory_space<hbm>> -> memref<80x128xf32, #tpu.memory_space<hbm>>
      tpu.wait_dma2 semaphore(%arg20 : memref<!tpu.dma_semaphore, #tpu.memory_space<semaphore_mem>>) src(%dma_wait3A_192 : memref<80x128xf32, #tpu.memory_space<hbm>>) dst(%arg11 : memref<80x128xf32, #tpu.memory_space<vmem>>)
      %run_scoped3A_193 = arith.constant 1 : i32
      "tpu.region"() ({
        %run_scoped3A_235 = tpu.sem_alloc : memref<!tpu.dma_semaphore, #tpu.memory_space<semaphore_mem>>
        %dma_start3A_236 = arith.constant 0 : i32
        %dma_start3A_237 = tpu.memref_slice %arg7[%run_scoped3A_193, %dma_start3A_236] : memref<2x80xi32, #tpu.memory_space<vmem>> -> memref<1x80xi32, #tpu.memory_space<vmem>>
        %dma_start3A_238 = tpu.memref_squeeze %dma_start3A_237 : memref<1x80xi32, #tpu.memory_space<vmem>> -> memref<80xi32, #tpu.memory_space<vmem>>
        %dma_start3A_239 = arith.constant 0 : i32
        %dma_start3A_240 = arith.constant 0 : i32
        %dma_start3A_241 = tpu.memref_slice %arg13[%dma_start3A_239, %dma_start3A_240] : memref<10240x128xf32, #tpu.memory_space<vmem_shared>> -> memref<10240x128xf32, #tpu.memory_space<vmem_shared>>
        tpu.enqueue_indirect_dma source(%arg11 : memref<80x128xf32, #tpu.memory_space<vmem>>) target(%dma_start3A_241 : memref<10240x128xf32, #tpu.memory_space<vmem_shared>>) offsets(%dma_start3A_238 : memref<80xi32, #tpu.memory_space<vmem>>) semaphore(%run_scoped3A_235 : memref<!tpu.dma_semaphore, #tpu.memory_space<semaphore_mem>>) {add = true}
        %dma_wait3A_242 = arith.constant 0 : i32
        %dma_wait3A_243 = tpu.memref_slice %arg7[%run_scoped3A_193, %dma_wait3A_242] : memref<2x80xi32, #tpu.memory_space<vmem>> -> memref<1x80xi32, #tpu.memory_space<vmem>>
        %dma_wait3A_244 = tpu.memref_squeeze %dma_wait3A_243 : memref<1x80xi32, #tpu.memory_space<vmem>> -> memref<80xi32, #tpu.memory_space<vmem>>
        %dma_wait3A_245 = arith.constant 0 : i32
        %dma_wait3A_246 = arith.constant 0 : i32
        %dma_wait3A_247 = tpu.memref_slice %arg13[%dma_wait3A_245, %dma_wait3A_246] : memref<10240x128xf32, #tpu.memory_space<vmem_shared>> -> memref<10240x128xf32, #tpu.memory_space<vmem_shared>>
        tpu.wait_indirect_dma semaphore(%run_scoped3A_235 : memref<!tpu.dma_semaphore, #tpu.memory_space<semaphore_mem>>) src(%arg11 : memref<80x128xf32, #tpu.memory_space<vmem>>) dst(%dma_wait3A_247 : memref<10240x128xf32, #tpu.memory_space<vmem_shared>>)
        tpu.yield
      }) : () -> ()
      %add3A_194 = arith.constant 4 : i32
      %add3A_195 = arith.addi %add3A_186, %add3A_194 : i32
      %lt3A_196 = arith.constant 125 : i32
      %lt3A_197 = arith.cmpi slt, %add3A_195, %lt3A_196 : i32
      %convert_element_type3A_198 = arith.extui %lt3A_197 : i1 to i32
      %cond3A_199 = arith.constant 0 : i32
      %cond3A_200 = arith.cmpi ne, %convert_element_type3A_198, %cond3A_199 : i32
      scf.if %cond3A_200 {
        %add3A_235 = arith.constant 4 : i32
        %add3A_236 = arith.addi %add3A_186, %add3A_235 : i32
        %dma_start3A_237 = arith.constant 0 : i32
        %dma_start3A_238 = arith.constant 0 : i32
        %dma_start3A_239 = tpu.memref_slice %arg3[%add3A, %add3A_236, %dma_start3A_237, %dma_start3A_238] : memref<32x125x2x80xi32, #tpu.memory_space<hbm>> -> memref<1x1x2x80xi32, #tpu.memory_space<hbm>>
        %dma_start3A_240 = tpu.memref_squeeze %dma_start3A_239 : memref<1x1x2x80xi32, #tpu.memory_space<hbm>> -> memref<2x80xi32, #tpu.memory_space<hbm>>
        %dma_start3A_241 = arith.constant 0 : i32
        %dma_start3A_242 = arith.constant 0 : i32
        %dma_start3A_243 = tpu.memref_slice %arg3[%add3A, %add3A_236, %dma_start3A_241, %dma_start3A_242] : memref<32x125x2x80xi32, #tpu.memory_space<hbm>> -> memref<1x1x2x80xi32, #tpu.memory_space<hbm>>
        %dma_start3A_244 = tpu.memref_squeeze %dma_start3A_243 : memref<1x1x2x80xi32, #tpu.memory_space<hbm>> -> memref<2x80xi32, #tpu.memory_space<hbm>>
        tpu.enqueue_dma source(%dma_start3A_244 : memref<2x80xi32, #tpu.memory_space<hbm>>) target(%arg7 : memref<2x80xi32, #tpu.memory_space<vmem>>) target_semaphore(%arg16 : memref<!tpu.dma_semaphore, #tpu.memory_space<semaphore_mem>>)
      } else {
      }
      %add3A_201 = arith.constant 4 : i32
      %add3A_202 = arith.addi %add3A_186, %add3A_201 : i32
      %sub3A_203 = arith.constant 1 : i32
      %sub3A_204 = arith.subi %add3A_202, %sub3A_203 : i32
      %lt3A_205 = arith.constant 125 : i32
      %lt3A_206 = arith.cmpi slt, %sub3A_204, %lt3A_205 : i32
      %convert_element_type3A_207 = arith.extui %lt3A_206 : i1 to i32
      %cond3A_208 = arith.constant 0 : i32
      %cond3A_209 = arith.cmpi ne, %convert_element_type3A_207, %cond3A_208 : i32
      scf.if %cond3A_209 {
        %dma_wait3A_235 = arith.constant 0 : i32
        %dma_wait3A_236 = arith.constant 0 : i32
        %dma_wait3A_237 = arith.constant 0 : i32
        %dma_wait3A_238 = tpu.memref_slice %arg3[%add3A, %dma_wait3A_235, %dma_wait3A_236, %dma_wait3A_237] : memref<32x125x2x80xi32, #tpu.memory_space<hbm>> -> memref<1x1x2x80xi32, #tpu.memory_space<hbm>>
        %dma_wait3A_239 = tpu.memref_squeeze %dma_wait3A_238 : memref<1x1x2x80xi32, #tpu.memory_space<hbm>> -> memref<2x80xi32, #tpu.memory_space<hbm>>
        %dma_wait3A_240 = arith.constant 0 : i32
        %dma_wait3A_241 = arith.constant 0 : i32
        %dma_wait3A_242 = tpu.memref_slice %arg3[%add3A, %dma_wait3A_235, %dma_wait3A_240, %dma_wait3A_241] : memref<32x125x2x80xi32, #tpu.memory_space<hbm>> -> memref<1x1x2x80xi32, #tpu.memory_space<hbm>>
        %dma_wait3A_243 = tpu.memref_squeeze %dma_wait3A_242 : memref<1x1x2x80xi32, #tpu.memory_space<hbm>> -> memref<2x80xi32, #tpu.memory_space<hbm>>
        tpu.wait_dma2 semaphore(%arg15 : memref<!tpu.dma_semaphore, #tpu.memory_space<semaphore_mem>>) src(%dma_wait3A_243 : memref<2x80xi32, #tpu.memory_space<hbm>>) dst(%arg6 : memref<2x80xi32, #tpu.memory_space<vmem>>)
        %dma_start3A_244 = arith.constant 0 : i32
        %dma_start3A_245 = arith.constant 0 : i32
        %dma_start3A_246 = tpu.memref_slice %arg6[%dma_start3A_244, %dma_start3A_245] : memref<2x80xi32, #tpu.memory_space<vmem>> -> memref<1x80xi32, #tpu.memory_space<vmem>>
        %dma_start3A_247 = tpu.memref_squeeze %dma_start3A_246 : memref<1x80xi32, #tpu.memory_space<vmem>> -> memref<80xi32, #tpu.memory_space<vmem>>
        %dma_start3A_248 = arith.constant 0 : i32
        %dma_start3A_249 = arith.constant 0 : i32
        %dma_start3A_250 = tpu.memref_slice %arg2[%dma_start3A_248, %dma_start3A_249] : memref<10240x128xf32, #tpu.memory_space<hbm>> -> memref<10240x128xf32, #tpu.memory_space<hbm>>
        tpu.enqueue_indirect_dma source(%dma_start3A_250 : memref<10240x128xf32, #tpu.memory_space<hbm>>) target(%arg10 : memref<80x128xf32, #tpu.memory_space<vmem>>) offsets(%dma_start3A_247 : memref<80xi32, #tpu.memory_space<vmem>>) semaphore(%arg19 : memref<!tpu.dma_semaphore, #tpu.memory_space<semaphore_mem>>)
      } else {
      }
      %add3A_210 = arith.constant 3 : i32
      %add3A_211 = arith.addi %mul3A_138, %add3A_210 : i32
      %dma_wait3A_212 = arith.constant 0 : i32
      %dma_wait3A_213 = arith.constant 0 : i32
      %dma_wait3A_214 = tpu.memref_slice %arg2[%dma_wait3A_212, %dma_wait3A_213] : memref<10240x128xf32, #tpu.memory_space<hbm>> -> memref<80x128xf32, #tpu.memory_space<hbm>>
      %dma_wait3A_215 = arith.constant 0 : i32
      %dma_wait3A_216 = arith.constant 0 : i32
      %dma_wait3A_217 = tpu.memref_slice %arg2[%dma_wait3A_215, %dma_wait3A_216] : memref<10240x128xf32, #tpu.memory_space<hbm>> -> memref<80x128xf32, #tpu.memory_space<hbm>>
      tpu.wait_dma2 semaphore(%arg21 : memref<!tpu.dma_semaphore, #tpu.memory_space<semaphore_mem>>) src(%dma_wait3A_217 : memref<80x128xf32, #tpu.memory_space<hbm>>) dst(%arg12 : memref<80x128xf32, #tpu.memory_space<vmem>>)
      %run_scoped3A_218 = arith.constant 1 : i32
      "tpu.region"() ({
        %run_scoped3A_235 = tpu.sem_alloc : memref<!tpu.dma_semaphore, #tpu.memory_space<semaphore_mem>>
        %dma_start3A_236 = arith.constant 0 : i32
        %dma_start3A_237 = tpu.memref_slice %arg8[%run_scoped3A_218, %dma_start3A_236] : memref<2x80xi32, #tpu.memory_space<vmem>> -> memref<1x80xi32, #tpu.memory_space<vmem>>
        %dma_start3A_238 = tpu.memref_squeeze %dma_start3A_237 : memref<1x80xi32, #tpu.memory_space<vmem>> -> memref<80xi32, #tpu.memory_space<vmem>>
        %dma_start3A_239 = arith.constant 0 : i32
        %dma_start3A_240 = arith.constant 0 : i32
        %dma_start3A_241 = tpu.memref_slice %arg13[%dma_start3A_239, %dma_start3A_240] : memref<10240x128xf32, #tpu.memory_space<vmem_shared>> -> memref<10240x128xf32, #tpu.memory_space<vmem_shared>>
        tpu.enqueue_indirect_dma source(%arg12 : memref<80x128xf32, #tpu.memory_space<vmem>>) target(%dma_start3A_241 : memref<10240x128xf32, #tpu.memory_space<vmem_shared>>) offsets(%dma_start3A_238 : memref<80xi32, #tpu.memory_space<vmem>>) semaphore(%run_scoped3A_235 : memref<!tpu.dma_semaphore, #tpu.memory_space<semaphore_mem>>) {add = true}
        %dma_wait3A_242 = arith.constant 0 : i32
        %dma_wait3A_243 = tpu.memref_slice %arg8[%run_scoped3A_218, %dma_wait3A_242] : memref<2x80xi32, #tpu.memory_space<vmem>> -> memref<1x80xi32, #tpu.memory_space<vmem>>
        %dma_wait3A_244 = tpu.memref_squeeze %dma_wait3A_243 : memref<1x80xi32, #tpu.memory_space<vmem>> -> memref<80xi32, #tpu.memory_space<vmem>>
        %dma_wait3A_245 = arith.constant 0 : i32
        %dma_wait3A_246 = arith.constant 0 : i32
        %dma_wait3A_247 = tpu.memref_slice %arg13[%dma_wait3A_245, %dma_wait3A_246] : memref<10240x128xf32, #tpu.memory_space<vmem_shared>> -> memref<10240x128xf32, #tpu.memory_space<vmem_shared>>
        tpu.wait_indirect_dma semaphore(%run_scoped3A_235 : memref<!tpu.dma_semaphore, #tpu.memory_space<semaphore_mem>>) src(%arg12 : memref<80x128xf32, #tpu.memory_space<vmem>>) dst(%dma_wait3A_247 : memref<10240x128xf32, #tpu.memory_space<vmem_shared>>)
        tpu.yield
      }) : () -> ()
      %add3A_219 = arith.constant 4 : i32
      %add3A_220 = arith.addi %add3A_211, %add3A_219 : i32
      %lt3A_221 = arith.constant 125 : i32
      %lt3A_222 = arith.cmpi slt, %add3A_220, %lt3A_221 : i32
      %convert_element_type3A_223 = arith.extui %lt3A_222 : i1 to i32
      %cond3A_224 = arith.constant 0 : i32
      %cond3A_225 = arith.cmpi ne, %convert_element_type3A_223, %cond3A_224 : i32
      scf.if %cond3A_225 {
        %add3A_235 = arith.constant 4 : i32
        %add3A_236 = arith.addi %add3A_211, %add3A_235 : i32
        %dma_start3A_237 = arith.constant 0 : i32
        %dma_start3A_238 = arith.constant 0 : i32
        %dma_start3A_239 = tpu.memref_slice %arg3[%add3A, %add3A_236, %dma_start3A_237, %dma_start3A_238] : memref<32x125x2x80xi32, #tpu.memory_space<hbm>> -> memref<1x1x2x80xi32, #tpu.memory_space<hbm>>
        %dma_start3A_240 = tpu.memref_squeeze %dma_start3A_239 : memref<1x1x2x80xi32, #tpu.memory_space<hbm>> -> memref<2x80xi32, #tpu.memory_space<hbm>>
        %dma_start3A_241 = arith.constant 0 : i32
        %dma_start3A_242 = arith.constant 0 : i32
        %dma_start3A_243 = tpu.memref_slice %arg3[%add3A, %add3A_236, %dma_start3A_241, %dma_start3A_242] : memref<32x125x2x80xi32, #tpu.memory_space<hbm>> -> memref<1x1x2x80xi32, #tpu.memory_space<hbm>>
        %dma_start3A_244 = tpu.memref_squeeze %dma_start3A_243 : memref<1x1x2x80xi32, #tpu.memory_space<hbm>> -> memref<2x80xi32, #tpu.memory_space<hbm>>
        tpu.enqueue_dma source(%dma_start3A_244 : memref<2x80xi32, #tpu.memory_space<hbm>>) target(%arg8 : memref<2x80xi32, #tpu.memory_space<vmem>>) target_semaphore(%arg17 : memref<!tpu.dma_semaphore, #tpu.memory_space<semaphore_mem>>)
      } else {
      }
      %add3A_226 = arith.constant 4 : i32
      %add3A_227 = arith.addi %add3A_211, %add3A_226 : i32
      %sub3A_228 = arith.constant 1 : i32
      %sub3A_229 = arith.subi %add3A_227, %sub3A_228 : i32
      %lt3A_230 = arith.constant 125 : i32
      %lt3A_231 = arith.cmpi slt, %sub3A_229, %lt3A_230 : i32
      %convert_element_type3A_232 = arith.extui %lt3A_231 : i1 to i32
      %cond3A_233 = arith.constant 0 : i32
      %cond3A_234 = arith.cmpi ne, %convert_element_type3A_232, %cond3A_233 : i32
      scf.if %cond3A_234 {
        %dma_wait3A_235 = arith.constant 0 : i32
        %dma_wait3A_236 = arith.constant 0 : i32
        %dma_wait3A_237 = arith.constant 0 : i32
        %dma_wait3A_238 = tpu.memref_slice %arg3[%add3A, %dma_wait3A_235, %dma_wait3A_236, %dma_wait3A_237] : memref<32x125x2x80xi32, #tpu.memory_space<hbm>> -> memref<1x1x2x80xi32, #tpu.memory_space<hbm>>
        %dma_wait3A_239 = tpu.memref_squeeze %dma_wait3A_238 : memref<1x1x2x80xi32, #tpu.memory_space<hbm>> -> memref<2x80xi32, #tpu.memory_space<hbm>>
        %dma_wait3A_240 = arith.constant 0 : i32
        %dma_wait3A_241 = arith.constant 0 : i32
        %dma_wait3A_242 = tpu.memref_slice %arg3[%add3A, %dma_wait3A_235, %dma_wait3A_240, %dma_wait3A_241] : memref<32x125x2x80xi32, #tpu.memory_space<hbm>> -> memref<1x1x2x80xi32, #tpu.memory_space<hbm>>
        %dma_wait3A_243 = tpu.memref_squeeze %dma_wait3A_242 : memref<1x1x2x80xi32, #tpu.memory_space<hbm>> -> memref<2x80xi32, #tpu.memory_space<hbm>>
        tpu.wait_dma2 semaphore(%arg16 : memref<!tpu.dma_semaphore, #tpu.memory_space<semaphore_mem>>) src(%dma_wait3A_243 : memref<2x80xi32, #tpu.memory_space<hbm>>) dst(%arg7 : memref<2x80xi32, #tpu.memory_space<vmem>>)
        %dma_start3A_244 = arith.constant 0 : i32
        %dma_start3A_245 = arith.constant 0 : i32
        %dma_start3A_246 = tpu.memref_slice %arg7[%dma_start3A_244, %dma_start3A_245] : memref<2x80xi32, #tpu.memory_space<vmem>> -> memref<1x80xi32, #tpu.memory_space<vmem>>
        %dma_start3A_247 = tpu.memref_squeeze %dma_start3A_246 : memref<1x80xi32, #tpu.memory_space<vmem>> -> memref<80xi32, #tpu.memory_space<vmem>>
        %dma_start3A_248 = arith.constant 0 : i32
        %dma_start3A_249 = arith.constant 0 : i32
        %dma_start3A_250 = tpu.memref_slice %arg2[%dma_start3A_248, %dma_start3A_249] : memref<10240x128xf32, #tpu.memory_space<hbm>> -> memref<10240x128xf32, #tpu.memory_space<hbm>>
        tpu.enqueue_indirect_dma source(%dma_start3A_250 : memref<10240x128xf32, #tpu.memory_space<hbm>>) target(%arg11 : memref<80x128xf32, #tpu.memory_space<vmem>>) offsets(%dma_start3A_247 : memref<80xi32, #tpu.memory_space<vmem>>) semaphore(%arg20 : memref<!tpu.dma_semaphore, #tpu.memory_space<semaphore_mem>>)
      } else {
      }
    }
    %scan3A_126 = arith.constant 31 : i32
    %dma_wait3A_127 = arith.constant 0 : i32
    %dma_wait3A_128 = arith.constant 0 : i32
    %dma_wait3A_129 = tpu.memref_slice %arg2[%dma_wait3A_127, %dma_wait3A_128] : memref<10240x128xf32, #tpu.memory_space<hbm>> -> memref<80x128xf32, #tpu.memory_space<hbm>>
    %dma_wait3A_130 = arith.constant 0 : i32
    %dma_wait3A_131 = arith.constant 0 : i32
    %dma_wait3A_132 = tpu.memref_slice %arg2[%dma_wait3A_130, %dma_wait3A_131] : memref<10240x128xf32, #tpu.memory_space<hbm>> -> memref<80x128xf32, #tpu.memory_space<hbm>>
    tpu.wait_dma2 semaphore(%arg18 : memref<!tpu.dma_semaphore, #tpu.memory_space<semaphore_mem>>) src(%dma_wait3A_132 : memref<80x128xf32, #tpu.memory_space<hbm>>) dst(%arg9 : memref<80x128xf32, #tpu.memory_space<vmem>>)
    %run_scoped3A = arith.constant 1 : i32
    "tpu.region"() ({
      %run_scoped3A_136 = tpu.sem_alloc : memref<!tpu.dma_semaphore, #tpu.memory_space<semaphore_mem>>
      %dma_start3A_137 = arith.constant 0 : i32
      %dma_start3A_138 = tpu.memref_slice %arg5[%run_scoped3A, %dma_start3A_137] : memref<2x80xi32, #tpu.memory_space<vmem>> -> memref<1x80xi32, #tpu.memory_space<vmem>>
      %dma_start3A_139 = tpu.memref_squeeze %dma_start3A_138 : memref<1x80xi32, #tpu.memory_space<vmem>> -> memref<80xi32, #tpu.memory_space<vmem>>
      %dma_start3A_140 = arith.constant 0 : i32
      %dma_start3A_141 = arith.constant 0 : i32
      %dma_start3A_142 = tpu.memref_slice %arg13[%dma_start3A_140, %dma_start3A_141] : memref<10240x128xf32, #tpu.memory_space<vmem_shared>> -> memref<10240x128xf32, #tpu.memory_space<vmem_shared>>
      tpu.enqueue_indirect_dma source(%arg9 : memref<80x128xf32, #tpu.memory_space<vmem>>) target(%dma_start3A_142 : memref<10240x128xf32, #tpu.memory_space<vmem_shared>>) offsets(%dma_start3A_139 : memref<80xi32, #tpu.memory_space<vmem>>) semaphore(%run_scoped3A_136 : memref<!tpu.dma_semaphore, #tpu.memory_space<semaphore_mem>>) {add = true}
      %dma_wait3A_143 = arith.constant 0 : i32
      %dma_wait3A_144 = tpu.memref_slice %arg5[%run_scoped3A, %dma_wait3A_143] : memref<2x80xi32, #tpu.memory_space<vmem>> -> memref<1x80xi32, #tpu.memory_space<vmem>>
      %dma_wait3A_145 = tpu.memref_squeeze %dma_wait3A_144 : memref<1x80xi32, #tpu.memory_space<vmem>> -> memref<80xi32, #tpu.memory_space<vmem>>
      %dma_wait3A_146 = arith.constant 0 : i32
      %dma_wait3A_147 = arith.constant 0 : i32
      %dma_wait3A_148 = tpu.memref_slice %arg13[%dma_wait3A_146, %dma_wait3A_147] : memref<10240x128xf32, #tpu.memory_space<vmem_shared>> -> memref<10240x128xf32, #tpu.memory_space<vmem_shared>>
      tpu.wait_indirect_dma semaphore(%run_scoped3A_136 : memref<!tpu.dma_semaphore, #tpu.memory_space<semaphore_mem>>) src(%arg9 : memref<80x128xf32, #tpu.memory_space<vmem>>) dst(%dma_wait3A_148 : memref<10240x128xf32, #tpu.memory_space<vmem_shared>>)
      tpu.yield
    }) : () -> ()
    %barrier3A_133 = arith.constant 0 : index
    tpu.barrier barrier_id(%barrier3A_133)
    %mul3A_134 = arith.constant 640 : i32
    %mul3A_135 = arith.muli %arg1, %mul3A_134 : i32
    "tpu.region"() ({
      %run_scoped3A_136 = tpu.sem_alloc : memref<!tpu.dma_semaphore, #tpu.memory_space<semaphore_mem>>
      %dma_start3A_137 = arith.constant 0 : i32
      %dma_start3A_138 = tpu.memref_slice %arg4[%arg0, %mul3A_135, %dma_start3A_137] : memref<2x10240x128xf32, #tpu.memory_space<hbm>> -> memref<1x640x128xf32, #tpu.memory_space<hbm>>
      %dma_start3A_139 = tpu.memref_squeeze %dma_start3A_138 : memref<1x640x128xf32, #tpu.memory_space<hbm>> -> memref<640x128xf32, #tpu.memory_space<hbm>>
      %dma_start3A_140 = arith.constant 0 : i32
      %dma_start3A_141 = tpu.memref_slice %arg13[%mul3A_135, %dma_start3A_140] : memref<10240x128xf32, #tpu.memory_space<vmem_shared>> -> memref<640x128xf32, #tpu.memory_space<vmem_shared>>
      tpu.enqueue_dma source(%dma_start3A_141 : memref<640x128xf32, #tpu.memory_space<vmem_shared>>) target(%dma_start3A_139 : memref<640x128xf32, #tpu.memory_space<hbm>>) target_semaphore(%run_scoped3A_136 : memref<!tpu.dma_semaphore, #tpu.memory_space<semaphore_mem>>)
      %dma_wait3A_142 = arith.constant 0 : i32
      %dma_wait3A_143 = tpu.memref_slice %arg4[%arg0, %mul3A_135, %dma_wait3A_142] : memref<2x10240x128xf32, #tpu.memory_space<hbm>> -> memref<1x640x128xf32, #tpu.memory_space<hbm>>
      %dma_wait3A_144 = tpu.memref_squeeze %dma_wait3A_143 : memref<1x640x128xf32, #tpu.memory_space<hbm>> -> memref<640x128xf32, #tpu.memory_space<hbm>>
      %dma_wait3A_145 = arith.constant 0 : i32
      %dma_wait3A_146 = tpu.memref_slice %arg13[%mul3A_135, %dma_wait3A_145] : memref<10240x128xf32, #tpu.memory_space<vmem_shared>> -> memref<640x128xf32, #tpu.memory_space<vmem_shared>>
      tpu.wait_dma2 semaphore(%run_scoped3A_136 : memref<!tpu.dma_semaphore, #tpu.memory_space<semaphore_mem>>) src(%dma_wait3A_146 : memref<640x128xf32, #tpu.memory_space<vmem_shared>>) dst(%dma_wait3A_144 : memref<640x128xf32, #tpu.memory_space<hbm>>)
      tpu.yield
    }) : () -> ()
    return
  }
}

module attributes {stable_mosaic.version = 14 : i64} {
  func.func @_tc1a_body(%arg0: i32, %arg1: memref<1000x128xf32, #tpu.memory_space<vmem>>, %arg2: memref<2x1000x128xf32, #tpu.memory_space<vmem>>, %arg3: memref<128x256xf32, #tpu.memory_space<vmem>>, %arg4: memref<1x256xf32, #tpu.memory_space<vmem>>, %arg5: memref<256x128xf32, #tpu.memory_space<vmem>>, %arg6: memref<1000x128xf32, #tpu.memory_space<vmem>>) attributes {dimension_semantics = [#tpu.dimension_semantics<arbitrary>], iteration_bounds = array<i64: 10>, scalar_prefetch = 0 : i64, scratch_operands = 0 : i64, tpu.core_type = #tpu.core_type<tc>, window_params = [{transform_indices = @transform_0, window_bounds = array<i64: 1000, 128>}, {transform_indices = @transform_1, window_bounds = array<i64: 2, 1000, 128>}, {pipeline_mode = #tpu.pipeline_mode<synchronous>, transform_indices = @transform_2, window_bounds = array<i64: 128, 256>}, {pipeline_mode = #tpu.pipeline_mode<synchronous>, transform_indices = @transform_3, window_bounds = array<i64: 1, 256>}, {pipeline_mode = #tpu.pipeline_mode<synchronous>, transform_indices = @transform_4, window_bounds = array<i64: 256, 128>}, {transform_indices = @transform_5, window_bounds = array<i64: 1000, 128>}]} {
    %get3A = arith.constant 0 : index
    %get3A_0 = arith.constant 0 : index
    %get3A_1 = vector.load %arg1[%get3A, %get3A_0] : memref<1000x128xf32, #tpu.memory_space<vmem>>, vector<1000x128xf32>
    %get3A_2 = arith.constant 0 : index
    %get3A_3 = arith.constant 0 : index
    %get3A_4 = arith.constant 0 : index
    %get3A_5 = vector.load %arg2[%get3A_2, %get3A_3, %get3A_4] : memref<2x1000x128xf32, #tpu.memory_space<vmem>>, vector<1x1000x128xf32>
    %get3A_6 = vector.shape_cast %get3A_5 : vector<1x1000x128xf32> to vector<1000x128xf32>
    %add3A = arith.addf %get3A_1, %get3A_6 : vector<1000x128xf32>
    %get3A_7 = arith.constant 1 : index
    %get3A_8 = arith.constant 0 : index
    %get3A_9 = arith.constant 0 : index
    %get3A_10 = vector.load %arg2[%get3A_7, %get3A_8, %get3A_9] : memref<2x1000x128xf32, #tpu.memory_space<vmem>>, vector<1x1000x128xf32>
    %get3A_11 = vector.shape_cast %get3A_10 : vector<1x1000x128xf32> to vector<1000x128xf32>
    %add3A_12 = arith.addf %add3A, %get3A_11 : vector<1000x128xf32>
    %get3A_13 = arith.constant 0 : index
    %get3A_14 = arith.constant 0 : index
    %get3A_15 = vector.load %arg3[%get3A_13, %get3A_14] : memref<128x256xf32, #tpu.memory_space<vmem>>, vector<128x256xf32>
    %dot_general3A = arith.constant dense<0.000000e+00> : vector<1000x256xf32>
    %dot_general3A_16 = tpu.matmul %add3A_12, %get3A_15, %dot_general3A {dimension_numbers = #tpu.dot_dimension_numbers<[1], [0], [0], [1], [0, 0, 1, 1], [], []>, transpose_lhs_hint = false} : vector<1000x128xf32>, vector<128x256xf32>, vector<1000x256xf32> -> vector<1000x256xf32>
    %get3A_17 = arith.constant 0 : index
    %get3A_18 = arith.constant 0 : index
    %get3A_19 = vector.load %arg4[%get3A_17, %get3A_18] : memref<1x256xf32, #tpu.memory_space<vmem>>, vector<1x256xf32>
    %add3A_20 = vector.broadcast %get3A_19 : vector<1x256xf32> to vector<1000x256xf32>
    %add3A_21 = arith.addf %dot_general3A_16, %add3A_20 : vector<1000x256xf32>
    %max3A = arith.constant 0.000000e+00 : f32
    %max3A_22 = vector.broadcast %max3A : f32 to vector<1000x256xf32>
    %max3A_23 = arith.maximumf %add3A_21, %max3A_22 : vector<1000x256xf32>
    %get3A_24 = arith.constant 0 : index
    %get3A_25 = arith.constant 0 : index
    %get3A_26 = vector.load %arg5[%get3A_24, %get3A_25] : memref<256x128xf32, #tpu.memory_space<vmem>>, vector<256x128xf32>
    %dot_general3A_27 = arith.constant dense<0.000000e+00> : vector<1000x128xf32>
    %dot_general3A_28 = tpu.matmul %max3A_23, %get3A_26, %dot_general3A_27 {dimension_numbers = #tpu.dot_dimension_numbers<[1], [0], [0], [1], [0, 0, 1, 1], [], []>, transpose_lhs_hint = false} : vector<1000x256xf32>, vector<256x128xf32>, vector<1000x128xf32> -> vector<1000x128xf32>
    %swap3A = arith.constant 0 : index
    %swap3A_29 = arith.constant 0 : index
    %swap3A_30 = vector.load %arg6[%swap3A, %swap3A_29] : memref<1000x128xf32, #tpu.memory_space<vmem>>, vector<1000x128xf32>
    tpu.vector_store %arg6[%swap3A, %swap3A_29], %dot_general3A_28 {strides = array<i32>} : memref<1000x128xf32, #tpu.memory_space<vmem>>, vector<1000x128xf32>,
    return
  }
  func.func @transform_0(%arg0: i32) -> (i32, i32) {
    %c0_i32 = arith.constant 0 : i32
    %c0_i32_0 = arith.constant 0 : i32
    return %arg0, %c0_i32 : i32, i32
  }
  func.func @transform_1(%arg0: i32) -> (i32, i32, i32) {
    %c0_i32 = arith.constant 0 : i32
    %c0_i32_0 = arith.constant 0 : i32
    %c0_i32_1 = arith.constant 0 : i32
    return %c0_i32, %arg0, %c0_i32_0 : i32, i32, i32
  }
  func.func @transform_2(%arg0: i32) -> (i32, i32) {
    %c0_i32 = arith.constant 0 : i32
    %c0_i32_0 = arith.constant 0 : i32
    %c0_i32_1 = arith.constant 0 : i32
    return %c0_i32, %c0_i32_0 : i32, i32
  }
  func.func @transform_3(%arg0: i32) -> (i32, i32) {
    %c0_i32 = arith.constant 0 : i32
    %c0_i32_0 = arith.constant 0 : i32
    %c0_i32_1 = arith.constant 0 : i32
    return %c0_i32, %c0_i32_0 : i32, i32
  }
  func.func @transform_4(%arg0: i32) -> (i32, i32) {
    %c0_i32 = arith.constant 0 : i32
    %c0_i32_0 = arith.constant 0 : i32
    %c0_i32_1 = arith.constant 0 : i32
    return %c0_i32, %c0_i32_0 : i32, i32
  }
  func.func @transform_5(%arg0: i32) -> (i32, i32) {
    %c0_i32 = arith.constant 0 : i32
    %c0_i32_0 = arith.constant 0 : i32
    return %arg0, %c0_i32 : i32, i32
  }
}

module attributes {stable_mosaic.version = 14 : i64} {
  func.func @_tc1b_body(%arg0: i32, %arg1: memref<1000x128xf32, #tpu.memory_space<vmem>>, %arg2: memref<2x1000x128xf32, #tpu.memory_space<vmem>>, %arg3: memref<1000x128xf32, #tpu.memory_space<vmem>>) attributes {dimension_semantics = [#tpu.dimension_semantics<arbitrary>], iteration_bounds = array<i64: 10>, scalar_prefetch = 0 : i64, scratch_operands = 0 : i64, tpu.core_type = #tpu.core_type<tc>, window_params = [{transform_indices = @transform_0, window_bounds = array<i64: 1000, 128>}, {transform_indices = @transform_1, window_bounds = array<i64: 2, 1000, 128>}, {transform_indices = @transform_2, window_bounds = array<i64: 1000, 128>}]} {
    %get3A = arith.constant 0 : index
    %get3A_0 = arith.constant 0 : index
    %get3A_1 = vector.load %arg1[%get3A, %get3A_0] : memref<1000x128xf32, #tpu.memory_space<vmem>>, vector<1000x128xf32>
    %get3A_2 = arith.constant 0 : index
    %get3A_3 = arith.constant 0 : index
    %get3A_4 = arith.constant 0 : index
    %get3A_5 = vector.load %arg2[%get3A_2, %get3A_3, %get3A_4] : memref<2x1000x128xf32, #tpu.memory_space<vmem>>, vector<2x1000x128xf32>
    %slice3A = vector.extract_strided_slice %get3A_5 {offsets = [0, 0, 0], sizes = [1, 1000, 128], strides = [1, 1, 1]} : vector<2x1000x128xf32> to vector<1x1000x128xf32>
    %squeeze3A = vector.shape_cast %slice3A : vector<1x1000x128xf32> to vector<1000x128xf32>
    %slice3A_6 = vector.extract_strided_slice %get3A_5 {offsets = [1, 0, 0], sizes = [1, 1000, 128], strides = [1, 1, 1]} : vector<2x1000x128xf32> to vector<1x1000x128xf32>
    %squeeze3A_7 = vector.shape_cast %slice3A_6 : vector<1x1000x128xf32> to vector<1000x128xf32>
    %add3A = arith.addf %squeeze3A, %squeeze3A_7 : vector<1000x128xf32>
    %slice3A_8 = vector.extract_strided_slice %add3A {offsets = [0, 0], sizes = [1000, 1], strides = [1, 1]} : vector<1000x128xf32> to vector<1000x1xf32>
    %gt3A = arith.constant 0.000000e+00 : f32
    %gt3A_9 = vector.broadcast %gt3A : f32 to vector<1000x1xf32>
    %gt3A_10 = arith.cmpf ogt, %slice3A_8, %gt3A_9 : vector<1000x1xf32>
    %max3A = arith.constant 9.99999996E-13 : f32
    %max3A_11 = vector.broadcast %max3A : f32 to vector<1000x1xf32>
    %max3A_12 = arith.maximumf %slice3A_8, %max3A_11 : vector<1000x1xf32>
    %rsqrt3A = math.rsqrt %max3A_12 : vector<1000x1xf32>
    %jit3A = arith.constant 0.000000e+00 : f32
    %broadcast_in_dim3A = vector.broadcast %jit3A : f32 to vector<1000x1xf32>
    %select_n3A = arith.select %gt3A_10, %rsqrt3A, %broadcast_in_dim3A : vector<1000x1xi1>, vector<1000x1xf32>
    %mul3A = vector.broadcast %select_n3A : vector<1000x1xf32> to vector<1000x128xf32>
    %mul3A_13 = arith.mulf %get3A_1, %mul3A : vector<1000x128xf32>
    %swap3A = arith.constant 0 : index
    %swap3A_14 = arith.constant 0 : index
    %swap3A_15 = vector.load %arg3[%swap3A, %swap3A_14] : memref<1000x128xf32, #tpu.memory_space<vmem>>, vector<1000x128xf32>
    tpu.vector_store %arg3[%swap3A, %swap3A_14], %mul3A_13 {strides = array<i32>} : memref<1000x128xf32, #tpu.memory_space<vmem>>, vector<1000x128xf32>,
    return
  }
  func.func @transform_0(%arg0: i32) -> (i32, i32) {
    %c0_i32 = arith.constant 0 : i32
    %c0_i32_0 = arith.constant 0 : i32
    return %arg0, %c0_i32 : i32, i32
  }
  func.func @transform_1(%arg0: i32) -> (i32, i32, i32) {
    %c0_i32 = arith.constant 0 : i32
    %c0_i32_0 = arith.constant 0 : i32
    %c0_i32_1 = arith.constant 0 : i32
    return %c0_i32, %arg0, %c0_i32_0 : i32, i32, i32
  }
  func.func @transform_2(%arg0: i32) -> (i32, i32) {
    %c0_i32 = arith.constant 0 : i32
    %c0_i32_0 = arith.constant 0 : i32
    return %arg0, %c0_i32 : i32, i32
  }
}

module attributes {stable_mosaic.version = 14 : i64} {
  func.func @_tc2_body(%arg0: i32, %arg1: memref<2x1024x128xf32, #tpu.memory_space<vmem>>, %arg2: memref<2x1024x128xf32, #tpu.memory_space<vmem>>, %arg3: memref<1x128xf32, #tpu.memory_space<vmem>>, %arg4: memref<128x128xf32, #tpu.memory_space<vmem>>, %arg5: memref<1024x128xf32, #tpu.memory_space<vmem>>) attributes {dimension_semantics = [#tpu.dimension_semantics<arbitrary>], iteration_bounds = array<i64: 10>, scalar_prefetch = 0 : i64, scratch_operands = 0 : i64, tpu.core_type = #tpu.core_type<tc>, window_params = [{transform_indices = @transform_0, window_bounds = array<i64: 2, 1024, 128>}, {transform_indices = @transform_1, window_bounds = array<i64: 2, 1024, 128>}, {pipeline_mode = #tpu.pipeline_mode<synchronous>, transform_indices = @transform_2, window_bounds = array<i64: 1, 128>}, {pipeline_mode = #tpu.pipeline_mode<synchronous>, transform_indices = @transform_3, window_bounds = array<i64: 128, 128>}, {transform_indices = @transform_4, window_bounds = array<i64: 1024, 128>}]} {
    %get3A = arith.constant 0 : index
    %get3A_0 = arith.constant 0 : index
    %get3A_1 = arith.constant 0 : index
    %get3A_2 = vector.load %arg1[%get3A, %get3A_0, %get3A_1] : memref<2x1024x128xf32, #tpu.memory_space<vmem>>, vector<1x1024x128xf32>
    %get3A_3 = vector.shape_cast %get3A_2 : vector<1x1024x128xf32> to vector<1024x128xf32>
    %get3A_4 = arith.constant 1 : index
    %get3A_5 = arith.constant 0 : index
    %get3A_6 = arith.constant 0 : index
    %get3A_7 = vector.load %arg1[%get3A_4, %get3A_5, %get3A_6] : memref<2x1024x128xf32, #tpu.memory_space<vmem>>, vector<1x1024x128xf32>
    %get3A_8 = vector.shape_cast %get3A_7 : vector<1x1024x128xf32> to vector<1024x128xf32>
    %add3A = arith.addf %get3A_3, %get3A_8 : vector<1024x128xf32>
    %get3A_9 = arith.constant 0 : index
    %get3A_10 = arith.constant 0 : index
    %get3A_11 = arith.constant 0 : index
    %get3A_12 = vector.load %arg2[%get3A_9, %get3A_10, %get3A_11] : memref<2x1024x128xf32, #tpu.memory_space<vmem>>, vector<2x1024x128xf32>
    %slice3A = vector.extract_strided_slice %get3A_12 {offsets = [0, 0, 0], sizes = [1, 1024, 128], strides = [1, 1, 1]} : vector<2x1024x128xf32> to vector<1x1024x128xf32>
    %squeeze3A = vector.shape_cast %slice3A : vector<1x1024x128xf32> to vector<1024x128xf32>
    %slice3A_13 = vector.extract_strided_slice %get3A_12 {offsets = [1, 0, 0], sizes = [1, 1024, 128], strides = [1, 1, 1]} : vector<2x1024x128xf32> to vector<1x1024x128xf32>
    %squeeze3A_14 = vector.shape_cast %slice3A_13 : vector<1x1024x128xf32> to vector<1024x128xf32>
    %add3A_15 = arith.addf %squeeze3A, %squeeze3A_14 : vector<1024x128xf32>
    %slice3A_16 = vector.extract_strided_slice %add3A_15 {offsets = [0, 0], sizes = [1024, 1], strides = [1, 1]} : vector<1024x128xf32> to vector<1024x1xf32>
    %gt3A = arith.constant 0.000000e+00 : f32
    %gt3A_17 = vector.broadcast %gt3A : f32 to vector<1024x1xf32>
    %gt3A_18 = arith.cmpf ogt, %slice3A_16, %gt3A_17 : vector<1024x1xf32>
    %max3A = arith.constant 9.99999996E-13 : f32
    %max3A_19 = vector.broadcast %max3A : f32 to vector<1024x1xf32>
    %max3A_20 = arith.maximumf %slice3A_16, %max3A_19 : vector<1024x1xf32>
    %rsqrt3A = math.rsqrt %max3A_20 : vector<1024x1xf32>
    %jit3A = arith.constant 0.000000e+00 : f32
    %broadcast_in_dim3A = vector.broadcast %jit3A : f32 to vector<1024x1xf32>
    %select_n3A = arith.select %gt3A_18, %rsqrt3A, %broadcast_in_dim3A : vector<1024x1xi1>, vector<1024x1xf32>
    %mul3A = vector.broadcast %select_n3A : vector<1024x1xf32> to vector<1024x128xf32>
    %mul3A_21 = arith.mulf %add3A, %mul3A : vector<1024x128xf32>
    %get3A_22 = arith.constant 0 : index
    %get3A_23 = arith.constant 0 : index
    %get3A_24 = vector.load %arg3[%get3A_22, %get3A_23] : memref<1x128xf32, #tpu.memory_space<vmem>>, vector<1x128xf32>
    %add3A_25 = vector.broadcast %get3A_24 : vector<1x128xf32> to vector<1024x128xf32>
    %add3A_26 = arith.addf %mul3A_21, %add3A_25 : vector<1024x128xf32>
    %max3A_27 = arith.constant 0.000000e+00 : f32
    %max3A_28 = vector.broadcast %max3A_27 : f32 to vector<1024x128xf32>
    %max3A_29 = arith.maximumf %add3A_26, %max3A_28 : vector<1024x128xf32>
    %get3A_30 = arith.constant 0 : index
    %get3A_31 = arith.constant 0 : index
    %get3A_32 = vector.load %arg4[%get3A_30, %get3A_31] : memref<128x128xf32, #tpu.memory_space<vmem>>, vector<128x128xf32>
    %dot_general3A = arith.constant dense<0.000000e+00> : vector<1024x128xf32>
    %dot_general3A_33 = tpu.matmul %max3A_29, %get3A_32, %dot_general3A {dimension_numbers = #tpu.dot_dimension_numbers<[1], [0], [0], [1], [0, 0, 1, 1], [], []>, transpose_lhs_hint = false} : vector<1024x128xf32>, vector<128x128xf32>, vector<1024x128xf32> -> vector<1024x128xf32>
    %swap3A = arith.constant 0 : index
    %swap3A_34 = arith.constant 0 : index
    %swap3A_35 = vector.load %arg5[%swap3A, %swap3A_34] : memref<1024x128xf32, #tpu.memory_space<vmem>>, vector<1024x128xf32>
    tpu.vector_store %arg5[%swap3A, %swap3A_34], %dot_general3A_33 {strides = array<i32>} : memref<1024x128xf32, #tpu.memory_space<vmem>>, vector<1024x128xf32>,
    return
  }
  func.func @transform_0(%arg0: i32) -> (i32, i32, i32) {
    %c0_i32 = arith.constant 0 : i32
    %c0_i32_0 = arith.constant 0 : i32
    %c0_i32_1 = arith.constant 0 : i32
    return %c0_i32, %arg0, %c0_i32_0 : i32, i32, i32
  }
  func.func @transform_1(%arg0: i32) -> (i32, i32, i32) {
    %c0_i32 = arith.constant 0 : i32
    %c0_i32_0 = arith.constant 0 : i32
    %c0_i32_1 = arith.constant 0 : i32
    return %c0_i32, %arg0, %c0_i32_0 : i32, i32, i32
  }
  func.func @transform_2(%arg0: i32) -> (i32, i32) {
    %c0_i32 = arith.constant 0 : i32
    %c0_i32_0 = arith.constant 0 : i32
    %c0_i32_1 = arith.constant 0 : i32
    return %c0_i32, %c0_i32_0 : i32, i32
  }
  func.func @transform_3(%arg0: i32) -> (i32, i32) {
    %c0_i32 = arith.constant 0 : i32
    %c0_i32_0 = arith.constant 0 : i32
    %c0_i32_1 = arith.constant 0 : i32
    return %c0_i32, %c0_i32_0 : i32, i32
  }
  func.func @transform_4(%arg0: i32) -> (i32, i32) {
    %c0_i32 = arith.constant 0 : i32
    %c0_i32_0 = arith.constant 0 : i32
    return %arg0, %c0_i32 : i32, i32
  }
}

module attributes {stable_mosaic.version = 14 : i64} {
  func.func @_tc3_body(%arg0: i32, %arg1: memref<2x1000x128xf32, #tpu.memory_space<vmem>>, %arg2: memref<1000x128xf32, #tpu.memory_space<vmem>>, %arg3: memref<1x128xf32, #tpu.memory_space<vmem>>, %arg4: memref<1000x1xi32, #tpu.memory_space<vmem>>, %arg5: memref<64x16xf32, #tpu.memory_space<vmem>>) attributes {dimension_semantics = [#tpu.dimension_semantics<arbitrary>], iteration_bounds = array<i64: 10>, scalar_prefetch = 0 : i64, scratch_operands = 0 : i64, tpu.core_type = #tpu.core_type<tc>, window_params = [{transform_indices = @transform_0, window_bounds = array<i64: 2, 1000, 128>}, {transform_indices = @transform_1, window_bounds = array<i64: 1000, 128>}, {pipeline_mode = #tpu.pipeline_mode<synchronous>, transform_indices = @transform_2, window_bounds = array<i64: 1, 128>}, {transform_indices = @transform_3, window_bounds = array<i64: 1000, 1>}, {pipeline_mode = #tpu.pipeline_mode<synchronous>, transform_indices = @transform_4, window_bounds = array<i64: 64, 16>}]} {
    %get3A = arith.constant 0 : index
    %get3A_0 = arith.constant 0 : index
    %get3A_1 = arith.constant 0 : index
    %get3A_2 = vector.load %arg1[%get3A, %get3A_0, %get3A_1] : memref<2x1000x128xf32, #tpu.memory_space<vmem>>, vector<1x1000x128xf32>
    %get3A_3 = vector.shape_cast %get3A_2 : vector<1x1000x128xf32> to vector<1000x128xf32>
    %get3A_4 = arith.constant 1 : index
    %get3A_5 = arith.constant 0 : index
    %get3A_6 = arith.constant 0 : index
    %get3A_7 = vector.load %arg1[%get3A_4, %get3A_5, %get3A_6] : memref<2x1000x128xf32, #tpu.memory_space<vmem>>, vector<1x1000x128xf32>
    %get3A_8 = vector.shape_cast %get3A_7 : vector<1x1000x128xf32> to vector<1000x128xf32>
    %add3A = arith.addf %get3A_3, %get3A_8 : vector<1000x128xf32>
    %get3A_9 = arith.constant 0 : index
    %get3A_10 = arith.constant 0 : index
    %get3A_11 = vector.load %arg2[%get3A_9, %get3A_10] : memref<1000x128xf32, #tpu.memory_space<vmem>>, vector<1000x128xf32>
    %add3A_12 = arith.addf %add3A, %get3A_11 : vector<1000x128xf32>
    %get3A_13 = arith.constant 0 : index
    %get3A_14 = arith.constant 0 : index
    %get3A_15 = vector.load %arg3[%get3A_13, %get3A_14] : memref<1x128xf32, #tpu.memory_space<vmem>>, vector<1x128xf32>
    %add3A_16 = vector.broadcast %get3A_15 : vector<1x128xf32> to vector<1000x128xf32>
    %add3A_17 = arith.addf %add3A_12, %add3A_16 : vector<1000x128xf32>
    %max3A = arith.constant 0.000000e+00 : f32
    %max3A_18 = vector.broadcast %max3A : f32 to vector<1000x128xf32>
    %max3A_19 = arith.maximumf %add3A_17, %max3A_18 : vector<1000x128xf32>
    %slice3A = vector.extract_strided_slice %max3A_19 {offsets = [0, 0], sizes = [1000, 16], strides = [1, 1]} : vector<1000x128xf32> to vector<1000x16xf32>
    %get3A_20 = arith.constant 0 : index
    %get3A_21 = arith.constant 0 : index
    %get3A_22 = vector.load %arg4[%get3A_20, %get3A_21] : memref<1000x1xi32, #tpu.memory_space<vmem>>, vector<1000x1xi32>
    %iota3A = tpu.iota {dimensions = array<i32: 1>} : vector<1000x64xi32>
    %eq3A = vector.broadcast %get3A_22 : vector<1000x1xi32> to vector<1000x64xi32>
    %eq3A_23 = arith.cmpi eq, %eq3A, %iota3A : vector<1000x64xi32>
    %convert_element_type3A = arith.extui %eq3A_23 : vector<1000x64xi1> to vector<1000x64xi32>
    %convert_element_type3A_24 = arith.sitofp %convert_element_type3A : vector<1000x64xi32> to vector<1000x64xf32>
    %dot_general3A = arith.constant dense<0.000000e+00> : vector<64x16xf32>
    %dot_general3A_25 = tpu.matmul %convert_element_type3A_24, %slice3A, %dot_general3A {dimension_numbers = #tpu.dot_dimension_numbers<[0], [0], [1], [1], [0, 1, 1, 1], [], []>, transpose_lhs_hint = false} : vector<1000x64xf32>, vector<1000x16xf32>, vector<64x16xf32> -> vector<64x16xf32>
    %eq3A_26 = arith.constant 0 : i32
    %eq3A_27 = arith.cmpi eq, %arg0, %eq3A_26 : i32
    %convert_element_type3A_28 = arith.extui %eq3A_27 : i1 to i32
    %cond3A = arith.constant 0 : i32
    %cond3A_29 = arith.cmpi ne, %convert_element_type3A_28, %cond3A : i32
    scf.if %cond3A_29 {
      %swap3A = arith.constant 0 : index
      %swap3A_39 = arith.constant 0 : index
      %swap3A_40 = vector.load %arg5[%swap3A, %swap3A_39] : memref<64x16xf32, #tpu.memory_space<vmem>>, vector<64x16xf32>
      tpu.vector_store %arg5[%swap3A, %swap3A_39], %dot_general3A_25 {strides = array<i32>} : memref<64x16xf32, #tpu.memory_space<vmem>>, vector<64x16xf32>,
    } else {
    }
    %gt3A = arith.constant 0 : i32
    %gt3A_30 = arith.cmpi sgt, %arg0, %gt3A : i32
    %convert_element_type3A_31 = arith.extui %gt3A_30 : i1 to i32
    %cond3A_32 = arith.constant 0 : i32
    %cond3A_33 = arith.cmpi ne, %convert_element_type3A_31, %cond3A_32 : i32
    scf.if %cond3A_33 {
      %get3A_39 = arith.constant 0 : index
      %get3A_40 = arith.constant 0 : index
      %get3A_41 = vector.load %arg5[%get3A_39, %get3A_40] : memref<64x16xf32, #tpu.memory_space<vmem>>, vector<64x16xf32>
      %add3A_42 = arith.addf %get3A_41, %dot_general3A_25 : vector<64x16xf32>
      %swap3A = arith.constant 0 : index
      %swap3A_43 = arith.constant 0 : index
      %swap3A_44 = vector.load %arg5[%swap3A, %swap3A_43] : memref<64x16xf32, #tpu.memory_space<vmem>>, vector<64x16xf32>
      tpu.vector_store %arg5[%swap3A, %swap3A_43], %add3A_42 {strides = array<i32>} : memref<64x16xf32, #tpu.memory_space<vmem>>, vector<64x16xf32>,
    } else {
    }
    %eq3A_34 = arith.constant 9 : i32
    %eq3A_35 = arith.cmpi eq, %arg0, %eq3A_34 : i32
    %convert_element_type3A_36 = arith.extui %eq3A_35 : i1 to i32
    %cond3A_37 = arith.constant 0 : i32
    %cond3A_38 = arith.cmpi ne, %convert_element_type3A_36, %cond3A_37 : i32
    scf.if %cond3A_38 {
      %get3A_39 = arith.constant 0 : index
      %get3A_40 = arith.constant 0 : index
      %get3A_41 = vector.load %arg5[%get3A_39, %get3A_40] : memref<64x16xf32, #tpu.memory_space<vmem>>, vector<64x16xf32>
      %reduce_max3A = arith.constant dense<0xFF800000> : vector<64xf32>
      %reduce_max3A_42 = vector.multi_reduction <maximumf>, %get3A_41, %reduce_max3A [1] : vector<64x16xf32> to vector<64xf32>
      %broadcast_in_dim3A = vector.shape_cast %reduce_max3A_42 : vector<64xf32> to vector<64x1xf32>
      %sub3A = vector.broadcast %broadcast_in_dim3A : vector<64x1xf32> to vector<64x16xf32>
      %sub3A_43 = arith.subf %get3A_41, %sub3A : vector<64x16xf32>
      %exp3A = math.exp %sub3A_43 : vector<64x16xf32>
      %reduce_sum3A = arith.constant dense<0.000000e+00> : vector<64xf32>
      %reduce_sum3A_44 = vector.multi_reduction <add>, %exp3A, %reduce_sum3A [1] : vector<64x16xf32> to vector<64xf32>
      %broadcast_in_dim3A_45 = vector.shape_cast %reduce_sum3A_44 : vector<64xf32> to vector<64x1xf32>
      %log3A = math.log %broadcast_in_dim3A_45 : vector<64x1xf32>
      %add3A_46 = arith.addf %log3A, %broadcast_in_dim3A : vector<64x1xf32>
      %sub3A_47 = vector.broadcast %add3A_46 : vector<64x1xf32> to vector<64x16xf32>
      %sub3A_48 = arith.subf %get3A_41, %sub3A_47 : vector<64x16xf32>
      %swap3A = arith.constant 0 : index
      %swap3A_49 = arith.constant 0 : index
      %swap3A_50 = vector.load %arg5[%swap3A, %swap3A_49] : memref<64x16xf32, #tpu.memory_space<vmem>>, vector<64x16xf32>
      tpu.vector_store %arg5[%swap3A, %swap3A_49], %sub3A_48 {strides = array<i32>} : memref<64x16xf32, #tpu.memory_space<vmem>>, vector<64x16xf32>,
    } else {
    }
    return
  }
  func.func @transform_0(%arg0: i32) -> (i32, i32, i32) {
    %c0_i32 = arith.constant 0 : i32
    %c0_i32_0 = arith.constant 0 : i32
    %c0_i32_1 = arith.constant 0 : i32
    return %c0_i32, %arg0, %c0_i32_0 : i32, i32, i32
  }
  func.func @transform_1(%arg0: i32) -> (i32, i32) {
    %c0_i32 = arith.constant 0 : i32
    %c0_i32_0 = arith.constant 0 : i32
    return %arg0, %c0_i32 : i32, i32
  }
  func.func @transform_2(%arg0: i32) -> (i32, i32) {
    %c0_i32 = arith.constant 0 : i32
    %c0_i32_0 = arith.constant 0 : i32
    %c0_i32_1 = arith.constant 0 : i32
    return %c0_i32, %c0_i32_0 : i32, i32
  }
  func.func @transform_3(%arg0: i32) -> (i32, i32) {
    %c0_i32 = arith.constant 0 : i32
    %c0_i32_0 = arith.constant 0 : i32
    return %arg0, %c0_i32 : i32, i32
  }
  func.func @transform_4(%arg0: i32) -> (i32, i32) {
    %c0_i32 = arith.constant 0 : i32
    %c0_i32_0 = arith.constant 0 : i32
    %c0_i32_1 = arith.constant 0 : i32
    return %c0_i32, %c0_i32_0 : i32, i32
  }
}

</mosaic_0001>

<sc_bundles>
// kernel: kernel.10.cloned.1.call-start
scs
__scs_entry_jumppad:
0x0: {  	(pc) =	sbr.rel $0x88, $3  }
0x1: {  	(tag) =	ssettag $0x0;
	lr =	simm.s32 $0x1  }
0x2: {  	[smem:$0x3F98] =	sst lr;
	_ =	strace $0xD0000000  }
0x3: {  	_ = 	snop  }
0x4: {  	_ = 	snop  }
0x5: {  	_ = 	snop  }
0x6: {  	_ = 	snop  }
0x7: {  	_ = 	snop  }
__scs_overlays_trampoline_lowered:
0x8: {  	[smem:$0x3FA7] =	sst s0  }
0x9: {  	[smem:$0x3FA8] =	sst s1  }
0xa: {  	[smem:$0x3FA9] =	sst s2  }
0xb: {  	[smem:$0x3FAA] =	sst s3  }
0xc: {  	[smem:$0x3FAB] =	sst s4  }
0xd: {  	[smem:$0x3FAC] =	sst s5  }
0xe: {  	[smem:$0x3FAD] =	sst s6  }
0xf: {  	[smem:$0x3FAE] =	sst s7  }
0x10: {  	[smem:$0x3FAF] =	sst s8  }
0x11: {  	[smem:$0x3FB0] =	sst s9;
	s0 =	simm.s32 @!p0 $0x0  }
0x12: {  	s1 =	sld [smem:$0x3F96];
	s0 =	simm.s32 @p0 $0x1  }
0x13: {  	[smem:$0x3FB1] =	sst s0;
	s0 =	simm.s32 @!p1 $0x0  }
0x14: {  	s2 =	sld [smem:$0x3F95];
	s0 =	simm.s32 @p1 $0x1  }
0x15: {  	[smem:$0x3FB2] =	sst s0;
	s0 =	simm.s32 @!p2 $0x0  }
0x16: {  	s3 =	sld [smem:$0x3FDB];
	s0 =	simm.s32 @p2 $0x1  }
0x17: {  	s4 =	simm.s32 $0x1BF5;
	[smem:$0x3FB4] =	sst s0  }
0x18: {  	s0 =	sld [smem:$0x3F97];
	_ =	swait.ge [sflag:s4], $0x0  }
0x19: {  	s7 =	sld [smem:$0x3F98]  }
0x1a: {  	s8 =	sadd.s32 $0xFFFFE003, lr  }
0x1b: {  	s9 =	sadd.s32 $0xFFFFFEF7, lr;
	s5 =	simm.s32 $0xFFFFFFFF;
	p2 =	slt.u32 s8, $0xFFFFF086  }
0x1c: {  	p1 =	slt.u32 s9, $0xF7A;
	s5 =	simm.s32 @!p2 $0x0  }
0x1d: {  	s5 =	simm.s32 @p1 $0x1;
	p0 =	seq.s32 s7, s2  }
0x1e: {  	s7 =	smul.u32 @!p0 $0xF7A, s2;
	p2 =	seq.s32 @!p0 s5, $0x0  }
0x1f: {  	s9 =	smul.u32 $0xF7A, s1;
	s8 =	simm.s32 @!p0 $0x1BF5;
	p2 =	por !p2, p0  }
0x20: {  	[sflag:s8] =	ssyncset.s32 @!p0 $0xFFFFF086;
	s6 =	sadd.s32 @!p0 s3, s7;
	s7 =	simm.s32 @!p0 $0x108  }
0x21: {  	s3 =	sadd.s32 s3, s9;
	s6 =	sadd.s32 @!p0 $0x88, s6;
	s7 =	simm.s32 @p2 $0x1082  }
0x22: {  	[simem:s7], [sflag:s8] =	dma.local @!p0 [hbm:s6], $0xF7A  }
0x23: {  	s9 =	sor.u32 $0xD0000000, s2;
	s6 =	simm.s32 $0x108;
	_ =	swait.ge @!p0 [sflag:s8], $0x0  }
0x24: {  	s3 =	sadd.s32 $0x88, s3;
	s6 =	simm.s32 @!p1 $0x1082;
	[sflag:s4] =	ssyncset.s32 $0xFFFFF086  }
0x25: {  	[simem:s6], [sflag:s4] =	dma.local [hbm:s3], $0xF7A  }
0x26: {  	[smem:$0x3F98] =	sst s1;
	(tag) =	ssettag s2;
	_ =	strace s9  }
0x27: {  	s1 =	sld [smem:$0x3FA8]  }
0x28: {  	s2 =	sld [smem:$0x3FA9]  }
0x29: {  	s4 =	sld [smem:$0x3FAB]  }
0x2a: {  	p0 =	seq.s32 s5, $0x0;
	s5 =	sld [smem:$0x3FAC]  }
0x2b: {  	s6 =	sld [smem:$0x3FAD]  }
0x2c: {  	s7 =	sld [smem:$0x3FAE]  }
0x2d: {  	s3 =	simm.s32 $0x108;
	s8 =	sld [smem:$0x3FAF]  }
0x2e: {  	s3 =	simm.s32 @!p0 $0x1082;
	s9 =	sld [smem:$0x3FB0]  }
0x2f: {  	lr =	sadd.s32 s0, s3;
	s0 =	sld [smem:$0x3FA7]  }
0x30: {  	s3 =	sld [smem:$0x3FAA]  }
0x31: {  	[smem:$0x3FB3] =	sst s10  }
0x32: {  	s10 =	sld [smem:$0x3FB1];
	_ =	sdelay $0x3  }
0x33: {  	p0 =	seq.s32 s10, $0x1;
	s10 =	sld [smem:$0x3FB3];
	_ =	sdelay $0x3  }
0x34: {  	[smem:$0x3FB3] =	sst s10  }
0x35: {  	s10 =	sld [smem:$0x3FB2];
	_ =	sdelay $0x3  }
0x36: {  	p1 =	seq.s32 s10, $0x1;
	s10 =	sld [smem:$0x3FB3];
	_ =	sdelay $0x3  }
0x37: {  	[smem:$0x3FB3] =	sst s10  }
0x38: {  	s10 =	sld [smem:$0x3FB4]  }
0x39: {  	_ = 	snop;
	(pc) =	sbr.ind lr, $3  }
0x3a: {  	_ = 	snop  }
0x3b: {  	_ = 	snop  }
0x3c: {  	p2 =	seq.s32 s10, $0x1;
	s10 =	sld [smem:$0x3FB3]  }
0x3d: {  	_ =	shalt  }
0x3e: {  	_ =	shalt  }
0x3f: {  	_ =	shalt  }
0x40: {  	_ =	shalt  }
0x41: {  	_ =	shalt  }
0x42: {  	_ =	shalt  }
0x43: {  	_ =	shalt  }
0x44: {  	_ =	shalt  }
0x45: {  	_ =	shalt  }
0x46: {  	_ =	shalt  }
0x47: {  	_ =	shalt  }
0x48: {  	_ =	shalt  }
0x49: {  	_ =	shalt  }
0x4a: {  	_ =	shalt  }
0x4b: {  	_ =	shalt  }
0x4c: {  	_ =	shalt  }
0x4d: {  	_ =	shalt  }
0x4e: {  	_ =	shalt  }
0x4f: {  	_ =	shalt  }
0x50: {  	_ =	shalt  }
0x51: {  	_ =	shalt  }
0x52: {  	_ =	shalt  }
0x53: {  	_ =	shalt  }
0x54: {  	_ =	shalt  }
0x55: {  	_ =	shalt  }
0x56: {  	_ =	shalt  }
0x57: {  	_ =	shalt  }
0x58: {  	_ =	shalt  }
0x59: {  	_ =	shalt  }
0x5a: {  	_ =	shalt  }
0x5b: {  	_ =	shalt  }
0x5c: {  	_ =	shalt  }
0x5d: {  	_ =	shalt  }
0x5e: {  	_ =	shalt  }
0x5f: {  	_ =	shalt  }
0x60: {  	_ =	shalt  }
0x61: {  	_ =	shalt  }
0x62: {  	_ =	shalt  }
0x63: {  	_ =	shalt  }
0x64: {  	_ =	shalt  }
0x65: {  	_ =	shalt  }
0x66: {  	_ =	shalt  }
0x67: {  	_ =	shalt  }
0x68: {  	_ =	shalt  }
0x69: {  	_ =	shalt  }
0x6a: {  	_ =	shalt  }
0x6b: {  	_ =	shalt  }
0x6c: {  	_ =	shalt  }
0x6d: {  	_ =	shalt  }
0x6e: {  	_ =	shalt  }
0x6f: {  	_ =	shalt  }
0x70: {  	_ =	shalt  }
0x71: {  	_ =	shalt  }
0x72: {  	_ =	shalt  }
0x73: {  	_ =	shalt  }
0x74: {  	_ =	shalt  }
0x75: {  	_ =	shalt  }
0x76: {  	_ =	shalt  }
0x77: {  	_ =	shalt  }
0x78: {  	_ =	shalt  }
0x79: {  	_ =	shalt  }
0x7a: {  	_ =	shalt  }
0x7b: {  	_ =	shalt  }
0x7c: {  	_ =	shalt  }
0x7d: {  	_ =	shalt  }
0x7e: {  	_ =	shalt  }
0x7f: {  	_ =	shalt  }
0x80: {  	_ =	shalt  }
0x81: {  	_ =	shalt  }
0x82: {  	_ =	shalt  }
0x83: {  	_ =	shalt  }
0x84: {  	_ =	shalt  }
0x85: {  	_ =	shalt  }
0x86: {  	_ =	shalt  }
0x87: {  	_ =	shalt  }
.Lfunc_end0:
.L_simem_size_0:
called_computation_lowered:
.L_overlay_start_0:
0x88: {  	s2 =	sld [smem:$0x3FD9]  }
0x89: {  	s3 =	sld [smem:$0x3FFE];
	_ =	sdelay $0x1  }
0x8a: {  	s1 =	srdreg.scid  }
0x8b: {  	s0 =	sand.u32 $0x1, s1  }
0x8c: {  	s17 =	sshll.u32 s0, $0xA;
	s2 =	sadd.s32 s3, s2  }
0x8d: {  	s2 =	sadd.s32 s2, s17  }
0x8e: {  	[smem:$0x3FBF] =	sst s2  }
0x8f: {  	_ = 	snop  }
0x90: {  	s2 =	sld [smem:$0x3FC9];
	(tm) =	ssettm $0x1  }
0x91: {  	s18 =	sld [smem:$0x3FFB];
	_ =	sdelay $0x3  }
0x92: {  	_ =	strace s18  }
0x93: {  	s3 =	sld [smem:$0x3FFC];
	_ =	sdelay $0x3  }
0x94: {  	_ =	strace s3  }
0x95: {  	s3 =	sld [smem:$0x3FFD];
	_ =	sdelay $0x3  }
0x96: {  	_ =	strace s3  }
0x97: {  	_ =	strace $0x8FFFFFFF  }
0x98: {  	s19 =	sld [smem:$0x3FDB];
	_ =	sdelay $0x1  }
0x99: {  	s4 =	simm.s32 $_scs_section_size  }
0x9a: {  	s5 =	simm.s32 $_size__tile_overlayer_lowered;
	s6 =	simm.s32 $_tile_overlayer_lowered  }
0x9b: {  	s22 =	simm.s32 $0x1BFF;
	s21 =	sshll.u32 s6, $0x1;
	s3 =	sadd.s32 s4, s19  }
0x9c: {  	s7 =	simm.s32 $0x0;
	s20 =	sshll.u32 s5, $0x1;
	s5 =	sadd.s32 s21, s3  }
0x9d: {  	[timem:s7], [sflag:s22] =	dma.local [hbm:s5], s20  }
0x9e: {  	_ =	swait.ge [sflag:s22], s20  }
0x9f: {  	s4 =	ssub.s32 $0x0, s20;
	[sflag:s22] =	ssyncset.done $0x0  }
0xa0: {  	[sflag:s22] =	ssyncadd.s32 s4;
	_ =	sdelay $0x1  }
0xa1: {  	s23 =	simm.s32 $0x1B8B  }
0xa2: {  	_ =	swait.ge [sflag:s23], $0x1  }
0xa3: {  	[sflag:s23] =	ssyncset.done $0x0  }
0xa4: {  	s25 =	simm.s32 $0x1B8E;
	s24 =	sld [smem:$0x3FFE];
	[sflag:s23] =	ssyncadd.s32 $0xFFFFFFFF  }
0xa5: {  	s26 =	simm.s32 $execute0_lowered;
	[smem:$0x3FD2] =	sst s25  }
0xa6: {  	s5 =	sshll.u32 s26, $0x1;
	_ =	strace $0x80000046;
	[dreg:$0x1] =	wrdreg $0xFFFFFFFF  }
0xa7: {  	s28 =	simm.s32 $_size_execute0_lowered;
	s3 =	sadd.s32 s3, s5;
	[dreg:$0x0] =	wrdreg $0x0  }
0xa8: {  	s5 =	sshll.u32 s28, $0x1;
	[dreg:$0x2] =	wrdreg s3  }
0xa9: {  	[dreg:$0x3] =	wrdreg s5  }
0xaa: {  	[dreg:$0x4] =	wrdreg $0xC0  }
0xab: {  	_ =	task [dreg:s7], $0x5FFFF  }
0xac: {  	[dreg:$0x1] =	wrdreg $0xFFFFFFFF  }
0xad: {  	[dreg:$0x0] =	wrdreg $0x60  }
0xae: {  	[dreg:$0x2] =	wrdreg s2  }
0xaf: {  	[dreg:$0x3] =	wrdreg s24  }
0xb0: {  	[dreg:$0x4] =	wrdreg $0xA4000  }
0xb1: {  	[dreg:$0x5] =	wrdreg $0x9  }
0xb2: {  	_ =	task.clear_ibuf [dreg:s7], $0x6FFFF;
	_ =	strace $0x90000046  }
0xb3: {  	s29 =	simm.s32 $0x9;
	_ =	strace $0x80000048  }
0xb4: {  	_ =	swait.ge [sflag:s29], $0x1  }
0xb5: {  	[sflag:s29] =	ssyncadd.s32 $0xFFFFFFFF  }
0xb6: {  	_ =	strace $0x90000048  }
0xb7: {  	_ =	sfence  }
0xb8: {  	s30 =	sld [smem:$0x0];
	_ =	sdelay $0x2  }
0xb9: {  	s31 =	sshll.u32 s1, $0xD;
	s1 =	sshrl.u32 s1, $0x2  }
0xba: {  	s3 =	sand.u32 $0x4000, s31;
	s1 =	sadd.s32 s1, s30  }
0xbb: {  	s0 =	sor.u32 s3, s0;
	s1 =	sshll.u32 s1, $0x11  }
0xbc: {  	s0 =	sor.u32 s1, s0  }
0xbd: {  	s0 =	sadd.s32 $0x8F2B, s0  }
0xbe: {  	[sflag:s0] =	ssyncadd.remote.s32 $0x1  }
0xbf: {  	_ =	sfence.sel $0xFFFF  }
0xc0: {  	[dreg:$0x0] =	wrdreg $0xFFFFFFFF;
	(pc) =	sbr.abs _section_cstart, $3  }
0xc1: {  	[dreg:$0x1] =	wrdreg $0xFFFFFFFF  }
0xc2: {  	_ =	task.clear_ibuf [dreg:s7], $0x2FFFF;
	_ =	strace $0x9FFFFFFF  }
0xc3: {  	(tm) =	ssettm $0x7FFFFFFF  }
tec
execute0_lowered:
.L_overlay_start_1:
0x0: {  	(tag) =	ssettag $0x1  }
0x1: {  	s1 =	rddreg [dreg:$0x0]  }
0x2: {  	s0 =	srdreg.scid;
	s6 =	rddreg [dreg:$0x1]  }
0x3: {  	s10 =	stileid.u32;
	s3 =	rddreg [dreg:$0x2];
	s4 =	simm.s32 $0x0  }
0x4: {  	s28 =	simm.s32 $0x200;
	s29 =	simm.s32 $0x300;
	s5 =	smul.u32 $0x14000, s10  }
0x5: {  	s30 =	simm.s32 $0x1;
	s31 =	simm.s32 $0x50;
	s7 =	smul.u32 $0x50000, s10  }
0x6: {  	s0 =	sand.u32 $0x1, s0;
	[smem:$0x7FF] =	sst s4;
	s17 =	smul.u32 $0xFA00, s10  }
0x7: {  	s8 =	sshll.u32 s10, $0x1;
	s10 =	simm.s32 $0x80;
	s2 =	smul.u32 $0x140000, s0  }
0x8: {  	_ =	strace $0x80000047;
	s26 =	ssub.s32 $0x2, s0;
	s8 =	sor.u32 s0, s8  }
0x9: {  	s0 =	smul.u32 $0x7D00, s0;
	s7 =	sshrl.u32 s7, $0x2;
	s9 =	sshrl.u32 s26, $0x1  }
0xa: {  	s11 =	smul.u32 $0x7D00, s8;
	s8 =	simm.s32 $0x5400;
	s2 =	sadd.s32 s5, s2  }
0xb: {  	s5 =	sadd.s32 $0x2C00, s6;
	s15 =	sadd.s32 s7, s3;
	s0 =	sadd.s32 s0, s17  }
0xc: {  	s17 =	simm.s32 $0x100;
	s7 =	sadd.s32 $0x2800, s15;
	[dreg:$0x4] =	wrdreg s15  }
0xd: {  	s2 =	sshrl.u32 s2, $0x3;
	s12 =	sadd.s32 $0x5000, s15;
	[dreg:$0x5] =	wrdreg s7  }
0xe: {  	s13 =	sadd.s32 $0x7800, s15;
	s14 =	sadd.s32 $0xA000, s15;
	[dreg:$0x6] =	wrdreg s12  }
0xf: {  	s16 =	sadd.s32 $0xC800, s15;
	s18 =	sadd.s32 $0xF000, s15;
	[dreg:$0x7] =	wrdreg s13  }
0x10: {  	s19 =	sadd.s32 $0x11800, s15;
	s23 =	sadd.s32 $0x700, s0;
	[dreg:$0x8] =	wrdreg s14  }
0x11: {  	s24 =	sadd.s32 $0x600, s0;
	s25 =	sadd.s32 $0x500, s0;
	[dreg:$0x9] =	wrdreg s16  }
0x12: {  	s0 =	sadd.s32 $0x400, s0;
	s2 =	sadd.s32 s2, s6;
	[dreg:$0xa] =	wrdreg s18  }
0x13: {  	s6 =	ssub.s32 s26, s9;
	s7 =	sshrl.u32 s11, $0x3;
	[dreg:$0xc] =	wrdreg s19  }
0x14: {  	s26 =	sshrl.u32 s25, $0x3;
	[dreg:$0x12] =	wrdreg s0;
	s25 =	simm.s32 $0x9  }
0x15: {  	s0 =	simm.s32 $0x2C00;
	s9 =	simm.s32 $0x5;
	s11 =	simm.s32 $0x4  }
0x16: {  	s12 =	simm.s32 $0x7C00;
	s14 =	simm.s32 $0x6;
	s16 =	simm.s32 $0x7  }
0x17: {  	s18 =	simm.s32 $0x8;
	s19 =	simm.s32 $0x380;
	s7 =	sadd.s32 s5, s7  }
0x18: {  	s13 =	simm.s32 $0x0;
	s2 =	sadd.s32 $0x22000, s2;
	[dreg:$0xb] =	wrdreg s7  }
0x19: {  	s22 =	smax.u32 s6, $0x1;
	s6 =	sshrl.u32 s24, $0x3;
	[dreg:$0x10] =	wrdreg s2  }
.Ltmp0:
0x1a: {  	s20 =	sadd.s32 $0x20, s7;
	[dreg:$0x11] =	wrdreg s22;
	(pc) =	sbr.rel .LBB2_1-.Ltmp0, $4  }
0x1b: {  	s24 =	simm.s32 $0x400;
	s21 =	sadd.s32 $0x40, s7;
	[dreg:$0xd] =	wrdreg s20  }
0x1c: {  	s7 =	sadd.s32 $0x60, s7;
	s2 =	sshrl.u32 s23, $0x3;
	[dreg:$0xe] =	wrdreg s21  }
0x1d: {  	s22 =	sadd.s32 s26, s5;
	[dreg:$0xf] =	wrdreg s7;
	s20 =	sadd.s32 s2, s5  }
0x1e: {  	v0 =	vimm.f32 $0.0e+00;
	s21 =	sadd.s32 s6, s5;
	s2 =	simm.s32 $0x2;
	s7 =	simm.s32 $0x3  }
.LBB2_6:
0x1f: {  	_ =	swait.ge [sflag:s18], $0x2800  }
0x20: {  	[sflag:s18] =	ssyncset.done $0x0  }
0x21: {  	[sflag:s18] =	ssyncadd.s32 $0xFFFFD800  }
0x22: {  	[spmem:s3] =	stream.indirect.scatter.add.f32 [tilespmem:s12], [sflag:$0x9], $0x80, s19, s31, $0xb8;
	[tilespmem:$0x1E400] =	vst v63  }
0x23: {  	_ =	swait.ge [sflag:s25], $0x2800  }
0x24: {  	[sflag:s25] =	ssyncset.done $0x0  }
0x25: {  	[sflag:s25] =	ssyncadd.s32 $0xFFFFD800  }
0x26: {  	_ =	swait.ge [sflag:s9], $0x2800  }
0x27: {  	[sflag:s9] =	ssyncset.done $0x0  }
0x28: {  	[sflag:s9] =	ssyncadd.s32 $0xFFFFD800  }
0x29: {  	[spmem:s3] =	stream.indirect.scatter.add.f32 [tilespmem:s24], [sflag:$0x9], $0x80, s10, s31, $0xb8;
	[tilespmem:$0x1E400] =	vst v63  }
0x2a: {  	_ =	swait.ge [sflag:s25], $0x2800  }
0x2b: {  	[sflag:s25] =	ssyncset.done $0x0  }
0x2c: {  	[sflag:s25] =	ssyncadd.s32 $0xFFFFD800  }
0x2d: {  	s6 =	stileid.u32;
	[bflag:$0x0] =	sbarrier.arrive $0xFFFF  }
0x2e: {  	s6 =	sshll.u32 s6, $0x6;
	s15 =	rddreg [dreg:$0x4]  }
0x2f: {  	s6 =	sor.u32 $0x1C09, s6;
	s23 =	rddreg [dreg:$0x10];
	s13 =	sshrl.u32 s15, $0x3  }
0x30: {  	[hbm:s23], [sflag:s6] =	dma.local [spmem:s13], $0x2800  }
0x31: {  	_ =	swait.ge [sflag:s25], $0x2800  }
0x32: {  	s23 =	rddreg [dreg:$0x13]  }
0x33: {  	s26 =	rddreg [dreg:$0x11];
	s13 =	sadd.s32 $0x1, s23  }
0x34: {  	p0 =	sne.s32 s13, s26  }
.Ltmp1:
0x35: {  	_ = 	snop;
	(pc) =	sbr.rel @!p0 .LBB2_7-.Ltmp1, $3  }
0x36: {  	_ =	sdelay $0x1  }
0x37: {  	[sflag:s25] =	ssyncset.done $0x0  }
0x38: {  	[sflag:s25] =	ssyncadd.s32 $0xFFFFD800  }
.LBB2_1:
0x39: {  	[dreg:$0x13] =	wrdreg s13;
	s6 =	simm.s32 $0x0;
	s23 =	simm.s32 $0x200  }
.LBB2_2:
0x3a: {  	p0 =	sne.s32 s23, $0x9E00;
	[tilespmem:s6+$0x470] =	vst v0  }
0x3b: {  	[tilespmem:s6+$0x400] =	vst v0  }
0x3c: {  	[tilespmem:s6+$0x410] =	vst v0  }
.Ltmp2:
0x3d: {  	[tilespmem:s6+$0x420] =	vst v0;
	(pc) =	sbr.rel @p0 .LBB2_2-.Ltmp2, $4  }
0x3e: {  	[tilespmem:s6+$0x430] =	vst v0  }
0x3f: {  	[tilespmem:s6+$0x440] =	vst v0  }
0x40: {  	[tilespmem:s6+$0x450] =	vst v0  }
0x41: {  	[tilespmem:s6+$0x460] =	vst v0;
	s6 =	sshra.s32 s23, $0x2;
	s23 =	sadd.s32 $0x200, s23  }
0x42: {  	[tilespmem:s6+$0x470] =	vst v0  }
0x43: {  	[tilespmem:s6+$0x400] =	vst v0  }
0x44: {  	[tilespmem:s6+$0x410] =	vst v0  }
0x45: {  	[tilespmem:s6+$0x420] =	vst v0  }
0x46: {  	[tilespmem:s6+$0x430] =	vst v0  }
0x47: {  	[tilespmem:s6+$0x440] =	vst v0  }
0x48: {  	[tilespmem:s6+$0x450] =	vst v0  }
0x49: {  	[tilespmem:s6+$0x460] =	vst v0  }
0x4a: {  	[spmem:s15] =	stream.linear.scatter [tilespmem:s24], [sflag:$0x9], $0x2800, $0x38;
	[tilespmem:$0x1E400] =	vst v63  }
0x4b: {  	_ =	swait.ge [sflag:s25], $0x2800  }
0x4c: {  	[sflag:s25] =	ssyncset.done $0x0  }
0x4d: {  	s23 =	rddreg [dreg:$0x5];
	[sflag:s25] =	ssyncadd.s32 $0xFFFFD800  }
0x4e: {  	[spmem:s23] =	stream.linear.scatter [tilespmem:s24], [sflag:$0x9], $0x2800, $0x38;
	[tilespmem:$0x1E400] =	vst v63  }
0x4f: {  	_ =	swait.ge [sflag:s25], $0x2800  }
0x50: {  	[sflag:s25] =	ssyncset.done $0x0  }
0x51: {  	s26 =	rddreg [dreg:$0x6];
	[sflag:s25] =	ssyncadd.s32 $0xFFFFD800  }
0x52: {  	[spmem:s26] =	stream.linear.scatter [tilespmem:s24], [sflag:$0x9], $0x2800, $0x38;
	[tilespmem:$0x1E400] =	vst v63  }
0x53: {  	_ =	swait.ge [sflag:s25], $0x2800  }
0x54: {  	[sflag:s25] =	ssyncset.done $0x0  }
0x55: {  	s13 =	rddreg [dreg:$0x7];
	[sflag:s25] =	ssyncadd.s32 $0xFFFFD800  }
0x56: {  	[spmem:s13] =	stream.linear.scatter [tilespmem:s24], [sflag:$0x9], $0x2800, $0x38;
	[tilespmem:$0x1E400] =	vst v63  }
0x57: {  	_ =	swait.ge [sflag:s25], $0x2800  }
0x58: {  	[sflag:s25] =	ssyncset.done $0x0  }
0x59: {  	s15 =	rddreg [dreg:$0x8];
	[sflag:s25] =	ssyncadd.s32 $0xFFFFD800  }
0x5a: {  	[spmem:s15] =	stream.linear.scatter [tilespmem:s24], [sflag:$0x9], $0x2800, $0x38;
	[tilespmem:$0x1E400] =	vst v63  }
0x5b: {  	_ =	swait.ge [sflag:s25], $0x2800  }
0x5c: {  	[sflag:s25] =	ssyncset.done $0x0  }
0x5d: {  	s23 =	rddreg [dreg:$0x9];
	[sflag:s25] =	ssyncadd.s32 $0xFFFFD800  }
0x5e: {  	[spmem:s23] =	stream.linear.scatter [tilespmem:s24], [sflag:$0x9], $0x2800, $0x38;
	[tilespmem:$0x1E400] =	vst v63  }
0x5f: {  	_ =	swait.ge [sflag:s25], $0x2800  }
0x60: {  	[sflag:s25] =	ssyncset.done $0x0  }
0x61: {  	s26 =	rddreg [dreg:$0xa];
	[sflag:s25] =	ssyncadd.s32 $0xFFFFD800  }
0x62: {  	[spmem:s26] =	stream.linear.scatter [tilespmem:s24], [sflag:$0x9], $0x2800, $0x38;
	[tilespmem:$0x1E400] =	vst v63  }
0x63: {  	_ =	swait.ge [sflag:s25], $0x2800  }
0x64: {  	[sflag:s25] =	ssyncset.done $0x0  }
0x65: {  	s13 =	rddreg [dreg:$0xc];
	[sflag:s25] =	ssyncadd.s32 $0xFFFFD800  }
0x66: {  	[spmem:s13] =	stream.linear.scatter [tilespmem:s24], [sflag:$0x9], $0x2800, $0x38;
	[tilespmem:$0x1E400] =	vst v63  }
0x67: {  	_ =	swait.ge [sflag:s25], $0x2800  }
0x68: {  	[sflag:s25] =	ssyncset.done $0x0  }
0x69: {  	[sflag:s25] =	ssyncadd.s32 $0xFFFFD800  }
0x6a: {  	[bflag:$0x0] =	sbarrier.arrive $0xFFFF  }
0x6b: {  	s23 =	simm.s32 $0x0;
	s15 =	rddreg [dreg:$0xb]  }
0x6c: {  	[tilespmem:s23], [sflag:$0x1] =	stream.linear.gather [hbm4b:s15+s23], $0x100, $0x38;
	[tilespmem:$0x1E400] =	vst v63  }
0x6d: {  	s13 =	simm.s32 $0x100;
	s26 =	rddreg [dreg:$0xd]  }
0x6e: {  	[tilespmem:s13], [sflag:$0x2] =	stream.linear.gather [hbm4b:s26+s23], $0x100, $0x38;
	[tilespmem:$0x1E400] =	vst v63  }
0x6f: {  	s15 =	rddreg [dreg:$0xe]  }
0x70: {  	[tilespmem:s28], [sflag:$0x3] =	stream.linear.gather [hbm4b:s15+s23], $0x100, $0x38;
	[tilespmem:$0x1E400] =	vst v63  }
0x71: {  	s26 =	rddreg [dreg:$0xf]  }
0x72: {  	[tilespmem:s29], [sflag:$0x4] =	stream.linear.gather [hbm4b:s26+s23], $0x100, $0x38;
	[tilespmem:$0x1E400] =	vst v63  }
0x73: {  	_ =	swait.ge [sflag:s30], $0x100  }
0x74: {  	[sflag:s30] =	ssyncset.done $0x0  }
0x75: {  	[sflag:s30] =	ssyncadd.s32 $0xFFFFFF00  }
0x76: {  	[tilespmem:s24], [sflag:$0x5] =	stream.indirect.gather [hbm4b:s1+s31], $0x80, s23, s31, $0xb8;
	[tilespmem:$0x1E400] =	vst v63  }
0x77: {  	_ =	swait.ge [sflag:s2], $0x100  }
0x78: {  	[sflag:s2] =	ssyncset.done $0x0  }
0x79: {  	[sflag:s2] =	ssyncadd.s32 $0xFFFFFF00  }
0x7a: {  	[tilespmem:s0], [sflag:$0x6] =	stream.indirect.gather [hbm4b:s1+s31], $0x80, s13, s31, $0xb8;
	[tilespmem:$0x1E400] =	vst v63  }
0x7b: {  	_ =	swait.ge [sflag:s7], $0x100  }
0x7c: {  	[sflag:s7] =	ssyncset.done $0x0  }
0x7d: {  	s6 =	rddreg [dreg:$0x12];
	[sflag:s7] =	ssyncadd.s32 $0xFFFFFF00  }
0x7e: {  	[tilespmem:s8], [sflag:$0x7] =	stream.indirect.gather [hbm4b:s1+s31], $0x80, s28, s31, $0xb8;
	[tilespmem:$0x1E400] =	vst v63  }
.LBB2_4:
0x7f: {  	_ =	swait.ge [sflag:s9], $0x2800  }
0x80: {  	[sflag:s9] =	ssyncset.done $0x0  }
0x81: {  	[sflag:s9] =	ssyncadd.s32 $0xFFFFD800  }
0x82: {  	[spmem:s3] =	stream.indirect.scatter.add.f32 [tilespmem:s24], [sflag:$0x9], $0x80, s10, s31, $0xb8;
	[tilespmem:$0x1E400] =	vst v63  }
0x83: {  	_ =	swait.ge [sflag:s25], $0x2800  }
0x84: {  	s13 =	sshrl.u32 s6, $0x3;
	[sflag:s25] =	ssyncset.done $0x0  }
0x85: {  	s13 =	sadd.s32 s5, s13;
	[sflag:s25] =	ssyncadd.s32 $0xFFFFD800  }
0x86: {  	[tilespmem:s4], [sflag:$0x1] =	stream.linear.gather [hbm4b:s13+s4], $0x100, $0x38;
	[tilespmem:$0x1E400] =	vst v63  }
0x87: {  	_ =	swait.ge [sflag:s11], $0x100  }
0x88: {  	[sflag:s11] =	ssyncset.done $0x0  }
0x89: {  	[sflag:s11] =	ssyncadd.s32 $0xFFFFFF00  }
0x8a: {  	[tilespmem:s12], [sflag:$0x8] =	stream.indirect.gather [hbm4b:s1+s31], $0x80, s29, s31, $0xb8;
	[tilespmem:$0x1E400] =	vst v63  }
0x8b: {  	_ =	swait.ge [sflag:s14], $0x2800  }
0x8c: {  	[sflag:s14] =	ssyncset.done $0x0  }
0x8d: {  	s15 =	simm.s32 $0x180;
	[sflag:s14] =	ssyncadd.s32 $0xFFFFD800  }
0x8e: {  	[spmem:s3] =	stream.indirect.scatter.add.f32 [tilespmem:s0], [sflag:$0x9], $0x80, s15, s31, $0xb8;
	[tilespmem:$0x1E400] =	vst v63  }
0x8f: {  	p0 =	seq.s32 s23, $0xF00;
	_ =	swait.ge [sflag:s25], $0x2800  }
0x90: {  	s26 =	simm.s32 @!p0 $0x0;
	[sflag:s25] =	ssyncset.done $0x0  }
0x91: {  	s13 =	sadd.s32 @!p0 s23, s22;
	s15 =	simm.s32 @!p0 $0x100;
	[sflag:s25] =	ssyncadd.s32 $0xFFFFD800  }
0x92: {  	[tilespmem:s15], [sflag:$0x2] =	stream.linear.gather @!p0 [hbm4b:s13+s26], $0x100, $0x38;
	[tilespmem:$0x1E400] =	vst v63  }
0x93: {  	_ =	swait.ge [sflag:s30], $0x100  }
0x94: {  	[sflag:s30] =	ssyncset.done $0x0  }
0x95: {  	[sflag:s30] =	ssyncadd.s32 $0xFFFFFF00  }
0x96: {  	[tilespmem:s24], [sflag:$0x5] =	stream.indirect.gather [hbm4b:s1+s31], $0x80, s4, s31, $0xb8;
	[tilespmem:$0x1E400] =	vst v63  }
0x97: {  	_ =	swait.ge [sflag:s16], $0x2800  }
0x98: {  	[sflag:s16] =	ssyncset.done $0x0  }
.Ltmp3:
0x99: {  	s26 =	simm.s32 $0x280;
	[sflag:s16] =	ssyncadd.s32 $0xFFFFD800;
	(pc) =	sbr.rel @p0 .LBB2_6-.Ltmp3, $4  }
0x9a: {  	[spmem:s3] =	stream.indirect.scatter.add.f32 [tilespmem:s8], [sflag:$0x9], $0x80, s26, s31, $0xb8;
	[tilespmem:$0x1E400] =	vst v63  }
0x9b: {  	_ =	swait.ge [sflag:s25], $0x2800  }
0x9c: {  	[sflag:s25] =	ssyncset.done $0x0  }
0x9d: {  	[sflag:s25] =	ssyncadd.s32 $0xFFFFD800  }
0x9e: {  	s13 =	sadd.s32 s23, s21  }
0x9f: {  	[tilespmem:s28], [sflag:$0x3] =	stream.linear.gather [hbm4b:s13+s4], $0x100, $0x38;
	[tilespmem:$0x1E400] =	vst v63  }
0xa0: {  	_ =	swait.ge [sflag:s2], $0x100  }
0xa1: {  	[sflag:s2] =	ssyncset.done $0x0  }
0xa2: {  	[sflag:s2] =	ssyncadd.s32 $0xFFFFFF00  }
0xa3: {  	[tilespmem:s0], [sflag:$0x6] =	stream.indirect.gather [hbm4b:s1+s31], $0x80, s17, s31, $0xb8;
	[tilespmem:$0x1E400] =	vst v63  }
0xa4: {  	_ =	swait.ge [sflag:s18], $0x2800  }
0xa5: {  	[sflag:s18] =	ssyncset.done $0x0  }
0xa6: {  	[sflag:s18] =	ssyncadd.s32 $0xFFFFD800  }
0xa7: {  	[spmem:s3] =	stream.indirect.scatter.add.f32 [tilespmem:s12], [sflag:$0x9], $0x80, s19, s31, $0xb8;
	[tilespmem:$0x1E400] =	vst v63  }
0xa8: {  	_ =	swait.ge [sflag:s25], $0x2800  }
0xa9: {  	[sflag:s25] =	ssyncset.done $0x0  }
0xaa: {  	s26 =	sadd.s32 s23, s20;
	[sflag:s25] =	ssyncadd.s32 $0xFFFFD800  }
0xab: {  	[tilespmem:s29], [sflag:$0x4] =	stream.linear.gather [hbm4b:s26+s4], $0x100, $0x38;
	[tilespmem:$0x1E400] =	vst v63  }
.Ltmp4:
0xac: {  	_ = 	snop;
	(pc) =	sbr.rel .LBB2_4-.Ltmp4, $4  }
0xad: {  	_ =	swait.ge [sflag:s7], $0x100  }
0xae: {  	[sflag:s7] =	ssyncset.done $0x0  }
0xaf: {  	s23 =	sadd.s32 $0x80, s23;
	s6 =	sadd.s32 $0x400, s6;
	[sflag:s7] =	ssyncadd.s32 $0xFFFFFF00  }
0xb0: {  	[tilespmem:s8], [sflag:$0x7] =	stream.indirect.gather [hbm4b:s1+s31], $0x80, s28, s31, $0xb8;
	[tilespmem:$0x1E400] =	vst v63  }
.LBB2_7:
0xb1: {  	_ =	sfence.sel $0x180000  }
0xb2: {  	[bflag:$0x0] =	sbarrier.arrive $0xFFFF  }
0xb3: {  	_ =	strace $0x90000047  }
0xb4: {  	s0 =	stileid.u32;
	[bflag:$0x2] =	sbarrier.arrive $0xFFFF  }
0xb5: {  	p0 =	sne.s32 s0, $0x0;
	s0 =	rddreg [dreg:$0x3]  }
0xb6: {  	s0 =	sadd.s32 @!p0 $0x100000, s0  }
0xb7: {  	[sflag:s0] =	ssyncadd.tile.s32 @!p0 $0x1;
	_ =	shalt  }
.Lfunc_end2:
_tile_overlayer_lowered:
.L_overlay_start_2:
0xb8: {  	(tag) =	ssettag $0x2  }
0xb9: {  	s0 =	rddreg [dreg:$0x0];
	s2 =	stileid.u32  }
0xba: {  	s1 =	rddreg [dreg:$0x1];
	p0 =	sne.s32 s2, $0x0  }
0xbb: {  	s3 =	rddreg [dreg:$0x2];
	[bflag:$0x3] =	sbarrier.arrive $0xFFFF;
	s2 =	simm.s32 @!p0 $0x1C09  }
0xbc: {  	[timem:s3], [sflag:s2] =	dma.local @!p0 [hbm:s0], s1  }
0xbd: {  	s0 =	simm.s32 @!p0 $0x9  }
0xbe: {  	_ =	swait.ge @!p0 [sflag:s0], s1  }
0xbf: {  	s1 =	ssub.s32 @!p0 $0x0, s1;
	[sflag:s0] =	ssyncset.done @!p0 $0x0  }
0xc0: {  	[sflag:s0] =	ssyncadd.s32 @!p0 s1  }
0xc1: {  	[bflag:$0x3] =	sbarrier.arrive $0xFFFF  }
0xc2: {  	_ =	shalt  }

// kernel: kernel.13.cloned.1.call-start
scs
__scs_entry_jumppad:
0x0: {  	(pc) =	sbr.rel $0x88, $3  }
0x1: {  	(tag) =	ssettag $0x0;
	lr =	simm.s32 $0x1  }
0x2: {  	[smem:$0x3F98] =	sst lr;
	_ =	strace $0xD0000000  }
0x3: {  	_ = 	snop  }
0x4: {  	_ = 	snop  }
0x5: {  	_ = 	snop  }
0x6: {  	_ = 	snop  }
0x7: {  	_ = 	snop  }
__scs_overlays_trampoline_lowered:
0x8: {  	[smem:$0x3FA7] =	sst s0  }
0x9: {  	[smem:$0x3FA8] =	sst s1  }
0xa: {  	[smem:$0x3FA9] =	sst s2  }
0xb: {  	[smem:$0x3FAA] =	sst s3  }
0xc: {  	[smem:$0x3FAB] =	sst s4  }
0xd: {  	[smem:$0x3FAC] =	sst s5  }
0xe: {  	[smem:$0x3FAD] =	sst s6  }
0xf: {  	[smem:$0x3FAE] =	sst s7  }
0x10: {  	[smem:$0x3FAF] =	sst s8  }
0x11: {  	[smem:$0x3FB0] =	sst s9;
	s0 =	simm.s32 @!p0 $0x0  }
0x12: {  	s1 =	sld [smem:$0x3F96];
	s0 =	simm.s32 @p0 $0x1  }
0x13: {  	[smem:$0x3FB1] =	sst s0;
	s0 =	simm.s32 @!p1 $0x0  }
0x14: {  	s2 =	sld [smem:$0x3F95];
	s0 =	simm.s32 @p1 $0x1  }
0x15: {  	[smem:$0x3FB2] =	sst s0;
	s0 =	simm.s32 @!p2 $0x0  }
0x16: {  	s3 =	sld [smem:$0x3FDB];
	s0 =	simm.s32 @p2 $0x1  }
0x17: {  	s4 =	simm.s32 $0x1BF5;
	[smem:$0x3FB4] =	sst s0  }
0x18: {  	s0 =	sld [smem:$0x3F97];
	_ =	swait.ge [sflag:s4], $0x0  }
0x19: {  	s7 =	sld [smem:$0x3F98]  }
0x1a: {  	s8 =	sadd.s32 $0xFFFFE003, lr  }
0x1b: {  	s9 =	sadd.s32 $0xFFFFFEF7, lr;
	s5 =	simm.s32 $0xFFFFFFFF;
	p2 =	slt.u32 s8, $0xFFFFF086  }
0x1c: {  	p1 =	slt.u32 s9, $0xF7A;
	s5 =	simm.s32 @!p2 $0x0  }
0x1d: {  	s5 =	simm.s32 @p1 $0x1;
	p0 =	seq.s32 s7, s2  }
0x1e: {  	s7 =	smul.u32 @!p0 $0xF7A, s2;
	p2 =	seq.s32 @!p0 s5, $0x0  }
0x1f: {  	s9 =	smul.u32 $0xF7A, s1;
	s8 =	simm.s32 @!p0 $0x1BF5;
	p2 =	por !p2, p0  }
0x20: {  	[sflag:s8] =	ssyncset.s32 @!p0 $0xFFFFF086;
	s6 =	sadd.s32 @!p0 s3, s7;
	s7 =	simm.s32 @!p0 $0x108  }
0x21: {  	s3 =	sadd.s32 s3, s9;
	s6 =	sadd.s32 @!p0 $0x88, s6;
	s7 =	simm.s32 @p2 $0x1082  }
0x22: {  	[simem:s7], [sflag:s8] =	dma.local @!p0 [hbm:s6], $0xF7A  }
0x23: {  	s9 =	sor.u32 $0xD0000000, s2;
	s6 =	simm.s32 $0x108;
	_ =	swait.ge @!p0 [sflag:s8], $0x0  }
0x24: {  	s3 =	sadd.s32 $0x88, s3;
	s6 =	simm.s32 @!p1 $0x1082;
	[sflag:s4] =	ssyncset.s32 $0xFFFFF086  }
0x25: {  	[simem:s6], [sflag:s4] =	dma.local [hbm:s3], $0xF7A  }
0x26: {  	[smem:$0x3F98] =	sst s1;
	(tag) =	ssettag s2;
	_ =	strace s9  }
0x27: {  	s1 =	sld [smem:$0x3FA8]  }
0x28: {  	s2 =	sld [smem:$0x3FA9]  }
0x29: {  	s4 =	sld [smem:$0x3FAB]  }
0x2a: {  	p0 =	seq.s32 s5, $0x0;
	s5 =	sld [smem:$0x3FAC]  }
0x2b: {  	s6 =	sld [smem:$0x3FAD]  }
0x2c: {  	s7 =	sld [smem:$0x3FAE]  }
0x2d: {  	s3 =	simm.s32 $0x108;
	s8 =	sld [smem:$0x3FAF]  }
0x2e: {  	s3 =	simm.s32 @!p0 $0x1082;
	s9 =	sld [smem:$0x3FB0]  }
0x2f: {  	lr =	sadd.s32 s0, s3;
	s0 =	sld [smem:$0x3FA7]  }
0x30: {  	s3 =	sld [smem:$0x3FAA]  }
0x31: {  	[smem:$0x3FB3] =	sst s10  }
0x32: {  	s10 =	sld [smem:$0x3FB1];
	_ =	sdelay $0x3  }
0x33: {  	p0 =	seq.s32 s10, $0x1;
	s10 =	sld [smem:$0x3FB3];
	_ =	sdelay $0x3  }
0x34: {  	[smem:$0x3FB3] =	sst s10  }
0x35: {  	s10 =	sld [smem:$0x3FB2];
	_ =	sdelay $0x3  }
0x36: {  	p1 =	seq.s32 s10, $0x1;
	s10 =	sld [smem:$0x3FB3];
	_ =	sdelay $0x3  }
0x37: {  	[smem:$0x3FB3] =	sst s10  }
0x38: {  	s10 =	sld [smem:$0x3FB4]  }
0x39: {  	_ = 	snop;
	(pc) =	sbr.ind lr, $3  }
0x3a: {  	_ = 	snop  }
0x3b: {  	_ = 	snop  }
0x3c: {  	p2 =	seq.s32 s10, $0x1;
	s10 =	sld [smem:$0x3FB3]  }
0x3d: {  	_ =	shalt  }
0x3e: {  	_ =	shalt  }
0x3f: {  	_ =	shalt  }
0x40: {  	_ =	shalt  }
0x41: {  	_ =	shalt  }
0x42: {  	_ =	shalt  }
0x43: {  	_ =	shalt  }
0x44: {  	_ =	shalt  }
0x45: {  	_ =	shalt  }
0x46: {  	_ =	shalt  }
0x47: {  	_ =	shalt  }
0x48: {  	_ =	shalt  }
0x49: {  	_ =	shalt  }
0x4a: {  	_ =	shalt  }
0x4b: {  	_ =	shalt  }
0x4c: {  	_ =	shalt  }
0x4d: {  	_ =	shalt  }
0x4e: {  	_ =	shalt  }
0x4f: {  	_ =	shalt  }
0x50: {  	_ =	shalt  }
0x51: {  	_ =	shalt  }
0x52: {  	_ =	shalt  }
0x53: {  	_ =	shalt  }
0x54: {  	_ =	shalt  }
0x55: {  	_ =	shalt  }
0x56: {  	_ =	shalt  }
0x57: {  	_ =	shalt  }
0x58: {  	_ =	shalt  }
0x59: {  	_ =	shalt  }
0x5a: {  	_ =	shalt  }
0x5b: {  	_ =	shalt  }
0x5c: {  	_ =	shalt  }
0x5d: {  	_ =	shalt  }
0x5e: {  	_ =	shalt  }
0x5f: {  	_ =	shalt  }
0x60: {  	_ =	shalt  }
0x61: {  	_ =	shalt  }
0x62: {  	_ =	shalt  }
0x63: {  	_ =	shalt  }
0x64: {  	_ =	shalt  }
0x65: {  	_ =	shalt  }
0x66: {  	_ =	shalt  }
0x67: {  	_ =	shalt  }
0x68: {  	_ =	shalt  }
0x69: {  	_ =	shalt  }
0x6a: {  	_ =	shalt  }
0x6b: {  	_ =	shalt  }
0x6c: {  	_ =	shalt  }
0x6d: {  	_ =	shalt  }
0x6e: {  	_ =	shalt  }
0x6f: {  	_ =	shalt  }
0x70: {  	_ =	shalt  }
0x71: {  	_ =	shalt  }
0x72: {  	_ =	shalt  }
0x73: {  	_ =	shalt  }
0x74: {  	_ =	shalt  }
0x75: {  	_ =	shalt  }
0x76: {  	_ =	shalt  }
0x77: {  	_ =	shalt  }
0x78: {  	_ =	shalt  }
0x79: {  	_ =	shalt  }
0x7a: {  	_ =	shalt  }
0x7b: {  	_ =	shalt  }
0x7c: {  	_ =	shalt  }
0x7d: {  	_ =	shalt  }
0x7e: {  	_ =	shalt  }
0x7f: {  	_ =	shalt  }
0x80: {  	_ =	shalt  }
0x81: {  	_ =	shalt  }
0x82: {  	_ =	shalt  }
0x83: {  	_ =	shalt  }
0x84: {  	_ =	shalt  }
0x85: {  	_ =	shalt  }
0x86: {  	_ =	shalt  }
0x87: {  	_ =	shalt  }
.Lfunc_end0:
.L_simem_size_0:
called_computation.1_lowered:
.L_overlay_start_0:
0x88: {  	s2 =	sld [smem:$0x3FD9]  }
0x89: {  	s3 =	sld [smem:$0x3FFE];
	_ =	sdelay $0x1  }
0x8a: {  	s1 =	srdreg.scid  }
0x8b: {  	s0 =	sand.u32 $0x1, s1  }
0x8c: {  	s17 =	sshll.u32 s0, $0xA;
	s2 =	sadd.s32 s3, s2  }
0x8d: {  	s2 =	sadd.s32 s2, s17  }
0x8e: {  	[smem:$0x3FBF] =	sst s2  }
0x8f: {  	_ = 	snop  }
0x90: {  	(tm) =	ssettm $0x1  }
0x91: {  	s18 =	sld [smem:$0x3FFB];
	_ =	sdelay $0x3  }
0x92: {  	_ =	strace s18  }
0x93: {  	s2 =	sld [smem:$0x3FFC];
	_ =	sdelay $0x3  }
0x94: {  	_ =	strace s2  }
0x95: {  	s2 =	sld [smem:$0x3FFD];
	_ =	sdelay $0x3  }
0x96: {  	_ =	strace s2  }
0x97: {  	_ =	strace $0x8FFFFFFF  }
0x98: {  	s19 =	sld [smem:$0x3FDB];
	_ =	sdelay $0x1  }
0x99: {  	s20 =	simm.s32 $_scs_section_size  }
0x9a: {  	s4 =	simm.s32 $_size__tile_overlayer_lowered;
	s5 =	simm.s32 $_tile_overlayer_lowered  }
0x9b: {  	s6 =	simm.s32 $0x1BFF;
	s21 =	sshll.u32 s5, $0x1;
	s3 =	sadd.s32 s20, s19  }
0x9c: {  	s22 =	simm.s32 $0x0;
	s4 =	sshll.u32 s4, $0x1;
	s5 =	sadd.s32 s21, s3  }
0x9d: {  	[timem:s22], [sflag:s6] =	dma.local [hbm:s5], s4  }
0x9e: {  	_ =	swait.ge [sflag:s6], s4  }
0x9f: {  	s4 =	ssub.s32 $0x0, s4;
	[sflag:s6] =	ssyncset.done $0x0  }
0xa0: {  	[sflag:s6] =	ssyncadd.s32 s4;
	_ =	sdelay $0x1  }
0xa1: {  	s23 =	simm.s32 $0x1B8B  }
0xa2: {  	_ =	swait.ge [sflag:s23], $0x1  }
0xa3: {  	[sflag:s23] =	ssyncset.done $0x0  }
0xa4: {  	[sflag:s23] =	ssyncadd.s32 $0xFFFFFFFF  }
0xa5: {  	s4 =	sld [smem:$0x0]  }
0xa6: {  	s5 =	sand.u32 $0xFFFFFFFE, s1  }
0xa7: {  	p0 =	sne.s32 s1, s5  }
0xa8: {  	s5 =	sshll.u32 @p0 s5, $0xE  }
0xa9: {  	s5 =	sadd.s32 @p0 $0x11B8D, s5;
	s6 =	sshll.u32 @p0 s4, $0x11  }
0xaa: {  	s5 =	sor.u32 @p0 s6, s5  }
0xab: {  	[sflag:s5] =	ssyncadd.remote.s32 @p0 $0x1;
	_ =	sdelay $0x1  }
0xac: {  	s5 =	simm.s32 @p0 $0x1B8D  }
0xad: {  	_ =	swait.eq @p0 [sflag:s5], $0x1  }
0xae: {  	[sflag:s5] =	ssyncadd.s32 @p0 $0xFFFFFFFF  }
0xaf: {  	s6 =	sshll.u32 @!p0 s1, $0xE  }
0xb0: {  	s6 =	sor.u32 @!p0 $0x4000, s6;
	s5 =	simm.s32 @!p0 $0x1B8D  }
0xb1: {  	s4 =	sshll.u32 @!p0 s4, $0x11;
	s6 =	sadd.s32 @!p0 $0x11B8D, s6;
	_ =	swait.eq @!p0 [sflag:s5], $0x1  }
0xb2: {  	s4 =	sor.u32 @!p0 s4, s6;
	[sflag:s5] =	ssyncadd.s32 @!p0 $0xFFFFFFFF  }
0xb3: {  	s25 =	simm.s32 $0x1B8E;
	s24 =	sld [smem:$0x3FFE];
	[sflag:s4] =	ssyncadd.remote.s32 @!p0 $0x1  }
0xb4: {  	s26 =	simm.s32 $execute0_lowered;
	[smem:$0x3FD2] =	sst s25  }
0xb5: {  	s5 =	sshll.u32 s26, $0x1;
	_ =	strace $0x80000049;
	[dreg:$0x1] =	wrdreg $0xFFFFFFFF  }
0xb6: {  	s28 =	simm.s32 $_size_execute0_lowered;
	s3 =	sadd.s32 s3, s5;
	[dreg:$0x0] =	wrdreg $0x0  }
0xb7: {  	s5 =	sshll.u32 s28, $0x1;
	[dreg:$0x2] =	wrdreg s3  }
0xb8: {  	[dreg:$0x3] =	wrdreg s5  }
0xb9: {  	[dreg:$0x4] =	wrdreg $0xC0  }
0xba: {  	_ =	task [dreg:s22], $0x5FFFF  }
0xbb: {  	[dreg:$0x1] =	wrdreg $0xFFFFFFFF  }
0xbc: {  	[dreg:$0x0] =	wrdreg $0x60  }
0xbd: {  	[dreg:$0x2] =	wrdreg s24  }
0xbe: {  	[dreg:$0x3] =	wrdreg $0x68000  }
0xbf: {  	[dreg:$0x4] =	wrdreg $0xA  }
0xc0: {  	_ =	task.clear_ibuf [dreg:s22], $0x5FFFF;
	_ =	strace $0x90000049  }
0xc1: {  	s29 =	simm.s32 $0xA;
	_ =	strace $0x8000004B  }
0xc2: {  	_ =	swait.ge [sflag:s29], $0x1  }
0xc3: {  	[sflag:s29] =	ssyncadd.s32 $0xFFFFFFFF  }
0xc4: {  	_ =	strace $0x9000004B  }
0xc5: {  	_ =	sfence  }
0xc6: {  	s30 =	sld [smem:$0x0];
	_ =	sdelay $0x2  }
0xc7: {  	s31 =	sshll.u32 s1, $0xD;
	s1 =	sshrl.u32 s1, $0x2  }
0xc8: {  	s4 =	sand.u32 $0x4000, s31;
	s1 =	sadd.s32 s1, s30  }
0xc9: {  	s0 =	sor.u32 s4, s0;
	s1 =	sshll.u32 s1, $0x11  }
0xca: {  	s0 =	sor.u32 s1, s0  }
0xcb: {  	s0 =	sadd.s32 $0x8F2B, s0  }
0xcc: {  	[sflag:s0] =	ssyncadd.remote.s32 $0x1  }
0xcd: {  	_ =	sfence.sel $0xFFFF  }
0xce: {  	[dreg:$0x0] =	wrdreg $0xFFFFFFFF;
	(pc) =	sbr.abs _section_cstart, $3  }
0xcf: {  	[dreg:$0x1] =	wrdreg $0xFFFFFFFF  }
0xd0: {  	_ =	task.clear_ibuf [dreg:s22], $0x2FFFF;
	_ =	strace $0x9FFFFFFF  }
0xd1: {  	(tm) =	ssettm $0x7FFFFFFF  }
tec
execute0_lowered:
.L_overlay_start_1:
0x0: {  	(tag) =	ssettag $0x1  }
0x1: {  	s5 =	rddreg [dreg:$0x0];
	s0 =	srdreg.scid  }
0x2: {  	s2 =	rddreg [dreg:$0x1];
	s1 =	stileid.u32;
	s3 =	simm.s32 $0x0  }
0x3: {  	s15 =	simm.s32 $0x4000;
	s16 =	simm.s32 $0x2;
	s17 =	simm.s32 $0x50  }
0x4: {  	s4 =	sand.u32 $0x1, s0;
	s0 =	rddreg [dreg:$0x2];
	s7 =	smul.u32 $0x14000, s1  }
0x5: {  	s18 =	simm.s32 $0x1;
	[smem:$0x7FF] =	sst s3;
	s9 =	smul.u32 $0x50000, s1  }
0x6: {  	s11 =	sshll.u32 s1, $0xC;
	s19 =	sshll.u32 s1, $0x6;
	s6 =	smul.u32 $0x140000, s4  }
0x7: {  	s8 =	sshll.u32 s4, $0xB;
	_ =	strace $0x8000004A;
	s29 =	ssub.s32 $0x2, s4  }
0x8: {  	s19 =	sor.u32 $0x1C02, s19;
	s10 =	sadd.s32 s8, s5;
	s30 =	sshrl.u32 s9, $0x2  }
0x9: {  	s31 =	sshrl.u32 s29, $0x1;
	s6 =	sadd.s32 s7, s6;
	s4 =	sadd.s32 s30, s2  }
0xa: {  	s14 =	ssub.s32 s29, s31;
	s12 =	sadd.s32 s11, s10;
	s6 =	sshrl.u32 s6, $0x3  }
0xb: {  	s7 =	sadd.s32 $0x7800, s4;
	s8 =	sadd.s32 $0xA000, s4;
	s9 =	sadd.s32 $0xC800, s4  }
0xc: {  	s10 =	sadd.s32 $0xF000, s4;
	s11 =	sadd.s32 $0x11800, s4;
	s12 =	sadd.s32 $0x72000, s12  }
0xd: {  	s14 =	smax.u32 s14, $0x1;
	s20 =	sshrl.u32 s4, $0x3;
	s13 =	sadd.s32 s6, s5  }
0xe: {  	v0 =	vimm.f32 $0.0e+00;
	v1 =	vimm.f32 $1.000000000e+00;
	s5 =	sadd.s32 $0x2800, s4;
	s6 =	sadd.s32 $0x5000, s4;
	s13 =	sadd.s32 $0x82000, s13  }
.LBB2_1:
0xf: {  	s21 =	simm.s32 $0x0;
	s22 =	simm.s32 $0x200  }
.LBB2_2:
0x10: {  	p0 =	sne.s32 s22, $0x9E00;
	[tilespmem:s21+$0x4070] =	vst v0  }
0x11: {  	[tilespmem:s21+$0x4000] =	vst v0  }
0x12: {  	[tilespmem:s21+$0x4010] =	vst v0  }
.Ltmp0:
0x13: {  	[tilespmem:s21+$0x4020] =	vst v0;
	(pc) =	sbr.rel @p0 .LBB2_2-.Ltmp0, $4  }
0x14: {  	[tilespmem:s21+$0x4030] =	vst v0  }
0x15: {  	[tilespmem:s21+$0x4040] =	vst v0  }
0x16: {  	[tilespmem:s21+$0x4050] =	vst v0  }
0x17: {  	[tilespmem:s21+$0x4060] =	vst v0;
	s21 =	sshra.s32 s22, $0x2;
	s22 =	sadd.s32 $0x200, s22  }
0x18: {  	[tilespmem:s21+$0x4070] =	vst v0  }
0x19: {  	[tilespmem:s21+$0x4000] =	vst v0  }
0x1a: {  	[tilespmem:s21+$0x4010] =	vst v0  }
0x1b: {  	[tilespmem:s21+$0x4020] =	vst v0  }
0x1c: {  	[tilespmem:s21+$0x4030] =	vst v0  }
0x1d: {  	[tilespmem:s21+$0x4040] =	vst v0  }
0x1e: {  	[tilespmem:s21+$0x4050] =	vst v0  }
0x1f: {  	[tilespmem:s21+$0x4060] =	vst v0  }
0x20: {  	[spmem:s4] =	stream.linear.scatter [tilespmem:s15], [sflag:$0x2], $0x2800, $0x38;
	[tilespmem:$0x1A800] =	vst v63  }
0x21: {  	_ =	swait.ge [sflag:s16], $0x2800  }
0x22: {  	[sflag:s16] =	ssyncset.done $0x0  }
0x23: {  	[sflag:s16] =	ssyncadd.s32 $0xFFFFD800  }
0x24: {  	[spmem:s5] =	stream.linear.scatter [tilespmem:s15], [sflag:$0x2], $0x2800, $0x38;
	[tilespmem:$0x1A800] =	vst v63  }
0x25: {  	_ =	swait.ge [sflag:s16], $0x2800  }
0x26: {  	[sflag:s16] =	ssyncset.done $0x0  }
0x27: {  	[sflag:s16] =	ssyncadd.s32 $0xFFFFD800  }
0x28: {  	[spmem:s6] =	stream.linear.scatter [tilespmem:s15], [sflag:$0x2], $0x2800, $0x38;
	[tilespmem:$0x1A800] =	vst v63  }
0x29: {  	_ =	swait.ge [sflag:s16], $0x2800  }
0x2a: {  	[sflag:s16] =	ssyncset.done $0x0  }
0x2b: {  	[sflag:s16] =	ssyncadd.s32 $0xFFFFD800  }
0x2c: {  	[spmem:s7] =	stream.linear.scatter [tilespmem:s15], [sflag:$0x2], $0x2800, $0x38;
	[tilespmem:$0x1A800] =	vst v63  }
0x2d: {  	_ =	swait.ge [sflag:s16], $0x2800  }
0x2e: {  	[sflag:s16] =	ssyncset.done $0x0  }
0x2f: {  	[sflag:s16] =	ssyncadd.s32 $0xFFFFD800  }
0x30: {  	[spmem:s8] =	stream.linear.scatter [tilespmem:s15], [sflag:$0x2], $0x2800, $0x38;
	[tilespmem:$0x1A800] =	vst v63  }
0x31: {  	_ =	swait.ge [sflag:s16], $0x2800  }
0x32: {  	[sflag:s16] =	ssyncset.done $0x0  }
0x33: {  	[sflag:s16] =	ssyncadd.s32 $0xFFFFD800  }
0x34: {  	[spmem:s9] =	stream.linear.scatter [tilespmem:s15], [sflag:$0x2], $0x2800, $0x38;
	[tilespmem:$0x1A800] =	vst v63  }
0x35: {  	_ =	swait.ge [sflag:s16], $0x2800  }
0x36: {  	[sflag:s16] =	ssyncset.done $0x0  }
0x37: {  	[sflag:s16] =	ssyncadd.s32 $0xFFFFD800  }
0x38: {  	[spmem:s10] =	stream.linear.scatter [tilespmem:s15], [sflag:$0x2], $0x2800, $0x38;
	[tilespmem:$0x1A800] =	vst v63  }
0x39: {  	_ =	swait.ge [sflag:s16], $0x2800  }
0x3a: {  	[sflag:s16] =	ssyncset.done $0x0  }
0x3b: {  	[sflag:s16] =	ssyncadd.s32 $0xFFFFD800  }
0x3c: {  	[spmem:s11] =	stream.linear.scatter [tilespmem:s15], [sflag:$0x2], $0x2800, $0x38;
	[tilespmem:$0x1A800] =	vst v63  }
0x3d: {  	_ =	swait.ge [sflag:s16], $0x2800  }
0x3e: {  	[sflag:s16] =	ssyncset.done $0x0  }
0x3f: {  	s21 =	simm.s32 $0x0;
	s22 =	simm.s32 $0x200;
	[sflag:s16] =	ssyncadd.s32 $0xFFFFD800  }
.LBB2_4:
0x40: {  	p0 =	sne.s32 s22, $0x9E00;
	[tilespmem:s21+$0x4070] =	vst v1  }
0x41: {  	[tilespmem:s21+$0x4000] =	vst v1  }
0x42: {  	[tilespmem:s21+$0x4010] =	vst v1  }
.Ltmp1:
0x43: {  	[tilespmem:s21+$0x4020] =	vst v1;
	(pc) =	sbr.rel @p0 .LBB2_4-.Ltmp1, $4  }
0x44: {  	[tilespmem:s21+$0x4030] =	vst v1  }
0x45: {  	[tilespmem:s21+$0x4040] =	vst v1  }
0x46: {  	[tilespmem:s21+$0x4050] =	vst v1  }
0x47: {  	[tilespmem:s21+$0x4060] =	vst v1;
	s21 =	sshra.s32 s22, $0x2;
	s22 =	sadd.s32 $0x200, s22  }
0x48: {  	[tilespmem:s21+$0x4070] =	vst v1  }
0x49: {  	[tilespmem:s21+$0x4000] =	vst v1  }
0x4a: {  	[tilespmem:s21+$0x4010] =	vst v1  }
0x4b: {  	[tilespmem:s21+$0x4020] =	vst v1  }
0x4c: {  	[tilespmem:s21+$0x4030] =	vst v1  }
0x4d: {  	[tilespmem:s21+$0x4040] =	vst v1  }
0x4e: {  	[tilespmem:s21+$0x4050] =	vst v1  }
0x4f: {  	[tilespmem:s21+$0x4060] =	vst v1;
	s21 =	simm.s32 $0x0  }
0x50: {  	[tilespmem:s21], [sflag:$0x2] =	stream.linear.gather [hbm4b:s12+s21], $0x3E80, $0x38;
	[tilespmem:$0x1A800] =	vst v63  }
0x51: {  	_ =	swait.ge [sflag:s16], $0x3E80  }
0x52: {  	[sflag:s16] =	ssyncset.done $0x0  }
0x53: {  	[sflag:s16] =	ssyncadd.s32 $0xFFFFC180  }
0x54: {  	[bflag:$0x0] =	sbarrier.arrive $0xFFFF  }
.LBB2_6:
0x55: {  	p0 =	sne.s32 s21, $0xF800  }
.Ltmp2:
0x56: {  	_ = 	snop;
	(pc) =	sbr.rel @p0 .LBB2_6-.Ltmp2, $3  }
0x57: {  	_ =	sdelay $0x1  }
0x58: {  	s22 =	sshra.s32 s21, $0x2;
	s21 =	sadd.s32 $0x200, s21  }
0x59: {  	[spmem:s2] =	stream.indirect.scatter.add.f32 [tilespmem:s15], [sflag:$0x1], $0x80, s22, s17, $0xb8;
	[tilespmem:$0x1A800] =	vst v63  }
0x5a: {  	_ =	swait.ge [sflag:s18], $0x2800  }
0x5b: {  	s21 =	simm.s32 $0x7C;
	[sflag:s18] =	ssyncset.done $0x0  }
.LBB2_8:
0x5c: {  	p0 =	sne.s32 s21, $0x1;
	s21 =	sadd.s32 $0xFFFFFFFF, s21;
	[sflag:s18] =	ssyncadd.s32 $0xFFFFD800  }
.Ltmp3:
0x5d: {  	(pc) =	sbr.rel @p0 .LBB2_8-.Ltmp3, $3  }
0x5e: {  	_ =	sdelay $0x1  }
0x5f: {  	_ =	swait.ge [sflag:s18], $0x2800  }
0x60: {  	[sflag:s18] =	ssyncset.done $0x0  }
0x61: {  	s3 =	sadd.s32 $0x1, s3  }
0x62: {  	[sflag:s18] =	ssyncadd.s32 $0xFFFFD800;
	p0 =	sne.s32 s3, s14  }
.Ltmp4:
0x63: {  	[bflag:$0x0] =	sbarrier.arrive $0xFFFF;
	(pc) =	sbr.rel @p0 .LBB2_1-.Ltmp4, $4  }
0x64: {  	[hbm:s13], [sflag:s19] =	dma.local [spmem:s20], $0x2800  }
0x65: {  	_ =	swait.ge [sflag:s16], $0x2800  }
0x66: {  	[sflag:s16] =	ssyncset.done $0x0  }
0x67: {  	[sflag:s16] =	ssyncadd.s32 $0xFFFFD800  }
0x68: {  	_ =	sfence.sel $0x180000  }
0x69: {  	[bflag:$0x0] =	sbarrier.arrive $0xFFFF  }
0x6a: {  	p0 =	sne.s32 s1, $0x0;
	_ =	strace $0x9000004A  }
0x6b: {  	s0 =	sadd.s32 @!p0 $0x100000, s0;
	[bflag:$0x2] =	sbarrier.arrive $0xFFFF  }
0x6c: {  	[sflag:s0] =	ssyncadd.tile.s32 @!p0 $0x1;
	_ =	shalt  }
.Lfunc_end2:
_tile_overlayer_lowered:
.L_overlay_start_2:
0x6d: {  	(tag) =	ssettag $0x2  }
0x6e: {  	s0 =	rddreg [dreg:$0x0];
	s2 =	stileid.u32  }
0x6f: {  	s1 =	rddreg [dreg:$0x1];
	p0 =	sne.s32 s2, $0x0  }
0x70: {  	s3 =	rddreg [dreg:$0x2];
	[bflag:$0x3] =	sbarrier.arrive $0xFFFF;
	s2 =	simm.s32 @!p0 $0x1C02  }
0x71: {  	[timem:s3], [sflag:s2] =	dma.local @!p0 [hbm:s0], s1  }
0x72: {  	s0 =	simm.s32 @!p0 $0x2  }
0x73: {  	_ =	swait.ge @!p0 [sflag:s0], s1  }
0x74: {  	s1 =	ssub.s32 @!p0 $0x0, s1;
	[sflag:s0] =	ssyncset.done @!p0 $0x0  }
0x75: {  	[sflag:s0] =	ssyncadd.s32 @!p0 s1  }
0x76: {  	[bflag:$0x3] =	sbarrier.arrive $0xFFFF  }
0x77: {  	_ =	shalt  }

// kernel: kernel.16.cloned.1.call-start
scs
__scs_entry_jumppad:
0x0: {  	(pc) =	sbr.rel $0x88, $3  }
0x1: {  	(tag) =	ssettag $0x0;
	lr =	simm.s32 $0x1  }
0x2: {  	[smem:$0x3F98] =	sst lr;
	_ =	strace $0xD0000000  }
0x3: {  	_ = 	snop  }
0x4: {  	_ = 	snop  }
0x5: {  	_ = 	snop  }
0x6: {  	_ = 	snop  }
0x7: {  	_ = 	snop  }
__scs_overlays_trampoline_lowered:
0x8: {  	[smem:$0x3FA7] =	sst s0  }
0x9: {  	[smem:$0x3FA8] =	sst s1  }
0xa: {  	[smem:$0x3FA9] =	sst s2  }
0xb: {  	[smem:$0x3FAA] =	sst s3  }
0xc: {  	[smem:$0x3FAB] =	sst s4  }
0xd: {  	[smem:$0x3FAC] =	sst s5  }
0xe: {  	[smem:$0x3FAD] =	sst s6  }
0xf: {  	[smem:$0x3FAE] =	sst s7  }
0x10: {  	[smem:$0x3FAF] =	sst s8  }
0x11: {  	[smem:$0x3FB0] =	sst s9;
	s0 =	simm.s32 @!p0 $0x0  }
0x12: {  	s1 =	sld [smem:$0x3F96];
	s0 =	simm.s32 @p0 $0x1  }
0x13: {  	[smem:$0x3FB1] =	sst s0;
	s0 =	simm.s32 @!p1 $0x0  }
0x14: {  	s2 =	sld [smem:$0x3F95];
	s0 =	simm.s32 @p1 $0x1  }
0x15: {  	[smem:$0x3FB2] =	sst s0;
	s0 =	simm.s32 @!p2 $0x0  }
0x16: {  	s3 =	sld [smem:$0x3FDB];
	s0 =	simm.s32 @p2 $0x1  }
0x17: {  	s4 =	simm.s32 $0x1BF5;
	[smem:$0x3FB4] =	sst s0  }
0x18: {  	s0 =	sld [smem:$0x3F97];
	_ =	swait.ge [sflag:s4], $0x0  }
0x19: {  	s7 =	sld [smem:$0x3F98]  }
0x1a: {  	s8 =	sadd.s32 $0xFFFFE003, lr  }
0x1b: {  	s9 =	sadd.s32 $0xFFFFFEF7, lr;
	s5 =	simm.s32 $0xFFFFFFFF;
	p2 =	slt.u32 s8, $0xFFFFF086  }
0x1c: {  	p1 =	slt.u32 s9, $0xF7A;
	s5 =	simm.s32 @!p2 $0x0  }
0x1d: {  	s5 =	simm.s32 @p1 $0x1;
	p0 =	seq.s32 s7, s2  }
0x1e: {  	s7 =	smul.u32 @!p0 $0xF7A, s2;
	p2 =	seq.s32 @!p0 s5, $0x0  }
0x1f: {  	s9 =	smul.u32 $0xF7A, s1;
	s8 =	simm.s32 @!p0 $0x1BF5;
	p2 =	por !p2, p0  }
0x20: {  	[sflag:s8] =	ssyncset.s32 @!p0 $0xFFFFF086;
	s6 =	sadd.s32 @!p0 s3, s7;
	s7 =	simm.s32 @!p0 $0x108  }
0x21: {  	s3 =	sadd.s32 s3, s9;
	s6 =	sadd.s32 @!p0 $0x88, s6;
	s7 =	simm.s32 @p2 $0x1082  }
0x22: {  	[simem:s7], [sflag:s8] =	dma.local @!p0 [hbm:s6], $0xF7A  }
0x23: {  	s9 =	sor.u32 $0xD0000000, s2;
	s6 =	simm.s32 $0x108;
	_ =	swait.ge @!p0 [sflag:s8], $0x0  }
0x24: {  	s3 =	sadd.s32 $0x88, s3;
	s6 =	simm.s32 @!p1 $0x1082;
	[sflag:s4] =	ssyncset.s32 $0xFFFFF086  }
0x25: {  	[simem:s6], [sflag:s4] =	dma.local [hbm:s3], $0xF7A  }
0x26: {  	[smem:$0x3F98] =	sst s1;
	(tag) =	ssettag s2;
	_ =	strace s9  }
0x27: {  	s1 =	sld [smem:$0x3FA8]  }
0x28: {  	s2 =	sld [smem:$0x3FA9]  }
0x29: {  	s4 =	sld [smem:$0x3FAB]  }
0x2a: {  	p0 =	seq.s32 s5, $0x0;
	s5 =	sld [smem:$0x3FAC]  }
0x2b: {  	s6 =	sld [smem:$0x3FAD]  }
0x2c: {  	s7 =	sld [smem:$0x3FAE]  }
0x2d: {  	s3 =	simm.s32 $0x108;
	s8 =	sld [smem:$0x3FAF]  }
0x2e: {  	s3 =	simm.s32 @!p0 $0x1082;
	s9 =	sld [smem:$0x3FB0]  }
0x2f: {  	lr =	sadd.s32 s0, s3;
	s0 =	sld [smem:$0x3FA7]  }
0x30: {  	s3 =	sld [smem:$0x3FAA]  }
0x31: {  	[smem:$0x3FB3] =	sst s10  }
0x32: {  	s10 =	sld [smem:$0x3FB1];
	_ =	sdelay $0x3  }
0x33: {  	p0 =	seq.s32 s10, $0x1;
	s10 =	sld [smem:$0x3FB3];
	_ =	sdelay $0x3  }
0x34: {  	[smem:$0x3FB3] =	sst s10  }
0x35: {  	s10 =	sld [smem:$0x3FB2];
	_ =	sdelay $0x3  }
0x36: {  	p1 =	seq.s32 s10, $0x1;
	s10 =	sld [smem:$0x3FB3];
	_ =	sdelay $0x3  }
0x37: {  	[smem:$0x3FB3] =	sst s10  }
0x38: {  	s10 =	sld [smem:$0x3FB4]  }
0x39: {  	_ = 	snop;
	(pc) =	sbr.ind lr, $3  }
0x3a: {  	_ = 	snop  }
0x3b: {  	_ = 	snop  }
0x3c: {  	p2 =	seq.s32 s10, $0x1;
	s10 =	sld [smem:$0x3FB3]  }
0x3d: {  	_ =	shalt  }
0x3e: {  	_ =	shalt  }
0x3f: {  	_ =	shalt  }
0x40: {  	_ =	shalt  }
0x41: {  	_ =	shalt  }
0x42: {  	_ =	shalt  }
0x43: {  	_ =	shalt  }
0x44: {  	_ =	shalt  }
0x45: {  	_ =	shalt  }
0x46: {  	_ =	shalt  }
0x47: {  	_ =	shalt  }
0x48: {  	_ =	shalt  }
0x49: {  	_ =	shalt  }
0x4a: {  	_ =	shalt  }
0x4b: {  	_ =	shalt  }
0x4c: {  	_ =	shalt  }
0x4d: {  	_ =	shalt  }
0x4e: {  	_ =	shalt  }
0x4f: {  	_ =	shalt  }
0x50: {  	_ =	shalt  }
0x51: {  	_ =	shalt  }
0x52: {  	_ =	shalt  }
0x53: {  	_ =	shalt  }
0x54: {  	_ =	shalt  }
0x55: {  	_ =	shalt  }
0x56: {  	_ =	shalt  }
0x57: {  	_ =	shalt  }
0x58: {  	_ =	shalt  }
0x59: {  	_ =	shalt  }
0x5a: {  	_ =	shalt  }
0x5b: {  	_ =	shalt  }
0x5c: {  	_ =	shalt  }
0x5d: {  	_ =	shalt  }
0x5e: {  	_ =	shalt  }
0x5f: {  	_ =	shalt  }
0x60: {  	_ =	shalt  }
0x61: {  	_ =	shalt  }
0x62: {  	_ =	shalt  }
0x63: {  	_ =	shalt  }
0x64: {  	_ =	shalt  }
0x65: {  	_ =	shalt  }
0x66: {  	_ =	shalt  }
0x67: {  	_ =	shalt  }
0x68: {  	_ =	shalt  }
0x69: {  	_ =	shalt  }
0x6a: {  	_ =	shalt  }
0x6b: {  	_ =	shalt  }
0x6c: {  	_ =	shalt  }
0x6d: {  	_ =	shalt  }
0x6e: {  	_ =	shalt  }
0x6f: {  	_ =	shalt  }
0x70: {  	_ =	shalt  }
0x71: {  	_ =	shalt  }
0x72: {  	_ =	shalt  }
0x73: {  	_ =	shalt  }
0x74: {  	_ =	shalt  }
0x75: {  	_ =	shalt  }
0x76: {  	_ =	shalt  }
0x77: {  	_ =	shalt  }
0x78: {  	_ =	shalt  }
0x79: {  	_ =	shalt  }
0x7a: {  	_ =	shalt  }
0x7b: {  	_ =	shalt  }
0x7c: {  	_ =	shalt  }
0x7d: {  	_ =	shalt  }
0x7e: {  	_ =	shalt  }
0x7f: {  	_ =	shalt  }
0x80: {  	_ =	shalt  }
0x81: {  	_ =	shalt  }
0x82: {  	_ =	shalt  }
0x83: {  	_ =	shalt  }
0x84: {  	_ =	shalt  }
0x85: {  	_ =	shalt  }
0x86: {  	_ =	shalt  }
0x87: {  	_ =	shalt  }
.Lfunc_end0:
.L_simem_size_0:
called_computation.2_lowered:
.L_overlay_start_0:
0x88: {  	s2 =	sld [smem:$0x3FD9]  }
0x89: {  	s3 =	sld [smem:$0x3FFE];
	_ =	sdelay $0x1  }
0x8a: {  	s1 =	srdreg.scid  }
0x8b: {  	s0 =	sand.u32 $0x1, s1  }
0x8c: {  	s16 =	sshll.u32 s0, $0xA;
	s2 =	sadd.s32 s3, s2  }
0x8d: {  	s2 =	sadd.s32 s2, s16  }
0x8e: {  	[smem:$0x3FBF] =	sst s2  }
0x8f: {  	_ = 	snop  }
0x90: {  	(tm) =	ssettm $0x1  }
0x91: {  	s17 =	sld [smem:$0x3FFB];
	_ =	sdelay $0x3  }
0x92: {  	_ =	strace s17  }
0x93: {  	s2 =	sld [smem:$0x3FFC];
	_ =	sdelay $0x3  }
0x94: {  	_ =	strace s2  }
0x95: {  	s2 =	sld [smem:$0x3FFD];
	_ =	sdelay $0x3  }
0x96: {  	_ =	strace s2  }
0x97: {  	_ =	strace $0x8FFFFFFF  }
0x98: {  	s18 =	sld [smem:$0x3FDB];
	_ =	sdelay $0x1  }
0x99: {  	s19 =	simm.s32 $_scs_section_size  }
0x9a: {  	s4 =	simm.s32 $_size__tile_overlayer_lowered;
	s5 =	simm.s32 $_tile_overlayer_lowered  }
0x9b: {  	s22 =	simm.s32 $0x1BFF;
	s21 =	sshll.u32 s5, $0x1;
	s2 =	sadd.s32 s19, s18  }
0x9c: {  	s6 =	simm.s32 $0x0;
	s20 =	sshll.u32 s4, $0x1;
	s4 =	sadd.s32 s21, s2  }
0x9d: {  	[timem:s6], [sflag:s22] =	dma.local [hbm:s4], s20  }
0x9e: {  	_ =	swait.ge [sflag:s22], s20  }
0x9f: {  	s3 =	ssub.s32 $0x0, s20;
	[sflag:s22] =	ssyncset.done $0x0  }
0xa0: {  	[sflag:s22] =	ssyncadd.s32 s3;
	_ =	sdelay $0x1  }
0xa1: {  	s23 =	simm.s32 $0x1B8B  }
0xa2: {  	_ =	swait.ge [sflag:s23], $0x1  }
0xa3: {  	[sflag:s23] =	ssyncset.done $0x0  }
0xa4: {  	s25 =	simm.s32 $0x1B8E;
	s24 =	sld [smem:$0x3FFE];
	[sflag:s23] =	ssyncadd.s32 $0xFFFFFFFF  }
0xa5: {  	s26 =	simm.s32 $execute0_lowered;
	[smem:$0x3FD2] =	sst s25  }
0xa6: {  	s4 =	sshll.u32 s26, $0x1;
	_ =	strace $0x8000004C;
	[dreg:$0x1] =	wrdreg $0xFFFFFFFF  }
0xa7: {  	s28 =	simm.s32 $_size_execute0_lowered;
	s2 =	sadd.s32 s2, s4;
	[dreg:$0x0] =	wrdreg $0x0  }
0xa8: {  	s4 =	sshll.u32 s28, $0x1;
	[dreg:$0x2] =	wrdreg s2  }
0xa9: {  	[dreg:$0x3] =	wrdreg s4  }
0xaa: {  	[dreg:$0x4] =	wrdreg $0xC0  }
0xab: {  	_ =	task [dreg:s6], $0x5FFFF  }
0xac: {  	[dreg:$0x1] =	wrdreg $0xFFFFFFFF  }
0xad: {  	[dreg:$0x0] =	wrdreg $0x60  }
0xae: {  	[dreg:$0x2] =	wrdreg s24  }
0xaf: {  	[dreg:$0x3] =	wrdreg $0xA4000  }
0xb0: {  	[dreg:$0x4] =	wrdreg $0x9  }
0xb1: {  	_ =	task.clear_ibuf [dreg:s6], $0x5FFFF;
	_ =	strace $0x9000004C  }
0xb2: {  	s29 =	simm.s32 $0x9;
	_ =	strace $0x8000004E  }
0xb3: {  	_ =	swait.ge [sflag:s29], $0x1  }
0xb4: {  	[sflag:s29] =	ssyncadd.s32 $0xFFFFFFFF  }
0xb5: {  	_ =	strace $0x9000004E  }
0xb6: {  	_ =	sfence  }
0xb7: {  	s30 =	sld [smem:$0x0];
	_ =	sdelay $0x2  }
0xb8: {  	s31 =	sshll.u32 s1, $0xD;
	s1 =	sshrl.u32 s1, $0x2  }
0xb9: {  	s3 =	sand.u32 $0x4000, s31;
	s1 =	sadd.s32 s1, s30  }
0xba: {  	s0 =	sor.u32 s3, s0;
	s1 =	sshll.u32 s1, $0x11  }
0xbb: {  	s0 =	sor.u32 s1, s0  }
0xbc: {  	s0 =	sadd.s32 $0x8F2B, s0  }
0xbd: {  	[sflag:s0] =	ssyncadd.remote.s32 $0x1  }
0xbe: {  	_ =	sfence.sel $0xFFFF  }
0xbf: {  	[dreg:$0x0] =	wrdreg $0xFFFFFFFF;
	(pc) =	sbr.abs _section_cstart, $3  }
0xc0: {  	[dreg:$0x1] =	wrdreg $0xFFFFFFFF  }
0xc1: {  	_ =	task.clear_ibuf [dreg:s6], $0x2FFFF;
	_ =	strace $0x9FFFFFFF  }
0xc2: {  	(tm) =	ssettm $0x7FFFFFFF  }
0xc3: {  	_ =	shalt  }
tec
execute0_lowered:
.L_overlay_start_1:
0x0: {  	(tag) =	ssettag $0x1  }
0x1: {  	s0 =	srdreg.scid  }
0x2: {  	s1 =	rddreg [dreg:$0x0];
	s10 =	stileid.u32  }
0x3: {  	s2 =	rddreg [dreg:$0x1];
	s3 =	simm.s32 $0x0;
	s28 =	simm.s32 $0x200  }
0x4: {  	s29 =	simm.s32 $0x300;
	s30 =	simm.s32 $0x1;
	s5 =	smul.u32 $0x14000, s10  }
0x5: {  	s31 =	simm.s32 $0x50;
	s0 =	sand.u32 $0x1, s0;
	s7 =	smul.u32 $0x50000, s10  }
0x6: {  	[smem:$0x7FF] =	sst s3;
	s8 =	sshll.u32 s10, $0x1;
	s17 =	smul.u32 $0xFA00, s10  }
0x7: {  	s10 =	simm.s32 $0x80;
	s4 =	smul.u32 $0x140000, s0;
	_ =	strace $0x8000004D  }
0x8: {  	s26 =	ssub.s32 $0x2, s0;
	s8 =	sor.u32 s0, s8;
	s0 =	smul.u32 $0x7D00, s0  }
0x9: {  	s7 =	sshrl.u32 s7, $0x2;
	s9 =	sshrl.u32 s26, $0x1;
	s11 =	smul.u32 $0x7D00, s8  }
0xa: {  	s8 =	simm.s32 $0x5400;
	s4 =	sadd.s32 s5, s4;
	s5 =	sadd.s32 $0x2C00, s1  }
0xb: {  	s15 =	sadd.s32 s7, s2;
	s0 =	sadd.s32 s0, s17;
	s17 =	simm.s32 $0x100  }
0xc: {  	s6 =	sshrl.u32 s4, $0x3;
	s7 =	sadd.s32 $0x2800, s15;
	[dreg:$0x3] =	wrdreg s15  }
0xd: {  	s4 =	sadd.s32 $0x22000, s1;
	s12 =	sadd.s32 $0x5000, s15;
	[dreg:$0x4] =	wrdreg s7  }
0xe: {  	s13 =	sadd.s32 $0x7800, s15;
	s14 =	sadd.s32 $0xA000, s15;
	[dreg:$0x5] =	wrdreg s12  }
0xf: {  	s16 =	sadd.s32 $0xC800, s15;
	s18 =	sadd.s32 $0xF000, s15;
	[dreg:$0x6] =	wrdreg s13  }
0x10: {  	s19 =	sadd.s32 $0x11800, s15;
	s23 =	sadd.s32 $0x700, s0;
	[dreg:$0x7] =	wrdreg s14  }
0x11: {  	s24 =	sadd.s32 $0x600, s0;
	s25 =	sadd.s32 $0x500, s0;
	[dreg:$0x8] =	wrdreg s16  }
0x12: {  	s0 =	sadd.s32 $0x400, s0;
	s1 =	sadd.s32 s6, s1;
	[dreg:$0x9] =	wrdreg s18  }
0x13: {  	s6 =	ssub.s32 s26, s9;
	s7 =	sshrl.u32 s11, $0x3;
	[dreg:$0xb] =	wrdreg s19  }
0x14: {  	s26 =	sshrl.u32 s25, $0x3;
	[dreg:$0x11] =	wrdreg s0;
	s25 =	simm.s32 $0x9  }
0x15: {  	s0 =	simm.s32 $0x2C00;
	s9 =	simm.s32 $0x5;
	s11 =	simm.s32 $0x4  }
0x16: {  	s12 =	simm.s32 $0x7C00;
	s14 =	simm.s32 $0x6;
	s16 =	simm.s32 $0x7  }
0x17: {  	s18 =	simm.s32 $0x8;
	s19 =	simm.s32 $0x380;
	s7 =	sadd.s32 s5, s7  }
0x18: {  	s13 =	simm.s32 $0x0;
	s1 =	sadd.s32 $0xD2000, s1;
	[dreg:$0xa] =	wrdreg s7  }
0x19: {  	s22 =	smax.u32 s6, $0x1;
	s6 =	sshrl.u32 s24, $0x3;
	[dreg:$0xf] =	wrdreg s1  }
.Ltmp0:
0x1a: {  	s20 =	sadd.s32 $0x20, s7;
	[dreg:$0x10] =	wrdreg s22;
	(pc) =	sbr.rel .LBB2_1-.Ltmp0, $4  }
0x1b: {  	s24 =	simm.s32 $0x400;
	s21 =	sadd.s32 $0x40, s7;
	[dreg:$0xc] =	wrdreg s20  }
0x1c: {  	s7 =	sadd.s32 $0x60, s7;
	s1 =	sshrl.u32 s23, $0x3;
	[dreg:$0xd] =	wrdreg s21  }
0x1d: {  	s22 =	sadd.s32 s26, s5;
	[dreg:$0xe] =	wrdreg s7;
	s20 =	sadd.s32 s1, s5  }
0x1e: {  	v0 =	vimm.f32 $0.0e+00;
	s21 =	sadd.s32 s6, s5;
	s1 =	simm.s32 $0x2;
	s7 =	simm.s32 $0x3  }
.LBB2_6:
0x1f: {  	_ =	swait.ge [sflag:s18], $0x2800  }
0x20: {  	[sflag:s18] =	ssyncset.done $0x0  }
0x21: {  	[sflag:s18] =	ssyncadd.s32 $0xFFFFD800  }
0x22: {  	[spmem:s2] =	stream.indirect.scatter.add.f32 [tilespmem:s12], [sflag:$0x9], $0x80, s19, s31, $0xb8;
	[tilespmem:$0x1E400] =	vst v63  }
0x23: {  	_ =	swait.ge [sflag:s25], $0x2800  }
0x24: {  	[sflag:s25] =	ssyncset.done $0x0  }
0x25: {  	[sflag:s25] =	ssyncadd.s32 $0xFFFFD800  }
0x26: {  	_ =	swait.ge [sflag:s9], $0x2800  }
0x27: {  	[sflag:s9] =	ssyncset.done $0x0  }
0x28: {  	[sflag:s9] =	ssyncadd.s32 $0xFFFFD800  }
0x29: {  	[spmem:s2] =	stream.indirect.scatter.add.f32 [tilespmem:s24], [sflag:$0x9], $0x80, s10, s31, $0xb8;
	[tilespmem:$0x1E400] =	vst v63  }
0x2a: {  	_ =	swait.ge [sflag:s25], $0x2800  }
0x2b: {  	[sflag:s25] =	ssyncset.done $0x0  }
0x2c: {  	[sflag:s25] =	ssyncadd.s32 $0xFFFFD800  }
0x2d: {  	s6 =	stileid.u32;
	[bflag:$0x0] =	sbarrier.arrive $0xFFFF  }
0x2e: {  	s6 =	sshll.u32 s6, $0x6;
	s15 =	rddreg [dreg:$0x3]  }
0x2f: {  	s6 =	sor.u32 $0x1C09, s6;
	s23 =	rddreg [dreg:$0xf];
	s13 =	sshrl.u32 s15, $0x3  }
0x30: {  	[hbm:s23], [sflag:s6] =	dma.local [spmem:s13], $0x2800  }
0x31: {  	_ =	swait.ge [sflag:s25], $0x2800  }
0x32: {  	s23 =	rddreg [dreg:$0x12]  }
0x33: {  	s26 =	rddreg [dreg:$0x10];
	s13 =	sadd.s32 $0x1, s23  }
0x34: {  	p0 =	sne.s32 s13, s26  }
.Ltmp1:
0x35: {  	_ = 	snop;
	(pc) =	sbr.rel @!p0 .LBB2_7-.Ltmp1, $3  }
0x36: {  	_ =	sdelay $0x1  }
0x37: {  	[sflag:s25] =	ssyncset.done $0x0  }
0x38: {  	[sflag:s25] =	ssyncadd.s32 $0xFFFFD800  }
.LBB2_1:
0x39: {  	[dreg:$0x12] =	wrdreg s13;
	s6 =	simm.s32 $0x0;
	s23 =	simm.s32 $0x200  }
.LBB2_2:
0x3a: {  	p0 =	sne.s32 s23, $0x9E00;
	[tilespmem:s6+$0x470] =	vst v0  }
0x3b: {  	[tilespmem:s6+$0x400] =	vst v0  }
0x3c: {  	[tilespmem:s6+$0x410] =	vst v0  }
.Ltmp2:
0x3d: {  	[tilespmem:s6+$0x420] =	vst v0;
	(pc) =	sbr.rel @p0 .LBB2_2-.Ltmp2, $4  }
0x3e: {  	[tilespmem:s6+$0x430] =	vst v0  }
0x3f: {  	[tilespmem:s6+$0x440] =	vst v0  }
0x40: {  	[tilespmem:s6+$0x450] =	vst v0  }
0x41: {  	[tilespmem:s6+$0x460] =	vst v0;
	s6 =	sshra.s32 s23, $0x2;
	s23 =	sadd.s32 $0x200, s23  }
0x42: {  	[tilespmem:s6+$0x470] =	vst v0  }
0x43: {  	[tilespmem:s6+$0x400] =	vst v0  }
0x44: {  	[tilespmem:s6+$0x410] =	vst v0  }
0x45: {  	[tilespmem:s6+$0x420] =	vst v0  }
0x46: {  	[tilespmem:s6+$0x430] =	vst v0  }
0x47: {  	[tilespmem:s6+$0x440] =	vst v0  }
0x48: {  	[tilespmem:s6+$0x450] =	vst v0  }
0x49: {  	[tilespmem:s6+$0x460] =	vst v0  }
0x4a: {  	[spmem:s15] =	stream.linear.scatter [tilespmem:s24], [sflag:$0x9], $0x2800, $0x38;
	[tilespmem:$0x1E400] =	vst v63  }
0x4b: {  	_ =	swait.ge [sflag:s25], $0x2800  }
0x4c: {  	[sflag:s25] =	ssyncset.done $0x0  }
0x4d: {  	s23 =	rddreg [dreg:$0x4];
	[sflag:s25] =	ssyncadd.s32 $0xFFFFD800  }
0x4e: {  	[spmem:s23] =	stream.linear.scatter [tilespmem:s24], [sflag:$0x9], $0x2800, $0x38;
	[tilespmem:$0x1E400] =	vst v63  }
0x4f: {  	_ =	swait.ge [sflag:s25], $0x2800  }
0x50: {  	[sflag:s25] =	ssyncset.done $0x0  }
0x51: {  	s26 =	rddreg [dreg:$0x5];
	[sflag:s25] =	ssyncadd.s32 $0xFFFFD800  }
0x52: {  	[spmem:s26] =	stream.linear.scatter [tilespmem:s24], [sflag:$0x9], $0x2800, $0x38;
	[tilespmem:$0x1E400] =	vst v63  }
0x53: {  	_ =	swait.ge [sflag:s25], $0x2800  }
0x54: {  	[sflag:s25] =	ssyncset.done $0x0  }
0x55: {  	s13 =	rddreg [dreg:$0x6];
	[sflag:s25] =	ssyncadd.s32 $0xFFFFD800  }
0x56: {  	[spmem:s13] =	stream.linear.scatter [tilespmem:s24], [sflag:$0x9], $0x2800, $0x38;
	[tilespmem:$0x1E400] =	vst v63  }
0x57: {  	_ =	swait.ge [sflag:s25], $0x2800  }
0x58: {  	[sflag:s25] =	ssyncset.done $0x0  }
0x59: {  	s15 =	rddreg [dreg:$0x7];
	[sflag:s25] =	ssyncadd.s32 $0xFFFFD800  }
0x5a: {  	[spmem:s15] =	stream.linear.scatter [tilespmem:s24], [sflag:$0x9], $0x2800, $0x38;
	[tilespmem:$0x1E400] =	vst v63  }
0x5b: {  	_ =	swait.ge [sflag:s25], $0x2800  }
0x5c: {  	[sflag:s25] =	ssyncset.done $0x0  }
0x5d: {  	s23 =	rddreg [dreg:$0x8];
	[sflag:s25] =	ssyncadd.s32 $0xFFFFD800  }
0x5e: {  	[spmem:s23] =	stream.linear.scatter [tilespmem:s24], [sflag:$0x9], $0x2800, $0x38;
	[tilespmem:$0x1E400] =	vst v63  }
0x5f: {  	_ =	swait.ge [sflag:s25], $0x2800  }
0x60: {  	[sflag:s25] =	ssyncset.done $0x0  }
0x61: {  	s26 =	rddreg [dreg:$0x9];
	[sflag:s25] =	ssyncadd.s32 $0xFFFFD800  }
0x62: {  	[spmem:s26] =	stream.linear.scatter [tilespmem:s24], [sflag:$0x9], $0x2800, $0x38;
	[tilespmem:$0x1E400] =	vst v63  }
0x63: {  	_ =	swait.ge [sflag:s25], $0x2800  }
0x64: {  	[sflag:s25] =	ssyncset.done $0x0  }
0x65: {  	s13 =	rddreg [dreg:$0xb];
	[sflag:s25] =	ssyncadd.s32 $0xFFFFD800  }
0x66: {  	[spmem:s13] =	stream.linear.scatter [tilespmem:s24], [sflag:$0x9], $0x2800, $0x38;
	[tilespmem:$0x1E400] =	vst v63  }
0x67: {  	_ =	swait.ge [sflag:s25], $0x2800  }
0x68: {  	[sflag:s25] =	ssyncset.done $0x0  }
0x69: {  	[sflag:s25] =	ssyncadd.s32 $0xFFFFD800  }
0x6a: {  	[bflag:$0x0] =	sbarrier.arrive $0xFFFF  }
0x6b: {  	s23 =	simm.s32 $0x0;
	s15 =	rddreg [dreg:$0xa]  }
0x6c: {  	[tilespmem:s23], [sflag:$0x1] =	stream.linear.gather [hbm4b:s15+s23], $0x100, $0x38;
	[tilespmem:$0x1E400] =	vst v63  }
0x6d: {  	s13 =	simm.s32 $0x100;
	s26 =	rddreg [dreg:$0xc]  }
0x6e: {  	[tilespmem:s13], [sflag:$0x2] =	stream.linear.gather [hbm4b:s26+s23], $0x100, $0x38;
	[tilespmem:$0x1E400] =	vst v63  }
0x6f: {  	s15 =	rddreg [dreg:$0xd]  }
0x70: {  	[tilespmem:s28], [sflag:$0x3] =	stream.linear.gather [hbm4b:s15+s23], $0x100, $0x38;
	[tilespmem:$0x1E400] =	vst v63  }
0x71: {  	s26 =	rddreg [dreg:$0xe]  }
0x72: {  	[tilespmem:s29], [sflag:$0x4] =	stream.linear.gather [hbm4b:s26+s23], $0x100, $0x38;
	[tilespmem:$0x1E400] =	vst v63  }
0x73: {  	_ =	swait.ge [sflag:s30], $0x100  }
0x74: {  	[sflag:s30] =	ssyncset.done $0x0  }
0x75: {  	[sflag:s30] =	ssyncadd.s32 $0xFFFFFF00  }
0x76: {  	[tilespmem:s24], [sflag:$0x5] =	stream.indirect.gather [hbm4b:s4+s31], $0x80, s23, s31, $0xb8;
	[tilespmem:$0x1E400] =	vst v63  }
0x77: {  	_ =	swait.ge [sflag:s1], $0x100  }
0x78: {  	[sflag:s1] =	ssyncset.done $0x0  }
0x79: {  	[sflag:s1] =	ssyncadd.s32 $0xFFFFFF00  }
0x7a: {  	[tilespmem:s0], [sflag:$0x6] =	stream.indirect.gather [hbm4b:s4+s31], $0x80, s13, s31, $0xb8;
	[tilespmem:$0x1E400] =	vst v63  }
0x7b: {  	_ =	swait.ge [sflag:s7], $0x100  }
0x7c: {  	[sflag:s7] =	ssyncset.done $0x0  }
0x7d: {  	s6 =	rddreg [dreg:$0x11];
	[sflag:s7] =	ssyncadd.s32 $0xFFFFFF00  }
0x7e: {  	[tilespmem:s8], [sflag:$0x7] =	stream.indirect.gather [hbm4b:s4+s31], $0x80, s28, s31, $0xb8;
	[tilespmem:$0x1E400] =	vst v63  }
.LBB2_4:
0x7f: {  	_ =	swait.ge [sflag:s9], $0x2800  }
0x80: {  	[sflag:s9] =	ssyncset.done $0x0  }
0x81: {  	[sflag:s9] =	ssyncadd.s32 $0xFFFFD800  }
0x82: {  	[spmem:s2] =	stream.indirect.scatter.add.f32 [tilespmem:s24], [sflag:$0x9], $0x80, s10, s31, $0xb8;
	[tilespmem:$0x1E400] =	vst v63  }
0x83: {  	_ =	swait.ge [sflag:s25], $0x2800  }
0x84: {  	s13 =	sshrl.u32 s6, $0x3;
	[sflag:s25] =	ssyncset.done $0x0  }
0x85: {  	s13 =	sadd.s32 s5, s13;
	[sflag:s25] =	ssyncadd.s32 $0xFFFFD800  }
0x86: {  	[tilespmem:s3], [sflag:$0x1] =	stream.linear.gather [hbm4b:s13+s3], $0x100, $0x38;
	[tilespmem:$0x1E400] =	vst v63  }
0x87: {  	_ =	swait.ge [sflag:s11], $0x100  }
0x88: {  	[sflag:s11] =	ssyncset.done $0x0  }
0x89: {  	[sflag:s11] =	ssyncadd.s32 $0xFFFFFF00  }
0x8a: {  	[tilespmem:s12], [sflag:$0x8] =	stream.indirect.gather [hbm4b:s4+s31], $0x80, s29, s31, $0xb8;
	[tilespmem:$0x1E400] =	vst v63  }
0x8b: {  	_ =	swait.ge [sflag:s14], $0x2800  }
0x8c: {  	[sflag:s14] =	ssyncset.done $0x0  }
0x8d: {  	s15 =	simm.s32 $0x180;
	[sflag:s14] =	ssyncadd.s32 $0xFFFFD800  }
0x8e: {  	[spmem:s2] =	stream.indirect.scatter.add.f32 [tilespmem:s0], [sflag:$0x9], $0x80, s15, s31, $0xb8;
	[tilespmem:$0x1E400] =	vst v63  }
0x8f: {  	p0 =	seq.s32 s23, $0xF00;
	_ =	swait.ge [sflag:s25], $0x2800  }
0x90: {  	s26 =	simm.s32 @!p0 $0x0;
	[sflag:s25] =	ssyncset.done $0x0  }
0x91: {  	s13 =	sadd.s32 @!p0 s23, s22;
	s15 =	simm.s32 @!p0 $0x100;
	[sflag:s25] =	ssyncadd.s32 $0xFFFFD800  }
0x92: {  	[tilespmem:s15], [sflag:$0x2] =	stream.linear.gather @!p0 [hbm4b:s13+s26], $0x100, $0x38;
	[tilespmem:$0x1E400] =	vst v63  }
0x93: {  	_ =	swait.ge [sflag:s30], $0x100  }
0x94: {  	[sflag:s30] =	ssyncset.done $0x0  }
0x95: {  	[sflag:s30] =	ssyncadd.s32 $0xFFFFFF00  }
0x96: {  	[tilespmem:s24], [sflag:$0x5] =	stream.indirect.gather [hbm4b:s4+s31], $0x80, s3, s31, $0xb8;
	[tilespmem:$0x1E400] =	vst v63  }
0x97: {  	_ =	swait.ge [sflag:s16], $0x2800  }
0x98: {  	[sflag:s16] =	ssyncset.done $0x0  }
.Ltmp3:
0x99: {  	s26 =	simm.s32 $0x280;
	[sflag:s16] =	ssyncadd.s32 $0xFFFFD800;
	(pc) =	sbr.rel @p0 .LBB2_6-.Ltmp3, $4  }
0x9a: {  	[spmem:s2] =	stream.indirect.scatter.add.f32 [tilespmem:s8], [sflag:$0x9], $0x80, s26, s31, $0xb8;
	[tilespmem:$0x1E400] =	vst v63  }
0x9b: {  	_ =	swait.ge [sflag:s25], $0x2800  }
0x9c: {  	[sflag:s25] =	ssyncset.done $0x0  }
0x9d: {  	[sflag:s25] =	ssyncadd.s32 $0xFFFFD800  }
0x9e: {  	s13 =	sadd.s32 s23, s21  }
0x9f: {  	[tilespmem:s28], [sflag:$0x3] =	stream.linear.gather [hbm4b:s13+s3], $0x100, $0x38;
	[tilespmem:$0x1E400] =	vst v63  }
0xa0: {  	_ =	swait.ge [sflag:s1], $0x100  }
0xa1: {  	[sflag:s1] =	ssyncset.done $0x0  }
0xa2: {  	[sflag:s1] =	ssyncadd.s32 $0xFFFFFF00  }
0xa3: {  	[tilespmem:s0], [sflag:$0x6] =	stream.indirect.gather [hbm4b:s4+s31], $0x80, s17, s31, $0xb8;
	[tilespmem:$0x1E400] =	vst v63  }
0xa4: {  	_ =	swait.ge [sflag:s18], $0x2800  }
0xa5: {  	[sflag:s18] =	ssyncset.done $0x0  }
0xa6: {  	[sflag:s18] =	ssyncadd.s32 $0xFFFFD800  }
0xa7: {  	[spmem:s2] =	stream.indirect.scatter.add.f32 [tilespmem:s12], [sflag:$0x9], $0x80, s19, s31, $0xb8;
	[tilespmem:$0x1E400] =	vst v63  }
0xa8: {  	_ =	swait.ge [sflag:s25], $0x2800  }
0xa9: {  	[sflag:s25] =	ssyncset.done $0x0  }
0xaa: {  	s26 =	sadd.s32 s23, s20;
	[sflag:s25] =	ssyncadd.s32 $0xFFFFD800  }
0xab: {  	[tilespmem:s29], [sflag:$0x4] =	stream.linear.gather [hbm4b:s26+s3], $0x100, $0x38;
	[tilespmem:$0x1E400] =	vst v63  }
.Ltmp4:
0xac: {  	_ = 	snop;
	(pc) =	sbr.rel .LBB2_4-.Ltmp4, $4  }
0xad: {  	_ =	swait.ge [sflag:s7], $0x100  }
0xae: {  	[sflag:s7] =	ssyncset.done $0x0  }
0xaf: {  	s23 =	sadd.s32 $0x80, s23;
	s6 =	sadd.s32 $0x400, s6;
	[sflag:s7] =	ssyncadd.s32 $0xFFFFFF00  }
0xb0: {  	[tilespmem:s8], [sflag:$0x7] =	stream.indirect.gather [hbm4b:s4+s31], $0x80, s28, s31, $0xb8;
	[tilespmem:$0x1E400] =	vst v63  }
.LBB2_7:
0xb1: {  	_ =	sfence.sel $0x180000  }
0xb2: {  	[bflag:$0x0] =	sbarrier.arrive $0xFFFF  }
0xb3: {  	_ =	strace $0x9000004D  }
0xb4: {  	s0 =	stileid.u32;
	[bflag:$0x2] =	sbarrier.arrive $0xFFFF  }
0xb5: {  	p0 =	sne.s32 s0, $0x0;
	s0 =	rddreg [dreg:$0x2]  }
0xb6: {  	s0 =	sadd.s32 @!p0 $0x100000, s0  }
0xb7: {  	[sflag:s0] =	ssyncadd.tile.s32 @!p0 $0x1;
	_ =	shalt  }
.Lfunc_end2:
_tile_overlayer_lowered:
.L_overlay_start_2:
0xb8: {  	(tag) =	ssettag $0x2  }
0xb9: {  	s0 =	rddreg [dreg:$0x0];
	s2 =	stileid.u32  }
0xba: {  	s1 =	rddreg [dreg:$0x1];
	p0 =	sne.s32 s2, $0x0  }
0xbb: {  	s3 =	rddreg [dreg:$0x2];
	[bflag:$0x3] =	sbarrier.arrive $0xFFFF;
	s2 =	simm.s32 @!p0 $0x1C09  }
0xbc: {  	[timem:s3], [sflag:s2] =	dma.local @!p0 [hbm:s0], s1  }
0xbd: {  	s0 =	simm.s32 @!p0 $0x9  }
0xbe: {  	_ =	swait.ge @!p0 [sflag:s0], s1  }
0xbf: {  	s1 =	ssub.s32 @!p0 $0x0, s1;
	[sflag:s0] =	ssyncset.done @!p0 $0x0  }
0xc0: {  	[sflag:s0] =	ssyncadd.s32 @!p0 s1  }
0xc1: {  	[bflag:$0x3] =	sbarrier.arrive $0xFFFF  }
0xc2: {  	_ =	shalt  }

// kernel: kernel.19.cloned.1.call-start
scs
__scs_entry_jumppad:
0x0: {  	(pc) =	sbr.rel $0x88, $3  }
0x1: {  	(tag) =	ssettag $0x0;
	lr =	simm.s32 $0x1  }
0x2: {  	[smem:$0x3F98] =	sst lr;
	_ =	strace $0xD0000000  }
0x3: {  	_ = 	snop  }
0x4: {  	_ = 	snop  }
0x5: {  	_ = 	snop  }
0x6: {  	_ = 	snop  }
0x7: {  	_ = 	snop  }
__scs_overlays_trampoline_lowered:
0x8: {  	[smem:$0x3FA7] =	sst s0  }
0x9: {  	[smem:$0x3FA8] =	sst s1  }
0xa: {  	[smem:$0x3FA9] =	sst s2  }
0xb: {  	[smem:$0x3FAA] =	sst s3  }
0xc: {  	[smem:$0x3FAB] =	sst s4  }
0xd: {  	[smem:$0x3FAC] =	sst s5  }
0xe: {  	[smem:$0x3FAD] =	sst s6  }
0xf: {  	[smem:$0x3FAE] =	sst s7  }
0x10: {  	[smem:$0x3FAF] =	sst s8  }
0x11: {  	[smem:$0x3FB0] =	sst s9;
	s0 =	simm.s32 @!p0 $0x0  }
0x12: {  	s1 =	sld [smem:$0x3F96];
	s0 =	simm.s32 @p0 $0x1  }
0x13: {  	[smem:$0x3FB1] =	sst s0;
	s0 =	simm.s32 @!p1 $0x0  }
0x14: {  	s2 =	sld [smem:$0x3F95];
	s0 =	simm.s32 @p1 $0x1  }
0x15: {  	[smem:$0x3FB2] =	sst s0;
	s0 =	simm.s32 @!p2 $0x0  }
0x16: {  	s3 =	sld [smem:$0x3FDB];
	s0 =	simm.s32 @p2 $0x1  }
0x17: {  	s4 =	simm.s32 $0x1BF5;
	[smem:$0x3FB4] =	sst s0  }
0x18: {  	s0 =	sld [smem:$0x3F97];
	_ =	swait.ge [sflag:s4], $0x0  }
0x19: {  	s7 =	sld [smem:$0x3F98]  }
0x1a: {  	s8 =	sadd.s32 $0xFFFFE003, lr  }
0x1b: {  	s9 =	sadd.s32 $0xFFFFFEF7, lr;
	s5 =	simm.s32 $0xFFFFFFFF;
	p2 =	slt.u32 s8, $0xFFFFF086  }
0x1c: {  	p1 =	slt.u32 s9, $0xF7A;
	s5 =	simm.s32 @!p2 $0x0  }
0x1d: {  	s5 =	simm.s32 @p1 $0x1;
	p0 =	seq.s32 s7, s2  }
0x1e: {  	s7 =	smul.u32 @!p0 $0xF7A, s2;
	p2 =	seq.s32 @!p0 s5, $0x0  }
0x1f: {  	s9 =	smul.u32 $0xF7A, s1;
	s8 =	simm.s32 @!p0 $0x1BF5;
	p2 =	por !p2, p0  }
0x20: {  	[sflag:s8] =	ssyncset.s32 @!p0 $0xFFFFF086;
	s6 =	sadd.s32 @!p0 s3, s7;
	s7 =	simm.s32 @!p0 $0x108  }
0x21: {  	s3 =	sadd.s32 s3, s9;
	s6 =	sadd.s32 @!p0 $0x88, s6;
	s7 =	simm.s32 @p2 $0x1082  }
0x22: {  	[simem:s7], [sflag:s8] =	dma.local @!p0 [hbm:s6], $0xF7A  }
0x23: {  	s9 =	sor.u32 $0xD0000000, s2;
	s6 =	simm.s32 $0x108;
	_ =	swait.ge @!p0 [sflag:s8], $0x0  }
0x24: {  	s3 =	sadd.s32 $0x88, s3;
	s6 =	simm.s32 @!p1 $0x1082;
	[sflag:s4] =	ssyncset.s32 $0xFFFFF086  }
0x25: {  	[simem:s6], [sflag:s4] =	dma.local [hbm:s3], $0xF7A  }
0x26: {  	[smem:$0x3F98] =	sst s1;
	(tag) =	ssettag s2;
	_ =	strace s9  }
0x27: {  	s1 =	sld [smem:$0x3FA8]  }
0x28: {  	s2 =	sld [smem:$0x3FA9]  }
0x29: {  	s4 =	sld [smem:$0x3FAB]  }
0x2a: {  	p0 =	seq.s32 s5, $0x0;
	s5 =	sld [smem:$0x3FAC]  }
0x2b: {  	s6 =	sld [smem:$0x3FAD]  }
0x2c: {  	s7 =	sld [smem:$0x3FAE]  }
0x2d: {  	s3 =	simm.s32 $0x108;
	s8 =	sld [smem:$0x3FAF]  }
0x2e: {  	s3 =	simm.s32 @!p0 $0x1082;
	s9 =	sld [smem:$0x3FB0]  }
0x2f: {  	lr =	sadd.s32 s0, s3;
	s0 =	sld [smem:$0x3FA7]  }
0x30: {  	s3 =	sld [smem:$0x3FAA]  }
0x31: {  	[smem:$0x3FB3] =	sst s10  }
0x32: {  	s10 =	sld [smem:$0x3FB1];
	_ =	sdelay $0x3  }
0x33: {  	p0 =	seq.s32 s10, $0x1;
	s10 =	sld [smem:$0x3FB3];
	_ =	sdelay $0x3  }
0x34: {  	[smem:$0x3FB3] =	sst s10  }
0x35: {  	s10 =	sld [smem:$0x3FB2];
	_ =	sdelay $0x3  }
0x36: {  	p1 =	seq.s32 s10, $0x1;
	s10 =	sld [smem:$0x3FB3];
	_ =	sdelay $0x3  }
0x37: {  	[smem:$0x3FB3] =	sst s10  }
0x38: {  	s10 =	sld [smem:$0x3FB4]  }
0x39: {  	_ = 	snop;
	(pc) =	sbr.ind lr, $3  }
0x3a: {  	_ = 	snop  }
0x3b: {  	_ = 	snop  }
0x3c: {  	p2 =	seq.s32 s10, $0x1;
	s10 =	sld [smem:$0x3FB3]  }
0x3d: {  	_ =	shalt  }
0x3e: {  	_ =	shalt  }
0x3f: {  	_ =	shalt  }
0x40: {  	_ =	shalt  }
0x41: {  	_ =	shalt  }
0x42: {  	_ =	shalt  }
0x43: {  	_ =	shalt  }
0x44: {  	_ =	shalt  }
0x45: {  	_ =	shalt  }
0x46: {  	_ =	shalt  }
0x47: {  	_ =	shalt  }
0x48: {  	_ =	shalt  }
0x49: {  	_ =	shalt  }
0x4a: {  	_ =	shalt  }
0x4b: {  	_ =	shalt  }
0x4c: {  	_ =	shalt  }
0x4d: {  	_ =	shalt  }
0x4e: {  	_ =	shalt  }
0x4f: {  	_ =	shalt  }
0x50: {  	_ =	shalt  }
0x51: {  	_ =	shalt  }
0x52: {  	_ =	shalt  }
0x53: {  	_ =	shalt  }
0x54: {  	_ =	shalt  }
0x55: {  	_ =	shalt  }
0x56: {  	_ =	shalt  }
0x57: {  	_ =	shalt  }
0x58: {  	_ =	shalt  }
0x59: {  	_ =	shalt  }
0x5a: {  	_ =	shalt  }
0x5b: {  	_ =	shalt  }
0x5c: {  	_ =	shalt  }
0x5d: {  	_ =	shalt  }
0x5e: {  	_ =	shalt  }
0x5f: {  	_ =	shalt  }
0x60: {  	_ =	shalt  }
0x61: {  	_ =	shalt  }
0x62: {  	_ =	shalt  }
0x63: {  	_ =	shalt  }
0x64: {  	_ =	shalt  }
0x65: {  	_ =	shalt  }
0x66: {  	_ =	shalt  }
0x67: {  	_ =	shalt  }
0x68: {  	_ =	shalt  }
0x69: {  	_ =	shalt  }
0x6a: {  	_ =	shalt  }
0x6b: {  	_ =	shalt  }
0x6c: {  	_ =	shalt  }
0x6d: {  	_ =	shalt  }
0x6e: {  	_ =	shalt  }
0x6f: {  	_ =	shalt  }
0x70: {  	_ =	shalt  }
0x71: {  	_ =	shalt  }
0x72: {  	_ =	shalt  }
0x73: {  	_ =	shalt  }
0x74: {  	_ =	shalt  }
0x75: {  	_ =	shalt  }
0x76: {  	_ =	shalt  }
0x77: {  	_ =	shalt  }
0x78: {  	_ =	shalt  }
0x79: {  	_ =	shalt  }
0x7a: {  	_ =	shalt  }
0x7b: {  	_ =	shalt  }
0x7c: {  	_ =	shalt  }
0x7d: {  	_ =	shalt  }
0x7e: {  	_ =	shalt  }
0x7f: {  	_ =	shalt  }
0x80: {  	_ =	shalt  }
0x81: {  	_ =	shalt  }
0x82: {  	_ =	shalt  }
0x83: {  	_ =	shalt  }
0x84: {  	_ =	shalt  }
0x85: {  	_ =	shalt  }
0x86: {  	_ =	shalt  }
0x87: {  	_ =	shalt  }
.Lfunc_end0:
.L_simem_size_0:
called_computation.3_lowered:
.L_overlay_start_0:
0x88: {  	s2 =	sld [smem:$0x3FD9]  }
0x89: {  	s3 =	sld [smem:$0x3FFE];
	_ =	sdelay $0x1  }
0x8a: {  	s1 =	srdreg.scid  }
0x8b: {  	s0 =	sand.u32 $0x1, s1  }
0x8c: {  	s16 =	sshll.u32 s0, $0xA;
	s2 =	sadd.s32 s3, s2  }
0x8d: {  	s2 =	sadd.s32 s2, s16  }
0x8e: {  	[smem:$0x3FBF] =	sst s2  }
0x8f: {  	_ = 	snop  }
0x90: {  	(tm) =	ssettm $0x1  }
0x91: {  	s17 =	sld [smem:$0x3FFB];
	_ =	sdelay $0x3  }
0x92: {  	_ =	strace s17  }
0x93: {  	s2 =	sld [smem:$0x3FFC];
	_ =	sdelay $0x3  }
0x94: {  	_ =	strace s2  }
0x95: {  	s2 =	sld [smem:$0x3FFD];
	_ =	sdelay $0x3  }
0x96: {  	_ =	strace s2  }
0x97: {  	_ =	strace $0x8FFFFFFF  }
0x98: {  	s18 =	sld [smem:$0x3FDB];
	_ =	sdelay $0x1  }
0x99: {  	s19 =	simm.s32 $_scs_section_size  }
0x9a: {  	s4 =	simm.s32 $_size__tile_overlayer_lowered;
	s5 =	simm.s32 $_tile_overlayer_lowered  }
0x9b: {  	s22 =	simm.s32 $0x1BFF;
	s21 =	sshll.u32 s5, $0x1;
	s2 =	sadd.s32 s19, s18  }
0x9c: {  	s6 =	simm.s32 $0x0;
	s20 =	sshll.u32 s4, $0x1;
	s4 =	sadd.s32 s21, s2  }
0x9d: {  	[timem:s6], [sflag:s22] =	dma.local [hbm:s4], s20  }
0x9e: {  	_ =	swait.ge [sflag:s22], s20  }
0x9f: {  	s3 =	ssub.s32 $0x0, s20;
	[sflag:s22] =	ssyncset.done $0x0  }
0xa0: {  	[sflag:s22] =	ssyncadd.s32 s3;
	_ =	sdelay $0x1  }
0xa1: {  	s23 =	simm.s32 $0x1B8B  }
0xa2: {  	_ =	swait.ge [sflag:s23], $0x1  }
0xa3: {  	[sflag:s23] =	ssyncset.done $0x0  }
0xa4: {  	s25 =	simm.s32 $0x1B8E;
	s24 =	sld [smem:$0x3FFE];
	[sflag:s23] =	ssyncadd.s32 $0xFFFFFFFF  }
0xa5: {  	s26 =	simm.s32 $execute0_lowered;
	[smem:$0x3FD2] =	sst s25  }
0xa6: {  	s4 =	sshll.u32 s26, $0x1;
	_ =	strace $0x8000004F;
	[dreg:$0x1] =	wrdreg $0xFFFFFFFF  }
0xa7: {  	s28 =	simm.s32 $_size_execute0_lowered;
	s2 =	sadd.s32 s2, s4;
	[dreg:$0x0] =	wrdreg $0x0  }
0xa8: {  	s4 =	sshll.u32 s28, $0x1;
	[dreg:$0x2] =	wrdreg s2  }
0xa9: {  	[dreg:$0x3] =	wrdreg s4  }
0xaa: {  	[dreg:$0x4] =	wrdreg $0xC0  }
0xab: {  	_ =	task [dreg:s6], $0x5FFFF  }
0xac: {  	[dreg:$0x1] =	wrdreg $0xFFFFFFFF  }
0xad: {  	[dreg:$0x0] =	wrdreg $0x60  }
0xae: {  	[dreg:$0x2] =	wrdreg s24  }
0xaf: {  	[dreg:$0x3] =	wrdreg $0xA4000  }
0xb0: {  	[dreg:$0x4] =	wrdreg $0x9  }
0xb1: {  	_ =	task.clear_ibuf [dreg:s6], $0x5FFFF;
	_ =	strace $0x9000004F  }
0xb2: {  	s29 =	simm.s32 $0x9;
	_ =	strace $0x80000051  }
0xb3: {  	_ =	swait.ge [sflag:s29], $0x1  }
0xb4: {  	[sflag:s29] =	ssyncadd.s32 $0xFFFFFFFF  }
0xb5: {  	_ =	strace $0x90000051  }
0xb6: {  	_ =	sfence  }
0xb7: {  	s30 =	sld [smem:$0x0];
	_ =	sdelay $0x2  }
0xb8: {  	s31 =	sshll.u32 s1, $0xD;
	s1 =	sshrl.u32 s1, $0x2  }
0xb9: {  	s3 =	sand.u32 $0x4000, s31;
	s1 =	sadd.s32 s1, s30  }
0xba: {  	s0 =	sor.u32 s3, s0;
	s1 =	sshll.u32 s1, $0x11  }
0xbb: {  	s0 =	sor.u32 s1, s0  }
0xbc: {  	s0 =	sadd.s32 $0x8F2B, s0  }
0xbd: {  	[sflag:s0] =	ssyncadd.remote.s32 $0x1  }
0xbe: {  	_ =	sfence.sel $0xFFFF  }
0xbf: {  	[dreg:$0x0] =	wrdreg $0xFFFFFFFF;
	(pc) =	sbr.abs _section_cstart, $3  }
0xc0: {  	[dreg:$0x1] =	wrdreg $0xFFFFFFFF  }
0xc1: {  	_ =	task.clear_ibuf [dreg:s6], $0x2FFFF;
	_ =	strace $0x9FFFFFFF  }
0xc2: {  	(tm) =	ssettm $0x7FFFFFFF  }
0xc3: {  	_ =	shalt  }
tec
execute0_lowered:
.L_overlay_start_1:
0x0: {  	(tag) =	ssettag $0x1  }
0x1: {  	s0 =	srdreg.scid  }
0x2: {  	s1 =	rddreg [dreg:$0x0];
	s10 =	stileid.u32  }
0x3: {  	s2 =	rddreg [dreg:$0x1];
	s3 =	simm.s32 $0x0;
	s28 =	simm.s32 $0x200  }
0x4: {  	s29 =	simm.s32 $0x300;
	s30 =	simm.s32 $0x1;
	s5 =	smul.u32 $0x14000, s10  }
0x5: {  	s31 =	simm.s32 $0x50;
	s0 =	sand.u32 $0x1, s0;
	s7 =	smul.u32 $0x50000, s10  }
0x6: {  	[smem:$0x7FF] =	sst s3;
	s8 =	sshll.u32 s10, $0x1;
	s17 =	smul.u32 $0xFA00, s10  }
0x7: {  	s10 =	simm.s32 $0x80;
	s4 =	smul.u32 $0x140000, s0;
	_ =	strace $0x80000050  }
0x8: {  	s26 =	ssub.s32 $0x2, s0;
	s8 =	sor.u32 s0, s8;
	s0 =	smul.u32 $0x7D00, s0  }
0x9: {  	s7 =	sshrl.u32 s7, $0x2;
	s9 =	sshrl.u32 s26, $0x1;
	s11 =	smul.u32 $0x7D00, s8  }
0xa: {  	s8 =	simm.s32 $0x5400;
	s4 =	sadd.s32 s5, s4;
	s5 =	sadd.s32 $0x2C00, s1  }
0xb: {  	s15 =	sadd.s32 s7, s2;
	s0 =	sadd.s32 s0, s17;
	s17 =	simm.s32 $0x100  }
0xc: {  	s6 =	sshrl.u32 s4, $0x3;
	s7 =	sadd.s32 $0x2800, s15;
	[dreg:$0x3] =	wrdreg s15  }
0xd: {  	s4 =	sadd.s32 $0x22000, s1;
	s12 =	sadd.s32 $0x5000, s15;
	[dreg:$0x4] =	wrdreg s7  }
0xe: {  	s13 =	sadd.s32 $0x7800, s15;
	s14 =	sadd.s32 $0xA000, s15;
	[dreg:$0x5] =	wrdreg s12  }
0xf: {  	s16 =	sadd.s32 $0xC800, s15;
	s18 =	sadd.s32 $0xF000, s15;
	[dreg:$0x6] =	wrdreg s13  }
0x10: {  	s19 =	sadd.s32 $0x11800, s15;
	s23 =	sadd.s32 $0x700, s0;
	[dreg:$0x7] =	wrdreg s14  }
0x11: {  	s24 =	sadd.s32 $0x600, s0;
	s25 =	sadd.s32 $0x500, s0;
	[dreg:$0x8] =	wrdreg s16  }
0x12: {  	s0 =	sadd.s32 $0x400, s0;
	s1 =	sadd.s32 s6, s1;
	[dreg:$0x9] =	wrdreg s18  }
0x13: {  	s6 =	ssub.s32 s26, s9;
	s7 =	sshrl.u32 s11, $0x3;
	[dreg:$0xb] =	wrdreg s19  }
0x14: {  	s26 =	sshrl.u32 s25, $0x3;
	[dreg:$0x11] =	wrdreg s0;
	s25 =	simm.s32 $0x9  }
0x15: {  	s0 =	simm.s32 $0x2C00;
	s9 =	simm.s32 $0x5;
	s11 =	simm.s32 $0x4  }
0x16: {  	s12 =	simm.s32 $0x7C00;
	s14 =	simm.s32 $0x6;
	s16 =	simm.s32 $0x7  }
0x17: {  	s18 =	simm.s32 $0x8;
	s19 =	simm.s32 $0x380;
	s7 =	sadd.s32 s5, s7  }
0x18: {  	s13 =	simm.s32 $0x0;
	s1 =	sadd.s32 $0x4A000, s1;
	[dreg:$0xa] =	wrdreg s7  }
0x19: {  	s22 =	smax.u32 s6, $0x1;
	s6 =	sshrl.u32 s24, $0x3;
	[dreg:$0xf] =	wrdreg s1  }
.Ltmp0:
0x1a: {  	s20 =	sadd.s32 $0x20, s7;
	[dreg:$0x10] =	wrdreg s22;
	(pc) =	sbr.rel .LBB2_1-.Ltmp0, $4  }
0x1b: {  	s24 =	simm.s32 $0x400;
	s21 =	sadd.s32 $0x40, s7;
	[dreg:$0xc] =	wrdreg s20  }
0x1c: {  	s7 =	sadd.s32 $0x60, s7;
	s1 =	sshrl.u32 s23, $0x3;
	[dreg:$0xd] =	wrdreg s21  }
0x1d: {  	s22 =	sadd.s32 s26, s5;
	[dreg:$0xe] =	wrdreg s7;
	s20 =	sadd.s32 s1, s5  }
0x1e: {  	v0 =	vimm.f32 $0.0e+00;
	s21 =	sadd.s32 s6, s5;
	s1 =	simm.s32 $0x2;
	s7 =	simm.s32 $0x3  }
.LBB2_6:
0x1f: {  	_ =	swait.ge [sflag:s18], $0x2800  }
0x20: {  	[sflag:s18] =	ssyncset.done $0x0  }
0x21: {  	[sflag:s18] =	ssyncadd.s32 $0xFFFFD800  }
0x22: {  	[spmem:s2] =	stream.indirect.scatter.add.f32 [tilespmem:s12], [sflag:$0x9], $0x80, s19, s31, $0xb8;
	[tilespmem:$0x1E400] =	vst v63  }
0x23: {  	_ =	swait.ge [sflag:s25], $0x2800  }
0x24: {  	[sflag:s25] =	ssyncset.done $0x0  }
0x25: {  	[sflag:s25] =	ssyncadd.s32 $0xFFFFD800  }
0x26: {  	_ =	swait.ge [sflag:s9], $0x2800  }
0x27: {  	[sflag:s9] =	ssyncset.done $0x0  }
0x28: {  	[sflag:s9] =	ssyncadd.s32 $0xFFFFD800  }
0x29: {  	[spmem:s2] =	stream.indirect.scatter.add.f32 [tilespmem:s24], [sflag:$0x9], $0x80, s10, s31, $0xb8;
	[tilespmem:$0x1E400] =	vst v63  }
0x2a: {  	_ =	swait.ge [sflag:s25], $0x2800  }
0x2b: {  	[sflag:s25] =	ssyncset.done $0x0  }
0x2c: {  	[sflag:s25] =	ssyncadd.s32 $0xFFFFD800  }
0x2d: {  	s6 =	stileid.u32;
	[bflag:$0x0] =	sbarrier.arrive $0xFFFF  }
0x2e: {  	s6 =	sshll.u32 s6, $0x6;
	s15 =	rddreg [dreg:$0x3]  }
0x2f: {  	s6 =	sor.u32 $0x1C09, s6;
	s23 =	rddreg [dreg:$0xf];
	s13 =	sshrl.u32 s15, $0x3  }
0x30: {  	[hbm:s23], [sflag:s6] =	dma.local [spmem:s13], $0x2800  }
0x31: {  	_ =	swait.ge [sflag:s25], $0x2800  }
0x32: {  	s23 =	rddreg [dreg:$0x12]  }
0x33: {  	s26 =	rddreg [dreg:$0x10];
	s13 =	sadd.s32 $0x1, s23  }
0x34: {  	p0 =	sne.s32 s13, s26  }
.Ltmp1:
0x35: {  	_ = 	snop;
	(pc) =	sbr.rel @!p0 .LBB2_7-.Ltmp1, $3  }
0x36: {  	_ =	sdelay $0x1  }
0x37: {  	[sflag:s25] =	ssyncset.done $0x0  }
0x38: {  	[sflag:s25] =	ssyncadd.s32 $0xFFFFD800  }
.LBB2_1:
0x39: {  	[dreg:$0x12] =	wrdreg s13;
	s6 =	simm.s32 $0x0;
	s23 =	simm.s32 $0x200  }
.LBB2_2:
0x3a: {  	p0 =	sne.s32 s23, $0x9E00;
	[tilespmem:s6+$0x470] =	vst v0  }
0x3b: {  	[tilespmem:s6+$0x400] =	vst v0  }
0x3c: {  	[tilespmem:s6+$0x410] =	vst v0  }
.Ltmp2:
0x3d: {  	[tilespmem:s6+$0x420] =	vst v0;
	(pc) =	sbr.rel @p0 .LBB2_2-.Ltmp2, $4  }
0x3e: {  	[tilespmem:s6+$0x430] =	vst v0  }
0x3f: {  	[tilespmem:s6+$0x440] =	vst v0  }
0x40: {  	[tilespmem:s6+$0x450] =	vst v0  }
0x41: {  	[tilespmem:s6+$0x460] =	vst v0;
	s6 =	sshra.s32 s23, $0x2;
	s23 =	sadd.s32 $0x200, s23  }
0x42: {  	[tilespmem:s6+$0x470] =	vst v0  }
0x43: {  	[tilespmem:s6+$0x400] =	vst v0  }
0x44: {  	[tilespmem:s6+$0x410] =	vst v0  }
0x45: {  	[tilespmem:s6+$0x420] =	vst v0  }
0x46: {  	[tilespmem:s6+$0x430] =	vst v0  }
0x47: {  	[tilespmem:s6+$0x440] =	vst v0  }
0x48: {  	[tilespmem:s6+$0x450] =	vst v0  }
0x49: {  	[tilespmem:s6+$0x460] =	vst v0  }
0x4a: {  	[spmem:s15] =	stream.linear.scatter [tilespmem:s24], [sflag:$0x9], $0x2800, $0x38;
	[tilespmem:$0x1E400] =	vst v63  }
0x4b: {  	_ =	swait.ge [sflag:s25], $0x2800  }
0x4c: {  	[sflag:s25] =	ssyncset.done $0x0  }
0x4d: {  	s23 =	rddreg [dreg:$0x4];
	[sflag:s25] =	ssyncadd.s32 $0xFFFFD800  }
0x4e: {  	[spmem:s23] =	stream.linear.scatter [tilespmem:s24], [sflag:$0x9], $0x2800, $0x38;
	[tilespmem:$0x1E400] =	vst v63  }
0x4f: {  	_ =	swait.ge [sflag:s25], $0x2800  }
0x50: {  	[sflag:s25] =	ssyncset.done $0x0  }
0x51: {  	s26 =	rddreg [dreg:$0x5];
	[sflag:s25] =	ssyncadd.s32 $0xFFFFD800  }
0x52: {  	[spmem:s26] =	stream.linear.scatter [tilespmem:s24], [sflag:$0x9], $0x2800, $0x38;
	[tilespmem:$0x1E400] =	vst v63  }
0x53: {  	_ =	swait.ge [sflag:s25], $0x2800  }
0x54: {  	[sflag:s25] =	ssyncset.done $0x0  }
0x55: {  	s13 =	rddreg [dreg:$0x6];
	[sflag:s25] =	ssyncadd.s32 $0xFFFFD800  }
0x56: {  	[spmem:s13] =	stream.linear.scatter [tilespmem:s24], [sflag:$0x9], $0x2800, $0x38;
	[tilespmem:$0x1E400] =	vst v63  }
0x57: {  	_ =	swait.ge [sflag:s25], $0x2800  }
0x58: {  	[sflag:s25] =	ssyncset.done $0x0  }
0x59: {  	s15 =	rddreg [dreg:$0x7];
	[sflag:s25] =	ssyncadd.s32 $0xFFFFD800  }
0x5a: {  	[spmem:s15] =	stream.linear.scatter [tilespmem:s24], [sflag:$0x9], $0x2800, $0x38;
	[tilespmem:$0x1E400] =	vst v63  }
0x5b: {  	_ =	swait.ge [sflag:s25], $0x2800  }
0x5c: {  	[sflag:s25] =	ssyncset.done $0x0  }
0x5d: {  	s23 =	rddreg [dreg:$0x8];
	[sflag:s25] =	ssyncadd.s32 $0xFFFFD800  }
0x5e: {  	[spmem:s23] =	stream.linear.scatter [tilespmem:s24], [sflag:$0x9], $0x2800, $0x38;
	[tilespmem:$0x1E400] =	vst v63  }
0x5f: {  	_ =	swait.ge [sflag:s25], $0x2800  }
0x60: {  	[sflag:s25] =	ssyncset.done $0x0  }
0x61: {  	s26 =	rddreg [dreg:$0x9];
	[sflag:s25] =	ssyncadd.s32 $0xFFFFD800  }
0x62: {  	[spmem:s26] =	stream.linear.scatter [tilespmem:s24], [sflag:$0x9], $0x2800, $0x38;
	[tilespmem:$0x1E400] =	vst v63  }
0x63: {  	_ =	swait.ge [sflag:s25], $0x2800  }
0x64: {  	[sflag:s25] =	ssyncset.done $0x0  }
0x65: {  	s13 =	rddreg [dreg:$0xb];
	[sflag:s25] =	ssyncadd.s32 $0xFFFFD800  }
0x66: {  	[spmem:s13] =	stream.linear.scatter [tilespmem:s24], [sflag:$0x9], $0x2800, $0x38;
	[tilespmem:$0x1E400] =	vst v63  }
0x67: {  	_ =	swait.ge [sflag:s25], $0x2800  }
0x68: {  	[sflag:s25] =	ssyncset.done $0x0  }
0x69: {  	[sflag:s25] =	ssyncadd.s32 $0xFFFFD800  }
0x6a: {  	[bflag:$0x0] =	sbarrier.arrive $0xFFFF  }
0x6b: {  	s23 =	simm.s32 $0x0;
	s15 =	rddreg [dreg:$0xa]  }
0x6c: {  	[tilespmem:s23], [sflag:$0x1] =	stream.linear.gather [hbm4b:s15+s23], $0x100, $0x38;
	[tilespmem:$0x1E400] =	vst v63  }
0x6d: {  	s13 =	simm.s32 $0x100;
	s26 =	rddreg [dreg:$0xc]  }
0x6e: {  	[tilespmem:s13], [sflag:$0x2] =	stream.linear.gather [hbm4b:s26+s23], $0x100, $0x38;
	[tilespmem:$0x1E400] =	vst v63  }
0x6f: {  	s15 =	rddreg [dreg:$0xd]  }
0x70: {  	[tilespmem:s28], [sflag:$0x3] =	stream.linear.gather [hbm4b:s15+s23], $0x100, $0x38;
	[tilespmem:$0x1E400] =	vst v63  }
0x71: {  	s26 =	rddreg [dreg:$0xe]  }
0x72: {  	[tilespmem:s29], [sflag:$0x4] =	stream.linear.gather [hbm4b:s26+s23], $0x100, $0x38;
	[tilespmem:$0x1E400] =	vst v63  }
0x73: {  	_ =	swait.ge [sflag:s30], $0x100  }
0x74: {  	[sflag:s30] =	ssyncset.done $0x0  }
0x75: {  	[sflag:s30] =	ssyncadd.s32 $0xFFFFFF00  }
0x76: {  	[tilespmem:s24], [sflag:$0x5] =	stream.indirect.gather [hbm4b:s4+s31], $0x80, s23, s31, $0xb8;
	[tilespmem:$0x1E400] =	vst v63  }
0x77: {  	_ =	swait.ge [sflag:s1], $0x100  }
0x78: {  	[sflag:s1] =	ssyncset.done $0x0  }
0x79: {  	[sflag:s1] =	ssyncadd.s32 $0xFFFFFF00  }
0x7a: {  	[tilespmem:s0], [sflag:$0x6] =	stream.indirect.gather [hbm4b:s4+s31], $0x80, s13, s31, $0xb8;
	[tilespmem:$0x1E400] =	vst v63  }
0x7b: {  	_ =	swait.ge [sflag:s7], $0x100  }
0x7c: {  	[sflag:s7] =	ssyncset.done $0x0  }
0x7d: {  	s6 =	rddreg [dreg:$0x11];
	[sflag:s7] =	ssyncadd.s32 $0xFFFFFF00  }
0x7e: {  	[tilespmem:s8], [sflag:$0x7] =	stream.indirect.gather [hbm4b:s4+s31], $0x80, s28, s31, $0xb8;
	[tilespmem:$0x1E400] =	vst v63  }
.LBB2_4:
0x7f: {  	_ =	swait.ge [sflag:s9], $0x2800  }
0x80: {  	[sflag:s9] =	ssyncset.done $0x0  }
0x81: {  	[sflag:s9] =	ssyncadd.s32 $0xFFFFD800  }
0x82: {  	[spmem:s2] =	stream.indirect.scatter.add.f32 [tilespmem:s24], [sflag:$0x9], $0x80, s10, s31, $0xb8;
	[tilespmem:$0x1E400] =	vst v63  }
0x83: {  	_ =	swait.ge [sflag:s25], $0x2800  }
0x84: {  	s13 =	sshrl.u32 s6, $0x3;
	[sflag:s25] =	ssyncset.done $0x0  }
0x85: {  	s13 =	sadd.s32 s5, s13;
	[sflag:s25] =	ssyncadd.s32 $0xFFFFD800  }
0x86: {  	[tilespmem:s3], [sflag:$0x1] =	stream.linear.gather [hbm4b:s13+s3], $0x100, $0x38;
	[tilespmem:$0x1E400] =	vst v63  }
0x87: {  	_ =	swait.ge [sflag:s11], $0x100  }
0x88: {  	[sflag:s11] =	ssyncset.done $0x0  }
0x89: {  	[sflag:s11] =	ssyncadd.s32 $0xFFFFFF00  }
0x8a: {  	[tilespmem:s12], [sflag:$0x8] =	stream.indirect.gather [hbm4b:s4+s31], $0x80, s29, s31, $0xb8;
	[tilespmem:$0x1E400] =	vst v63  }
0x8b: {  	_ =	swait.ge [sflag:s14], $0x2800  }
0x8c: {  	[sflag:s14] =	ssyncset.done $0x0  }
0x8d: {  	s15 =	simm.s32 $0x180;
	[sflag:s14] =	ssyncadd.s32 $0xFFFFD800  }
0x8e: {  	[spmem:s2] =	stream.indirect.scatter.add.f32 [tilespmem:s0], [sflag:$0x9], $0x80, s15, s31, $0xb8;
	[tilespmem:$0x1E400] =	vst v63  }
0x8f: {  	p0 =	seq.s32 s23, $0xF00;
	_ =	swait.ge [sflag:s25], $0x2800  }
0x90: {  	s26 =	simm.s32 @!p0 $0x0;
	[sflag:s25] =	ssyncset.done $0x0  }
0x91: {  	s13 =	sadd.s32 @!p0 s23, s22;
	s15 =	simm.s32 @!p0 $0x100;
	[sflag:s25] =	ssyncadd.s32 $0xFFFFD800  }
0x92: {  	[tilespmem:s15], [sflag:$0x2] =	stream.linear.gather @!p0 [hbm4b:s13+s26], $0x100, $0x38;
	[tilespmem:$0x1E400] =	vst v63  }
0x93: {  	_ =	swait.ge [sflag:s30], $0x100  }
0x94: {  	[sflag:s30] =	ssyncset.done $0x0  }
0x95: {  	[sflag:s30] =	ssyncadd.s32 $0xFFFFFF00  }
0x96: {  	[tilespmem:s24], [sflag:$0x5] =	stream.indirect.gather [hbm4b:s4+s31], $0x80, s3, s31, $0xb8;
	[tilespmem:$0x1E400] =	vst v63  }
0x97: {  	_ =	swait.ge [sflag:s16], $0x2800  }
0x98: {  	[sflag:s16] =	ssyncset.done $0x0  }
.Ltmp3:
0x99: {  	s26 =	simm.s32 $0x280;
	[sflag:s16] =	ssyncadd.s32 $0xFFFFD800;
	(pc) =	sbr.rel @p0 .LBB2_6-.Ltmp3, $4  }
0x9a: {  	[spmem:s2] =	stream.indirect.scatter.add.f32 [tilespmem:s8], [sflag:$0x9], $0x80, s26, s31, $0xb8;
	[tilespmem:$0x1E400] =	vst v63  }
0x9b: {  	_ =	swait.ge [sflag:s25], $0x2800  }
0x9c: {  	[sflag:s25] =	ssyncset.done $0x0  }
0x9d: {  	[sflag:s25] =	ssyncadd.s32 $0xFFFFD800  }
0x9e: {  	s13 =	sadd.s32 s23, s21  }
0x9f: {  	[tilespmem:s28], [sflag:$0x3] =	stream.linear.gather [hbm4b:s13+s3], $0x100, $0x38;
	[tilespmem:$0x1E400] =	vst v63  }
0xa0: {  	_ =	swait.ge [sflag:s1], $0x100  }
0xa1: {  	[sflag:s1] =	ssyncset.done $0x0  }
0xa2: {  	[sflag:s1] =	ssyncadd.s32 $0xFFFFFF00  }
0xa3: {  	[tilespmem:s0], [sflag:$0x6] =	stream.indirect.gather [hbm4b:s4+s31], $0x80, s17, s31, $0xb8;
	[tilespmem:$0x1E400] =	vst v63  }
0xa4: {  	_ =	swait.ge [sflag:s18], $0x2800  }
0xa5: {  	[sflag:s18] =	ssyncset.done $0x0  }
0xa6: {  	[sflag:s18] =	ssyncadd.s32 $0xFFFFD800  }
0xa7: {  	[spmem:s2] =	stream.indirect.scatter.add.f32 [tilespmem:s12], [sflag:$0x9], $0x80, s19, s31, $0xb8;
	[tilespmem:$0x1E400] =	vst v63  }
0xa8: {  	_ =	swait.ge [sflag:s25], $0x2800  }
0xa9: {  	[sflag:s25] =	ssyncset.done $0x0  }
0xaa: {  	s26 =	sadd.s32 s23, s20;
	[sflag:s25] =	ssyncadd.s32 $0xFFFFD800  }
0xab: {  	[tilespmem:s29], [sflag:$0x4] =	stream.linear.gather [hbm4b:s26+s3], $0x100, $0x38;
	[tilespmem:$0x1E400] =	vst v63  }
.Ltmp4:
0xac: {  	_ = 	snop;
	(pc) =	sbr.rel .LBB2_4-.Ltmp4, $4  }
0xad: {  	_ =	swait.ge [sflag:s7], $0x100  }
0xae: {  	[sflag:s7] =	ssyncset.done $0x0  }
0xaf: {  	s23 =	sadd.s32 $0x80, s23;
	s6 =	sadd.s32 $0x400, s6;
	[sflag:s7] =	ssyncadd.s32 $0xFFFFFF00  }
0xb0: {  	[tilespmem:s8], [sflag:$0x7] =	stream.indirect.gather [hbm4b:s4+s31], $0x80, s28, s31, $0xb8;
	[tilespmem:$0x1E400] =	vst v63  }
.LBB2_7:
0xb1: {  	_ =	sfence.sel $0x180000  }
0xb2: {  	[bflag:$0x0] =	sbarrier.arrive $0xFFFF  }
0xb3: {  	_ =	strace $0x90000050  }
0xb4: {  	s0 =	stileid.u32;
	[bflag:$0x2] =	sbarrier.arrive $0xFFFF  }
0xb5: {  	p0 =	sne.s32 s0, $0x0;
	s0 =	rddreg [dreg:$0x2]  }
0xb6: {  	s0 =	sadd.s32 @!p0 $0x100000, s0  }
0xb7: {  	[sflag:s0] =	ssyncadd.tile.s32 @!p0 $0x1;
	_ =	shalt  }
.Lfunc_end2:
_tile_overlayer_lowered:
.L_overlay_start_2:
0xb8: {  	(tag) =	ssettag $0x2  }
0xb9: {  	s0 =	rddreg [dreg:$0x0];
	s2 =	stileid.u32  }
0xba: {  	s1 =	rddreg [dreg:$0x1];
	p0 =	sne.s32 s2, $0x0  }
0xbb: {  	s3 =	rddreg [dreg:$0x2];
	[bflag:$0x3] =	sbarrier.arrive $0xFFFF;
	s2 =	simm.s32 @!p0 $0x1C09  }
0xbc: {  	[timem:s3], [sflag:s2] =	dma.local @!p0 [hbm:s0], s1  }
0xbd: {  	s0 =	simm.s32 @!p0 $0x9  }
0xbe: {  	_ =	swait.ge @!p0 [sflag:s0], s1  }
0xbf: {  	s1 =	ssub.s32 @!p0 $0x0, s1;
	[sflag:s0] =	ssyncset.done @!p0 $0x0  }
0xc0: {  	[sflag:s0] =	ssyncadd.s32 @!p0 s1  }
0xc1: {  	[bflag:$0x3] =	sbarrier.arrive $0xFFFF  }
0xc2: {  	_ =	shalt  }

</sc_bundles>
